<compile_context>
chip_gen: v7x
topology: tpu7x:2x2x1
jax: 0.10.2.dev20260603
libtpu: 0.0.44.dev20260713+nightly
codegen_flags: <defaults>
</compile_context>

<pallas_src>
import functools

import jax
import jax.numpy as jnp
from jax import lax
from jax.experimental import pallas as pl
from jax.experimental.pallas import tpu as pltpu
from jax.experimental.pallas import tpu_sc as plsc

NC = 2
NS = 16
CH = 1024
BL = 4000

_SC_PARAMS = pltpu.CompilerParams(needs_layout_passes=False,
                                  use_tc_tiling_on_sc=False)


def _z(i):
    return i - i



def _dense_body(s_ref, cnt_ref, x_ref, w_ref, wr_ref, b_ref, o_ref, *,
                nrel, d, act):
    x = x_ref[...]
    acc = jnp.dot(x, wr_ref[...], preferred_element_type=jnp.float32) + b_ref[...]
    inv = 1.0 / jnp.maximum(cnt_ref[...], 1.0)
    parts = [
        s_ref[:, r * d:(r + 1) * d] * inv[:, r][:, None]
        for r in range(nrel)
    ]
    sm = jnp.concatenate(parts, axis=1)
    acc = acc + jnp.dot(sm, w_ref[...], preferred_element_type=jnp.float32)
    if act == "relu":
        o_ref[...] = jnp.maximum(acc, 0.0)
    else:
        m = jnp.max(acc, axis=1, keepdims=True)
        zz = acc - m
        o_ref[...] = zz - jnp.log(jnp.sum(jnp.exp(zz), axis=1, keepdims=True))


def _dense_layer(s, cnt, x, w_cat, w_root, b, act):
    n, rd = s.shape
    nrel = cnt.shape[1]
    d = rd // nrel
    f = w_cat.shape[1]
    bn = 2000
    grid = (n // bn,)
    return pl.pallas_call(
        functools.partial(_dense_body, nrel=nrel, d=d, act=act),
        grid=grid,
        in_specs=[
            pl.BlockSpec((bn, rd), lambda i: (i, _z(i))),
            pl.BlockSpec((bn, nrel), lambda i: (i, _z(i))),
            pl.BlockSpec((bn, d), lambda i: (i, _z(i))),
            pl.BlockSpec((rd, f), lambda i: (_z(i), _z(i))),
            pl.BlockSpec((d, f), lambda i: (_z(i), _z(i))),
            pl.BlockSpec((1, f), lambda i: (_z(i), _z(i))),
        ],
        out_specs=pl.BlockSpec((bn, f), lambda i: (i, _z(i))),
        out_shape=jax.ShapeDtypeStruct((n, f), jnp.float32),
    )(s, cnt, x, w_cat, w_root, b)



def _bucket_body(n, e, g, cap, sent,
                 src_h, dst_h, et_h, bsrc_h, bcid_h, nch_h,
                 srcv, dstv, etv, st_s0, st_s1, st_s2, st_s3,
                 st_c0, st_c1, st_c2, st_c3, cntvm):
    with jax.enable_x64(False):
        c = lax.axis_index("c")
        s = lax.axis_index("s")
        share = e // NS
        stg_s = [st_s0, st_s1, st_s2, st_s3]
        stg_c = [st_c0, st_c1, st_c2, st_c3]
        tile_base = (c * NS + s) * 4

        def blk_body(b, carry):
            off = s * share + b * BL
            pltpu.sync_copy(src_h.at[pl.ds(off, BL)], srcv)
            pltpu.sync_copy(dst_h.at[pl.ds(off, BL)], dstv)
            pltpu.sync_copy(et_h.at[pl.ds(off, BL)], etv)

            def g_body(gi, cr):
                kf = list(cr[0:4])
                mc = list(cr[4:8])
                sv = srcv[pl.ds(gi * 16, 16)]
                dv = dstv[pl.ds(gi * 16, 16)]
                tv = etv[pl.ds(gi * 16, 16)]
                rid = ((dv.astype(jnp.float32) + 0.5)
                       * (1.0 / g)).astype(jnp.int32)
                cid = (dv - rid * g) * 8 + tv
                myrr = rid - c * 4
                kfn = [None] * 4
                for rr in range(4):
                    m = myrr == rr
                    plsc.store_compressed(
                        stg_s[rr].at[pl.ds(kf[rr], 16)], sv, mask=m)
                    plsc.store_compressed(
                        stg_c[rr].at[pl.ds(kf[rr], 16)], cid, mask=m)
                    pc = plsc.all_reduce_population_count(m)[0]
                    kfn[rr] = kf[rr] + pc
                kmax = jnp.maximum(jnp.maximum(kfn[0], kfn[1]),
                                   jnp.maximum(kfn[2], kfn[3]))

                @pl.when(kmax >= CH)
                def _flush_any():
                    for rr in range(4):
                        pos = (tile_base + rr) * cap + mc[rr] * CH

                        @pl.when(kfn[rr] >= CH)
                        def _flush(rr=rr, pos=pos):
                            pltpu.sync_copy(stg_s[rr].at[pl.ds(0, CH)],
                                            bsrc_h.at[pl.ds(pos, CH)])
                            pltpu.sync_copy(stg_c[rr].at[pl.ds(0, CH)],
                                            bcid_h.at[pl.ds(pos, CH)])
                            ts = stg_s[rr][pl.ds(CH, 16)]
                            stg_s[rr][pl.ds(0, 16)] = ts
                            tc = stg_c[rr][pl.ds(CH, 16)]
                            stg_c[rr][pl.ds(0, 16)] = tc

                for rr in range(4):
                    full = kfn[rr] >= CH
                    kf[rr] = jnp.where(full, kfn[rr] - CH, kfn[rr])
                    mc[rr] = jnp.where(full, mc[rr] + 1, mc[rr])
                return tuple(kf) + tuple(mc)

            return lax.fori_loop(0, BL // 16, g_body, carry)

        z = jnp.int32(0)
        carry = lax.fori_loop(0, share // BL, blk_body, (z,) * 8)
        kf = carry[0:4]
        mc = carry[4:8]
        lanev = lax.broadcasted_iota(jnp.int32, (16,), 0)
        cntv = jnp.zeros((16,), jnp.int32)
        for rr in range(4):
            npad = (CH - kf[rr] + 15) // 16

            def pad_body(j, _, rr=rr):
                stg_s[rr][pl.ds(kf[rr] + j * 16, 16)] = jnp.zeros((16,), jnp.int32)
                stg_c[rr][pl.ds(kf[rr] + j * 16, 16)] = jnp.full((16,), sent,
                                                                 jnp.int32)
                return _

            lax.fori_loop(0, npad, pad_body, z)
            pos = (tile_base + rr) * cap + mc[rr] * CH
            pltpu.sync_copy(stg_s[rr].at[pl.ds(0, CH)],
                            bsrc_h.at[pl.ds(pos, CH)])
            pltpu.sync_copy(stg_c[rr].at[pl.ds(0, CH)],
                            bcid_h.at[pl.ds(pos, CH)])
            cntv = jnp.where(lanev == rr, mc[rr] + 1, cntv)
        cntvm[...] = cntv
        pltpu.sync_copy(cntvm, nch_h.at[pl.ds((c * NS + s) * 16, 16)])


def _layer_body(n, g, cap, msgcap, srows, slc, slc_last, do_cnt,
                x_h, bsrc_h, bcid_h, nch_h, z2_h, z1_h, ones_h,
                sacc_h, *rest):
    if do_cnt:
        (cnt_h, msg_h, idxv, rowsv, onesv, nchv, ssh, csh, sem) = rest
    else:
        (msg_h, idxv, rowsv, onesv, nchv, ssh, csh, sem) = rest
        cnt_h = None
    with jax.enable_x64(False):
        c = lax.axis_index("c")
        s = lax.axis_index("s")
        myslc = s * slc

        @pl.when(s < NS - 1)
        def _():
            pltpu.sync_copy(x_h.at[pl.ds(myslc, slc)],
                            ssh.at[pl.ds(myslc, slc)])

        @pl.when(s == NS - 1)
        def _():
            pltpu.sync_copy(x_h.at[pl.ds((NS - 1) * slc, slc_last)],
                            ssh.at[pl.ds((NS - 1) * slc, slc_last)])

        pltpu.sync_copy(ones_h, onesv)
        pltpu.sync_copy(nch_h.at[pl.ds((c * NS + s) * 16, 16)], nchv)
        nv = nchv[...]
        ns = [nv[0], nv[1], nv[2], nv[3]]
        mrow = (c * NS + s) * msgcap
        bases = [mrow,
                 mrow + ns[0] * CH,
                 mrow + (ns[0] + ns[1]) * CH,
                 mrow + (ns[0] + ns[1] + ns[2]) * CH]
        tile_base = (c * NS + s) * 4
        plsc.subcore_barrier()

        for rr in range(4):
            bpos = (tile_base + rr) * cap
            base = bases[rr]

            def abody(j, _, bpos=bpos, base=base):
                pltpu.sync_copy(bsrc_h.at[pl.ds(bpos + j * CH, CH)], idxv)
                pltpu.async_copy(ssh.at[idxv], rowsv, sem).wait()
                pltpu.sync_copy(rowsv, msg_h.at[pl.ds(base + j * CH, CH)])
                return _

            lax.fori_loop(0, ns[rr], abody, jnp.int32(0))
        plsc.subcore_barrier()

        for rr in range(4):
            pltpu.sync_copy(z2_h, ssh.at[pl.ds(myslc, slc)])
            if do_cnt:
                pltpu.sync_copy(z1_h, csh.at[pl.ds(myslc, slc)])
            plsc.subcore_barrier()
            bpos = (tile_base + rr) * cap
            base = bases[rr]

            def bbody(j, _, bpos=bpos, base=base):
                pltpu.sync_copy(bcid_h.at[pl.ds(bpos + j * CH, CH)], idxv)
                pltpu.sync_copy(msg_h.at[pl.ds(base + j * CH, CH)], rowsv)
                pltpu.sync_copy(rowsv, ssh.at[idxv], add=True)
                if do_cnt:
                    pltpu.sync_copy(onesv, csh.at[idxv], add=True)
                return _

            lax.fori_loop(0, ns[rr], bbody, jnp.int32(0))
            plsc.subcore_barrier()
            rid = c * 4 + rr
            orow = rid * (g * 8)

            @pl.when(s < NS - 1)
            def _():
                pltpu.sync_copy(ssh.at[pl.ds(myslc, slc)],
                                sacc_h.at[pl.ds(orow + myslc, slc)])
                if do_cnt:
                    pltpu.sync_copy(csh.at[pl.ds(myslc, slc)],
                                    cnt_h.at[pl.ds(orow + myslc, slc)])

            @pl.when(s == NS - 1)
            def _():
                pltpu.sync_copy(ssh.at[pl.ds((NS - 1) * slc, slc_last)],
                                sacc_h.at[pl.ds(orow + (NS - 1) * slc,
                                                slc_last)])
                if do_cnt:
                    pltpu.sync_copy(csh.at[pl.ds((NS - 1) * slc, slc_last)],
                                    cnt_h.at[pl.ds(orow + (NS - 1) * slc,
                                                   slc_last)])

            plsc.subcore_barrier()



def kernel(edge_index, edge_type, embed, W1, W1_root, b1, W2, W2_root, b2):
    n, d = embed.shape
    nrel = W1.shape[0]
    cdim = W2.shape[2]
    e = edge_index.shape[1]
    g = n // 8
    sent = n
    share = e // NS
    cap = share + CH
    msgcap = share + 4 * CH
    srows = n + 96
    slc = srows // NS
    slc_last = n - (NS - 1) * slc

    src = edge_index[0].astype(jnp.int32)
    dst = edge_index[1].astype(jnp.int32)
    et = edge_type.astype(jnp.int32)
    x0 = embed.astype(jnp.float32)
    w1c = W1.astype(jnp.float32).reshape(nrel * d, d)
    w1r = W1_root.astype(jnp.float32)
    w2c = W2.astype(jnp.float32).reshape(nrel * d, cdim)
    w2r = W2_root.astype(jnp.float32)
    b1f = b1.astype(jnp.float32).reshape(1, d)
    b2f = b2.astype(jnp.float32).reshape(1, cdim)

    mesh = plsc.VectorSubcoreMesh(core_axis_name="c", subcore_axis_name="s")

    bucket = pl.kernel(
        functools.partial(_bucket_body, n, e, g, cap, sent),
        out_type=[
            jax.ShapeDtypeStruct((NC * NS * 4 * cap,), jnp.int32),
            jax.ShapeDtypeStruct((NC * NS * 4 * cap,), jnp.int32),
            jax.ShapeDtypeStruct((NC * NS * 16,), jnp.int32),
        ],
        mesh=mesh,
        compiler_params=_SC_PARAMS,
        scratch_types=(
            [pltpu.VMEM((BL,), jnp.int32)] * 3
            + [pltpu.VMEM((CH + 32,), jnp.int32)] * 8
            + [pltpu.VMEM((16,), jnp.int32)]
        ),
    )

    def make_layer(do_cnt):
        if do_cnt:
            outs = [jax.ShapeDtypeStruct((n * 8, 16), jnp.float32),
                    jax.ShapeDtypeStruct((n * 8,), jnp.float32)]
        else:
            outs = jax.ShapeDtypeStruct((n * 8, 16), jnp.float32)
        return pl.kernel(
            functools.partial(_layer_body, n, g, cap, msgcap, srows,
                              slc, slc_last, do_cnt),
            out_type=outs,
            mesh=mesh,
            compiler_params=_SC_PARAMS,
            scratch_types=[
                pltpu.HBM((NC * NS * msgcap, 16), jnp.float32),
                pltpu.VMEM((CH,), jnp.int32),
                pltpu.VMEM((CH, 16), jnp.float32),
                pltpu.VMEM((CH,), jnp.float32),
                pltpu.VMEM((16,), jnp.int32),
                pltpu.VMEM_SHARED((srows, 16), jnp.float32),
                pltpu.VMEM_SHARED((srows,), jnp.float32),
                pltpu.SemaphoreType.DMA,
            ],
        )

    bsrc, bcid, nch = bucket(src, dst, et)

    z2 = jnp.zeros((slc, 16), jnp.float32)
    z1 = jnp.zeros((slc,), jnp.float32)
    ones1 = jnp.ones((CH,), jnp.float32)

    s1f, cntf = make_layer(True)(x0, bsrc, bcid, nch, z2, z1, ones1)
    cnt = cntf.reshape(n, nrel)
    h = _dense_layer(s1f.reshape(n, nrel * d), cnt, x0, w1c, w1r, b1f, "relu")

    s2f = make_layer(False)(h, bsrc, bcid, nch, z2, z1, ones1)
    out = _dense_layer(s2f.reshape(n, nrel * d), cnt, h, w2c, w2r, b2f,
                       "logsoftmax")
    return out.astype(jnp.float64)

# --- scband reference (transcript-rebuilt; emitter-appended) ---
"""Pipeline reference for scband-rgcn-78219944394964 (READ-ONLY COPY).

The authoritative reference and input builder live on the scoring server;
editing this copy changes nothing except your own understanding.
"""

import jax, jax.numpy as jnp
import numpy as np
jax.config.update("jax_enable_x64", True)

N, E, R, D, C = 100000, 3200000, 8, 16, 32

def setup_inputs(seed: int = 0):
    key = jax.random.key(seed)
    ks = jax.random.split(key, 9)
    edge_index = jax.random.randint(ks[0], (2, E), 0, N, dtype=jnp.int64)
    edge_type = jax.random.randint(ks[1], (E,), 0, R, dtype=jnp.int64)
    s = 1.0 / np.sqrt(D)
    embed = jax.random.normal(ks[2], (N, D), dtype=jnp.float32) * s
    W1 = jax.random.normal(ks[3], (R, D, D), dtype=jnp.float32) * s
    W1_root = jax.random.normal(ks[4], (D, D), dtype=jnp.float32) * s
    b1 = jnp.zeros((D,), dtype=jnp.float32)
    W2 = jax.random.normal(ks[5], (R, D, C), dtype=jnp.float32) * s
    W2_root = jax.random.normal(ks[6], (D, C), dtype=jnp.float32) * s
    b2 = jnp.zeros((C,), dtype=jnp.float32)
    return {"edge_index": edge_index, "edge_type": edge_type, "embed": embed,
            "W1": W1, "W1_root": W1_root, "b1": b1,
            "W2": W2, "W2_root": W2_root, "b2": b2}

def _rgcn_conv(x, src, dst, edge_type, W, W_root, b):
    # per-relation transform of all nodes: [R, N, F_out]
    xw = jnp.einsum('nd,rdf->rnf', x, W)
    # gather per-edge messages by (relation, src)
    msg = xw[edge_type, src]
    # mean normalization per (dst, relation), standard RGCN 1/|N_r(i)|
    count = jnp.zeros((W.shape[0], x.shape[0]), dtype=jnp.float32).at[edge_type, dst].add(1.0)
    norm = 1.0 / jnp.maximum(count[edge_type, dst], 1.0)
    msg = msg * norm[:, None]
    agg = jnp.zeros((x.shape[0], W.shape[2]), dtype=jnp.float32).at[dst].add(msg)
    return agg + x @ W_root + b

def reference(edge_index, edge_type, embed, W1, W1_root, b1, W2, W2_root, b2):
    src, dst = edge_index[0], edge_index[1]
    x = _rgcn_conv(embed, src, dst, edge_type, W1, W1_root, b1)
    x = jax.nn.relu(x)
    x = _rgcn_conv(x, src, dst, edge_type, W2, W2_root, b2)
    return jax.nn.log_softmax(x, axis=1)

if __name__ == "__main__":
    import jax
    _d = setup_inputs()
    print(jax.jit(kernel)(*tuple(_d.values())))

</pallas_src>

<mosaic_0001>
#map = affine_map<(d0, d1) -> (0, 0)>
#map1 = affine_map<(d0, d1) -> (0)>
module attributes {stable_mosaic.version = 14 : i64} {
  func.func @_layer_body(%arg0: i32, %arg1: i32, %arg2: memref<100000x16xf32, #tpu.memory_space<hbm>>, %arg3: memref<25731072xi32, #tpu.memory_space<hbm>>, %arg4: memref<25731072xi32, #tpu.memory_space<hbm>>, %arg5: memref<512xi32, #tpu.memory_space<hbm>>, %arg6: memref<6256x16xf32, #tpu.memory_space<hbm>>, %arg7: memref<6256xf32, #tpu.memory_space<hbm>>, %arg8: memref<1024xf32, #tpu.memory_space<hbm>>, %arg9: memref<800000x16xf32, #tpu.memory_space<hbm>>, %arg10: memref<800000xf32, #tpu.memory_space<hbm>>, %arg11: memref<6531072x16xf32, #tpu.memory_space<hbm>>, %arg12: memref<1024xi32, #tpu.memory_space<vmem>>, %arg13: memref<1024x16xf32, #tpu.memory_space<vmem>>, %arg14: memref<1024xf32, #tpu.memory_space<vmem>>, %arg15: memref<16xi32, #tpu.memory_space<vmem>>, %arg16: memref<100096x16xf32, #tpu.memory_space<vmem_shared>>, %arg17: memref<100096xf32, #tpu.memory_space<vmem_shared>>, %arg18: memref<!tpu.dma_semaphore, #tpu.memory_space<semaphore_mem>>) attributes {dimension_semantics = [#tpu.dimension_semantics<core_parallel>, #tpu.dimension_semantics<subcore_parallel>], iteration_bounds = array<i64: 2, 16>, scalar_prefetch = 0 : i64, scratch_operands = 8 : i64, tpu.core_type = #tpu.core_type<sc_vector_subcore>, window_params = [{transform_indices = #map}, {transform_indices = #map1}, {transform_indices = #map1}, {transform_indices = #map1}, {transform_indices = #map}, {transform_indices = #map1}, {transform_indices = #map1}, {transform_indices = #map}, {transform_indices = #map1}]} {
    %mul3A = arith.constant 6256 : i32
    %mul3A_0 = arith.muli %arg1, %mul3A : i32
    %lt3A = arith.constant 15 : i32
    %lt3A_1 = arith.cmpi slt, %arg1, %lt3A : i32
    %convert_element_type3A = arith.extui %lt3A_1 : i1 to i32
    %cond3A = arith.constant 0 : i32
    %cond3A_2 = arith.cmpi ne, %convert_element_type3A, %cond3A : i32
    scf.if %cond3A_2 {
      "tpu.region"() ({
        %run_scoped3A = tpu.sem_alloc : memref<!tpu.dma_semaphore, #tpu.memory_space<semaphore_mem>>
        %dma_start3A = arith.constant 0 : i32
        %dma_start3A_228 = tpu.memref_slice %arg16[%mul3A_0, %dma_start3A] : memref<100096x16xf32, #tpu.memory_space<vmem_shared>> -> memref<6256x16xf32, #tpu.memory_space<vmem_shared>>
        %dma_start3A_229 = arith.constant 0 : i32
        %dma_start3A_230 = tpu.memref_slice %arg2[%mul3A_0, %dma_start3A_229] : memref<100000x16xf32, #tpu.memory_space<hbm>> -> memref<6256x16xf32, #tpu.memory_space<hbm>>
        tpu.enqueue_dma source(%dma_start3A_230 : memref<6256x16xf32, #tpu.memory_space<hbm>>) target(%dma_start3A_228 : memref<6256x16xf32, #tpu.memory_space<vmem_shared>>) target_semaphore(%run_scoped3A : memref<!tpu.dma_semaphore, #tpu.memory_space<semaphore_mem>>)
        %dma_wait3A = arith.constant 0 : i32
        %dma_wait3A_231 = tpu.memref_slice %arg16[%mul3A_0, %dma_wait3A] : memref<100096x16xf32, #tpu.memory_space<vmem_shared>> -> memref<6256x16xf32, #tpu.memory_space<vmem_shared>>
        %dma_wait3A_232 = arith.constant 0 : i32
        %dma_wait3A_233 = tpu.memref_slice %arg2[%mul3A_0, %dma_wait3A_232] : memref<100000x16xf32, #tpu.memory_space<hbm>> -> memref<6256x16xf32, #tpu.memory_space<hbm>>
        tpu.wait_dma2 semaphore(%run_scoped3A : memref<!tpu.dma_semaphore, #tpu.memory_space<semaphore_mem>>) src(%dma_wait3A_233 : memref<6256x16xf32, #tpu.memory_space<hbm>>) dst(%dma_wait3A_231 : memref<6256x16xf32, #tpu.memory_space<vmem_shared>>)
        tpu.yield
      }) : () -> ()
    } else {
    }
    %eq3A = arith.constant 15 : i32
    %eq3A_3 = arith.cmpi eq, %arg1, %eq3A : i32
    %convert_element_type3A_4 = arith.extui %eq3A_3 : i1 to i32
    %cond3A_5 = arith.constant 0 : i32
    %cond3A_6 = arith.cmpi ne, %convert_element_type3A_4, %cond3A_5 : i32
    scf.if %cond3A_6 {
      "tpu.region"() ({
        %run_scoped3A = tpu.sem_alloc : memref<!tpu.dma_semaphore, #tpu.memory_space<semaphore_mem>>
        %dma_start3A = arith.constant 93840 : i32
        %dma_start3A_228 = arith.constant 0 : i32
        %dma_start3A_229 = tpu.memref_slice %arg16[%dma_start3A, %dma_start3A_228] : memref<100096x16xf32, #tpu.memory_space<vmem_shared>> -> memref<6160x16xf32, #tpu.memory_space<vmem_shared>>
        %dma_start3A_230 = arith.constant 93840 : i32
        %dma_start3A_231 = arith.constant 0 : i32
        %dma_start3A_232 = tpu.memref_slice %arg2[%dma_start3A_230, %dma_start3A_231] : memref<100000x16xf32, #tpu.memory_space<hbm>> -> memref<6160x16xf32, #tpu.memory_space<hbm>>
        tpu.enqueue_dma source(%dma_start3A_232 : memref<6160x16xf32, #tpu.memory_space<hbm>>) target(%dma_start3A_229 : memref<6160x16xf32, #tpu.memory_space<vmem_shared>>) target_semaphore(%run_scoped3A : memref<!tpu.dma_semaphore, #tpu.memory_space<semaphore_mem>>)
        %dma_wait3A = arith.constant 93840 : i32
        %dma_wait3A_233 = arith.constant 0 : i32
        %dma_wait3A_234 = tpu.memref_slice %arg16[%dma_wait3A, %dma_wait3A_233] : memref<100096x16xf32, #tpu.memory_space<vmem_shared>> -> memref<6160x16xf32, #tpu.memory_space<vmem_shared>>
        %dma_wait3A_235 = arith.constant 93840 : i32
        %dma_wait3A_236 = arith.constant 0 : i32
        %dma_wait3A_237 = tpu.memref_slice %arg2[%dma_wait3A_235, %dma_wait3A_236] : memref<100000x16xf32, #tpu.memory_space<hbm>> -> memref<6160x16xf32, #tpu.memory_space<hbm>>
        tpu.wait_dma2 semaphore(%run_scoped3A : memref<!tpu.dma_semaphore, #tpu.memory_space<semaphore_mem>>) src(%dma_wait3A_237 : memref<6160x16xf32, #tpu.memory_space<hbm>>) dst(%dma_wait3A_234 : memref<6160x16xf32, #tpu.memory_space<vmem_shared>>)
        tpu.yield
      }) : () -> ()
    } else {
    }
    "tpu.region"() ({
      %run_scoped3A = tpu.sem_alloc : memref<!tpu.dma_semaphore, #tpu.memory_space<semaphore_mem>>
      tpu.enqueue_dma source(%arg8 : memref<1024xf32, #tpu.memory_space<hbm>>) target(%arg14 : memref<1024xf32, #tpu.memory_space<vmem>>) target_semaphore(%run_scoped3A : memref<!tpu.dma_semaphore, #tpu.memory_space<semaphore_mem>>)
      tpu.wait_dma2 semaphore(%run_scoped3A : memref<!tpu.dma_semaphore, #tpu.memory_space<semaphore_mem>>) src(%arg8 : memref<1024xf32, #tpu.memory_space<hbm>>) dst(%arg14 : memref<1024xf32, #tpu.memory_space<vmem>>)
      tpu.yield
    }) : () -> ()
    %mul3A_7 = arith.constant 16 : i32
    %mul3A_8 = arith.muli %arg0, %mul3A_7 : i32
    %add3A = arith.addi %mul3A_8, %arg1 : i32
    %mul3A_9 = arith.constant 16 : i32
    %mul3A_10 = arith.muli %add3A, %mul3A_9 : i32
    "tpu.region"() ({
      %run_scoped3A = tpu.sem_alloc : memref<!tpu.dma_semaphore, #tpu.memory_space<semaphore_mem>>
      %dma_start3A = tpu.memref_slice %arg5[%mul3A_10] : memref<512xi32, #tpu.memory_space<hbm>> -> memref<16xi32, #tpu.memory_space<hbm>>
      %dma_start3A_228 = tpu.memref_slice %arg5[%mul3A_10] : memref<512xi32, #tpu.memory_space<hbm>> -> memref<16xi32, #tpu.memory_space<hbm>>
      tpu.enqueue_dma source(%dma_start3A_228 : memref<16xi32, #tpu.memory_space<hbm>>) target(%arg15 : memref<16xi32, #tpu.memory_space<vmem>>) target_semaphore(%run_scoped3A : memref<!tpu.dma_semaphore, #tpu.memory_space<semaphore_mem>>)
      %dma_wait3A = tpu.memref_slice %arg5[%mul3A_10] : memref<512xi32, #tpu.memory_space<hbm>> -> memref<16xi32, #tpu.memory_space<hbm>>
      %dma_wait3A_229 = tpu.memref_slice %arg5[%mul3A_10] : memref<512xi32, #tpu.memory_space<hbm>> -> memref<16xi32, #tpu.memory_space<hbm>>
      tpu.wait_dma2 semaphore(%run_scoped3A : memref<!tpu.dma_semaphore, #tpu.memory_space<semaphore_mem>>) src(%dma_wait3A_229 : memref<16xi32, #tpu.memory_space<hbm>>) dst(%arg15 : memref<16xi32, #tpu.memory_space<vmem>>)
      tpu.yield
    }) : () -> ()
    %get3A = arith.constant 0 : index
    %get3A_11 = tpu.vector_load %arg15[%get3A] {strides = array<i32>} : memref<16xi32, #tpu.memory_space<vmem>>, vector<16xi32>,
    %slice3A = vector.extract_strided_slice %get3A_11 {offsets = [0], sizes = [1], strides = [1]} : vector<16xi32> to vector<1xi32>
    %squeeze3A = vector.extract %slice3A[0] : i32 from vector<1xi32>
    %slice3A_12 = vector.extract_strided_slice %get3A_11 {offsets = [1], sizes = [1], strides = [1]} : vector<16xi32> to vector<1xi32>
    %squeeze3A_13 = vector.extract %slice3A_12[0] : i32 from vector<1xi32>
    %slice3A_14 = vector.extract_strided_slice %get3A_11 {offsets = [2], sizes = [1], strides = [1]} : vector<16xi32> to vector<1xi32>
    %squeeze3A_15 = vector.extract %slice3A_14[0] : i32 from vector<1xi32>
    %slice3A_16 = vector.extract_strided_slice %get3A_11 {offsets = [3], sizes = [1], strides = [1]} : vector<16xi32> to vector<1xi32>
    %squeeze3A_17 = vector.extract %slice3A_16[0] : i32 from vector<1xi32>
    %mul3A_18 = arith.constant 16 : i32
    %mul3A_19 = arith.muli %arg0, %mul3A_18 : i32
    %add3A_20 = arith.addi %mul3A_19, %arg1 : i32
    %mul3A_21 = arith.constant 204096 : i32
    %mul3A_22 = arith.muli %add3A_20, %mul3A_21 : i32
    %mul3A_23 = arith.constant 1024 : i32
    %mul3A_24 = arith.muli %squeeze3A, %mul3A_23 : i32
    %add3A_25 = arith.addi %mul3A_22, %mul3A_24 : i32
    %add3A_26 = arith.addi %squeeze3A, %squeeze3A_13 : i32
    %mul3A_27 = arith.constant 1024 : i32
    %mul3A_28 = arith.muli %add3A_26, %mul3A_27 : i32
    %add3A_29 = arith.addi %mul3A_22, %mul3A_28 : i32
    %add3A_30 = arith.addi %squeeze3A, %squeeze3A_13 : i32
    %add3A_31 = arith.addi %add3A_30, %squeeze3A_15 : i32
    %mul3A_32 = arith.constant 1024 : i32
    %mul3A_33 = arith.muli %add3A_31, %mul3A_32 : i32
    %add3A_34 = arith.addi %mul3A_22, %mul3A_33 : i32
    %mul3A_35 = arith.constant 16 : i32
    %mul3A_36 = arith.muli %arg0, %mul3A_35 : i32
    %add3A_37 = arith.addi %mul3A_36, %arg1 : i32
    %mul3A_38 = arith.constant 4 : i32
    %mul3A_39 = arith.muli %add3A_37, %mul3A_38 : i32
    %barrier3A = arith.constant 0 : index
    tpu.barrier barrier_id(%barrier3A)
    %add3A_40 = arith.constant 0 : i32
    %add3A_41 = arith.addi %mul3A_39, %add3A_40 : i32
    %mul3A_42 = arith.constant 201024 : i32
    %mul3A_43 = arith.muli %add3A_41, %mul3A_42 : i32
    %while3A = arith.constant 0 : i32
    %while3A_44 = arith.constant 0 : i32
    %while3A_45 = arith.subi %squeeze3A, %while3A_44 : i32
    %while3A_46 = arith.addi %while3A_44, %while3A_45 : i32
    %while3A_47 = arith.constant 1 : i32
    %while3A_48 = arith.divsi %while3A_45, %while3A_47 : i32
    %while3A_49 = arith.muli %while3A_48, %while3A_47 : i32
    %while3A_50 = arith.addi %while3A_44, %while3A_49 : i32
    %while3A_51 = arith.constant 1 : i32
    scf.for %while3A_228 = %while3A_44 to %while3A_50 step %while3A_51  : i32 {
      %mul3A_229 = arith.constant 1024 : i32
      %mul3A_230 = arith.muli %while3A_228, %mul3A_229 : i32
      %add3A_231 = arith.addi %mul3A_43, %mul3A_230 : i32
      "tpu.region"() ({
        %run_scoped3A = tpu.sem_alloc : memref<!tpu.dma_semaphore, #tpu.memory_space<semaphore_mem>>
        %dma_start3A_239 = tpu.memref_slice %arg3[%add3A_231] : memref<25731072xi32, #tpu.memory_space<hbm>> -> memref<1024xi32, #tpu.memory_space<hbm>>
        %dma_start3A_240 = tpu.memref_slice %arg3[%add3A_231] : memref<25731072xi32, #tpu.memory_space<hbm>> -> memref<1024xi32, #tpu.memory_space<hbm>>
        tpu.enqueue_dma source(%dma_start3A_240 : memref<1024xi32, #tpu.memory_space<hbm>>) target(%arg12 : memref<1024xi32, #tpu.memory_space<vmem>>) target_semaphore(%run_scoped3A : memref<!tpu.dma_semaphore, #tpu.memory_space<semaphore_mem>>)
        %dma_wait3A_241 = tpu.memref_slice %arg3[%add3A_231] : memref<25731072xi32, #tpu.memory_space<hbm>> -> memref<1024xi32, #tpu.memory_space<hbm>>
        %dma_wait3A_242 = tpu.memref_slice %arg3[%add3A_231] : memref<25731072xi32, #tpu.memory_space<hbm>> -> memref<1024xi32, #tpu.memory_space<hbm>>
        tpu.wait_dma2 semaphore(%run_scoped3A : memref<!tpu.dma_semaphore, #tpu.memory_space<semaphore_mem>>) src(%dma_wait3A_242 : memref<1024xi32, #tpu.memory_space<hbm>>) dst(%arg12 : memref<1024xi32, #tpu.memory_space<vmem>>)
        tpu.yield
      }) : () -> ()
      %dma_start3A = arith.constant 0 : i32
      %dma_start3A_232 = arith.constant 0 : i32
      %dma_start3A_233 = tpu.memref_slice %arg16[%dma_start3A, %dma_start3A_232] : memref<100096x16xf32, #tpu.memory_space<vmem_shared>> -> memref<100096x16xf32, #tpu.memory_space<vmem_shared>>
      tpu.enqueue_indirect_dma source(%dma_start3A_233 : memref<100096x16xf32, #tpu.memory_space<vmem_shared>>) target(%arg13 : memref<1024x16xf32, #tpu.memory_space<vmem>>) offsets(%arg12 : memref<1024xi32, #tpu.memory_space<vmem>>) semaphore(%arg18 : memref<!tpu.dma_semaphore, #tpu.memory_space<semaphore_mem>>)
      %dma_wait3A = arith.constant 0 : i32
      %dma_wait3A_234 = arith.constant 0 : i32
      %dma_wait3A_235 = tpu.memref_slice %arg16[%dma_wait3A, %dma_wait3A_234] : memref<100096x16xf32, #tpu.memory_space<vmem_shared>> -> memref<100096x16xf32, #tpu.memory_space<vmem_shared>>
      tpu.wait_indirect_dma semaphore(%arg18 : memref<!tpu.dma_semaphore, #tpu.memory_space<semaphore_mem>>) src(%dma_wait3A_235 : memref<100096x16xf32, #tpu.memory_space<vmem_shared>>) dst(%arg13 : memref<1024x16xf32, #tpu.memory_space<vmem>>)
      %mul3A_236 = arith.constant 1024 : i32
      %mul3A_237 = arith.muli %while3A_228, %mul3A_236 : i32
      %add3A_238 = arith.addi %mul3A_22, %mul3A_237 : i32
      "tpu.region"() ({
        %run_scoped3A = tpu.sem_alloc : memref<!tpu.dma_semaphore, #tpu.memory_space<semaphore_mem>>
        %dma_start3A_239 = arith.constant 0 : i32
        %dma_start3A_240 = tpu.memref_slice %arg11[%add3A_238, %dma_start3A_239] : memref<6531072x16xf32, #tpu.memory_space<hbm>> -> memref<1024x16xf32, #tpu.memory_space<hbm>>
        %dma_start3A_241 = arith.constant 0 : i32
        %dma_start3A_242 = tpu.memref_slice %arg11[%add3A_238, %dma_start3A_241] : memref<6531072x16xf32, #tpu.memory_space<hbm>> -> memref<1024x16xf32, #tpu.memory_space<hbm>>
        tpu.enqueue_dma source(%arg13 : memref<1024x16xf32, #tpu.memory_space<vmem>>) target(%dma_start3A_242 : memref<1024x16xf32, #tpu.memory_space<hbm>>) target_semaphore(%run_scoped3A : memref<!tpu.dma_semaphore, #tpu.memory_space<semaphore_mem>>)
        %dma_wait3A_243 = arith.constant 0 : i32
        %dma_wait3A_244 = tpu.memref_slice %arg11[%add3A_238, %dma_wait3A_243] : memref<6531072x16xf32, #tpu.memory_space<hbm>> -> memref<1024x16xf32, #tpu.memory_space<hbm>>
        %dma_wait3A_245 = arith.constant 0 : i32
        %dma_wait3A_246 = tpu.memref_slice %arg11[%add3A_238, %dma_wait3A_245] : memref<6531072x16xf32, #tpu.memory_space<hbm>> -> memref<1024x16xf32, #tpu.memory_space<hbm>>
        tpu.wait_dma2 semaphore(%run_scoped3A : memref<!tpu.dma_semaphore, #tpu.memory_space<semaphore_mem>>) src(%arg13 : memref<1024x16xf32, #tpu.memory_space<vmem>>) dst(%dma_wait3A_246 : memref<1024x16xf32, #tpu.memory_space<hbm>>)
        tpu.yield
      }) : () -> ()
    }
    %while3A_52 = arith.constant 1 : i32
    scf.for %while3A_228 = %while3A_50 to %while3A_46 step %while3A_52  : i32 {
      %mul3A_229 = arith.constant 1024 : i32
      %mul3A_230 = arith.muli %while3A_228, %mul3A_229 : i32
      %add3A_231 = arith.addi %mul3A_43, %mul3A_230 : i32
      "tpu.region"() ({
        %run_scoped3A = tpu.sem_alloc : memref<!tpu.dma_semaphore, #tpu.memory_space<semaphore_mem>>
        %dma_start3A_239 = tpu.memref_slice %arg3[%add3A_231] : memref<25731072xi32, #tpu.memory_space<hbm>> -> memref<1024xi32, #tpu.memory_space<hbm>>
        %dma_start3A_240 = tpu.memref_slice %arg3[%add3A_231] : memref<25731072xi32, #tpu.memory_space<hbm>> -> memref<1024xi32, #tpu.memory_space<hbm>>
        tpu.enqueue_dma source(%dma_start3A_240 : memref<1024xi32, #tpu.memory_space<hbm>>) target(%arg12 : memref<1024xi32, #tpu.memory_space<vmem>>) target_semaphore(%run_scoped3A : memref<!tpu.dma_semaphore, #tpu.memory_space<semaphore_mem>>)
        %dma_wait3A_241 = tpu.memref_slice %arg3[%add3A_231] : memref<25731072xi32, #tpu.memory_space<hbm>> -> memref<1024xi32, #tpu.memory_space<hbm>>
        %dma_wait3A_242 = tpu.memref_slice %arg3[%add3A_231] : memref<25731072xi32, #tpu.memory_space<hbm>> -> memref<1024xi32, #tpu.memory_space<hbm>>
        tpu.wait_dma2 semaphore(%run_scoped3A : memref<!tpu.dma_semaphore, #tpu.memory_space<semaphore_mem>>) src(%dma_wait3A_242 : memref<1024xi32, #tpu.memory_space<hbm>>) dst(%arg12 : memref<1024xi32, #tpu.memory_space<vmem>>)
        tpu.yield
      }) : () -> ()
      %dma_start3A = arith.constant 0 : i32
      %dma_start3A_232 = arith.constant 0 : i32
      %dma_start3A_233 = tpu.memref_slice %arg16[%dma_start3A, %dma_start3A_232] : memref<100096x16xf32, #tpu.memory_space<vmem_shared>> -> memref<100096x16xf32, #tpu.memory_space<vmem_shared>>
      tpu.enqueue_indirect_dma source(%dma_start3A_233 : memref<100096x16xf32, #tpu.memory_space<vmem_shared>>) target(%arg13 : memref<1024x16xf32, #tpu.memory_space<vmem>>) offsets(%arg12 : memref<1024xi32, #tpu.memory_space<vmem>>) semaphore(%arg18 : memref<!tpu.dma_semaphore, #tpu.memory_space<semaphore_mem>>)
      %dma_wait3A = arith.constant 0 : i32
      %dma_wait3A_234 = arith.constant 0 : i32
      %dma_wait3A_235 = tpu.memref_slice %arg16[%dma_wait3A, %dma_wait3A_234] : memref<100096x16xf32, #tpu.memory_space<vmem_shared>> -> memref<100096x16xf32, #tpu.memory_space<vmem_shared>>
      tpu.wait_indirect_dma semaphore(%arg18 : memref<!tpu.dma_semaphore, #tpu.memory_space<semaphore_mem>>) src(%dma_wait3A_235 : memref<100096x16xf32, #tpu.memory_space<vmem_shared>>) dst(%arg13 : memref<1024x16xf32, #tpu.memory_space<vmem>>)
      %mul3A_236 = arith.constant 1024 : i32
      %mul3A_237 = arith.muli %while3A_228, %mul3A_236 : i32
      %add3A_238 = arith.addi %mul3A_22, %mul3A_237 : i32
      "tpu.region"() ({
        %run_scoped3A = tpu.sem_alloc : memref<!tpu.dma_semaphore, #tpu.memory_space<semaphore_mem>>
        %dma_start3A_239 = arith.constant 0 : i32
        %dma_start3A_240 = tpu.memref_slice %arg11[%add3A_238, %dma_start3A_239] : memref<6531072x16xf32, #tpu.memory_space<hbm>> -> memref<1024x16xf32, #tpu.memory_space<hbm>>
        %dma_start3A_241 = arith.constant 0 : i32
        %dma_start3A_242 = tpu.memref_slice %arg11[%add3A_238, %dma_start3A_241] : memref<6531072x16xf32, #tpu.memory_space<hbm>> -> memref<1024x16xf32, #tpu.memory_space<hbm>>
        tpu.enqueue_dma source(%arg13 : memref<1024x16xf32, #tpu.memory_space<vmem>>) target(%dma_start3A_242 : memref<1024x16xf32, #tpu.memory_space<hbm>>) target_semaphore(%run_scoped3A : memref<!tpu.dma_semaphore, #tpu.memory_space<semaphore_mem>>)
        %dma_wait3A_243 = arith.constant 0 : i32
        %dma_wait3A_244 = tpu.memref_slice %arg11[%add3A_238, %dma_wait3A_243] : memref<6531072x16xf32, #tpu.memory_space<hbm>> -> memref<1024x16xf32, #tpu.memory_space<hbm>>
        %dma_wait3A_245 = arith.constant 0 : i32
        %dma_wait3A_246 = tpu.memref_slice %arg11[%add3A_238, %dma_wait3A_245] : memref<6531072x16xf32, #tpu.memory_space<hbm>> -> memref<1024x16xf32, #tpu.memory_space<hbm>>
        tpu.wait_dma2 semaphore(%run_scoped3A : memref<!tpu.dma_semaphore, #tpu.memory_space<semaphore_mem>>) src(%arg13 : memref<1024x16xf32, #tpu.memory_space<vmem>>) dst(%dma_wait3A_246 : memref<1024x16xf32, #tpu.memory_space<hbm>>)
        tpu.yield
      }) : () -> ()
    }
    %add3A_53 = arith.constant 1 : i32
    %add3A_54 = arith.addi %mul3A_39, %add3A_53 : i32
    %mul3A_55 = arith.constant 201024 : i32
    %mul3A_56 = arith.muli %add3A_54, %mul3A_55 : i32
    %while3A_57 = arith.constant 0 : i32
    %while3A_58 = arith.constant 0 : i32
    %while3A_59 = arith.subi %squeeze3A_13, %while3A_58 : i32
    %while3A_60 = arith.addi %while3A_58, %while3A_59 : i32
    %while3A_61 = arith.constant 1 : i32
    %while3A_62 = arith.divsi %while3A_59, %while3A_61 : i32
    %while3A_63 = arith.muli %while3A_62, %while3A_61 : i32
    %while3A_64 = arith.addi %while3A_58, %while3A_63 : i32
    %while3A_65 = arith.constant 1 : i32
    scf.for %while3A_228 = %while3A_58 to %while3A_64 step %while3A_65  : i32 {
      %mul3A_229 = arith.constant 1024 : i32
      %mul3A_230 = arith.muli %while3A_228, %mul3A_229 : i32
      %add3A_231 = arith.addi %mul3A_56, %mul3A_230 : i32
      "tpu.region"() ({
        %run_scoped3A = tpu.sem_alloc : memref<!tpu.dma_semaphore, #tpu.memory_space<semaphore_mem>>
        %dma_start3A_239 = tpu.memref_slice %arg3[%add3A_231] : memref<25731072xi32, #tpu.memory_space<hbm>> -> memref<1024xi32, #tpu.memory_space<hbm>>
        %dma_start3A_240 = tpu.memref_slice %arg3[%add3A_231] : memref<25731072xi32, #tpu.memory_space<hbm>> -> memref<1024xi32, #tpu.memory_space<hbm>>
        tpu.enqueue_dma source(%dma_start3A_240 : memref<1024xi32, #tpu.memory_space<hbm>>) target(%arg12 : memref<1024xi32, #tpu.memory_space<vmem>>) target_semaphore(%run_scoped3A : memref<!tpu.dma_semaphore, #tpu.memory_space<semaphore_mem>>)
        %dma_wait3A_241 = tpu.memref_slice %arg3[%add3A_231] : memref<25731072xi32, #tpu.memory_space<hbm>> -> memref<1024xi32, #tpu.memory_space<hbm>>
        %dma_wait3A_242 = tpu.memref_slice %arg3[%add3A_231] : memref<25731072xi32, #tpu.memory_space<hbm>> -> memref<1024xi32, #tpu.memory_space<hbm>>
        tpu.wait_dma2 semaphore(%run_scoped3A : memref<!tpu.dma_semaphore, #tpu.memory_space<semaphore_mem>>) src(%dma_wait3A_242 : memref<1024xi32, #tpu.memory_space<hbm>>) dst(%arg12 : memref<1024xi32, #tpu.memory_space<vmem>>)
        tpu.yield
      }) : () -> ()
      %dma_start3A = arith.constant 0 : i32
      %dma_start3A_232 = arith.constant 0 : i32
      %dma_start3A_233 = tpu.memref_slice %arg16[%dma_start3A, %dma_start3A_232] : memref<100096x16xf32, #tpu.memory_space<vmem_shared>> -> memref<100096x16xf32, #tpu.memory_space<vmem_shared>>
      tpu.enqueue_indirect_dma source(%dma_start3A_233 : memref<100096x16xf32, #tpu.memory_space<vmem_shared>>) target(%arg13 : memref<1024x16xf32, #tpu.memory_space<vmem>>) offsets(%arg12 : memref<1024xi32, #tpu.memory_space<vmem>>) semaphore(%arg18 : memref<!tpu.dma_semaphore, #tpu.memory_space<semaphore_mem>>)
      %dma_wait3A = arith.constant 0 : i32
      %dma_wait3A_234 = arith.constant 0 : i32
      %dma_wait3A_235 = tpu.memref_slice %arg16[%dma_wait3A, %dma_wait3A_234] : memref<100096x16xf32, #tpu.memory_space<vmem_shared>> -> memref<100096x16xf32, #tpu.memory_space<vmem_shared>>
      tpu.wait_indirect_dma semaphore(%arg18 : memref<!tpu.dma_semaphore, #tpu.memory_space<semaphore_mem>>) src(%dma_wait3A_235 : memref<100096x16xf32, #tpu.memory_space<vmem_shared>>) dst(%arg13 : memref<1024x16xf32, #tpu.memory_space<vmem>>)
      %mul3A_236 = arith.constant 1024 : i32
      %mul3A_237 = arith.muli %while3A_228, %mul3A_236 : i32
      %add3A_238 = arith.addi %add3A_25, %mul3A_237 : i32
      "tpu.region"() ({
        %run_scoped3A = tpu.sem_alloc : memref<!tpu.dma_semaphore, #tpu.memory_space<semaphore_mem>>
        %dma_start3A_239 = arith.constant 0 : i32
        %dma_start3A_240 = tpu.memref_slice %arg11[%add3A_238, %dma_start3A_239] : memref<6531072x16xf32, #tpu.memory_space<hbm>> -> memref<1024x16xf32, #tpu.memory_space<hbm>>
        %dma_start3A_241 = arith.constant 0 : i32
        %dma_start3A_242 = tpu.memref_slice %arg11[%add3A_238, %dma_start3A_241] : memref<6531072x16xf32, #tpu.memory_space<hbm>> -> memref<1024x16xf32, #tpu.memory_space<hbm>>
        tpu.enqueue_dma source(%arg13 : memref<1024x16xf32, #tpu.memory_space<vmem>>) target(%dma_start3A_242 : memref<1024x16xf32, #tpu.memory_space<hbm>>) target_semaphore(%run_scoped3A : memref<!tpu.dma_semaphore, #tpu.memory_space<semaphore_mem>>)
        %dma_wait3A_243 = arith.constant 0 : i32
        %dma_wait3A_244 = tpu.memref_slice %arg11[%add3A_238, %dma_wait3A_243] : memref<6531072x16xf32, #tpu.memory_space<hbm>> -> memref<1024x16xf32, #tpu.memory_space<hbm>>
        %dma_wait3A_245 = arith.constant 0 : i32
        %dma_wait3A_246 = tpu.memref_slice %arg11[%add3A_238, %dma_wait3A_245] : memref<6531072x16xf32, #tpu.memory_space<hbm>> -> memref<1024x16xf32, #tpu.memory_space<hbm>>
        tpu.wait_dma2 semaphore(%run_scoped3A : memref<!tpu.dma_semaphore, #tpu.memory_space<semaphore_mem>>) src(%arg13 : memref<1024x16xf32, #tpu.memory_space<vmem>>) dst(%dma_wait3A_246 : memref<1024x16xf32, #tpu.memory_space<hbm>>)
        tpu.yield
      }) : () -> ()
    }
    %while3A_66 = arith.constant 1 : i32
    scf.for %while3A_228 = %while3A_64 to %while3A_60 step %while3A_66  : i32 {
      %mul3A_229 = arith.constant 1024 : i32
      %mul3A_230 = arith.muli %while3A_228, %mul3A_229 : i32
      %add3A_231 = arith.addi %mul3A_56, %mul3A_230 : i32
      "tpu.region"() ({
        %run_scoped3A = tpu.sem_alloc : memref<!tpu.dma_semaphore, #tpu.memory_space<semaphore_mem>>
        %dma_start3A_239 = tpu.memref_slice %arg3[%add3A_231] : memref<25731072xi32, #tpu.memory_space<hbm>> -> memref<1024xi32, #tpu.memory_space<hbm>>
        %dma_start3A_240 = tpu.memref_slice %arg3[%add3A_231] : memref<25731072xi32, #tpu.memory_space<hbm>> -> memref<1024xi32, #tpu.memory_space<hbm>>
        tpu.enqueue_dma source(%dma_start3A_240 : memref<1024xi32, #tpu.memory_space<hbm>>) target(%arg12 : memref<1024xi32, #tpu.memory_space<vmem>>) target_semaphore(%run_scoped3A : memref<!tpu.dma_semaphore, #tpu.memory_space<semaphore_mem>>)
        %dma_wait3A_241 = tpu.memref_slice %arg3[%add3A_231] : memref<25731072xi32, #tpu.memory_space<hbm>> -> memref<1024xi32, #tpu.memory_space<hbm>>
        %dma_wait3A_242 = tpu.memref_slice %arg3[%add3A_231] : memref<25731072xi32, #tpu.memory_space<hbm>> -> memref<1024xi32, #tpu.memory_space<hbm>>
        tpu.wait_dma2 semaphore(%run_scoped3A : memref<!tpu.dma_semaphore, #tpu.memory_space<semaphore_mem>>) src(%dma_wait3A_242 : memref<1024xi32, #tpu.memory_space<hbm>>) dst(%arg12 : memref<1024xi32, #tpu.memory_space<vmem>>)
        tpu.yield
      }) : () -> ()
      %dma_start3A = arith.constant 0 : i32
      %dma_start3A_232 = arith.constant 0 : i32
      %dma_start3A_233 = tpu.memref_slice %arg16[%dma_start3A, %dma_start3A_232] : memref<100096x16xf32, #tpu.memory_space<vmem_shared>> -> memref<100096x16xf32, #tpu.memory_space<vmem_shared>>
      tpu.enqueue_indirect_dma source(%dma_start3A_233 : memref<100096x16xf32, #tpu.memory_space<vmem_shared>>) target(%arg13 : memref<1024x16xf32, #tpu.memory_space<vmem>>) offsets(%arg12 : memref<1024xi32, #tpu.memory_space<vmem>>) semaphore(%arg18 : memref<!tpu.dma_semaphore, #tpu.memory_space<semaphore_mem>>)
      %dma_wait3A = arith.constant 0 : i32
      %dma_wait3A_234 = arith.constant 0 : i32
      %dma_wait3A_235 = tpu.memref_slice %arg16[%dma_wait3A, %dma_wait3A_234] : memref<100096x16xf32, #tpu.memory_space<vmem_shared>> -> memref<100096x16xf32, #tpu.memory_space<vmem_shared>>
      tpu.wait_indirect_dma semaphore(%arg18 : memref<!tpu.dma_semaphore, #tpu.memory_space<semaphore_mem>>) src(%dma_wait3A_235 : memref<100096x16xf32, #tpu.memory_space<vmem_shared>>) dst(%arg13 : memref<1024x16xf32, #tpu.memory_space<vmem>>)
      %mul3A_236 = arith.constant 1024 : i32
      %mul3A_237 = arith.muli %while3A_228, %mul3A_236 : i32
      %add3A_238 = arith.addi %add3A_25, %mul3A_237 : i32
      "tpu.region"() ({
        %run_scoped3A = tpu.sem_alloc : memref<!tpu.dma_semaphore, #tpu.memory_space<semaphore_mem>>
        %dma_start3A_239 = arith.constant 0 : i32
        %dma_start3A_240 = tpu.memref_slice %arg11[%add3A_238, %dma_start3A_239] : memref<6531072x16xf32, #tpu.memory_space<hbm>> -> memref<1024x16xf32, #tpu.memory_space<hbm>>
        %dma_start3A_241 = arith.constant 0 : i32
        %dma_start3A_242 = tpu.memref_slice %arg11[%add3A_238, %dma_start3A_241] : memref<6531072x16xf32, #tpu.memory_space<hbm>> -> memref<1024x16xf32, #tpu.memory_space<hbm>>
        tpu.enqueue_dma source(%arg13 : memref<1024x16xf32, #tpu.memory_space<vmem>>) target(%dma_start3A_242 : memref<1024x16xf32, #tpu.memory_space<hbm>>) target_semaphore(%run_scoped3A : memref<!tpu.dma_semaphore, #tpu.memory_space<semaphore_mem>>)
        %dma_wait3A_243 = arith.constant 0 : i32
        %dma_wait3A_244 = tpu.memref_slice %arg11[%add3A_238, %dma_wait3A_243] : memref<6531072x16xf32, #tpu.memory_space<hbm>> -> memref<1024x16xf32, #tpu.memory_space<hbm>>
        %dma_wait3A_245 = arith.constant 0 : i32
        %dma_wait3A_246 = tpu.memref_slice %arg11[%add3A_238, %dma_wait3A_245] : memref<6531072x16xf32, #tpu.memory_space<hbm>> -> memref<1024x16xf32, #tpu.memory_space<hbm>>
        tpu.wait_dma2 semaphore(%run_scoped3A : memref<!tpu.dma_semaphore, #tpu.memory_space<semaphore_mem>>) src(%arg13 : memref<1024x16xf32, #tpu.memory_space<vmem>>) dst(%dma_wait3A_246 : memref<1024x16xf32, #tpu.memory_space<hbm>>)
        tpu.yield
      }) : () -> ()
    }
    %add3A_67 = arith.constant 2 : i32
    %add3A_68 = arith.addi %mul3A_39, %add3A_67 : i32
    %mul3A_69 = arith.constant 201024 : i32
    %mul3A_70 = arith.muli %add3A_68, %mul3A_69 : i32
    %while3A_71 = arith.constant 0 : i32
    %while3A_72 = arith.constant 0 : i32
    %while3A_73 = arith.subi %squeeze3A_15, %while3A_72 : i32
    %while3A_74 = arith.addi %while3A_72, %while3A_73 : i32
    %while3A_75 = arith.constant 1 : i32
    %while3A_76 = arith.divsi %while3A_73, %while3A_75 : i32
    %while3A_77 = arith.muli %while3A_76, %while3A_75 : i32
    %while3A_78 = arith.addi %while3A_72, %while3A_77 : i32
    %while3A_79 = arith.constant 1 : i32
    scf.for %while3A_228 = %while3A_72 to %while3A_78 step %while3A_79  : i32 {
      %mul3A_229 = arith.constant 1024 : i32
      %mul3A_230 = arith.muli %while3A_228, %mul3A_229 : i32
      %add3A_231 = arith.addi %mul3A_70, %mul3A_230 : i32
      "tpu.region"() ({
        %run_scoped3A = tpu.sem_alloc : memref<!tpu.dma_semaphore, #tpu.memory_space<semaphore_mem>>
        %dma_start3A_239 = tpu.memref_slice %arg3[%add3A_231] : memref<25731072xi32, #tpu.memory_space<hbm>> -> memref<1024xi32, #tpu.memory_space<hbm>>
        %dma_start3A_240 = tpu.memref_slice %arg3[%add3A_231] : memref<25731072xi32, #tpu.memory_space<hbm>> -> memref<1024xi32, #tpu.memory_space<hbm>>
        tpu.enqueue_dma source(%dma_start3A_240 : memref<1024xi32, #tpu.memory_space<hbm>>) target(%arg12 : memref<1024xi32, #tpu.memory_space<vmem>>) target_semaphore(%run_scoped3A : memref<!tpu.dma_semaphore, #tpu.memory_space<semaphore_mem>>)
        %dma_wait3A_241 = tpu.memref_slice %arg3[%add3A_231] : memref<25731072xi32, #tpu.memory_space<hbm>> -> memref<1024xi32, #tpu.memory_space<hbm>>
        %dma_wait3A_242 = tpu.memref_slice %arg3[%add3A_231] : memref<25731072xi32, #tpu.memory_space<hbm>> -> memref<1024xi32, #tpu.memory_space<hbm>>
        tpu.wait_dma2 semaphore(%run_scoped3A : memref<!tpu.dma_semaphore, #tpu.memory_space<semaphore_mem>>) src(%dma_wait3A_242 : memref<1024xi32, #tpu.memory_space<hbm>>) dst(%arg12 : memref<1024xi32, #tpu.memory_space<vmem>>)
        tpu.yield
      }) : () -> ()
      %dma_start3A = arith.constant 0 : i32
      %dma_start3A_232 = arith.constant 0 : i32
      %dma_start3A_233 = tpu.memref_slice %arg16[%dma_start3A, %dma_start3A_232] : memref<100096x16xf32, #tpu.memory_space<vmem_shared>> -> memref<100096x16xf32, #tpu.memory_space<vmem_shared>>
      tpu.enqueue_indirect_dma source(%dma_start3A_233 : memref<100096x16xf32, #tpu.memory_space<vmem_shared>>) target(%arg13 : memref<1024x16xf32, #tpu.memory_space<vmem>>) offsets(%arg12 : memref<1024xi32, #tpu.memory_space<vmem>>) semaphore(%arg18 : memref<!tpu.dma_semaphore, #tpu.memory_space<semaphore_mem>>)
      %dma_wait3A = arith.constant 0 : i32
      %dma_wait3A_234 = arith.constant 0 : i32
      %dma_wait3A_235 = tpu.memref_slice %arg16[%dma_wait3A, %dma_wait3A_234] : memref<100096x16xf32, #tpu.memory_space<vmem_shared>> -> memref<100096x16xf32, #tpu.memory_space<vmem_shared>>
      tpu.wait_indirect_dma semaphore(%arg18 : memref<!tpu.dma_semaphore, #tpu.memory_space<semaphore_mem>>) src(%dma_wait3A_235 : memref<100096x16xf32, #tpu.memory_space<vmem_shared>>) dst(%arg13 : memref<1024x16xf32, #tpu.memory_space<vmem>>)
      %mul3A_236 = arith.constant 1024 : i32
      %mul3A_237 = arith.muli %while3A_228, %mul3A_236 : i32
      %add3A_238 = arith.addi %add3A_29, %mul3A_237 : i32
      "tpu.region"() ({
        %run_scoped3A = tpu.sem_alloc : memref<!tpu.dma_semaphore, #tpu.memory_space<semaphore_mem>>
        %dma_start3A_239 = arith.constant 0 : i32
        %dma_start3A_240 = tpu.memref_slice %arg11[%add3A_238, %dma_start3A_239] : memref<6531072x16xf32, #tpu.memory_space<hbm>> -> memref<1024x16xf32, #tpu.memory_space<hbm>>
        %dma_start3A_241 = arith.constant 0 : i32
        %dma_start3A_242 = tpu.memref_slice %arg11[%add3A_238, %dma_start3A_241] : memref<6531072x16xf32, #tpu.memory_space<hbm>> -> memref<1024x16xf32, #tpu.memory_space<hbm>>
        tpu.enqueue_dma source(%arg13 : memref<1024x16xf32, #tpu.memory_space<vmem>>) target(%dma_start3A_242 : memref<1024x16xf32, #tpu.memory_space<hbm>>) target_semaphore(%run_scoped3A : memref<!tpu.dma_semaphore, #tpu.memory_space<semaphore_mem>>)
        %dma_wait3A_243 = arith.constant 0 : i32
        %dma_wait3A_244 = tpu.memref_slice %arg11[%add3A_238, %dma_wait3A_243] : memref<6531072x16xf32, #tpu.memory_space<hbm>> -> memref<1024x16xf32, #tpu.memory_space<hbm>>
        %dma_wait3A_245 = arith.constant 0 : i32
        %dma_wait3A_246 = tpu.memref_slice %arg11[%add3A_238, %dma_wait3A_245] : memref<6531072x16xf32, #tpu.memory_space<hbm>> -> memref<1024x16xf32, #tpu.memory_space<hbm>>
        tpu.wait_dma2 semaphore(%run_scoped3A : memref<!tpu.dma_semaphore, #tpu.memory_space<semaphore_mem>>) src(%arg13 : memref<1024x16xf32, #tpu.memory_space<vmem>>) dst(%dma_wait3A_246 : memref<1024x16xf32, #tpu.memory_space<hbm>>)
        tpu.yield
      }) : () -> ()
    }
    %while3A_80 = arith.constant 1 : i32
    scf.for %while3A_228 = %while3A_78 to %while3A_74 step %while3A_80  : i32 {
      %mul3A_229 = arith.constant 1024 : i32
      %mul3A_230 = arith.muli %while3A_228, %mul3A_229 : i32
      %add3A_231 = arith.addi %mul3A_70, %mul3A_230 : i32
      "tpu.region"() ({
        %run_scoped3A = tpu.sem_alloc : memref<!tpu.dma_semaphore, #tpu.memory_space<semaphore_mem>>
        %dma_start3A_239 = tpu.memref_slice %arg3[%add3A_231] : memref<25731072xi32, #tpu.memory_space<hbm>> -> memref<1024xi32, #tpu.memory_space<hbm>>
        %dma_start3A_240 = tpu.memref_slice %arg3[%add3A_231] : memref<25731072xi32, #tpu.memory_space<hbm>> -> memref<1024xi32, #tpu.memory_space<hbm>>
        tpu.enqueue_dma source(%dma_start3A_240 : memref<1024xi32, #tpu.memory_space<hbm>>) target(%arg12 : memref<1024xi32, #tpu.memory_space<vmem>>) target_semaphore(%run_scoped3A : memref<!tpu.dma_semaphore, #tpu.memory_space<semaphore_mem>>)
        %dma_wait3A_241 = tpu.memref_slice %arg3[%add3A_231] : memref<25731072xi32, #tpu.memory_space<hbm>> -> memref<1024xi32, #tpu.memory_space<hbm>>
        %dma_wait3A_242 = tpu.memref_slice %arg3[%add3A_231] : memref<25731072xi32, #tpu.memory_space<hbm>> -> memref<1024xi32, #tpu.memory_space<hbm>>
        tpu.wait_dma2 semaphore(%run_scoped3A : memref<!tpu.dma_semaphore, #tpu.memory_space<semaphore_mem>>) src(%dma_wait3A_242 : memref<1024xi32, #tpu.memory_space<hbm>>) dst(%arg12 : memref<1024xi32, #tpu.memory_space<vmem>>)
        tpu.yield
      }) : () -> ()
      %dma_start3A = arith.constant 0 : i32
      %dma_start3A_232 = arith.constant 0 : i32
      %dma_start3A_233 = tpu.memref_slice %arg16[%dma_start3A, %dma_start3A_232] : memref<100096x16xf32, #tpu.memory_space<vmem_shared>> -> memref<100096x16xf32, #tpu.memory_space<vmem_shared>>
      tpu.enqueue_indirect_dma source(%dma_start3A_233 : memref<100096x16xf32, #tpu.memory_space<vmem_shared>>) target(%arg13 : memref<1024x16xf32, #tpu.memory_space<vmem>>) offsets(%arg12 : memref<1024xi32, #tpu.memory_space<vmem>>) semaphore(%arg18 : memref<!tpu.dma_semaphore, #tpu.memory_space<semaphore_mem>>)
      %dma_wait3A = arith.constant 0 : i32
      %dma_wait3A_234 = arith.constant 0 : i32
      %dma_wait3A_235 = tpu.memref_slice %arg16[%dma_wait3A, %dma_wait3A_234] : memref<100096x16xf32, #tpu.memory_space<vmem_shared>> -> memref<100096x16xf32, #tpu.memory_space<vmem_shared>>
      tpu.wait_indirect_dma semaphore(%arg18 : memref<!tpu.dma_semaphore, #tpu.memory_space<semaphore_mem>>) src(%dma_wait3A_235 : memref<100096x16xf32, #tpu.memory_space<vmem_shared>>) dst(%arg13 : memref<1024x16xf32, #tpu.memory_space<vmem>>)
      %mul3A_236 = arith.constant 1024 : i32
      %mul3A_237 = arith.muli %while3A_228, %mul3A_236 : i32
      %add3A_238 = arith.addi %add3A_29, %mul3A_237 : i32
      "tpu.region"() ({
        %run_scoped3A = tpu.sem_alloc : memref<!tpu.dma_semaphore, #tpu.memory_space<semaphore_mem>>
        %dma_start3A_239 = arith.constant 0 : i32
        %dma_start3A_240 = tpu.memref_slice %arg11[%add3A_238, %dma_start3A_239] : memref<6531072x16xf32, #tpu.memory_space<hbm>> -> memref<1024x16xf32, #tpu.memory_space<hbm>>
        %dma_start3A_241 = arith.constant 0 : i32
        %dma_start3A_242 = tpu.memref_slice %arg11[%add3A_238, %dma_start3A_241] : memref<6531072x16xf32, #tpu.memory_space<hbm>> -> memref<1024x16xf32, #tpu.memory_space<hbm>>
        tpu.enqueue_dma source(%arg13 : memref<1024x16xf32, #tpu.memory_space<vmem>>) target(%dma_start3A_242 : memref<1024x16xf32, #tpu.memory_space<hbm>>) target_semaphore(%run_scoped3A : memref<!tpu.dma_semaphore, #tpu.memory_space<semaphore_mem>>)
        %dma_wait3A_243 = arith.constant 0 : i32
        %dma_wait3A_244 = tpu.memref_slice %arg11[%add3A_238, %dma_wait3A_243] : memref<6531072x16xf32, #tpu.memory_space<hbm>> -> memref<1024x16xf32, #tpu.memory_space<hbm>>
        %dma_wait3A_245 = arith.constant 0 : i32
        %dma_wait3A_246 = tpu.memref_slice %arg11[%add3A_238, %dma_wait3A_245] : memref<6531072x16xf32, #tpu.memory_space<hbm>> -> memref<1024x16xf32, #tpu.memory_space<hbm>>
        tpu.wait_dma2 semaphore(%run_scoped3A : memref<!tpu.dma_semaphore, #tpu.memory_space<semaphore_mem>>) src(%arg13 : memref<1024x16xf32, #tpu.memory_space<vmem>>) dst(%dma_wait3A_246 : memref<1024x16xf32, #tpu.memory_space<hbm>>)
        tpu.yield
      }) : () -> ()
    }
    %add3A_81 = arith.constant 3 : i32
    %add3A_82 = arith.addi %mul3A_39, %add3A_81 : i32
    %mul3A_83 = arith.constant 201024 : i32
    %mul3A_84 = arith.muli %add3A_82, %mul3A_83 : i32
    %while3A_85 = arith.constant 0 : i32
    %while3A_86 = arith.constant 0 : i32
    %while3A_87 = arith.subi %squeeze3A_17, %while3A_86 : i32
    %while3A_88 = arith.addi %while3A_86, %while3A_87 : i32
    %while3A_89 = arith.constant 1 : i32
    %while3A_90 = arith.divsi %while3A_87, %while3A_89 : i32
    %while3A_91 = arith.muli %while3A_90, %while3A_89 : i32
    %while3A_92 = arith.addi %while3A_86, %while3A_91 : i32
    %while3A_93 = arith.constant 1 : i32
    scf.for %while3A_228 = %while3A_86 to %while3A_92 step %while3A_93  : i32 {
      %mul3A_229 = arith.constant 1024 : i32
      %mul3A_230 = arith.muli %while3A_228, %mul3A_229 : i32
      %add3A_231 = arith.addi %mul3A_84, %mul3A_230 : i32
      "tpu.region"() ({
        %run_scoped3A = tpu.sem_alloc : memref<!tpu.dma_semaphore, #tpu.memory_space<semaphore_mem>>
        %dma_start3A_239 = tpu.memref_slice %arg3[%add3A_231] : memref<25731072xi32, #tpu.memory_space<hbm>> -> memref<1024xi32, #tpu.memory_space<hbm>>
        %dma_start3A_240 = tpu.memref_slice %arg3[%add3A_231] : memref<25731072xi32, #tpu.memory_space<hbm>> -> memref<1024xi32, #tpu.memory_space<hbm>>
        tpu.enqueue_dma source(%dma_start3A_240 : memref<1024xi32, #tpu.memory_space<hbm>>) target(%arg12 : memref<1024xi32, #tpu.memory_space<vmem>>) target_semaphore(%run_scoped3A : memref<!tpu.dma_semaphore, #tpu.memory_space<semaphore_mem>>)
        %dma_wait3A_241 = tpu.memref_slice %arg3[%add3A_231] : memref<25731072xi32, #tpu.memory_space<hbm>> -> memref<1024xi32, #tpu.memory_space<hbm>>
        %dma_wait3A_242 = tpu.memref_slice %arg3[%add3A_231] : memref<25731072xi32, #tpu.memory_space<hbm>> -> memref<1024xi32, #tpu.memory_space<hbm>>
        tpu.wait_dma2 semaphore(%run_scoped3A : memref<!tpu.dma_semaphore, #tpu.memory_space<semaphore_mem>>) src(%dma_wait3A_242 : memref<1024xi32, #tpu.memory_space<hbm>>) dst(%arg12 : memref<1024xi32, #tpu.memory_space<vmem>>)
        tpu.yield
      }) : () -> ()
      %dma_start3A = arith.constant 0 : i32
      %dma_start3A_232 = arith.constant 0 : i32
      %dma_start3A_233 = tpu.memref_slice %arg16[%dma_start3A, %dma_start3A_232] : memref<100096x16xf32, #tpu.memory_space<vmem_shared>> -> memref<100096x16xf32, #tpu.memory_space<vmem_shared>>
      tpu.enqueue_indirect_dma source(%dma_start3A_233 : memref<100096x16xf32, #tpu.memory_space<vmem_shared>>) target(%arg13 : memref<1024x16xf32, #tpu.memory_space<vmem>>) offsets(%arg12 : memref<1024xi32, #tpu.memory_space<vmem>>) semaphore(%arg18 : memref<!tpu.dma_semaphore, #tpu.memory_space<semaphore_mem>>)
      %dma_wait3A = arith.constant 0 : i32
      %dma_wait3A_234 = arith.constant 0 : i32
      %dma_wait3A_235 = tpu.memref_slice %arg16[%dma_wait3A, %dma_wait3A_234] : memref<100096x16xf32, #tpu.memory_space<vmem_shared>> -> memref<100096x16xf32, #tpu.memory_space<vmem_shared>>
      tpu.wait_indirect_dma semaphore(%arg18 : memref<!tpu.dma_semaphore, #tpu.memory_space<semaphore_mem>>) src(%dma_wait3A_235 : memref<100096x16xf32, #tpu.memory_space<vmem_shared>>) dst(%arg13 : memref<1024x16xf32, #tpu.memory_space<vmem>>)
      %mul3A_236 = arith.constant 1024 : i32
      %mul3A_237 = arith.muli %while3A_228, %mul3A_236 : i32
      %add3A_238 = arith.addi %add3A_34, %mul3A_237 : i32
      "tpu.region"() ({
        %run_scoped3A = tpu.sem_alloc : memref<!tpu.dma_semaphore, #tpu.memory_space<semaphore_mem>>
        %dma_start3A_239 = arith.constant 0 : i32
        %dma_start3A_240 = tpu.memref_slice %arg11[%add3A_238, %dma_start3A_239] : memref<6531072x16xf32, #tpu.memory_space<hbm>> -> memref<1024x16xf32, #tpu.memory_space<hbm>>
        %dma_start3A_241 = arith.constant 0 : i32
        %dma_start3A_242 = tpu.memref_slice %arg11[%add3A_238, %dma_start3A_241] : memref<6531072x16xf32, #tpu.memory_space<hbm>> -> memref<1024x16xf32, #tpu.memory_space<hbm>>
        tpu.enqueue_dma source(%arg13 : memref<1024x16xf32, #tpu.memory_space<vmem>>) target(%dma_start3A_242 : memref<1024x16xf32, #tpu.memory_space<hbm>>) target_semaphore(%run_scoped3A : memref<!tpu.dma_semaphore, #tpu.memory_space<semaphore_mem>>)
        %dma_wait3A_243 = arith.constant 0 : i32
        %dma_wait3A_244 = tpu.memref_slice %arg11[%add3A_238, %dma_wait3A_243] : memref<6531072x16xf32, #tpu.memory_space<hbm>> -> memref<1024x16xf32, #tpu.memory_space<hbm>>
        %dma_wait3A_245 = arith.constant 0 : i32
        %dma_wait3A_246 = tpu.memref_slice %arg11[%add3A_238, %dma_wait3A_245] : memref<6531072x16xf32, #tpu.memory_space<hbm>> -> memref<1024x16xf32, #tpu.memory_space<hbm>>
        tpu.wait_dma2 semaphore(%run_scoped3A : memref<!tpu.dma_semaphore, #tpu.memory_space<semaphore_mem>>) src(%arg13 : memref<1024x16xf32, #tpu.memory_space<vmem>>) dst(%dma_wait3A_246 : memref<1024x16xf32, #tpu.memory_space<hbm>>)
        tpu.yield
      }) : () -> ()
    }
    %while3A_94 = arith.constant 1 : i32
    scf.for %while3A_228 = %while3A_92 to %while3A_88 step %while3A_94  : i32 {
      %mul3A_229 = arith.constant 1024 : i32
      %mul3A_230 = arith.muli %while3A_228, %mul3A_229 : i32
      %add3A_231 = arith.addi %mul3A_84, %mul3A_230 : i32
      "tpu.region"() ({
        %run_scoped3A = tpu.sem_alloc : memref<!tpu.dma_semaphore, #tpu.memory_space<semaphore_mem>>
        %dma_start3A_239 = tpu.memref_slice %arg3[%add3A_231] : memref<25731072xi32, #tpu.memory_space<hbm>> -> memref<1024xi32, #tpu.memory_space<hbm>>
        %dma_start3A_240 = tpu.memref_slice %arg3[%add3A_231] : memref<25731072xi32, #tpu.memory_space<hbm>> -> memref<1024xi32, #tpu.memory_space<hbm>>
        tpu.enqueue_dma source(%dma_start3A_240 : memref<1024xi32, #tpu.memory_space<hbm>>) target(%arg12 : memref<1024xi32, #tpu.memory_space<vmem>>) target_semaphore(%run_scoped3A : memref<!tpu.dma_semaphore, #tpu.memory_space<semaphore_mem>>)
        %dma_wait3A_241 = tpu.memref_slice %arg3[%add3A_231] : memref<25731072xi32, #tpu.memory_space<hbm>> -> memref<1024xi32, #tpu.memory_space<hbm>>
        %dma_wait3A_242 = tpu.memref_slice %arg3[%add3A_231] : memref<25731072xi32, #tpu.memory_space<hbm>> -> memref<1024xi32, #tpu.memory_space<hbm>>
        tpu.wait_dma2 semaphore(%run_scoped3A : memref<!tpu.dma_semaphore, #tpu.memory_space<semaphore_mem>>) src(%dma_wait3A_242 : memref<1024xi32, #tpu.memory_space<hbm>>) dst(%arg12 : memref<1024xi32, #tpu.memory_space<vmem>>)
        tpu.yield
      }) : () -> ()
      %dma_start3A = arith.constant 0 : i32
      %dma_start3A_232 = arith.constant 0 : i32
      %dma_start3A_233 = tpu.memref_slice %arg16[%dma_start3A, %dma_start3A_232] : memref<100096x16xf32, #tpu.memory_space<vmem_shared>> -> memref<100096x16xf32, #tpu.memory_space<vmem_shared>>
      tpu.enqueue_indirect_dma source(%dma_start3A_233 : memref<100096x16xf32, #tpu.memory_space<vmem_shared>>) target(%arg13 : memref<1024x16xf32, #tpu.memory_space<vmem>>) offsets(%arg12 : memref<1024xi32, #tpu.memory_space<vmem>>) semaphore(%arg18 : memref<!tpu.dma_semaphore, #tpu.memory_space<semaphore_mem>>)
      %dma_wait3A = arith.constant 0 : i32
      %dma_wait3A_234 = arith.constant 0 : i32
      %dma_wait3A_235 = tpu.memref_slice %arg16[%dma_wait3A, %dma_wait3A_234] : memref<100096x16xf32, #tpu.memory_space<vmem_shared>> -> memref<100096x16xf32, #tpu.memory_space<vmem_shared>>
      tpu.wait_indirect_dma semaphore(%arg18 : memref<!tpu.dma_semaphore, #tpu.memory_space<semaphore_mem>>) src(%dma_wait3A_235 : memref<100096x16xf32, #tpu.memory_space<vmem_shared>>) dst(%arg13 : memref<1024x16xf32, #tpu.memory_space<vmem>>)
      %mul3A_236 = arith.constant 1024 : i32
      %mul3A_237 = arith.muli %while3A_228, %mul3A_236 : i32
      %add3A_238 = arith.addi %add3A_34, %mul3A_237 : i32
      "tpu.region"() ({
        %run_scoped3A = tpu.sem_alloc : memref<!tpu.dma_semaphore, #tpu.memory_space<semaphore_mem>>
        %dma_start3A_239 = arith.constant 0 : i32
        %dma_start3A_240 = tpu.memref_slice %arg11[%add3A_238, %dma_start3A_239] : memref<6531072x16xf32, #tpu.memory_space<hbm>> -> memref<1024x16xf32, #tpu.memory_space<hbm>>
        %dma_start3A_241 = arith.constant 0 : i32
        %dma_start3A_242 = tpu.memref_slice %arg11[%add3A_238, %dma_start3A_241] : memref<6531072x16xf32, #tpu.memory_space<hbm>> -> memref<1024x16xf32, #tpu.memory_space<hbm>>
        tpu.enqueue_dma source(%arg13 : memref<1024x16xf32, #tpu.memory_space<vmem>>) target(%dma_start3A_242 : memref<1024x16xf32, #tpu.memory_space<hbm>>) target_semaphore(%run_scoped3A : memref<!tpu.dma_semaphore, #tpu.memory_space<semaphore_mem>>)
        %dma_wait3A_243 = arith.constant 0 : i32
        %dma_wait3A_244 = tpu.memref_slice %arg11[%add3A_238, %dma_wait3A_243] : memref<6531072x16xf32, #tpu.memory_space<hbm>> -> memref<1024x16xf32, #tpu.memory_space<hbm>>
        %dma_wait3A_245 = arith.constant 0 : i32
        %dma_wait3A_246 = tpu.memref_slice %arg11[%add3A_238, %dma_wait3A_245] : memref<6531072x16xf32, #tpu.memory_space<hbm>> -> memref<1024x16xf32, #tpu.memory_space<hbm>>
        tpu.wait_dma2 semaphore(%run_scoped3A : memref<!tpu.dma_semaphore, #tpu.memory_space<semaphore_mem>>) src(%arg13 : memref<1024x16xf32, #tpu.memory_space<vmem>>) dst(%dma_wait3A_246 : memref<1024x16xf32, #tpu.memory_space<hbm>>)
        tpu.yield
      }) : () -> ()
    }
    %barrier3A_95 = arith.constant 0 : index
    tpu.barrier barrier_id(%barrier3A_95)
    "tpu.region"() ({
      %run_scoped3A = tpu.sem_alloc : memref<!tpu.dma_semaphore, #tpu.memory_space<semaphore_mem>>
      %dma_start3A = arith.constant 0 : i32
      %dma_start3A_228 = tpu.memref_slice %arg16[%mul3A_0, %dma_start3A] : memref<100096x16xf32, #tpu.memory_space<vmem_shared>> -> memref<6256x16xf32, #tpu.memory_space<vmem_shared>>
      tpu.enqueue_dma source(%arg6 : memref<6256x16xf32, #tpu.memory_space<hbm>>) target(%dma_start3A_228 : memref<6256x16xf32, #tpu.memory_space<vmem_shared>>) target_semaphore(%run_scoped3A : memref<!tpu.dma_semaphore, #tpu.memory_space<semaphore_mem>>)
      %dma_wait3A = arith.constant 0 : i32
      %dma_wait3A_229 = tpu.memref_slice %arg16[%mul3A_0, %dma_wait3A] : memref<100096x16xf32, #tpu.memory_space<vmem_shared>> -> memref<6256x16xf32, #tpu.memory_space<vmem_shared>>
      tpu.wait_dma2 semaphore(%run_scoped3A : memref<!tpu.dma_semaphore, #tpu.memory_space<semaphore_mem>>) src(%arg6 : memref<6256x16xf32, #tpu.memory_space<hbm>>) dst(%dma_wait3A_229 : memref<6256x16xf32, #tpu.memory_space<vmem_shared>>)
      tpu.yield
    }) : () -> ()
    "tpu.region"() ({
      %run_scoped3A = tpu.sem_alloc : memref<!tpu.dma_semaphore, #tpu.memory_space<semaphore_mem>>
      %dma_start3A = tpu.memref_slice %arg17[%mul3A_0] : memref<100096xf32, #tpu.memory_space<vmem_shared>> -> memref<6256xf32, #tpu.memory_space<vmem_shared>>
      tpu.enqueue_dma source(%arg7 : memref<6256xf32, #tpu.memory_space<hbm>>) target(%dma_start3A : memref<6256xf32, #tpu.memory_space<vmem_shared>>) target_semaphore(%run_scoped3A : memref<!tpu.dma_semaphore, #tpu.memory_space<semaphore_mem>>)
      %dma_wait3A = tpu.memref_slice %arg17[%mul3A_0] : memref<100096xf32, #tpu.memory_space<vmem_shared>> -> memref<6256xf32, #tpu.memory_space<vmem_shared>>
      tpu.wait_dma2 semaphore(%run_scoped3A : memref<!tpu.dma_semaphore, #tpu.memory_space<semaphore_mem>>) src(%arg7 : memref<6256xf32, #tpu.memory_space<hbm>>) dst(%dma_wait3A : memref<6256xf32, #tpu.memory_space<vmem_shared>>)
      tpu.yield
    }) : () -> ()
    %barrier3A_96 = arith.constant 0 : index
    tpu.barrier barrier_id(%barrier3A_96)
    %add3A_97 = arith.constant 0 : i32
    %add3A_98 = arith.addi %mul3A_39, %add3A_97 : i32
    %mul3A_99 = arith.constant 201024 : i32
    %mul3A_100 = arith.muli %add3A_98, %mul3A_99 : i32
    %while3A_101 = arith.constant 0 : i32
    %while3A_102 = arith.constant 0 : i32
    %while3A_103 = arith.subi %squeeze3A, %while3A_102 : i32
    %while3A_104 = arith.addi %while3A_102, %while3A_103 : i32
    %while3A_105 = arith.constant 1 : i32
    %while3A_106 = arith.divsi %while3A_103, %while3A_105 : i32
    %while3A_107 = arith.muli %while3A_106, %while3A_105 : i32
    %while3A_108 = arith.addi %while3A_102, %while3A_107 : i32
    %while3A_109 = arith.constant 1 : i32
    scf.for %while3A_228 = %while3A_102 to %while3A_108 step %while3A_109  : i32 {
      %mul3A_229 = arith.constant 1024 : i32
      %mul3A_230 = arith.muli %while3A_228, %mul3A_229 : i32
      %add3A_231 = arith.addi %mul3A_100, %mul3A_230 : i32
      "tpu.region"() ({
        %run_scoped3A = tpu.sem_alloc : memref<!tpu.dma_semaphore, #tpu.memory_space<semaphore_mem>>
        %dma_start3A = tpu.memref_slice %arg4[%add3A_231] : memref<25731072xi32, #tpu.memory_space<hbm>> -> memref<1024xi32, #tpu.memory_space<hbm>>
        %dma_start3A_235 = tpu.memref_slice %arg4[%add3A_231] : memref<25731072xi32, #tpu.memory_space<hbm>> -> memref<1024xi32, #tpu.memory_space<hbm>>
        tpu.enqueue_dma source(%dma_start3A_235 : memref<1024xi32, #tpu.memory_space<hbm>>) target(%arg12 : memref<1024xi32, #tpu.memory_space<vmem>>) target_semaphore(%run_scoped3A : memref<!tpu.dma_semaphore, #tpu.memory_space<semaphore_mem>>)
        %dma_wait3A = tpu.memref_slice %arg4[%add3A_231] : memref<25731072xi32, #tpu.memory_space<hbm>> -> memref<1024xi32, #tpu.memory_space<hbm>>
        %dma_wait3A_236 = tpu.memref_slice %arg4[%add3A_231] : memref<25731072xi32, #tpu.memory_space<hbm>> -> memref<1024xi32, #tpu.memory_space<hbm>>
        tpu.wait_dma2 semaphore(%run_scoped3A : memref<!tpu.dma_semaphore, #tpu.memory_space<semaphore_mem>>) src(%dma_wait3A_236 : memref<1024xi32, #tpu.memory_space<hbm>>) dst(%arg12 : memref<1024xi32, #tpu.memory_space<vmem>>)
        tpu.yield
      }) : () -> ()
      %mul3A_232 = arith.constant 1024 : i32
      %mul3A_233 = arith.muli %while3A_228, %mul3A_232 : i32
      %add3A_234 = arith.addi %mul3A_22, %mul3A_233 : i32
      "tpu.region"() ({
        %run_scoped3A = tpu.sem_alloc : memref<!tpu.dma_semaphore, #tpu.memory_space<semaphore_mem>>
        %dma_start3A = arith.constant 0 : i32
        %dma_start3A_235 = tpu.memref_slice %arg11[%add3A_234, %dma_start3A] : memref<6531072x16xf32, #tpu.memory_space<hbm>> -> memref<1024x16xf32, #tpu.memory_space<hbm>>
        %dma_start3A_236 = arith.constant 0 : i32
        %dma_start3A_237 = tpu.memref_slice %arg11[%add3A_234, %dma_start3A_236] : memref<6531072x16xf32, #tpu.memory_space<hbm>> -> memref<1024x16xf32, #tpu.memory_space<hbm>>
        tpu.enqueue_dma source(%dma_start3A_237 : memref<1024x16xf32, #tpu.memory_space<hbm>>) target(%arg13 : memref<1024x16xf32, #tpu.memory_space<vmem>>) target_semaphore(%run_scoped3A : memref<!tpu.dma_semaphore, #tpu.memory_space<semaphore_mem>>)
        %dma_wait3A = arith.constant 0 : i32
        %dma_wait3A_238 = tpu.memref_slice %arg11[%add3A_234, %dma_wait3A] : memref<6531072x16xf32, #tpu.memory_space<hbm>> -> memref<1024x16xf32, #tpu.memory_space<hbm>>
        %dma_wait3A_239 = arith.constant 0 : i32
        %dma_wait3A_240 = tpu.memref_slice %arg11[%add3A_234, %dma_wait3A_239] : memref<6531072x16xf32, #tpu.memory_space<hbm>> -> memref<1024x16xf32, #tpu.memory_space<hbm>>
        tpu.wait_dma2 semaphore(%run_scoped3A : memref<!tpu.dma_semaphore, #tpu.memory_space<semaphore_mem>>) src(%dma_wait3A_240 : memref<1024x16xf32, #tpu.memory_space<hbm>>) dst(%arg13 : memref<1024x16xf32, #tpu.memory_space<vmem>>)
        tpu.yield
      }) : () -> ()
      "tpu.region"() ({
        %run_scoped3A = tpu.sem_alloc : memref<!tpu.dma_semaphore, #tpu.memory_space<semaphore_mem>>
        %dma_start3A = arith.constant 0 : i32
        %dma_start3A_235 = arith.constant 0 : i32
        %dma_start3A_236 = tpu.memref_slice %arg16[%dma_start3A, %dma_start3A_235] : memref<100096x16xf32, #tpu.memory_space<vmem_shared>> -> memref<100096x16xf32, #tpu.memory_space<vmem_shared>>
        tpu.enqueue_indirect_dma source(%arg13 : memref<1024x16xf32, #tpu.memory_space<vmem>>) target(%dma_start3A_236 : memref<100096x16xf32, #tpu.memory_space<vmem_shared>>) offsets(%arg12 : memref<1024xi32, #tpu.memory_space<vmem>>) semaphore(%run_scoped3A : memref<!tpu.dma_semaphore, #tpu.memory_space<semaphore_mem>>) {add = true}
        %dma_wait3A = arith.constant 0 : i32
        %dma_wait3A_237 = arith.constant 0 : i32
        %dma_wait3A_238 = tpu.memref_slice %arg16[%dma_wait3A, %dma_wait3A_237] : memref<100096x16xf32, #tpu.memory_space<vmem_shared>> -> memref<100096x16xf32, #tpu.memory_space<vmem_shared>>
        tpu.wait_indirect_dma semaphore(%run_scoped3A : memref<!tpu.dma_semaphore, #tpu.memory_space<semaphore_mem>>) src(%arg13 : memref<1024x16xf32, #tpu.memory_space<vmem>>) dst(%dma_wait3A_238 : memref<100096x16xf32, #tpu.memory_space<vmem_shared>>)
        tpu.yield
      }) : () -> ()
      "tpu.region"() ({
        %run_scoped3A = tpu.sem_alloc : memref<!tpu.dma_semaphore, #tpu.memory_space<semaphore_mem>>
        %dma_start3A = arith.constant 0 : i32
        %dma_start3A_235 = tpu.memref_slice %arg17[%dma_start3A] : memref<100096xf32, #tpu.memory_space<vmem_shared>> -> memref<100096xf32, #tpu.memory_space<vmem_shared>>
        tpu.enqueue_indirect_dma source(%arg14 : memref<1024xf32, #tpu.memory_space<vmem>>) target(%dma_start3A_235 : memref<100096xf32, #tpu.memory_space<vmem_shared>>) offsets(%arg12 : memref<1024xi32, #tpu.memory_space<vmem>>) semaphore(%run_scoped3A : memref<!tpu.dma_semaphore, #tpu.memory_space<semaphore_mem>>) {add = true}
        %dma_wait3A = arith.constant 0 : i32
        %dma_wait3A_236 = tpu.memref_slice %arg17[%dma_wait3A] : memref<100096xf32, #tpu.memory_space<vmem_shared>> -> memref<100096xf32, #tpu.memory_space<vmem_shared>>
        tpu.wait_indirect_dma semaphore(%run_scoped3A : memref<!tpu.dma_semaphore, #tpu.memory_space<semaphore_mem>>) src(%arg14 : memref<1024xf32, #tpu.memory_space<vmem>>) dst(%dma_wait3A_236 : memref<100096xf32, #tpu.memory_space<vmem_shared>>)
        tpu.yield
      }) : () -> ()
    }
    %while3A_110 = arith.constant 1 : i32
    scf.for %while3A_228 = %while3A_108 to %while3A_104 step %while3A_110  : i32 {
      %mul3A_229 = arith.constant 1024 : i32
      %mul3A_230 = arith.muli %while3A_228, %mul3A_229 : i32
      %add3A_231 = arith.addi %mul3A_100, %mul3A_230 : i32
      "tpu.region"() ({
        %run_scoped3A = tpu.sem_alloc : memref<!tpu.dma_semaphore, #tpu.memory_space<semaphore_mem>>
        %dma_start3A = tpu.memref_slice %arg4[%add3A_231] : memref<25731072xi32, #tpu.memory_space<hbm>> -> memref<1024xi32, #tpu.memory_space<hbm>>
        %dma_start3A_235 = tpu.memref_slice %arg4[%add3A_231] : memref<25731072xi32, #tpu.memory_space<hbm>> -> memref<1024xi32, #tpu.memory_space<hbm>>
        tpu.enqueue_dma source(%dma_start3A_235 : memref<1024xi32, #tpu.memory_space<hbm>>) target(%arg12 : memref<1024xi32, #tpu.memory_space<vmem>>) target_semaphore(%run_scoped3A : memref<!tpu.dma_semaphore, #tpu.memory_space<semaphore_mem>>)
        %dma_wait3A = tpu.memref_slice %arg4[%add3A_231] : memref<25731072xi32, #tpu.memory_space<hbm>> -> memref<1024xi32, #tpu.memory_space<hbm>>
        %dma_wait3A_236 = tpu.memref_slice %arg4[%add3A_231] : memref<25731072xi32, #tpu.memory_space<hbm>> -> memref<1024xi32, #tpu.memory_space<hbm>>
        tpu.wait_dma2 semaphore(%run_scoped3A : memref<!tpu.dma_semaphore, #tpu.memory_space<semaphore_mem>>) src(%dma_wait3A_236 : memref<1024xi32, #tpu.memory_space<hbm>>) dst(%arg12 : memref<1024xi32, #tpu.memory_space<vmem>>)
        tpu.yield
      }) : () -> ()
      %mul3A_232 = arith.constant 1024 : i32
      %mul3A_233 = arith.muli %while3A_228, %mul3A_232 : i32
      %add3A_234 = arith.addi %mul3A_22, %mul3A_233 : i32
      "tpu.region"() ({
        %run_scoped3A = tpu.sem_alloc : memref<!tpu.dma_semaphore, #tpu.memory_space<semaphore_mem>>
        %dma_start3A = arith.constant 0 : i32
        %dma_start3A_235 = tpu.memref_slice %arg11[%add3A_234, %dma_start3A] : memref<6531072x16xf32, #tpu.memory_space<hbm>> -> memref<1024x16xf32, #tpu.memory_space<hbm>>
        %dma_start3A_236 = arith.constant 0 : i32
        %dma_start3A_237 = tpu.memref_slice %arg11[%add3A_234, %dma_start3A_236] : memref<6531072x16xf32, #tpu.memory_space<hbm>> -> memref<1024x16xf32, #tpu.memory_space<hbm>>
        tpu.enqueue_dma source(%dma_start3A_237 : memref<1024x16xf32, #tpu.memory_space<hbm>>) target(%arg13 : memref<1024x16xf32, #tpu.memory_space<vmem>>) target_semaphore(%run_scoped3A : memref<!tpu.dma_semaphore, #tpu.memory_space<semaphore_mem>>)
        %dma_wait3A = arith.constant 0 : i32
        %dma_wait3A_238 = tpu.memref_slice %arg11[%add3A_234, %dma_wait3A] : memref<6531072x16xf32, #tpu.memory_space<hbm>> -> memref<1024x16xf32, #tpu.memory_space<hbm>>
        %dma_wait3A_239 = arith.constant 0 : i32
        %dma_wait3A_240 = tpu.memref_slice %arg11[%add3A_234, %dma_wait3A_239] : memref<6531072x16xf32, #tpu.memory_space<hbm>> -> memref<1024x16xf32, #tpu.memory_space<hbm>>
        tpu.wait_dma2 semaphore(%run_scoped3A : memref<!tpu.dma_semaphore, #tpu.memory_space<semaphore_mem>>) src(%dma_wait3A_240 : memref<1024x16xf32, #tpu.memory_space<hbm>>) dst(%arg13 : memref<1024x16xf32, #tpu.memory_space<vmem>>)
        tpu.yield
      }) : () -> ()
      "tpu.region"() ({
        %run_scoped3A = tpu.sem_alloc : memref<!tpu.dma_semaphore, #tpu.memory_space<semaphore_mem>>
        %dma_start3A = arith.constant 0 : i32
        %dma_start3A_235 = arith.constant 0 : i32
        %dma_start3A_236 = tpu.memref_slice %arg16[%dma_start3A, %dma_start3A_235] : memref<100096x16xf32, #tpu.memory_space<vmem_shared>> -> memref<100096x16xf32, #tpu.memory_space<vmem_shared>>
        tpu.enqueue_indirect_dma source(%arg13 : memref<1024x16xf32, #tpu.memory_space<vmem>>) target(%dma_start3A_236 : memref<100096x16xf32, #tpu.memory_space<vmem_shared>>) offsets(%arg12 : memref<1024xi32, #tpu.memory_space<vmem>>) semaphore(%run_scoped3A : memref<!tpu.dma_semaphore, #tpu.memory_space<semaphore_mem>>) {add = true}
        %dma_wait3A = arith.constant 0 : i32
        %dma_wait3A_237 = arith.constant 0 : i32
        %dma_wait3A_238 = tpu.memref_slice %arg16[%dma_wait3A, %dma_wait3A_237] : memref<100096x16xf32, #tpu.memory_space<vmem_shared>> -> memref<100096x16xf32, #tpu.memory_space<vmem_shared>>
        tpu.wait_indirect_dma semaphore(%run_scoped3A : memref<!tpu.dma_semaphore, #tpu.memory_space<semaphore_mem>>) src(%arg13 : memref<1024x16xf32, #tpu.memory_space<vmem>>) dst(%dma_wait3A_238 : memref<100096x16xf32, #tpu.memory_space<vmem_shared>>)
        tpu.yield
      }) : () -> ()
      "tpu.region"() ({
        %run_scoped3A = tpu.sem_alloc : memref<!tpu.dma_semaphore, #tpu.memory_space<semaphore_mem>>
        %dma_start3A = arith.constant 0 : i32
        %dma_start3A_235 = tpu.memref_slice %arg17[%dma_start3A] : memref<100096xf32, #tpu.memory_space<vmem_shared>> -> memref<100096xf32, #tpu.memory_space<vmem_shared>>
        tpu.enqueue_indirect_dma source(%arg14 : memref<1024xf32, #tpu.memory_space<vmem>>) target(%dma_start3A_235 : memref<100096xf32, #tpu.memory_space<vmem_shared>>) offsets(%arg12 : memref<1024xi32, #tpu.memory_space<vmem>>) semaphore(%run_scoped3A : memref<!tpu.dma_semaphore, #tpu.memory_space<semaphore_mem>>) {add = true}
        %dma_wait3A = arith.constant 0 : i32
        %dma_wait3A_236 = tpu.memref_slice %arg17[%dma_wait3A] : memref<100096xf32, #tpu.memory_space<vmem_shared>> -> memref<100096xf32, #tpu.memory_space<vmem_shared>>
        tpu.wait_indirect_dma semaphore(%run_scoped3A : memref<!tpu.dma_semaphore, #tpu.memory_space<semaphore_mem>>) src(%arg14 : memref<1024xf32, #tpu.memory_space<vmem>>) dst(%dma_wait3A_236 : memref<100096xf32, #tpu.memory_space<vmem_shared>>)
        tpu.yield
      }) : () -> ()
    }
    %barrier3A_111 = arith.constant 0 : index
    tpu.barrier barrier_id(%barrier3A_111)
    %mul3A_112 = arith.constant 4 : i32
    %mul3A_113 = arith.muli %arg0, %mul3A_112 : i32
    %add3A_114 = arith.constant 0 : i32
    %add3A_115 = arith.addi %mul3A_113, %add3A_114 : i32
    %mul3A_116 = arith.constant 100000 : i32
    %mul3A_117 = arith.muli %add3A_115, %mul3A_116 : i32
    %lt3A_118 = arith.constant 15 : i32
    %lt3A_119 = arith.cmpi slt, %arg1, %lt3A_118 : i32
    %convert_element_type3A_120 = arith.extui %lt3A_119 : i1 to i32
    %cond3A_121 = arith.constant 0 : i32
    %cond3A_122 = arith.cmpi ne, %convert_element_type3A_120, %cond3A_121 : i32
    scf.if %cond3A_122 {
      %add3A_228 = arith.addi %mul3A_117, %mul3A_0 : i32
      "tpu.region"() ({
        %run_scoped3A = tpu.sem_alloc : memref<!tpu.dma_semaphore, #tpu.memory_space<semaphore_mem>>
        %dma_start3A = arith.constant 0 : i32
        %dma_start3A_230 = tpu.memref_slice %arg9[%add3A_228, %dma_start3A] : memref<800000x16xf32, #tpu.memory_space<hbm>> -> memref<6256x16xf32, #tpu.memory_space<hbm>>
        %dma_start3A_231 = arith.constant 0 : i32
        %dma_start3A_232 = tpu.memref_slice %arg16[%mul3A_0, %dma_start3A_231] : memref<100096x16xf32, #tpu.memory_space<vmem_shared>> -> memref<6256x16xf32, #tpu.memory_space<vmem_shared>>
        tpu.enqueue_dma source(%dma_start3A_232 : memref<6256x16xf32, #tpu.memory_space<vmem_shared>>) target(%dma_start3A_230 : memref<6256x16xf32, #tpu.memory_space<hbm>>) target_semaphore(%run_scoped3A : memref<!tpu.dma_semaphore, #tpu.memory_space<semaphore_mem>>)
        %dma_wait3A = arith.constant 0 : i32
        %dma_wait3A_233 = tpu.memref_slice %arg9[%add3A_228, %dma_wait3A] : memref<800000x16xf32, #tpu.memory_space<hbm>> -> memref<6256x16xf32, #tpu.memory_space<hbm>>
        %dma_wait3A_234 = arith.constant 0 : i32
        %dma_wait3A_235 = tpu.memref_slice %arg16[%mul3A_0, %dma_wait3A_234] : memref<100096x16xf32, #tpu.memory_space<vmem_shared>> -> memref<6256x16xf32, #tpu.memory_space<vmem_shared>>
        tpu.wait_dma2 semaphore(%run_scoped3A : memref<!tpu.dma_semaphore, #tpu.memory_space<semaphore_mem>>) src(%dma_wait3A_235 : memref<6256x16xf32, #tpu.memory_space<vmem_shared>>) dst(%dma_wait3A_233 : memref<6256x16xf32, #tpu.memory_space<hbm>>)
        tpu.yield
      }) : () -> ()
      %add3A_229 = arith.addi %mul3A_117, %mul3A_0 : i32
      "tpu.region"() ({
        %run_scoped3A = tpu.sem_alloc : memref<!tpu.dma_semaphore, #tpu.memory_space<semaphore_mem>>
        %dma_start3A = tpu.memref_slice %arg10[%add3A_229] : memref<800000xf32, #tpu.memory_space<hbm>> -> memref<6256xf32, #tpu.memory_space<hbm>>
        %dma_start3A_230 = tpu.memref_slice %arg17[%mul3A_0] : memref<100096xf32, #tpu.memory_space<vmem_shared>> -> memref<6256xf32, #tpu.memory_space<vmem_shared>>
        tpu.enqueue_dma source(%dma_start3A_230 : memref<6256xf32, #tpu.memory_space<vmem_shared>>) target(%dma_start3A : memref<6256xf32, #tpu.memory_space<hbm>>) target_semaphore(%run_scoped3A : memref<!tpu.dma_semaphore, #tpu.memory_space<semaphore_mem>>)
        %dma_wait3A = tpu.memref_slice %arg10[%add3A_229] : memref<800000xf32, #tpu.memory_space<hbm>> -> memref<6256xf32, #tpu.memory_space<hbm>>
        %dma_wait3A_231 = tpu.memref_slice %arg17[%mul3A_0] : memref<100096xf32, #tpu.memory_space<vmem_shared>> -> memref<6256xf32, #tpu.memory_space<vmem_shared>>
        tpu.wait_dma2 semaphore(%run_scoped3A : memref<!tpu.dma_semaphore, #tpu.memory_space<semaphore_mem>>) src(%dma_wait3A_231 : memref<6256xf32, #tpu.memory_space<vmem_shared>>) dst(%dma_wait3A : memref<6256xf32, #tpu.memory_space<hbm>>)
        tpu.yield
      }) : () -> ()
    } else {
    }
    %eq3A_123 = arith.constant 15 : i32
    %eq3A_124 = arith.cmpi eq, %arg1, %eq3A_123 : i32
    %convert_element_type3A_125 = arith.extui %eq3A_124 : i1 to i32
    %cond3A_126 = arith.constant 0 : i32
    %cond3A_127 = arith.cmpi ne, %convert_element_type3A_125, %cond3A_126 : i32
    scf.if %cond3A_127 {
      %add3A_228 = arith.constant 93840 : i32
      %add3A_229 = arith.addi %mul3A_117, %add3A_228 : i32
      "tpu.region"() ({
        %run_scoped3A = tpu.sem_alloc : memref<!tpu.dma_semaphore, #tpu.memory_space<semaphore_mem>>
        %dma_start3A = arith.constant 0 : i32
        %dma_start3A_232 = tpu.memref_slice %arg9[%add3A_229, %dma_start3A] : memref<800000x16xf32, #tpu.memory_space<hbm>> -> memref<6160x16xf32, #tpu.memory_space<hbm>>
        %dma_start3A_233 = arith.constant 93840 : i32
        %dma_start3A_234 = arith.constant 0 : i32
        %dma_start3A_235 = tpu.memref_slice %arg16[%dma_start3A_233, %dma_start3A_234] : memref<100096x16xf32, #tpu.memory_space<vmem_shared>> -> memref<6160x16xf32, #tpu.memory_space<vmem_shared>>
        tpu.enqueue_dma source(%dma_start3A_235 : memref<6160x16xf32, #tpu.memory_space<vmem_shared>>) target(%dma_start3A_232 : memref<6160x16xf32, #tpu.memory_space<hbm>>) target_semaphore(%run_scoped3A : memref<!tpu.dma_semaphore, #tpu.memory_space<semaphore_mem>>)
        %dma_wait3A = arith.constant 0 : i32
        %dma_wait3A_236 = tpu.memref_slice %arg9[%add3A_229, %dma_wait3A] : memref<800000x16xf32, #tpu.memory_space<hbm>> -> memref<6160x16xf32, #tpu.memory_space<hbm>>
        %dma_wait3A_237 = arith.constant 93840 : i32
        %dma_wait3A_238 = arith.constant 0 : i32
        %dma_wait3A_239 = tpu.memref_slice %arg16[%dma_wait3A_237, %dma_wait3A_238] : memref<100096x16xf32, #tpu.memory_space<vmem_shared>> -> memref<6160x16xf32, #tpu.memory_space<vmem_shared>>
        tpu.wait_dma2 semaphore(%run_scoped3A : memref<!tpu.dma_semaphore, #tpu.memory_space<semaphore_mem>>) src(%dma_wait3A_239 : memref<6160x16xf32, #tpu.memory_space<vmem_shared>>) dst(%dma_wait3A_236 : memref<6160x16xf32, #tpu.memory_space<hbm>>)
        tpu.yield
      }) : () -> ()
      %add3A_230 = arith.constant 93840 : i32
      %add3A_231 = arith.addi %mul3A_117, %add3A_230 : i32
      "tpu.region"() ({
        %run_scoped3A = tpu.sem_alloc : memref<!tpu.dma_semaphore, #tpu.memory_space<semaphore_mem>>
        %dma_start3A = tpu.memref_slice %arg10[%add3A_231] : memref<800000xf32, #tpu.memory_space<hbm>> -> memref<6160xf32, #tpu.memory_space<hbm>>
        %dma_start3A_232 = arith.constant 93840 : i32
        %dma_start3A_233 = tpu.memref_slice %arg17[%dma_start3A_232] : memref<100096xf32, #tpu.memory_space<vmem_shared>> -> memref<6160xf32, #tpu.memory_space<vmem_shared>>
        tpu.enqueue_dma source(%dma_start3A_233 : memref<6160xf32, #tpu.memory_space<vmem_shared>>) target(%dma_start3A : memref<6160xf32, #tpu.memory_space<hbm>>) target_semaphore(%run_scoped3A : memref<!tpu.dma_semaphore, #tpu.memory_space<semaphore_mem>>)
        %dma_wait3A = tpu.memref_slice %arg10[%add3A_231] : memref<800000xf32, #tpu.memory_space<hbm>> -> memref<6160xf32, #tpu.memory_space<hbm>>
        %dma_wait3A_234 = arith.constant 93840 : i32
        %dma_wait3A_235 = tpu.memref_slice %arg17[%dma_wait3A_234] : memref<100096xf32, #tpu.memory_space<vmem_shared>> -> memref<6160xf32, #tpu.memory_space<vmem_shared>>
        tpu.wait_dma2 semaphore(%run_scoped3A : memref<!tpu.dma_semaphore, #tpu.memory_space<semaphore_mem>>) src(%dma_wait3A_235 : memref<6160xf32, #tpu.memory_space<vmem_shared>>) dst(%dma_wait3A : memref<6160xf32, #tpu.memory_space<hbm>>)
        tpu.yield
      }) : () -> ()
    } else {
    }
    %barrier3A_128 = arith.constant 0 : index
    tpu.barrier barrier_id(%barrier3A_128)
    "tpu.region"() ({
      %run_scoped3A = tpu.sem_alloc : memref<!tpu.dma_semaphore, #tpu.memory_space<semaphore_mem>>
      %dma_start3A = arith.constant 0 : i32
      %dma_start3A_228 = tpu.memref_slice %arg16[%mul3A_0, %dma_start3A] : memref<100096x16xf32, #tpu.memory_space<vmem_shared>> -> memref<6256x16xf32, #tpu.memory_space<vmem_shared>>
      tpu.enqueue_dma source(%arg6 : memref<6256x16xf32, #tpu.memory_space<hbm>>) target(%dma_start3A_228 : memref<6256x16xf32, #tpu.memory_space<vmem_shared>>) target_semaphore(%run_scoped3A : memref<!tpu.dma_semaphore, #tpu.memory_space<semaphore_mem>>)
      %dma_wait3A = arith.constant 0 : i32
      %dma_wait3A_229 = tpu.memref_slice %arg16[%mul3A_0, %dma_wait3A] : memref<100096x16xf32, #tpu.memory_space<vmem_shared>> -> memref<6256x16xf32, #tpu.memory_space<vmem_shared>>
      tpu.wait_dma2 semaphore(%run_scoped3A : memref<!tpu.dma_semaphore, #tpu.memory_space<semaphore_mem>>) src(%arg6 : memref<6256x16xf32, #tpu.memory_space<hbm>>) dst(%dma_wait3A_229 : memref<6256x16xf32, #tpu.memory_space<vmem_shared>>)
      tpu.yield
    }) : () -> ()
    "tpu.region"() ({
      %run_scoped3A = tpu.sem_alloc : memref<!tpu.dma_semaphore, #tpu.memory_space<semaphore_mem>>
      %dma_start3A = tpu.memref_slice %arg17[%mul3A_0] : memref<100096xf32, #tpu.memory_space<vmem_shared>> -> memref<6256xf32, #tpu.memory_space<vmem_shared>>
      tpu.enqueue_dma source(%arg7 : memref<6256xf32, #tpu.memory_space<hbm>>) target(%dma_start3A : memref<6256xf32, #tpu.memory_space<vmem_shared>>) target_semaphore(%run_scoped3A : memref<!tpu.dma_semaphore, #tpu.memory_space<semaphore_mem>>)
      %dma_wait3A = tpu.memref_slice %arg17[%mul3A_0] : memref<100096xf32, #tpu.memory_space<vmem_shared>> -> memref<6256xf32, #tpu.memory_space<vmem_shared>>
      tpu.wait_dma2 semaphore(%run_scoped3A : memref<!tpu.dma_semaphore, #tpu.memory_space<semaphore_mem>>) src(%arg7 : memref<6256xf32, #tpu.memory_space<hbm>>) dst(%dma_wait3A : memref<6256xf32, #tpu.memory_space<vmem_shared>>)
      tpu.yield
    }) : () -> ()
    %barrier3A_129 = arith.constant 0 : index
    tpu.barrier barrier_id(%barrier3A_129)
    %add3A_130 = arith.constant 1 : i32
    %add3A_131 = arith.addi %mul3A_39, %add3A_130 : i32
    %mul3A_132 = arith.constant 201024 : i32
    %mul3A_133 = arith.muli %add3A_131, %mul3A_132 : i32
    %while3A_134 = arith.constant 0 : i32
    %while3A_135 = arith.constant 0 : i32
    %while3A_136 = arith.subi %squeeze3A_13, %while3A_135 : i32
    %while3A_137 = arith.addi %while3A_135, %while3A_136 : i32
    %while3A_138 = arith.constant 1 : i32
    %while3A_139 = arith.divsi %while3A_136, %while3A_138 : i32
    %while3A_140 = arith.muli %while3A_139, %while3A_138 : i32
    %while3A_141 = arith.addi %while3A_135, %while3A_140 : i32
    %while3A_142 = arith.constant 1 : i32
    scf.for %while3A_228 = %while3A_135 to %while3A_141 step %while3A_142  : i32 {
      %mul3A_229 = arith.constant 1024 : i32
      %mul3A_230 = arith.muli %while3A_228, %mul3A_229 : i32
      %add3A_231 = arith.addi %mul3A_133, %mul3A_230 : i32
      "tpu.region"() ({
        %run_scoped3A = tpu.sem_alloc : memref<!tpu.dma_semaphore, #tpu.memory_space<semaphore_mem>>
        %dma_start3A = tpu.memref_slice %arg4[%add3A_231] : memref<25731072xi32, #tpu.memory_space<hbm>> -> memref<1024xi32, #tpu.memory_space<hbm>>
        %dma_start3A_235 = tpu.memref_slice %arg4[%add3A_231] : memref<25731072xi32, #tpu.memory_space<hbm>> -> memref<1024xi32, #tpu.memory_space<hbm>>
        tpu.enqueue_dma source(%dma_start3A_235 : memref<1024xi32, #tpu.memory_space<hbm>>) target(%arg12 : memref<1024xi32, #tpu.memory_space<vmem>>) target_semaphore(%run_scoped3A : memref<!tpu.dma_semaphore, #tpu.memory_space<semaphore_mem>>)
        %dma_wait3A = tpu.memref_slice %arg4[%add3A_231] : memref<25731072xi32, #tpu.memory_space<hbm>> -> memref<1024xi32, #tpu.memory_space<hbm>>
        %dma_wait3A_236 = tpu.memref_slice %arg4[%add3A_231] : memref<25731072xi32, #tpu.memory_space<hbm>> -> memref<1024xi32, #tpu.memory_space<hbm>>
        tpu.wait_dma2 semaphore(%run_scoped3A : memref<!tpu.dma_semaphore, #tpu.memory_space<semaphore_mem>>) src(%dma_wait3A_236 : memref<1024xi32, #tpu.memory_space<hbm>>) dst(%arg12 : memref<1024xi32, #tpu.memory_space<vmem>>)
        tpu.yield
      }) : () -> ()
      %mul3A_232 = arith.constant 1024 : i32
      %mul3A_233 = arith.muli %while3A_228, %mul3A_232 : i32
      %add3A_234 = arith.addi %add3A_25, %mul3A_233 : i32
      "tpu.region"() ({
        %run_scoped3A = tpu.sem_alloc : memref<!tpu.dma_semaphore, #tpu.memory_space<semaphore_mem>>
        %dma_start3A = arith.constant 0 : i32
        %dma_start3A_235 = tpu.memref_slice %arg11[%add3A_234, %dma_start3A] : memref<6531072x16xf32, #tpu.memory_space<hbm>> -> memref<1024x16xf32, #tpu.memory_space<hbm>>
        %dma_start3A_236 = arith.constant 0 : i32
        %dma_start3A_237 = tpu.memref_slice %arg11[%add3A_234, %dma_start3A_236] : memref<6531072x16xf32, #tpu.memory_space<hbm>> -> memref<1024x16xf32, #tpu.memory_space<hbm>>
        tpu.enqueue_dma source(%dma_start3A_237 : memref<1024x16xf32, #tpu.memory_space<hbm>>) target(%arg13 : memref<1024x16xf32, #tpu.memory_space<vmem>>) target_semaphore(%run_scoped3A : memref<!tpu.dma_semaphore, #tpu.memory_space<semaphore_mem>>)
        %dma_wait3A = arith.constant 0 : i32
        %dma_wait3A_238 = tpu.memref_slice %arg11[%add3A_234, %dma_wait3A] : memref<6531072x16xf32, #tpu.memory_space<hbm>> -> memref<1024x16xf32, #tpu.memory_space<hbm>>
        %dma_wait3A_239 = arith.constant 0 : i32
        %dma_wait3A_240 = tpu.memref_slice %arg11[%add3A_234, %dma_wait3A_239] : memref<6531072x16xf32, #tpu.memory_space<hbm>> -> memref<1024x16xf32, #tpu.memory_space<hbm>>
        tpu.wait_dma2 semaphore(%run_scoped3A : memref<!tpu.dma_semaphore, #tpu.memory_space<semaphore_mem>>) src(%dma_wait3A_240 : memref<1024x16xf32, #tpu.memory_space<hbm>>) dst(%arg13 : memref<1024x16xf32, #tpu.memory_space<vmem>>)
        tpu.yield
      }) : () -> ()
      "tpu.region"() ({
        %run_scoped3A = tpu.sem_alloc : memref<!tpu.dma_semaphore, #tpu.memory_space<semaphore_mem>>
        %dma_start3A = arith.constant 0 : i32
        %dma_start3A_235 = arith.constant 0 : i32
        %dma_start3A_236 = tpu.memref_slice %arg16[%dma_start3A, %dma_start3A_235] : memref<100096x16xf32, #tpu.memory_space<vmem_shared>> -> memref<100096x16xf32, #tpu.memory_space<vmem_shared>>
        tpu.enqueue_indirect_dma source(%arg13 : memref<1024x16xf32, #tpu.memory_space<vmem>>) target(%dma_start3A_236 : memref<100096x16xf32, #tpu.memory_space<vmem_shared>>) offsets(%arg12 : memref<1024xi32, #tpu.memory_space<vmem>>) semaphore(%run_scoped3A : memref<!tpu.dma_semaphore, #tpu.memory_space<semaphore_mem>>) {add = true}
        %dma_wait3A = arith.constant 0 : i32
        %dma_wait3A_237 = arith.constant 0 : i32
        %dma_wait3A_238 = tpu.memref_slice %arg16[%dma_wait3A, %dma_wait3A_237] : memref<100096x16xf32, #tpu.memory_space<vmem_shared>> -> memref<100096x16xf32, #tpu.memory_space<vmem_shared>>
        tpu.wait_indirect_dma semaphore(%run_scoped3A : memref<!tpu.dma_semaphore, #tpu.memory_space<semaphore_mem>>) src(%arg13 : memref<1024x16xf32, #tpu.memory_space<vmem>>) dst(%dma_wait3A_238 : memref<100096x16xf32, #tpu.memory_space<vmem_shared>>)
        tpu.yield
      }) : () -> ()
      "tpu.region"() ({
        %run_scoped3A = tpu.sem_alloc : memref<!tpu.dma_semaphore, #tpu.memory_space<semaphore_mem>>
        %dma_start3A = arith.constant 0 : i32
        %dma_start3A_235 = tpu.memref_slice %arg17[%dma_start3A] : memref<100096xf32, #tpu.memory_space<vmem_shared>> -> memref<100096xf32, #tpu.memory_space<vmem_shared>>
        tpu.enqueue_indirect_dma source(%arg14 : memref<1024xf32, #tpu.memory_space<vmem>>) target(%dma_start3A_235 : memref<100096xf32, #tpu.memory_space<vmem_shared>>) offsets(%arg12 : memref<1024xi32, #tpu.memory_space<vmem>>) semaphore(%run_scoped3A : memref<!tpu.dma_semaphore, #tpu.memory_space<semaphore_mem>>) {add = true}
        %dma_wait3A = arith.constant 0 : i32
        %dma_wait3A_236 = tpu.memref_slice %arg17[%dma_wait3A] : memref<100096xf32, #tpu.memory_space<vmem_shared>> -> memref<100096xf32, #tpu.memory_space<vmem_shared>>
        tpu.wait_indirect_dma semaphore(%run_scoped3A : memref<!tpu.dma_semaphore, #tpu.memory_space<semaphore_mem>>) src(%arg14 : memref<1024xf32, #tpu.memory_space<vmem>>) dst(%dma_wait3A_236 : memref<100096xf32, #tpu.memory_space<vmem_shared>>)
        tpu.yield
      }) : () -> ()
    }
    %while3A_143 = arith.constant 1 : i32
    scf.for %while3A_228 = %while3A_141 to %while3A_137 step %while3A_143  : i32 {
      %mul3A_229 = arith.constant 1024 : i32
      %mul3A_230 = arith.muli %while3A_228, %mul3A_229 : i32
      %add3A_231 = arith.addi %mul3A_133, %mul3A_230 : i32
      "tpu.region"() ({
        %run_scoped3A = tpu.sem_alloc : memref<!tpu.dma_semaphore, #tpu.memory_space<semaphore_mem>>
        %dma_start3A = tpu.memref_slice %arg4[%add3A_231] : memref<25731072xi32, #tpu.memory_space<hbm>> -> memref<1024xi32, #tpu.memory_space<hbm>>
        %dma_start3A_235 = tpu.memref_slice %arg4[%add3A_231] : memref<25731072xi32, #tpu.memory_space<hbm>> -> memref<1024xi32, #tpu.memory_space<hbm>>
        tpu.enqueue_dma source(%dma_start3A_235 : memref<1024xi32, #tpu.memory_space<hbm>>) target(%arg12 : memref<1024xi32, #tpu.memory_space<vmem>>) target_semaphore(%run_scoped3A : memref<!tpu.dma_semaphore, #tpu.memory_space<semaphore_mem>>)
        %dma_wait3A = tpu.memref_slice %arg4[%add3A_231] : memref<25731072xi32, #tpu.memory_space<hbm>> -> memref<1024xi32, #tpu.memory_space<hbm>>
        %dma_wait3A_236 = tpu.memref_slice %arg4[%add3A_231] : memref<25731072xi32, #tpu.memory_space<hbm>> -> memref<1024xi32, #tpu.memory_space<hbm>>
        tpu.wait_dma2 semaphore(%run_scoped3A : memref<!tpu.dma_semaphore, #tpu.memory_space<semaphore_mem>>) src(%dma_wait3A_236 : memref<1024xi32, #tpu.memory_space<hbm>>) dst(%arg12 : memref<1024xi32, #tpu.memory_space<vmem>>)
        tpu.yield
      }) : () -> ()
      %mul3A_232 = arith.constant 1024 : i32
      %mul3A_233 = arith.muli %while3A_228, %mul3A_232 : i32
      %add3A_234 = arith.addi %add3A_25, %mul3A_233 : i32
      "tpu.region"() ({
        %run_scoped3A = tpu.sem_alloc : memref<!tpu.dma_semaphore, #tpu.memory_space<semaphore_mem>>
        %dma_start3A = arith.constant 0 : i32
        %dma_start3A_235 = tpu.memref_slice %arg11[%add3A_234, %dma_start3A] : memref<6531072x16xf32, #tpu.memory_space<hbm>> -> memref<1024x16xf32, #tpu.memory_space<hbm>>
        %dma_start3A_236 = arith.constant 0 : i32
        %dma_start3A_237 = tpu.memref_slice %arg11[%add3A_234, %dma_start3A_236] : memref<6531072x16xf32, #tpu.memory_space<hbm>> -> memref<1024x16xf32, #tpu.memory_space<hbm>>
        tpu.enqueue_dma source(%dma_start3A_237 : memref<1024x16xf32, #tpu.memory_space<hbm>>) target(%arg13 : memref<1024x16xf32, #tpu.memory_space<vmem>>) target_semaphore(%run_scoped3A : memref<!tpu.dma_semaphore, #tpu.memory_space<semaphore_mem>>)
        %dma_wait3A = arith.constant 0 : i32
        %dma_wait3A_238 = tpu.memref_slice %arg11[%add3A_234, %dma_wait3A] : memref<6531072x16xf32, #tpu.memory_space<hbm>> -> memref<1024x16xf32, #tpu.memory_space<hbm>>
        %dma_wait3A_239 = arith.constant 0 : i32
        %dma_wait3A_240 = tpu.memref_slice %arg11[%add3A_234, %dma_wait3A_239] : memref<6531072x16xf32, #tpu.memory_space<hbm>> -> memref<1024x16xf32, #tpu.memory_space<hbm>>
        tpu.wait_dma2 semaphore(%run_scoped3A : memref<!tpu.dma_semaphore, #tpu.memory_space<semaphore_mem>>) src(%dma_wait3A_240 : memref<1024x16xf32, #tpu.memory_space<hbm>>) dst(%arg13 : memref<1024x16xf32, #tpu.memory_space<vmem>>)
        tpu.yield
      }) : () -> ()
      "tpu.region"() ({
        %run_scoped3A = tpu.sem_alloc : memref<!tpu.dma_semaphore, #tpu.memory_space<semaphore_mem>>
        %dma_start3A = arith.constant 0 : i32
        %dma_start3A_235 = arith.constant 0 : i32
        %dma_start3A_236 = tpu.memref_slice %arg16[%dma_start3A, %dma_start3A_235] : memref<100096x16xf32, #tpu.memory_space<vmem_shared>> -> memref<100096x16xf32, #tpu.memory_space<vmem_shared>>
        tpu.enqueue_indirect_dma source(%arg13 : memref<1024x16xf32, #tpu.memory_space<vmem>>) target(%dma_start3A_236 : memref<100096x16xf32, #tpu.memory_space<vmem_shared>>) offsets(%arg12 : memref<1024xi32, #tpu.memory_space<vmem>>) semaphore(%run_scoped3A : memref<!tpu.dma_semaphore, #tpu.memory_space<semaphore_mem>>) {add = true}
        %dma_wait3A = arith.constant 0 : i32
        %dma_wait3A_237 = arith.constant 0 : i32
        %dma_wait3A_238 = tpu.memref_slice %arg16[%dma_wait3A, %dma_wait3A_237] : memref<100096x16xf32, #tpu.memory_space<vmem_shared>> -> memref<100096x16xf32, #tpu.memory_space<vmem_shared>>
        tpu.wait_indirect_dma semaphore(%run_scoped3A : memref<!tpu.dma_semaphore, #tpu.memory_space<semaphore_mem>>) src(%arg13 : memref<1024x16xf32, #tpu.memory_space<vmem>>) dst(%dma_wait3A_238 : memref<100096x16xf32, #tpu.memory_space<vmem_shared>>)
        tpu.yield
      }) : () -> ()
      "tpu.region"() ({
        %run_scoped3A = tpu.sem_alloc : memref<!tpu.dma_semaphore, #tpu.memory_space<semaphore_mem>>
        %dma_start3A = arith.constant 0 : i32
        %dma_start3A_235 = tpu.memref_slice %arg17[%dma_start3A] : memref<100096xf32, #tpu.memory_space<vmem_shared>> -> memref<100096xf32, #tpu.memory_space<vmem_shared>>
        tpu.enqueue_indirect_dma source(%arg14 : memref<1024xf32, #tpu.memory_space<vmem>>) target(%dma_start3A_235 : memref<100096xf32, #tpu.memory_space<vmem_shared>>) offsets(%arg12 : memref<1024xi32, #tpu.memory_space<vmem>>) semaphore(%run_scoped3A : memref<!tpu.dma_semaphore, #tpu.memory_space<semaphore_mem>>) {add = true}
        %dma_wait3A = arith.constant 0 : i32
        %dma_wait3A_236 = tpu.memref_slice %arg17[%dma_wait3A] : memref<100096xf32, #tpu.memory_space<vmem_shared>> -> memref<100096xf32, #tpu.memory_space<vmem_shared>>
        tpu.wait_indirect_dma semaphore(%run_scoped3A : memref<!tpu.dma_semaphore, #tpu.memory_space<semaphore_mem>>) src(%arg14 : memref<1024xf32, #tpu.memory_space<vmem>>) dst(%dma_wait3A_236 : memref<100096xf32, #tpu.memory_space<vmem_shared>>)
        tpu.yield
      }) : () -> ()
    }
    %barrier3A_144 = arith.constant 0 : index
    tpu.barrier barrier_id(%barrier3A_144)
    %mul3A_145 = arith.constant 4 : i32
    %mul3A_146 = arith.muli %arg0, %mul3A_145 : i32
    %add3A_147 = arith.constant 1 : i32
    %add3A_148 = arith.addi %mul3A_146, %add3A_147 : i32
    %mul3A_149 = arith.constant 100000 : i32
    %mul3A_150 = arith.muli %add3A_148, %mul3A_149 : i32
    %lt3A_151 = arith.constant 15 : i32
    %lt3A_152 = arith.cmpi slt, %arg1, %lt3A_151 : i32
    %convert_element_type3A_153 = arith.extui %lt3A_152 : i1 to i32
    %cond3A_154 = arith.constant 0 : i32
    %cond3A_155 = arith.cmpi ne, %convert_element_type3A_153, %cond3A_154 : i32
    scf.if %cond3A_155 {
      %add3A_228 = arith.addi %mul3A_150, %mul3A_0 : i32
      "tpu.region"() ({
        %run_scoped3A = tpu.sem_alloc : memref<!tpu.dma_semaphore, #tpu.memory_space<semaphore_mem>>
        %dma_start3A = arith.constant 0 : i32
        %dma_start3A_230 = tpu.memref_slice %arg9[%add3A_228, %dma_start3A] : memref<800000x16xf32, #tpu.memory_space<hbm>> -> memref<6256x16xf32, #tpu.memory_space<hbm>>
        %dma_start3A_231 = arith.constant 0 : i32
        %dma_start3A_232 = tpu.memref_slice %arg16[%mul3A_0, %dma_start3A_231] : memref<100096x16xf32, #tpu.memory_space<vmem_shared>> -> memref<6256x16xf32, #tpu.memory_space<vmem_shared>>
        tpu.enqueue_dma source(%dma_start3A_232 : memref<6256x16xf32, #tpu.memory_space<vmem_shared>>) target(%dma_start3A_230 : memref<6256x16xf32, #tpu.memory_space<hbm>>) target_semaphore(%run_scoped3A : memref<!tpu.dma_semaphore, #tpu.memory_space<semaphore_mem>>)
        %dma_wait3A = arith.constant 0 : i32
        %dma_wait3A_233 = tpu.memref_slice %arg9[%add3A_228, %dma_wait3A] : memref<800000x16xf32, #tpu.memory_space<hbm>> -> memref<6256x16xf32, #tpu.memory_space<hbm>>
        %dma_wait3A_234 = arith.constant 0 : i32
        %dma_wait3A_235 = tpu.memref_slice %arg16[%mul3A_0, %dma_wait3A_234] : memref<100096x16xf32, #tpu.memory_space<vmem_shared>> -> memref<6256x16xf32, #tpu.memory_space<vmem_shared>>
        tpu.wait_dma2 semaphore(%run_scoped3A : memref<!tpu.dma_semaphore, #tpu.memory_space<semaphore_mem>>) src(%dma_wait3A_235 : memref<6256x16xf32, #tpu.memory_space<vmem_shared>>) dst(%dma_wait3A_233 : memref<6256x16xf32, #tpu.memory_space<hbm>>)
        tpu.yield
      }) : () -> ()
      %add3A_229 = arith.addi %mul3A_150, %mul3A_0 : i32
      "tpu.region"() ({
        %run_scoped3A = tpu.sem_alloc : memref<!tpu.dma_semaphore, #tpu.memory_space<semaphore_mem>>
        %dma_start3A = tpu.memref_slice %arg10[%add3A_229] : memref<800000xf32, #tpu.memory_space<hbm>> -> memref<6256xf32, #tpu.memory_space<hbm>>
        %dma_start3A_230 = tpu.memref_slice %arg17[%mul3A_0] : memref<100096xf32, #tpu.memory_space<vmem_shared>> -> memref<6256xf32, #tpu.memory_space<vmem_shared>>
        tpu.enqueue_dma source(%dma_start3A_230 : memref<6256xf32, #tpu.memory_space<vmem_shared>>) target(%dma_start3A : memref<6256xf32, #tpu.memory_space<hbm>>) target_semaphore(%run_scoped3A : memref<!tpu.dma_semaphore, #tpu.memory_space<semaphore_mem>>)
        %dma_wait3A = tpu.memref_slice %arg10[%add3A_229] : memref<800000xf32, #tpu.memory_space<hbm>> -> memref<6256xf32, #tpu.memory_space<hbm>>
        %dma_wait3A_231 = tpu.memref_slice %arg17[%mul3A_0] : memref<100096xf32, #tpu.memory_space<vmem_shared>> -> memref<6256xf32, #tpu.memory_space<vmem_shared>>
        tpu.wait_dma2 semaphore(%run_scoped3A : memref<!tpu.dma_semaphore, #tpu.memory_space<semaphore_mem>>) src(%dma_wait3A_231 : memref<6256xf32, #tpu.memory_space<vmem_shared>>) dst(%dma_wait3A : memref<6256xf32, #tpu.memory_space<hbm>>)
        tpu.yield
      }) : () -> ()
    } else {
    }
    %eq3A_156 = arith.constant 15 : i32
    %eq3A_157 = arith.cmpi eq, %arg1, %eq3A_156 : i32
    %convert_element_type3A_158 = arith.extui %eq3A_157 : i1 to i32
    %cond3A_159 = arith.constant 0 : i32
    %cond3A_160 = arith.cmpi ne, %convert_element_type3A_158, %cond3A_159 : i32
    scf.if %cond3A_160 {
      %add3A_228 = arith.constant 93840 : i32
      %add3A_229 = arith.addi %mul3A_150, %add3A_228 : i32
      "tpu.region"() ({
        %run_scoped3A = tpu.sem_alloc : memref<!tpu.dma_semaphore, #tpu.memory_space<semaphore_mem>>
        %dma_start3A = arith.constant 0 : i32
        %dma_start3A_232 = tpu.memref_slice %arg9[%add3A_229, %dma_start3A] : memref<800000x16xf32, #tpu.memory_space<hbm>> -> memref<6160x16xf32, #tpu.memory_space<hbm>>
        %dma_start3A_233 = arith.constant 93840 : i32
        %dma_start3A_234 = arith.constant 0 : i32
        %dma_start3A_235 = tpu.memref_slice %arg16[%dma_start3A_233, %dma_start3A_234] : memref<100096x16xf32, #tpu.memory_space<vmem_shared>> -> memref<6160x16xf32, #tpu.memory_space<vmem_shared>>
        tpu.enqueue_dma source(%dma_start3A_235 : memref<6160x16xf32, #tpu.memory_space<vmem_shared>>) target(%dma_start3A_232 : memref<6160x16xf32, #tpu.memory_space<hbm>>) target_semaphore(%run_scoped3A : memref<!tpu.dma_semaphore, #tpu.memory_space<semaphore_mem>>)
        %dma_wait3A = arith.constant 0 : i32
        %dma_wait3A_236 = tpu.memref_slice %arg9[%add3A_229, %dma_wait3A] : memref<800000x16xf32, #tpu.memory_space<hbm>> -> memref<6160x16xf32, #tpu.memory_space<hbm>>
        %dma_wait3A_237 = arith.constant 93840 : i32
        %dma_wait3A_238 = arith.constant 0 : i32
        %dma_wait3A_239 = tpu.memref_slice %arg16[%dma_wait3A_237, %dma_wait3A_238] : memref<100096x16xf32, #tpu.memory_space<vmem_shared>> -> memref<6160x16xf32, #tpu.memory_space<vmem_shared>>
        tpu.wait_dma2 semaphore(%run_scoped3A : memref<!tpu.dma_semaphore, #tpu.memory_space<semaphore_mem>>) src(%dma_wait3A_239 : memref<6160x16xf32, #tpu.memory_space<vmem_shared>>) dst(%dma_wait3A_236 : memref<6160x16xf32, #tpu.memory_space<hbm>>)
        tpu.yield
      }) : () -> ()
      %add3A_230 = arith.constant 93840 : i32
      %add3A_231 = arith.addi %mul3A_150, %add3A_230 : i32
      "tpu.region"() ({
        %run_scoped3A = tpu.sem_alloc : memref<!tpu.dma_semaphore, #tpu.memory_space<semaphore_mem>>
        %dma_start3A = tpu.memref_slice %arg10[%add3A_231] : memref<800000xf32, #tpu.memory_space<hbm>> -> memref<6160xf32, #tpu.memory_space<hbm>>
        %dma_start3A_232 = arith.constant 93840 : i32
        %dma_start3A_233 = tpu.memref_slice %arg17[%dma_start3A_232] : memref<100096xf32, #tpu.memory_space<vmem_shared>> -> memref<6160xf32, #tpu.memory_space<vmem_shared>>
        tpu.enqueue_dma source(%dma_start3A_233 : memref<6160xf32, #tpu.memory_space<vmem_shared>>) target(%dma_start3A : memref<6160xf32, #tpu.memory_space<hbm>>) target_semaphore(%run_scoped3A : memref<!tpu.dma_semaphore, #tpu.memory_space<semaphore_mem>>)
        %dma_wait3A = tpu.memref_slice %arg10[%add3A_231] : memref<800000xf32, #tpu.memory_space<hbm>> -> memref<6160xf32, #tpu.memory_space<hbm>>
        %dma_wait3A_234 = arith.constant 93840 : i32
        %dma_wait3A_235 = tpu.memref_slice %arg17[%dma_wait3A_234] : memref<100096xf32, #tpu.memory_space<vmem_shared>> -> memref<6160xf32, #tpu.memory_space<vmem_shared>>
        tpu.wait_dma2 semaphore(%run_scoped3A : memref<!tpu.dma_semaphore, #tpu.memory_space<semaphore_mem>>) src(%dma_wait3A_235 : memref<6160xf32, #tpu.memory_space<vmem_shared>>) dst(%dma_wait3A : memref<6160xf32, #tpu.memory_space<hbm>>)
        tpu.yield
      }) : () -> ()
    } else {
    }
    %barrier3A_161 = arith.constant 0 : index
    tpu.barrier barrier_id(%barrier3A_161)
    "tpu.region"() ({
      %run_scoped3A = tpu.sem_alloc : memref<!tpu.dma_semaphore, #tpu.memory_space<semaphore_mem>>
      %dma_start3A = arith.constant 0 : i32
      %dma_start3A_228 = tpu.memref_slice %arg16[%mul3A_0, %dma_start3A] : memref<100096x16xf32, #tpu.memory_space<vmem_shared>> -> memref<6256x16xf32, #tpu.memory_space<vmem_shared>>
      tpu.enqueue_dma source(%arg6 : memref<6256x16xf32, #tpu.memory_space<hbm>>) target(%dma_start3A_228 : memref<6256x16xf32, #tpu.memory_space<vmem_shared>>) target_semaphore(%run_scoped3A : memref<!tpu.dma_semaphore, #tpu.memory_space<semaphore_mem>>)
      %dma_wait3A = arith.constant 0 : i32
      %dma_wait3A_229 = tpu.memref_slice %arg16[%mul3A_0, %dma_wait3A] : memref<100096x16xf32, #tpu.memory_space<vmem_shared>> -> memref<6256x16xf32, #tpu.memory_space<vmem_shared>>
      tpu.wait_dma2 semaphore(%run_scoped3A : memref<!tpu.dma_semaphore, #tpu.memory_space<semaphore_mem>>) src(%arg6 : memref<6256x16xf32, #tpu.memory_space<hbm>>) dst(%dma_wait3A_229 : memref<6256x16xf32, #tpu.memory_space<vmem_shared>>)
      tpu.yield
    }) : () -> ()
    "tpu.region"() ({
      %run_scoped3A = tpu.sem_alloc : memref<!tpu.dma_semaphore, #tpu.memory_space<semaphore_mem>>
      %dma_start3A = tpu.memref_slice %arg17[%mul3A_0] : memref<100096xf32, #tpu.memory_space<vmem_shared>> -> memref<6256xf32, #tpu.memory_space<vmem_shared>>
      tpu.enqueue_dma source(%arg7 : memref<6256xf32, #tpu.memory_space<hbm>>) target(%dma_start3A : memref<6256xf32, #tpu.memory_space<vmem_shared>>) target_semaphore(%run_scoped3A : memref<!tpu.dma_semaphore, #tpu.memory_space<semaphore_mem>>)
      %dma_wait3A = tpu.memref_slice %arg17[%mul3A_0] : memref<100096xf32, #tpu.memory_space<vmem_shared>> -> memref<6256xf32, #tpu.memory_space<vmem_shared>>
      tpu.wait_dma2 semaphore(%run_scoped3A : memref<!tpu.dma_semaphore, #tpu.memory_space<semaphore_mem>>) src(%arg7 : memref<6256xf32, #tpu.memory_space<hbm>>) dst(%dma_wait3A : memref<6256xf32, #tpu.memory_space<vmem_shared>>)
      tpu.yield
    }) : () -> ()
    %barrier3A_162 = arith.constant 0 : index
    tpu.barrier barrier_id(%barrier3A_162)
    %add3A_163 = arith.constant 2 : i32
    %add3A_164 = arith.addi %mul3A_39, %add3A_163 : i32
    %mul3A_165 = arith.constant 201024 : i32
    %mul3A_166 = arith.muli %add3A_164, %mul3A_165 : i32
    %while3A_167 = arith.constant 0 : i32
    %while3A_168 = arith.constant 0 : i32
    %while3A_169 = arith.subi %squeeze3A_15, %while3A_168 : i32
    %while3A_170 = arith.addi %while3A_168, %while3A_169 : i32
    %while3A_171 = arith.constant 1 : i32
    %while3A_172 = arith.divsi %while3A_169, %while3A_171 : i32
    %while3A_173 = arith.muli %while3A_172, %while3A_171 : i32
    %while3A_174 = arith.addi %while3A_168, %while3A_173 : i32
    %while3A_175 = arith.constant 1 : i32
    scf.for %while3A_228 = %while3A_168 to %while3A_174 step %while3A_175  : i32 {
      %mul3A_229 = arith.constant 1024 : i32
      %mul3A_230 = arith.muli %while3A_228, %mul3A_229 : i32
      %add3A_231 = arith.addi %mul3A_166, %mul3A_230 : i32
      "tpu.region"() ({
        %run_scoped3A = tpu.sem_alloc : memref<!tpu.dma_semaphore, #tpu.memory_space<semaphore_mem>>
        %dma_start3A = tpu.memref_slice %arg4[%add3A_231] : memref<25731072xi32, #tpu.memory_space<hbm>> -> memref<1024xi32, #tpu.memory_space<hbm>>
        %dma_start3A_235 = tpu.memref_slice %arg4[%add3A_231] : memref<25731072xi32, #tpu.memory_space<hbm>> -> memref<1024xi32, #tpu.memory_space<hbm>>
        tpu.enqueue_dma source(%dma_start3A_235 : memref<1024xi32, #tpu.memory_space<hbm>>) target(%arg12 : memref<1024xi32, #tpu.memory_space<vmem>>) target_semaphore(%run_scoped3A : memref<!tpu.dma_semaphore, #tpu.memory_space<semaphore_mem>>)
        %dma_wait3A = tpu.memref_slice %arg4[%add3A_231] : memref<25731072xi32, #tpu.memory_space<hbm>> -> memref<1024xi32, #tpu.memory_space<hbm>>
        %dma_wait3A_236 = tpu.memref_slice %arg4[%add3A_231] : memref<25731072xi32, #tpu.memory_space<hbm>> -> memref<1024xi32, #tpu.memory_space<hbm>>
        tpu.wait_dma2 semaphore(%run_scoped3A : memref<!tpu.dma_semaphore, #tpu.memory_space<semaphore_mem>>) src(%dma_wait3A_236 : memref<1024xi32, #tpu.memory_space<hbm>>) dst(%arg12 : memref<1024xi32, #tpu.memory_space<vmem>>)
        tpu.yield
      }) : () -> ()
      %mul3A_232 = arith.constant 1024 : i32
      %mul3A_233 = arith.muli %while3A_228, %mul3A_232 : i32
      %add3A_234 = arith.addi %add3A_29, %mul3A_233 : i32
      "tpu.region"() ({
        %run_scoped3A = tpu.sem_alloc : memref<!tpu.dma_semaphore, #tpu.memory_space<semaphore_mem>>
        %dma_start3A = arith.constant 0 : i32
        %dma_start3A_235 = tpu.memref_slice %arg11[%add3A_234, %dma_start3A] : memref<6531072x16xf32, #tpu.memory_space<hbm>> -> memref<1024x16xf32, #tpu.memory_space<hbm>>
        %dma_start3A_236 = arith.constant 0 : i32
        %dma_start3A_237 = tpu.memref_slice %arg11[%add3A_234, %dma_start3A_236] : memref<6531072x16xf32, #tpu.memory_space<hbm>> -> memref<1024x16xf32, #tpu.memory_space<hbm>>
        tpu.enqueue_dma source(%dma_start3A_237 : memref<1024x16xf32, #tpu.memory_space<hbm>>) target(%arg13 : memref<1024x16xf32, #tpu.memory_space<vmem>>) target_semaphore(%run_scoped3A : memref<!tpu.dma_semaphore, #tpu.memory_space<semaphore_mem>>)
        %dma_wait3A = arith.constant 0 : i32
        %dma_wait3A_238 = tpu.memref_slice %arg11[%add3A_234, %dma_wait3A] : memref<6531072x16xf32, #tpu.memory_space<hbm>> -> memref<1024x16xf32, #tpu.memory_space<hbm>>
        %dma_wait3A_239 = arith.constant 0 : i32
        %dma_wait3A_240 = tpu.memref_slice %arg11[%add3A_234, %dma_wait3A_239] : memref<6531072x16xf32, #tpu.memory_space<hbm>> -> memref<1024x16xf32, #tpu.memory_space<hbm>>
        tpu.wait_dma2 semaphore(%run_scoped3A : memref<!tpu.dma_semaphore, #tpu.memory_space<semaphore_mem>>) src(%dma_wait3A_240 : memref<1024x16xf32, #tpu.memory_space<hbm>>) dst(%arg13 : memref<1024x16xf32, #tpu.memory_space<vmem>>)
        tpu.yield
      }) : () -> ()
      "tpu.region"() ({
        %run_scoped3A = tpu.sem_alloc : memref<!tpu.dma_semaphore, #tpu.memory_space<semaphore_mem>>
        %dma_start3A = arith.constant 0 : i32
        %dma_start3A_235 = arith.constant 0 : i32
        %dma_start3A_236 = tpu.memref_slice %arg16[%dma_start3A, %dma_start3A_235] : memref<100096x16xf32, #tpu.memory_space<vmem_shared>> -> memref<100096x16xf32, #tpu.memory_space<vmem_shared>>
        tpu.enqueue_indirect_dma source(%arg13 : memref<1024x16xf32, #tpu.memory_space<vmem>>) target(%dma_start3A_236 : memref<100096x16xf32, #tpu.memory_space<vmem_shared>>) offsets(%arg12 : memref<1024xi32, #tpu.memory_space<vmem>>) semaphore(%run_scoped3A : memref<!tpu.dma_semaphore, #tpu.memory_space<semaphore_mem>>) {add = true}
        %dma_wait3A = arith.constant 0 : i32
        %dma_wait3A_237 = arith.constant 0 : i32
        %dma_wait3A_238 = tpu.memref_slice %arg16[%dma_wait3A, %dma_wait3A_237] : memref<100096x16xf32, #tpu.memory_space<vmem_shared>> -> memref<100096x16xf32, #tpu.memory_space<vmem_shared>>
        tpu.wait_indirect_dma semaphore(%run_scoped3A : memref<!tpu.dma_semaphore, #tpu.memory_space<semaphore_mem>>) src(%arg13 : memref<1024x16xf32, #tpu.memory_space<vmem>>) dst(%dma_wait3A_238 : memref<100096x16xf32, #tpu.memory_space<vmem_shared>>)
        tpu.yield
      }) : () -> ()
      "tpu.region"() ({
        %run_scoped3A = tpu.sem_alloc : memref<!tpu.dma_semaphore, #tpu.memory_space<semaphore_mem>>
        %dma_start3A = arith.constant 0 : i32
        %dma_start3A_235 = tpu.memref_slice %arg17[%dma_start3A] : memref<100096xf32, #tpu.memory_space<vmem_shared>> -> memref<100096xf32, #tpu.memory_space<vmem_shared>>
        tpu.enqueue_indirect_dma source(%arg14 : memref<1024xf32, #tpu.memory_space<vmem>>) target(%dma_start3A_235 : memref<100096xf32, #tpu.memory_space<vmem_shared>>) offsets(%arg12 : memref<1024xi32, #tpu.memory_space<vmem>>) semaphore(%run_scoped3A : memref<!tpu.dma_semaphore, #tpu.memory_space<semaphore_mem>>) {add = true}
        %dma_wait3A = arith.constant 0 : i32
        %dma_wait3A_236 = tpu.memref_slice %arg17[%dma_wait3A] : memref<100096xf32, #tpu.memory_space<vmem_shared>> -> memref<100096xf32, #tpu.memory_space<vmem_shared>>
        tpu.wait_indirect_dma semaphore(%run_scoped3A : memref<!tpu.dma_semaphore, #tpu.memory_space<semaphore_mem>>) src(%arg14 : memref<1024xf32, #tpu.memory_space<vmem>>) dst(%dma_wait3A_236 : memref<100096xf32, #tpu.memory_space<vmem_shared>>)
        tpu.yield
      }) : () -> ()
    }
    %while3A_176 = arith.constant 1 : i32
    scf.for %while3A_228 = %while3A_174 to %while3A_170 step %while3A_176  : i32 {
      %mul3A_229 = arith.constant 1024 : i32
      %mul3A_230 = arith.muli %while3A_228, %mul3A_229 : i32
      %add3A_231 = arith.addi %mul3A_166, %mul3A_230 : i32
      "tpu.region"() ({
        %run_scoped3A = tpu.sem_alloc : memref<!tpu.dma_semaphore, #tpu.memory_space<semaphore_mem>>
        %dma_start3A = tpu.memref_slice %arg4[%add3A_231] : memref<25731072xi32, #tpu.memory_space<hbm>> -> memref<1024xi32, #tpu.memory_space<hbm>>
        %dma_start3A_235 = tpu.memref_slice %arg4[%add3A_231] : memref<25731072xi32, #tpu.memory_space<hbm>> -> memref<1024xi32, #tpu.memory_space<hbm>>
        tpu.enqueue_dma source(%dma_start3A_235 : memref<1024xi32, #tpu.memory_space<hbm>>) target(%arg12 : memref<1024xi32, #tpu.memory_space<vmem>>) target_semaphore(%run_scoped3A : memref<!tpu.dma_semaphore, #tpu.memory_space<semaphore_mem>>)
        %dma_wait3A = tpu.memref_slice %arg4[%add3A_231] : memref<25731072xi32, #tpu.memory_space<hbm>> -> memref<1024xi32, #tpu.memory_space<hbm>>
        %dma_wait3A_236 = tpu.memref_slice %arg4[%add3A_231] : memref<25731072xi32, #tpu.memory_space<hbm>> -> memref<1024xi32, #tpu.memory_space<hbm>>
        tpu.wait_dma2 semaphore(%run_scoped3A : memref<!tpu.dma_semaphore, #tpu.memory_space<semaphore_mem>>) src(%dma_wait3A_236 : memref<1024xi32, #tpu.memory_space<hbm>>) dst(%arg12 : memref<1024xi32, #tpu.memory_space<vmem>>)
        tpu.yield
      }) : () -> ()
      %mul3A_232 = arith.constant 1024 : i32
      %mul3A_233 = arith.muli %while3A_228, %mul3A_232 : i32
      %add3A_234 = arith.addi %add3A_29, %mul3A_233 : i32
      "tpu.region"() ({
        %run_scoped3A = tpu.sem_alloc : memref<!tpu.dma_semaphore, #tpu.memory_space<semaphore_mem>>
        %dma_start3A = arith.constant 0 : i32
        %dma_start3A_235 = tpu.memref_slice %arg11[%add3A_234, %dma_start3A] : memref<6531072x16xf32, #tpu.memory_space<hbm>> -> memref<1024x16xf32, #tpu.memory_space<hbm>>
        %dma_start3A_236 = arith.constant 0 : i32
        %dma_start3A_237 = tpu.memref_slice %arg11[%add3A_234, %dma_start3A_236] : memref<6531072x16xf32, #tpu.memory_space<hbm>> -> memref<1024x16xf32, #tpu.memory_space<hbm>>
        tpu.enqueue_dma source(%dma_start3A_237 : memref<1024x16xf32, #tpu.memory_space<hbm>>) target(%arg13 : memref<1024x16xf32, #tpu.memory_space<vmem>>) target_semaphore(%run_scoped3A : memref<!tpu.dma_semaphore, #tpu.memory_space<semaphore_mem>>)
        %dma_wait3A = arith.constant 0 : i32
        %dma_wait3A_238 = tpu.memref_slice %arg11[%add3A_234, %dma_wait3A] : memref<6531072x16xf32, #tpu.memory_space<hbm>> -> memref<1024x16xf32, #tpu.memory_space<hbm>>
        %dma_wait3A_239 = arith.constant 0 : i32
        %dma_wait3A_240 = tpu.memref_slice %arg11[%add3A_234, %dma_wait3A_239] : memref<6531072x16xf32, #tpu.memory_space<hbm>> -> memref<1024x16xf32, #tpu.memory_space<hbm>>
        tpu.wait_dma2 semaphore(%run_scoped3A : memref<!tpu.dma_semaphore, #tpu.memory_space<semaphore_mem>>) src(%dma_wait3A_240 : memref<1024x16xf32, #tpu.memory_space<hbm>>) dst(%arg13 : memref<1024x16xf32, #tpu.memory_space<vmem>>)
        tpu.yield
      }) : () -> ()
      "tpu.region"() ({
        %run_scoped3A = tpu.sem_alloc : memref<!tpu.dma_semaphore, #tpu.memory_space<semaphore_mem>>
        %dma_start3A = arith.constant 0 : i32
        %dma_start3A_235 = arith.constant 0 : i32
        %dma_start3A_236 = tpu.memref_slice %arg16[%dma_start3A, %dma_start3A_235] : memref<100096x16xf32, #tpu.memory_space<vmem_shared>> -> memref<100096x16xf32, #tpu.memory_space<vmem_shared>>
        tpu.enqueue_indirect_dma source(%arg13 : memref<1024x16xf32, #tpu.memory_space<vmem>>) target(%dma_start3A_236 : memref<100096x16xf32, #tpu.memory_space<vmem_shared>>) offsets(%arg12 : memref<1024xi32, #tpu.memory_space<vmem>>) semaphore(%run_scoped3A : memref<!tpu.dma_semaphore, #tpu.memory_space<semaphore_mem>>) {add = true}
        %dma_wait3A = arith.constant 0 : i32
        %dma_wait3A_237 = arith.constant 0 : i32
        %dma_wait3A_238 = tpu.memref_slice %arg16[%dma_wait3A, %dma_wait3A_237] : memref<100096x16xf32, #tpu.memory_space<vmem_shared>> -> memref<100096x16xf32, #tpu.memory_space<vmem_shared>>
        tpu.wait_indirect_dma semaphore(%run_scoped3A : memref<!tpu.dma_semaphore, #tpu.memory_space<semaphore_mem>>) src(%arg13 : memref<1024x16xf32, #tpu.memory_space<vmem>>) dst(%dma_wait3A_238 : memref<100096x16xf32, #tpu.memory_space<vmem_shared>>)
        tpu.yield
      }) : () -> ()
      "tpu.region"() ({
        %run_scoped3A = tpu.sem_alloc : memref<!tpu.dma_semaphore, #tpu.memory_space<semaphore_mem>>
        %dma_start3A = arith.constant 0 : i32
        %dma_start3A_235 = tpu.memref_slice %arg17[%dma_start3A] : memref<100096xf32, #tpu.memory_space<vmem_shared>> -> memref<100096xf32, #tpu.memory_space<vmem_shared>>
        tpu.enqueue_indirect_dma source(%arg14 : memref<1024xf32, #tpu.memory_space<vmem>>) target(%dma_start3A_235 : memref<100096xf32, #tpu.memory_space<vmem_shared>>) offsets(%arg12 : memref<1024xi32, #tpu.memory_space<vmem>>) semaphore(%run_scoped3A : memref<!tpu.dma_semaphore, #tpu.memory_space<semaphore_mem>>) {add = true}
        %dma_wait3A = arith.constant 0 : i32
        %dma_wait3A_236 = tpu.memref_slice %arg17[%dma_wait3A] : memref<100096xf32, #tpu.memory_space<vmem_shared>> -> memref<100096xf32, #tpu.memory_space<vmem_shared>>
        tpu.wait_indirect_dma semaphore(%run_scoped3A : memref<!tpu.dma_semaphore, #tpu.memory_space<semaphore_mem>>) src(%arg14 : memref<1024xf32, #tpu.memory_space<vmem>>) dst(%dma_wait3A_236 : memref<100096xf32, #tpu.memory_space<vmem_shared>>)
        tpu.yield
      }) : () -> ()
    }
    %barrier3A_177 = arith.constant 0 : index
    tpu.barrier barrier_id(%barrier3A_177)
    %mul3A_178 = arith.constant 4 : i32
    %mul3A_179 = arith.muli %arg0, %mul3A_178 : i32
    %add3A_180 = arith.constant 2 : i32
    %add3A_181 = arith.addi %mul3A_179, %add3A_180 : i32
    %mul3A_182 = arith.constant 100000 : i32
    %mul3A_183 = arith.muli %add3A_181, %mul3A_182 : i32
    %lt3A_184 = arith.constant 15 : i32
    %lt3A_185 = arith.cmpi slt, %arg1, %lt3A_184 : i32
    %convert_element_type3A_186 = arith.extui %lt3A_185 : i1 to i32
    %cond3A_187 = arith.constant 0 : i32
    %cond3A_188 = arith.cmpi ne, %convert_element_type3A_186, %cond3A_187 : i32
    scf.if %cond3A_188 {
      %add3A_228 = arith.addi %mul3A_183, %mul3A_0 : i32
      "tpu.region"() ({
        %run_scoped3A = tpu.sem_alloc : memref<!tpu.dma_semaphore, #tpu.memory_space<semaphore_mem>>
        %dma_start3A = arith.constant 0 : i32
        %dma_start3A_230 = tpu.memref_slice %arg9[%add3A_228, %dma_start3A] : memref<800000x16xf32, #tpu.memory_space<hbm>> -> memref<6256x16xf32, #tpu.memory_space<hbm>>
        %dma_start3A_231 = arith.constant 0 : i32
        %dma_start3A_232 = tpu.memref_slice %arg16[%mul3A_0, %dma_start3A_231] : memref<100096x16xf32, #tpu.memory_space<vmem_shared>> -> memref<6256x16xf32, #tpu.memory_space<vmem_shared>>
        tpu.enqueue_dma source(%dma_start3A_232 : memref<6256x16xf32, #tpu.memory_space<vmem_shared>>) target(%dma_start3A_230 : memref<6256x16xf32, #tpu.memory_space<hbm>>) target_semaphore(%run_scoped3A : memref<!tpu.dma_semaphore, #tpu.memory_space<semaphore_mem>>)
        %dma_wait3A = arith.constant 0 : i32
        %dma_wait3A_233 = tpu.memref_slice %arg9[%add3A_228, %dma_wait3A] : memref<800000x16xf32, #tpu.memory_space<hbm>> -> memref<6256x16xf32, #tpu.memory_space<hbm>>
        %dma_wait3A_234 = arith.constant 0 : i32
        %dma_wait3A_235 = tpu.memref_slice %arg16[%mul3A_0, %dma_wait3A_234] : memref<100096x16xf32, #tpu.memory_space<vmem_shared>> -> memref<6256x16xf32, #tpu.memory_space<vmem_shared>>
        tpu.wait_dma2 semaphore(%run_scoped3A : memref<!tpu.dma_semaphore, #tpu.memory_space<semaphore_mem>>) src(%dma_wait3A_235 : memref<6256x16xf32, #tpu.memory_space<vmem_shared>>) dst(%dma_wait3A_233 : memref<6256x16xf32, #tpu.memory_space<hbm>>)
        tpu.yield
      }) : () -> ()
      %add3A_229 = arith.addi %mul3A_183, %mul3A_0 : i32
      "tpu.region"() ({
        %run_scoped3A = tpu.sem_alloc : memref<!tpu.dma_semaphore, #tpu.memory_space<semaphore_mem>>
        %dma_start3A = tpu.memref_slice %arg10[%add3A_229] : memref<800000xf32, #tpu.memory_space<hbm>> -> memref<6256xf32, #tpu.memory_space<hbm>>
        %dma_start3A_230 = tpu.memref_slice %arg17[%mul3A_0] : memref<100096xf32, #tpu.memory_space<vmem_shared>> -> memref<6256xf32, #tpu.memory_space<vmem_shared>>
        tpu.enqueue_dma source(%dma_start3A_230 : memref<6256xf32, #tpu.memory_space<vmem_shared>>) target(%dma_start3A : memref<6256xf32, #tpu.memory_space<hbm>>) target_semaphore(%run_scoped3A : memref<!tpu.dma_semaphore, #tpu.memory_space<semaphore_mem>>)
        %dma_wait3A = tpu.memref_slice %arg10[%add3A_229] : memref<800000xf32, #tpu.memory_space<hbm>> -> memref<6256xf32, #tpu.memory_space<hbm>>
        %dma_wait3A_231 = tpu.memref_slice %arg17[%mul3A_0] : memref<100096xf32, #tpu.memory_space<vmem_shared>> -> memref<6256xf32, #tpu.memory_space<vmem_shared>>
        tpu.wait_dma2 semaphore(%run_scoped3A : memref<!tpu.dma_semaphore, #tpu.memory_space<semaphore_mem>>) src(%dma_wait3A_231 : memref<6256xf32, #tpu.memory_space<vmem_shared>>) dst(%dma_wait3A : memref<6256xf32, #tpu.memory_space<hbm>>)
        tpu.yield
      }) : () -> ()
    } else {
    }
    %eq3A_189 = arith.constant 15 : i32
    %eq3A_190 = arith.cmpi eq, %arg1, %eq3A_189 : i32
    %convert_element_type3A_191 = arith.extui %eq3A_190 : i1 to i32
    %cond3A_192 = arith.constant 0 : i32
    %cond3A_193 = arith.cmpi ne, %convert_element_type3A_191, %cond3A_192 : i32
    scf.if %cond3A_193 {
      %add3A_228 = arith.constant 93840 : i32
      %add3A_229 = arith.addi %mul3A_183, %add3A_228 : i32
      "tpu.region"() ({
        %run_scoped3A = tpu.sem_alloc : memref<!tpu.dma_semaphore, #tpu.memory_space<semaphore_mem>>
        %dma_start3A = arith.constant 0 : i32
        %dma_start3A_232 = tpu.memref_slice %arg9[%add3A_229, %dma_start3A] : memref<800000x16xf32, #tpu.memory_space<hbm>> -> memref<6160x16xf32, #tpu.memory_space<hbm>>
        %dma_start3A_233 = arith.constant 93840 : i32
        %dma_start3A_234 = arith.constant 0 : i32
        %dma_start3A_235 = tpu.memref_slice %arg16[%dma_start3A_233, %dma_start3A_234] : memref<100096x16xf32, #tpu.memory_space<vmem_shared>> -> memref<6160x16xf32, #tpu.memory_space<vmem_shared>>
        tpu.enqueue_dma source(%dma_start3A_235 : memref<6160x16xf32, #tpu.memory_space<vmem_shared>>) target(%dma_start3A_232 : memref<6160x16xf32, #tpu.memory_space<hbm>>) target_semaphore(%run_scoped3A : memref<!tpu.dma_semaphore, #tpu.memory_space<semaphore_mem>>)
        %dma_wait3A = arith.constant 0 : i32
        %dma_wait3A_236 = tpu.memref_slice %arg9[%add3A_229, %dma_wait3A] : memref<800000x16xf32, #tpu.memory_space<hbm>> -> memref<6160x16xf32, #tpu.memory_space<hbm>>
        %dma_wait3A_237 = arith.constant 93840 : i32
        %dma_wait3A_238 = arith.constant 0 : i32
        %dma_wait3A_239 = tpu.memref_slice %arg16[%dma_wait3A_237, %dma_wait3A_238] : memref<100096x16xf32, #tpu.memory_space<vmem_shared>> -> memref<6160x16xf32, #tpu.memory_space<vmem_shared>>
        tpu.wait_dma2 semaphore(%run_scoped3A : memref<!tpu.dma_semaphore, #tpu.memory_space<semaphore_mem>>) src(%dma_wait3A_239 : memref<6160x16xf32, #tpu.memory_space<vmem_shared>>) dst(%dma_wait3A_236 : memref<6160x16xf32, #tpu.memory_space<hbm>>)
        tpu.yield
      }) : () -> ()
      %add3A_230 = arith.constant 93840 : i32
      %add3A_231 = arith.addi %mul3A_183, %add3A_230 : i32
      "tpu.region"() ({
        %run_scoped3A = tpu.sem_alloc : memref<!tpu.dma_semaphore, #tpu.memory_space<semaphore_mem>>
        %dma_start3A = tpu.memref_slice %arg10[%add3A_231] : memref<800000xf32, #tpu.memory_space<hbm>> -> memref<6160xf32, #tpu.memory_space<hbm>>
        %dma_start3A_232 = arith.constant 93840 : i32
        %dma_start3A_233 = tpu.memref_slice %arg17[%dma_start3A_232] : memref<100096xf32, #tpu.memory_space<vmem_shared>> -> memref<6160xf32, #tpu.memory_space<vmem_shared>>
        tpu.enqueue_dma source(%dma_start3A_233 : memref<6160xf32, #tpu.memory_space<vmem_shared>>) target(%dma_start3A : memref<6160xf32, #tpu.memory_space<hbm>>) target_semaphore(%run_scoped3A : memref<!tpu.dma_semaphore, #tpu.memory_space<semaphore_mem>>)
        %dma_wait3A = tpu.memref_slice %arg10[%add3A_231] : memref<800000xf32, #tpu.memory_space<hbm>> -> memref<6160xf32, #tpu.memory_space<hbm>>
        %dma_wait3A_234 = arith.constant 93840 : i32
        %dma_wait3A_235 = tpu.memref_slice %arg17[%dma_wait3A_234] : memref<100096xf32, #tpu.memory_space<vmem_shared>> -> memref<6160xf32, #tpu.memory_space<vmem_shared>>
        tpu.wait_dma2 semaphore(%run_scoped3A : memref<!tpu.dma_semaphore, #tpu.memory_space<semaphore_mem>>) src(%dma_wait3A_235 : memref<6160xf32, #tpu.memory_space<vmem_shared>>) dst(%dma_wait3A : memref<6160xf32, #tpu.memory_space<hbm>>)
        tpu.yield
      }) : () -> ()
    } else {
    }
    %barrier3A_194 = arith.constant 0 : index
    tpu.barrier barrier_id(%barrier3A_194)
    "tpu.region"() ({
      %run_scoped3A = tpu.sem_alloc : memref<!tpu.dma_semaphore, #tpu.memory_space<semaphore_mem>>
      %dma_start3A = arith.constant 0 : i32
      %dma_start3A_228 = tpu.memref_slice %arg16[%mul3A_0, %dma_start3A] : memref<100096x16xf32, #tpu.memory_space<vmem_shared>> -> memref<6256x16xf32, #tpu.memory_space<vmem_shared>>
      tpu.enqueue_dma source(%arg6 : memref<6256x16xf32, #tpu.memory_space<hbm>>) target(%dma_start3A_228 : memref<6256x16xf32, #tpu.memory_space<vmem_shared>>) target_semaphore(%run_scoped3A : memref<!tpu.dma_semaphore, #tpu.memory_space<semaphore_mem>>)
      %dma_wait3A = arith.constant 0 : i32
      %dma_wait3A_229 = tpu.memref_slice %arg16[%mul3A_0, %dma_wait3A] : memref<100096x16xf32, #tpu.memory_space<vmem_shared>> -> memref<6256x16xf32, #tpu.memory_space<vmem_shared>>
      tpu.wait_dma2 semaphore(%run_scoped3A : memref<!tpu.dma_semaphore, #tpu.memory_space<semaphore_mem>>) src(%arg6 : memref<6256x16xf32, #tpu.memory_space<hbm>>) dst(%dma_wait3A_229 : memref<6256x16xf32, #tpu.memory_space<vmem_shared>>)
      tpu.yield
    }) : () -> ()
    "tpu.region"() ({
      %run_scoped3A = tpu.sem_alloc : memref<!tpu.dma_semaphore, #tpu.memory_space<semaphore_mem>>
      %dma_start3A = tpu.memref_slice %arg17[%mul3A_0] : memref<100096xf32, #tpu.memory_space<vmem_shared>> -> memref<6256xf32, #tpu.memory_space<vmem_shared>>
      tpu.enqueue_dma source(%arg7 : memref<6256xf32, #tpu.memory_space<hbm>>) target(%dma_start3A : memref<6256xf32, #tpu.memory_space<vmem_shared>>) target_semaphore(%run_scoped3A : memref<!tpu.dma_semaphore, #tpu.memory_space<semaphore_mem>>)
      %dma_wait3A = tpu.memref_slice %arg17[%mul3A_0] : memref<100096xf32, #tpu.memory_space<vmem_shared>> -> memref<6256xf32, #tpu.memory_space<vmem_shared>>
      tpu.wait_dma2 semaphore(%run_scoped3A : memref<!tpu.dma_semaphore, #tpu.memory_space<semaphore_mem>>) src(%arg7 : memref<6256xf32, #tpu.memory_space<hbm>>) dst(%dma_wait3A : memref<6256xf32, #tpu.memory_space<vmem_shared>>)
      tpu.yield
    }) : () -> ()
    %barrier3A_195 = arith.constant 0 : index
    tpu.barrier barrier_id(%barrier3A_195)
    %add3A_196 = arith.constant 3 : i32
    %add3A_197 = arith.addi %mul3A_39, %add3A_196 : i32
    %mul3A_198 = arith.constant 201024 : i32
    %mul3A_199 = arith.muli %add3A_197, %mul3A_198 : i32
    %while3A_200 = arith.constant 0 : i32
    %while3A_201 = arith.constant 0 : i32
    %while3A_202 = arith.subi %squeeze3A_17, %while3A_201 : i32
    %while3A_203 = arith.addi %while3A_201, %while3A_202 : i32
    %while3A_204 = arith.constant 1 : i32
    %while3A_205 = arith.divsi %while3A_202, %while3A_204 : i32
    %while3A_206 = arith.muli %while3A_205, %while3A_204 : i32
    %while3A_207 = arith.addi %while3A_201, %while3A_206 : i32
    %while3A_208 = arith.constant 1 : i32
    scf.for %while3A_228 = %while3A_201 to %while3A_207 step %while3A_208  : i32 {
      %mul3A_229 = arith.constant 1024 : i32
      %mul3A_230 = arith.muli %while3A_228, %mul3A_229 : i32
      %add3A_231 = arith.addi %mul3A_199, %mul3A_230 : i32
      "tpu.region"() ({
        %run_scoped3A = tpu.sem_alloc : memref<!tpu.dma_semaphore, #tpu.memory_space<semaphore_mem>>
        %dma_start3A = tpu.memref_slice %arg4[%add3A_231] : memref<25731072xi32, #tpu.memory_space<hbm>> -> memref<1024xi32, #tpu.memory_space<hbm>>
        %dma_start3A_235 = tpu.memref_slice %arg4[%add3A_231] : memref<25731072xi32, #tpu.memory_space<hbm>> -> memref<1024xi32, #tpu.memory_space<hbm>>
        tpu.enqueue_dma source(%dma_start3A_235 : memref<1024xi32, #tpu.memory_space<hbm>>) target(%arg12 : memref<1024xi32, #tpu.memory_space<vmem>>) target_semaphore(%run_scoped3A : memref<!tpu.dma_semaphore, #tpu.memory_space<semaphore_mem>>)
        %dma_wait3A = tpu.memref_slice %arg4[%add3A_231] : memref<25731072xi32, #tpu.memory_space<hbm>> -> memref<1024xi32, #tpu.memory_space<hbm>>
        %dma_wait3A_236 = tpu.memref_slice %arg4[%add3A_231] : memref<25731072xi32, #tpu.memory_space<hbm>> -> memref<1024xi32, #tpu.memory_space<hbm>>
        tpu.wait_dma2 semaphore(%run_scoped3A : memref<!tpu.dma_semaphore, #tpu.memory_space<semaphore_mem>>) src(%dma_wait3A_236 : memref<1024xi32, #tpu.memory_space<hbm>>) dst(%arg12 : memref<1024xi32, #tpu.memory_space<vmem>>)
        tpu.yield
      }) : () -> ()
      %mul3A_232 = arith.constant 1024 : i32
      %mul3A_233 = arith.muli %while3A_228, %mul3A_232 : i32
      %add3A_234 = arith.addi %add3A_34, %mul3A_233 : i32
      "tpu.region"() ({
        %run_scoped3A = tpu.sem_alloc : memref<!tpu.dma_semaphore, #tpu.memory_space<semaphore_mem>>
        %dma_start3A = arith.constant 0 : i32
        %dma_start3A_235 = tpu.memref_slice %arg11[%add3A_234, %dma_start3A] : memref<6531072x16xf32, #tpu.memory_space<hbm>> -> memref<1024x16xf32, #tpu.memory_space<hbm>>
        %dma_start3A_236 = arith.constant 0 : i32
        %dma_start3A_237 = tpu.memref_slice %arg11[%add3A_234, %dma_start3A_236] : memref<6531072x16xf32, #tpu.memory_space<hbm>> -> memref<1024x16xf32, #tpu.memory_space<hbm>>
        tpu.enqueue_dma source(%dma_start3A_237 : memref<1024x16xf32, #tpu.memory_space<hbm>>) target(%arg13 : memref<1024x16xf32, #tpu.memory_space<vmem>>) target_semaphore(%run_scoped3A : memref<!tpu.dma_semaphore, #tpu.memory_space<semaphore_mem>>)
        %dma_wait3A = arith.constant 0 : i32
        %dma_wait3A_238 = tpu.memref_slice %arg11[%add3A_234, %dma_wait3A] : memref<6531072x16xf32, #tpu.memory_space<hbm>> -> memref<1024x16xf32, #tpu.memory_space<hbm>>
        %dma_wait3A_239 = arith.constant 0 : i32
        %dma_wait3A_240 = tpu.memref_slice %arg11[%add3A_234, %dma_wait3A_239] : memref<6531072x16xf32, #tpu.memory_space<hbm>> -> memref<1024x16xf32, #tpu.memory_space<hbm>>
        tpu.wait_dma2 semaphore(%run_scoped3A : memref<!tpu.dma_semaphore, #tpu.memory_space<semaphore_mem>>) src(%dma_wait3A_240 : memref<1024x16xf32, #tpu.memory_space<hbm>>) dst(%arg13 : memref<1024x16xf32, #tpu.memory_space<vmem>>)
        tpu.yield
      }) : () -> ()
      "tpu.region"() ({
        %run_scoped3A = tpu.sem_alloc : memref<!tpu.dma_semaphore, #tpu.memory_space<semaphore_mem>>
        %dma_start3A = arith.constant 0 : i32
        %dma_start3A_235 = arith.constant 0 : i32
        %dma_start3A_236 = tpu.memref_slice %arg16[%dma_start3A, %dma_start3A_235] : memref<100096x16xf32, #tpu.memory_space<vmem_shared>> -> memref<100096x16xf32, #tpu.memory_space<vmem_shared>>
        tpu.enqueue_indirect_dma source(%arg13 : memref<1024x16xf32, #tpu.memory_space<vmem>>) target(%dma_start3A_236 : memref<100096x16xf32, #tpu.memory_space<vmem_shared>>) offsets(%arg12 : memref<1024xi32, #tpu.memory_space<vmem>>) semaphore(%run_scoped3A : memref<!tpu.dma_semaphore, #tpu.memory_space<semaphore_mem>>) {add = true}
        %dma_wait3A = arith.constant 0 : i32
        %dma_wait3A_237 = arith.constant 0 : i32
        %dma_wait3A_238 = tpu.memref_slice %arg16[%dma_wait3A, %dma_wait3A_237] : memref<100096x16xf32, #tpu.memory_space<vmem_shared>> -> memref<100096x16xf32, #tpu.memory_space<vmem_shared>>
        tpu.wait_indirect_dma semaphore(%run_scoped3A : memref<!tpu.dma_semaphore, #tpu.memory_space<semaphore_mem>>) src(%arg13 : memref<1024x16xf32, #tpu.memory_space<vmem>>) dst(%dma_wait3A_238 : memref<100096x16xf32, #tpu.memory_space<vmem_shared>>)
        tpu.yield
      }) : () -> ()
      "tpu.region"() ({
        %run_scoped3A = tpu.sem_alloc : memref<!tpu.dma_semaphore, #tpu.memory_space<semaphore_mem>>
        %dma_start3A = arith.constant 0 : i32
        %dma_start3A_235 = tpu.memref_slice %arg17[%dma_start3A] : memref<100096xf32, #tpu.memory_space<vmem_shared>> -> memref<100096xf32, #tpu.memory_space<vmem_shared>>
        tpu.enqueue_indirect_dma source(%arg14 : memref<1024xf32, #tpu.memory_space<vmem>>) target(%dma_start3A_235 : memref<100096xf32, #tpu.memory_space<vmem_shared>>) offsets(%arg12 : memref<1024xi32, #tpu.memory_space<vmem>>) semaphore(%run_scoped3A : memref<!tpu.dma_semaphore, #tpu.memory_space<semaphore_mem>>) {add = true}
        %dma_wait3A = arith.constant 0 : i32
        %dma_wait3A_236 = tpu.memref_slice %arg17[%dma_wait3A] : memref<100096xf32, #tpu.memory_space<vmem_shared>> -> memref<100096xf32, #tpu.memory_space<vmem_shared>>
        tpu.wait_indirect_dma semaphore(%run_scoped3A : memref<!tpu.dma_semaphore, #tpu.memory_space<semaphore_mem>>) src(%arg14 : memref<1024xf32, #tpu.memory_space<vmem>>) dst(%dma_wait3A_236 : memref<100096xf32, #tpu.memory_space<vmem_shared>>)
        tpu.yield
      }) : () -> ()
    }
    %while3A_209 = arith.constant 1 : i32
    scf.for %while3A_228 = %while3A_207 to %while3A_203 step %while3A_209  : i32 {
      %mul3A_229 = arith.constant 1024 : i32
      %mul3A_230 = arith.muli %while3A_228, %mul3A_229 : i32
      %add3A_231 = arith.addi %mul3A_199, %mul3A_230 : i32
      "tpu.region"() ({
        %run_scoped3A = tpu.sem_alloc : memref<!tpu.dma_semaphore, #tpu.memory_space<semaphore_mem>>
        %dma_start3A = tpu.memref_slice %arg4[%add3A_231] : memref<25731072xi32, #tpu.memory_space<hbm>> -> memref<1024xi32, #tpu.memory_space<hbm>>
        %dma_start3A_235 = tpu.memref_slice %arg4[%add3A_231] : memref<25731072xi32, #tpu.memory_space<hbm>> -> memref<1024xi32, #tpu.memory_space<hbm>>
        tpu.enqueue_dma source(%dma_start3A_235 : memref<1024xi32, #tpu.memory_space<hbm>>) target(%arg12 : memref<1024xi32, #tpu.memory_space<vmem>>) target_semaphore(%run_scoped3A : memref<!tpu.dma_semaphore, #tpu.memory_space<semaphore_mem>>)
        %dma_wait3A = tpu.memref_slice %arg4[%add3A_231] : memref<25731072xi32, #tpu.memory_space<hbm>> -> memref<1024xi32, #tpu.memory_space<hbm>>
        %dma_wait3A_236 = tpu.memref_slice %arg4[%add3A_231] : memref<25731072xi32, #tpu.memory_space<hbm>> -> memref<1024xi32, #tpu.memory_space<hbm>>
        tpu.wait_dma2 semaphore(%run_scoped3A : memref<!tpu.dma_semaphore, #tpu.memory_space<semaphore_mem>>) src(%dma_wait3A_236 : memref<1024xi32, #tpu.memory_space<hbm>>) dst(%arg12 : memref<1024xi32, #tpu.memory_space<vmem>>)
        tpu.yield
      }) : () -> ()
      %mul3A_232 = arith.constant 1024 : i32
      %mul3A_233 = arith.muli %while3A_228, %mul3A_232 : i32
      %add3A_234 = arith.addi %add3A_34, %mul3A_233 : i32
      "tpu.region"() ({
        %run_scoped3A = tpu.sem_alloc : memref<!tpu.dma_semaphore, #tpu.memory_space<semaphore_mem>>
        %dma_start3A = arith.constant 0 : i32
        %dma_start3A_235 = tpu.memref_slice %arg11[%add3A_234, %dma_start3A] : memref<6531072x16xf32, #tpu.memory_space<hbm>> -> memref<1024x16xf32, #tpu.memory_space<hbm>>
        %dma_start3A_236 = arith.constant 0 : i32
        %dma_start3A_237 = tpu.memref_slice %arg11[%add3A_234, %dma_start3A_236] : memref<6531072x16xf32, #tpu.memory_space<hbm>> -> memref<1024x16xf32, #tpu.memory_space<hbm>>
        tpu.enqueue_dma source(%dma_start3A_237 : memref<1024x16xf32, #tpu.memory_space<hbm>>) target(%arg13 : memref<1024x16xf32, #tpu.memory_space<vmem>>) target_semaphore(%run_scoped3A : memref<!tpu.dma_semaphore, #tpu.memory_space<semaphore_mem>>)
        %dma_wait3A = arith.constant 0 : i32
        %dma_wait3A_238 = tpu.memref_slice %arg11[%add3A_234, %dma_wait3A] : memref<6531072x16xf32, #tpu.memory_space<hbm>> -> memref<1024x16xf32, #tpu.memory_space<hbm>>
        %dma_wait3A_239 = arith.constant 0 : i32
        %dma_wait3A_240 = tpu.memref_slice %arg11[%add3A_234, %dma_wait3A_239] : memref<6531072x16xf32, #tpu.memory_space<hbm>> -> memref<1024x16xf32, #tpu.memory_space<hbm>>
        tpu.wait_dma2 semaphore(%run_scoped3A : memref<!tpu.dma_semaphore, #tpu.memory_space<semaphore_mem>>) src(%dma_wait3A_240 : memref<1024x16xf32, #tpu.memory_space<hbm>>) dst(%arg13 : memref<1024x16xf32, #tpu.memory_space<vmem>>)
        tpu.yield
      }) : () -> ()
      "tpu.region"() ({
        %run_scoped3A = tpu.sem_alloc : memref<!tpu.dma_semaphore, #tpu.memory_space<semaphore_mem>>
        %dma_start3A = arith.constant 0 : i32
        %dma_start3A_235 = arith.constant 0 : i32
        %dma_start3A_236 = tpu.memref_slice %arg16[%dma_start3A, %dma_start3A_235] : memref<100096x16xf32, #tpu.memory_space<vmem_shared>> -> memref<100096x16xf32, #tpu.memory_space<vmem_shared>>
        tpu.enqueue_indirect_dma source(%arg13 : memref<1024x16xf32, #tpu.memory_space<vmem>>) target(%dma_start3A_236 : memref<100096x16xf32, #tpu.memory_space<vmem_shared>>) offsets(%arg12 : memref<1024xi32, #tpu.memory_space<vmem>>) semaphore(%run_scoped3A : memref<!tpu.dma_semaphore, #tpu.memory_space<semaphore_mem>>) {add = true}
        %dma_wait3A = arith.constant 0 : i32
        %dma_wait3A_237 = arith.constant 0 : i32
        %dma_wait3A_238 = tpu.memref_slice %arg16[%dma_wait3A, %dma_wait3A_237] : memref<100096x16xf32, #tpu.memory_space<vmem_shared>> -> memref<100096x16xf32, #tpu.memory_space<vmem_shared>>
        tpu.wait_indirect_dma semaphore(%run_scoped3A : memref<!tpu.dma_semaphore, #tpu.memory_space<semaphore_mem>>) src(%arg13 : memref<1024x16xf32, #tpu.memory_space<vmem>>) dst(%dma_wait3A_238 : memref<100096x16xf32, #tpu.memory_space<vmem_shared>>)
        tpu.yield
      }) : () -> ()
      "tpu.region"() ({
        %run_scoped3A = tpu.sem_alloc : memref<!tpu.dma_semaphore, #tpu.memory_space<semaphore_mem>>
        %dma_start3A = arith.constant 0 : i32
        %dma_start3A_235 = tpu.memref_slice %arg17[%dma_start3A] : memref<100096xf32, #tpu.memory_space<vmem_shared>> -> memref<100096xf32, #tpu.memory_space<vmem_shared>>
        tpu.enqueue_indirect_dma source(%arg14 : memref<1024xf32, #tpu.memory_space<vmem>>) target(%dma_start3A_235 : memref<100096xf32, #tpu.memory_space<vmem_shared>>) offsets(%arg12 : memref<1024xi32, #tpu.memory_space<vmem>>) semaphore(%run_scoped3A : memref<!tpu.dma_semaphore, #tpu.memory_space<semaphore_mem>>) {add = true}
        %dma_wait3A = arith.constant 0 : i32
        %dma_wait3A_236 = tpu.memref_slice %arg17[%dma_wait3A] : memref<100096xf32, #tpu.memory_space<vmem_shared>> -> memref<100096xf32, #tpu.memory_space<vmem_shared>>
        tpu.wait_indirect_dma semaphore(%run_scoped3A : memref<!tpu.dma_semaphore, #tpu.memory_space<semaphore_mem>>) src(%arg14 : memref<1024xf32, #tpu.memory_space<vmem>>) dst(%dma_wait3A_236 : memref<100096xf32, #tpu.memory_space<vmem_shared>>)
        tpu.yield
      }) : () -> ()
    }
    %barrier3A_210 = arith.constant 0 : index
    tpu.barrier barrier_id(%barrier3A_210)
    %mul3A_211 = arith.constant 4 : i32
    %mul3A_212 = arith.muli %arg0, %mul3A_211 : i32
    %add3A_213 = arith.constant 3 : i32
    %add3A_214 = arith.addi %mul3A_212, %add3A_213 : i32
    %mul3A_215 = arith.constant 100000 : i32
    %mul3A_216 = arith.muli %add3A_214, %mul3A_215 : i32
    %lt3A_217 = arith.constant 15 : i32
    %lt3A_218 = arith.cmpi slt, %arg1, %lt3A_217 : i32
    %convert_element_type3A_219 = arith.extui %lt3A_218 : i1 to i32
    %cond3A_220 = arith.constant 0 : i32
    %cond3A_221 = arith.cmpi ne, %convert_element_type3A_219, %cond3A_220 : i32
    scf.if %cond3A_221 {
      %add3A_228 = arith.addi %mul3A_216, %mul3A_0 : i32
      "tpu.region"() ({
        %run_scoped3A = tpu.sem_alloc : memref<!tpu.dma_semaphore, #tpu.memory_space<semaphore_mem>>
        %dma_start3A = arith.constant 0 : i32
        %dma_start3A_230 = tpu.memref_slice %arg9[%add3A_228, %dma_start3A] : memref<800000x16xf32, #tpu.memory_space<hbm>> -> memref<6256x16xf32, #tpu.memory_space<hbm>>
        %dma_start3A_231 = arith.constant 0 : i32
        %dma_start3A_232 = tpu.memref_slice %arg16[%mul3A_0, %dma_start3A_231] : memref<100096x16xf32, #tpu.memory_space<vmem_shared>> -> memref<6256x16xf32, #tpu.memory_space<vmem_shared>>
        tpu.enqueue_dma source(%dma_start3A_232 : memref<6256x16xf32, #tpu.memory_space<vmem_shared>>) target(%dma_start3A_230 : memref<6256x16xf32, #tpu.memory_space<hbm>>) target_semaphore(%run_scoped3A : memref<!tpu.dma_semaphore, #tpu.memory_space<semaphore_mem>>)
        %dma_wait3A = arith.constant 0 : i32
        %dma_wait3A_233 = tpu.memref_slice %arg9[%add3A_228, %dma_wait3A] : memref<800000x16xf32, #tpu.memory_space<hbm>> -> memref<6256x16xf32, #tpu.memory_space<hbm>>
        %dma_wait3A_234 = arith.constant 0 : i32
        %dma_wait3A_235 = tpu.memref_slice %arg16[%mul3A_0, %dma_wait3A_234] : memref<100096x16xf32, #tpu.memory_space<vmem_shared>> -> memref<6256x16xf32, #tpu.memory_space<vmem_shared>>
        tpu.wait_dma2 semaphore(%run_scoped3A : memref<!tpu.dma_semaphore, #tpu.memory_space<semaphore_mem>>) src(%dma_wait3A_235 : memref<6256x16xf32, #tpu.memory_space<vmem_shared>>) dst(%dma_wait3A_233 : memref<6256x16xf32, #tpu.memory_space<hbm>>)
        tpu.yield
      }) : () -> ()
      %add3A_229 = arith.addi %mul3A_216, %mul3A_0 : i32
      "tpu.region"() ({
        %run_scoped3A = tpu.sem_alloc : memref<!tpu.dma_semaphore, #tpu.memory_space<semaphore_mem>>
        %dma_start3A = tpu.memref_slice %arg10[%add3A_229] : memref<800000xf32, #tpu.memory_space<hbm>> -> memref<6256xf32, #tpu.memory_space<hbm>>
        %dma_start3A_230 = tpu.memref_slice %arg17[%mul3A_0] : memref<100096xf32, #tpu.memory_space<vmem_shared>> -> memref<6256xf32, #tpu.memory_space<vmem_shared>>
        tpu.enqueue_dma source(%dma_start3A_230 : memref<6256xf32, #tpu.memory_space<vmem_shared>>) target(%dma_start3A : memref<6256xf32, #tpu.memory_space<hbm>>) target_semaphore(%run_scoped3A : memref<!tpu.dma_semaphore, #tpu.memory_space<semaphore_mem>>)
        %dma_wait3A = tpu.memref_slice %arg10[%add3A_229] : memref<800000xf32, #tpu.memory_space<hbm>> -> memref<6256xf32, #tpu.memory_space<hbm>>
        %dma_wait3A_231 = tpu.memref_slice %arg17[%mul3A_0] : memref<100096xf32, #tpu.memory_space<vmem_shared>> -> memref<6256xf32, #tpu.memory_space<vmem_shared>>
        tpu.wait_dma2 semaphore(%run_scoped3A : memref<!tpu.dma_semaphore, #tpu.memory_space<semaphore_mem>>) src(%dma_wait3A_231 : memref<6256xf32, #tpu.memory_space<vmem_shared>>) dst(%dma_wait3A : memref<6256xf32, #tpu.memory_space<hbm>>)
        tpu.yield
      }) : () -> ()
    } else {
    }
    %eq3A_222 = arith.constant 15 : i32
    %eq3A_223 = arith.cmpi eq, %arg1, %eq3A_222 : i32
    %convert_element_type3A_224 = arith.extui %eq3A_223 : i1 to i32
    %cond3A_225 = arith.constant 0 : i32
    %cond3A_226 = arith.cmpi ne, %convert_element_type3A_224, %cond3A_225 : i32
    scf.if %cond3A_226 {
      %add3A_228 = arith.constant 93840 : i32
      %add3A_229 = arith.addi %mul3A_216, %add3A_228 : i32
      "tpu.region"() ({
        %run_scoped3A = tpu.sem_alloc : memref<!tpu.dma_semaphore, #tpu.memory_space<semaphore_mem>>
        %dma_start3A = arith.constant 0 : i32
        %dma_start3A_232 = tpu.memref_slice %arg9[%add3A_229, %dma_start3A] : memref<800000x16xf32, #tpu.memory_space<hbm>> -> memref<6160x16xf32, #tpu.memory_space<hbm>>
        %dma_start3A_233 = arith.constant 93840 : i32
        %dma_start3A_234 = arith.constant 0 : i32
        %dma_start3A_235 = tpu.memref_slice %arg16[%dma_start3A_233, %dma_start3A_234] : memref<100096x16xf32, #tpu.memory_space<vmem_shared>> -> memref<6160x16xf32, #tpu.memory_space<vmem_shared>>
        tpu.enqueue_dma source(%dma_start3A_235 : memref<6160x16xf32, #tpu.memory_space<vmem_shared>>) target(%dma_start3A_232 : memref<6160x16xf32, #tpu.memory_space<hbm>>) target_semaphore(%run_scoped3A : memref<!tpu.dma_semaphore, #tpu.memory_space<semaphore_mem>>)
        %dma_wait3A = arith.constant 0 : i32
        %dma_wait3A_236 = tpu.memref_slice %arg9[%add3A_229, %dma_wait3A] : memref<800000x16xf32, #tpu.memory_space<hbm>> -> memref<6160x16xf32, #tpu.memory_space<hbm>>
        %dma_wait3A_237 = arith.constant 93840 : i32
        %dma_wait3A_238 = arith.constant 0 : i32
        %dma_wait3A_239 = tpu.memref_slice %arg16[%dma_wait3A_237, %dma_wait3A_238] : memref<100096x16xf32, #tpu.memory_space<vmem_shared>> -> memref<6160x16xf32, #tpu.memory_space<vmem_shared>>
        tpu.wait_dma2 semaphore(%run_scoped3A : memref<!tpu.dma_semaphore, #tpu.memory_space<semaphore_mem>>) src(%dma_wait3A_239 : memref<6160x16xf32, #tpu.memory_space<vmem_shared>>) dst(%dma_wait3A_236 : memref<6160x16xf32, #tpu.memory_space<hbm>>)
        tpu.yield
      }) : () -> ()
      %add3A_230 = arith.constant 93840 : i32
      %add3A_231 = arith.addi %mul3A_216, %add3A_230 : i32
      "tpu.region"() ({
        %run_scoped3A = tpu.sem_alloc : memref<!tpu.dma_semaphore, #tpu.memory_space<semaphore_mem>>
        %dma_start3A = tpu.memref_slice %arg10[%add3A_231] : memref<800000xf32, #tpu.memory_space<hbm>> -> memref<6160xf32, #tpu.memory_space<hbm>>
        %dma_start3A_232 = arith.constant 93840 : i32
        %dma_start3A_233 = tpu.memref_slice %arg17[%dma_start3A_232] : memref<100096xf32, #tpu.memory_space<vmem_shared>> -> memref<6160xf32, #tpu.memory_space<vmem_shared>>
        tpu.enqueue_dma source(%dma_start3A_233 : memref<6160xf32, #tpu.memory_space<vmem_shared>>) target(%dma_start3A : memref<6160xf32, #tpu.memory_space<hbm>>) target_semaphore(%run_scoped3A : memref<!tpu.dma_semaphore, #tpu.memory_space<semaphore_mem>>)
        %dma_wait3A = tpu.memref_slice %arg10[%add3A_231] : memref<800000xf32, #tpu.memory_space<hbm>> -> memref<6160xf32, #tpu.memory_space<hbm>>
        %dma_wait3A_234 = arith.constant 93840 : i32
        %dma_wait3A_235 = tpu.memref_slice %arg17[%dma_wait3A_234] : memref<100096xf32, #tpu.memory_space<vmem_shared>> -> memref<6160xf32, #tpu.memory_space<vmem_shared>>
        tpu.wait_dma2 semaphore(%run_scoped3A : memref<!tpu.dma_semaphore, #tpu.memory_space<semaphore_mem>>) src(%dma_wait3A_235 : memref<6160xf32, #tpu.memory_space<vmem_shared>>) dst(%dma_wait3A : memref<6160xf32, #tpu.memory_space<hbm>>)
        tpu.yield
      }) : () -> ()
    } else {
    }
    %barrier3A_227 = arith.constant 0 : index
    tpu.barrier barrier_id(%barrier3A_227)
    return
  }
}

#map = affine_map<(d0, d1) -> (0, 0)>
#map1 = affine_map<(d0, d1) -> (0)>
module attributes {stable_mosaic.version = 14 : i64} {
  func.func @_layer_body(%arg0: i32, %arg1: i32, %arg2: memref<100000x16xf32, #tpu.memory_space<hbm>>, %arg3: memref<25731072xi32, #tpu.memory_space<hbm>>, %arg4: memref<25731072xi32, #tpu.memory_space<hbm>>, %arg5: memref<512xi32, #tpu.memory_space<hbm>>, %arg6: memref<6256x16xf32, #tpu.memory_space<hbm>>, %arg7: memref<6256xf32, #tpu.memory_space<hbm>>, %arg8: memref<1024xf32, #tpu.memory_space<hbm>>, %arg9: memref<800000x16xf32, #tpu.memory_space<hbm>>, %arg10: memref<6531072x16xf32, #tpu.memory_space<hbm>>, %arg11: memref<1024xi32, #tpu.memory_space<vmem>>, %arg12: memref<1024x16xf32, #tpu.memory_space<vmem>>, %arg13: memref<1024xf32, #tpu.memory_space<vmem>>, %arg14: memref<16xi32, #tpu.memory_space<vmem>>, %arg15: memref<100096x16xf32, #tpu.memory_space<vmem_shared>>, %arg16: memref<100096xf32, #tpu.memory_space<vmem_shared>>, %arg17: memref<!tpu.dma_semaphore, #tpu.memory_space<semaphore_mem>>) attributes {dimension_semantics = [#tpu.dimension_semantics<core_parallel>, #tpu.dimension_semantics<subcore_parallel>], iteration_bounds = array<i64: 2, 16>, scalar_prefetch = 0 : i64, scratch_operands = 8 : i64, tpu.core_type = #tpu.core_type<sc_vector_subcore>, window_params = [{transform_indices = #map}, {transform_indices = #map1}, {transform_indices = #map1}, {transform_indices = #map1}, {transform_indices = #map}, {transform_indices = #map1}, {transform_indices = #map1}, {transform_indices = #map}]} {
    %mul3A = arith.constant 6256 : i32
    %mul3A_0 = arith.muli %arg1, %mul3A : i32
    %lt3A = arith.constant 15 : i32
    %lt3A_1 = arith.cmpi slt, %arg1, %lt3A : i32
    %convert_element_type3A = arith.extui %lt3A_1 : i1 to i32
    %cond3A = arith.constant 0 : i32
    %cond3A_2 = arith.cmpi ne, %convert_element_type3A, %cond3A : i32
    scf.if %cond3A_2 {
      "tpu.region"() ({
        %run_scoped3A = tpu.sem_alloc : memref<!tpu.dma_semaphore, #tpu.memory_space<semaphore_mem>>
        %dma_start3A = arith.constant 0 : i32
        %dma_start3A_228 = tpu.memref_slice %arg15[%mul3A_0, %dma_start3A] : memref<100096x16xf32, #tpu.memory_space<vmem_shared>> -> memref<6256x16xf32, #tpu.memory_space<vmem_shared>>
        %dma_start3A_229 = arith.constant 0 : i32
        %dma_start3A_230 = tpu.memref_slice %arg2[%mul3A_0, %dma_start3A_229] : memref<100000x16xf32, #tpu.memory_space<hbm>> -> memref<6256x16xf32, #tpu.memory_space<hbm>>
        tpu.enqueue_dma source(%dma_start3A_230 : memref<6256x16xf32, #tpu.memory_space<hbm>>) target(%dma_start3A_228 : memref<6256x16xf32, #tpu.memory_space<vmem_shared>>) target_semaphore(%run_scoped3A : memref<!tpu.dma_semaphore, #tpu.memory_space<semaphore_mem>>)
        %dma_wait3A = arith.constant 0 : i32
        %dma_wait3A_231 = tpu.memref_slice %arg15[%mul3A_0, %dma_wait3A] : memref<100096x16xf32, #tpu.memory_space<vmem_shared>> -> memref<6256x16xf32, #tpu.memory_space<vmem_shared>>
        %dma_wait3A_232 = arith.constant 0 : i32
        %dma_wait3A_233 = tpu.memref_slice %arg2[%mul3A_0, %dma_wait3A_232] : memref<100000x16xf32, #tpu.memory_space<hbm>> -> memref<6256x16xf32, #tpu.memory_space<hbm>>
        tpu.wait_dma2 semaphore(%run_scoped3A : memref<!tpu.dma_semaphore, #tpu.memory_space<semaphore_mem>>) src(%dma_wait3A_233 : memref<6256x16xf32, #tpu.memory_space<hbm>>) dst(%dma_wait3A_231 : memref<6256x16xf32, #tpu.memory_space<vmem_shared>>)
        tpu.yield
      }) : () -> ()
    } else {
    }
    %eq3A = arith.constant 15 : i32
    %eq3A_3 = arith.cmpi eq, %arg1, %eq3A : i32
    %convert_element_type3A_4 = arith.extui %eq3A_3 : i1 to i32
    %cond3A_5 = arith.constant 0 : i32
    %cond3A_6 = arith.cmpi ne, %convert_element_type3A_4, %cond3A_5 : i32
    scf.if %cond3A_6 {
      "tpu.region"() ({
        %run_scoped3A = tpu.sem_alloc : memref<!tpu.dma_semaphore, #tpu.memory_space<semaphore_mem>>
        %dma_start3A = arith.constant 93840 : i32
        %dma_start3A_228 = arith.constant 0 : i32
        %dma_start3A_229 = tpu.memref_slice %arg15[%dma_start3A, %dma_start3A_228] : memref<100096x16xf32, #tpu.memory_space<vmem_shared>> -> memref<6160x16xf32, #tpu.memory_space<vmem_shared>>
        %dma_start3A_230 = arith.constant 93840 : i32
        %dma_start3A_231 = arith.constant 0 : i32
        %dma_start3A_232 = tpu.memref_slice %arg2[%dma_start3A_230, %dma_start3A_231] : memref<100000x16xf32, #tpu.memory_space<hbm>> -> memref<6160x16xf32, #tpu.memory_space<hbm>>
        tpu.enqueue_dma source(%dma_start3A_232 : memref<6160x16xf32, #tpu.memory_space<hbm>>) target(%dma_start3A_229 : memref<6160x16xf32, #tpu.memory_space<vmem_shared>>) target_semaphore(%run_scoped3A : memref<!tpu.dma_semaphore, #tpu.memory_space<semaphore_mem>>)
        %dma_wait3A = arith.constant 93840 : i32
        %dma_wait3A_233 = arith.constant 0 : i32
        %dma_wait3A_234 = tpu.memref_slice %arg15[%dma_wait3A, %dma_wait3A_233] : memref<100096x16xf32, #tpu.memory_space<vmem_shared>> -> memref<6160x16xf32, #tpu.memory_space<vmem_shared>>
        %dma_wait3A_235 = arith.constant 93840 : i32
        %dma_wait3A_236 = arith.constant 0 : i32
        %dma_wait3A_237 = tpu.memref_slice %arg2[%dma_wait3A_235, %dma_wait3A_236] : memref<100000x16xf32, #tpu.memory_space<hbm>> -> memref<6160x16xf32, #tpu.memory_space<hbm>>
        tpu.wait_dma2 semaphore(%run_scoped3A : memref<!tpu.dma_semaphore, #tpu.memory_space<semaphore_mem>>) src(%dma_wait3A_237 : memref<6160x16xf32, #tpu.memory_space<hbm>>) dst(%dma_wait3A_234 : memref<6160x16xf32, #tpu.memory_space<vmem_shared>>)
        tpu.yield
      }) : () -> ()
    } else {
    }
    "tpu.region"() ({
      %run_scoped3A = tpu.sem_alloc : memref<!tpu.dma_semaphore, #tpu.memory_space<semaphore_mem>>
      tpu.enqueue_dma source(%arg8 : memref<1024xf32, #tpu.memory_space<hbm>>) target(%arg13 : memref<1024xf32, #tpu.memory_space<vmem>>) target_semaphore(%run_scoped3A : memref<!tpu.dma_semaphore, #tpu.memory_space<semaphore_mem>>)
      tpu.wait_dma2 semaphore(%run_scoped3A : memref<!tpu.dma_semaphore, #tpu.memory_space<semaphore_mem>>) src(%arg8 : memref<1024xf32, #tpu.memory_space<hbm>>) dst(%arg13 : memref<1024xf32, #tpu.memory_space<vmem>>)
      tpu.yield
    }) : () -> ()
    %mul3A_7 = arith.constant 16 : i32
    %mul3A_8 = arith.muli %arg0, %mul3A_7 : i32
    %add3A = arith.addi %mul3A_8, %arg1 : i32
    %mul3A_9 = arith.constant 16 : i32
    %mul3A_10 = arith.muli %add3A, %mul3A_9 : i32
    "tpu.region"() ({
      %run_scoped3A = tpu.sem_alloc : memref<!tpu.dma_semaphore, #tpu.memory_space<semaphore_mem>>
      %dma_start3A = tpu.memref_slice %arg5[%mul3A_10] : memref<512xi32, #tpu.memory_space<hbm>> -> memref<16xi32, #tpu.memory_space<hbm>>
      %dma_start3A_228 = tpu.memref_slice %arg5[%mul3A_10] : memref<512xi32, #tpu.memory_space<hbm>> -> memref<16xi32, #tpu.memory_space<hbm>>
      tpu.enqueue_dma source(%dma_start3A_228 : memref<16xi32, #tpu.memory_space<hbm>>) target(%arg14 : memref<16xi32, #tpu.memory_space<vmem>>) target_semaphore(%run_scoped3A : memref<!tpu.dma_semaphore, #tpu.memory_space<semaphore_mem>>)
      %dma_wait3A = tpu.memref_slice %arg5[%mul3A_10] : memref<512xi32, #tpu.memory_space<hbm>> -> memref<16xi32, #tpu.memory_space<hbm>>
      %dma_wait3A_229 = tpu.memref_slice %arg5[%mul3A_10] : memref<512xi32, #tpu.memory_space<hbm>> -> memref<16xi32, #tpu.memory_space<hbm>>
      tpu.wait_dma2 semaphore(%run_scoped3A : memref<!tpu.dma_semaphore, #tpu.memory_space<semaphore_mem>>) src(%dma_wait3A_229 : memref<16xi32, #tpu.memory_space<hbm>>) dst(%arg14 : memref<16xi32, #tpu.memory_space<vmem>>)
      tpu.yield
    }) : () -> ()
    %get3A = arith.constant 0 : index
    %get3A_11 = tpu.vector_load %arg14[%get3A] {strides = array<i32>} : memref<16xi32, #tpu.memory_space<vmem>>, vector<16xi32>,
    %slice3A = vector.extract_strided_slice %get3A_11 {offsets = [0], sizes = [1], strides = [1]} : vector<16xi32> to vector<1xi32>
    %squeeze3A = vector.extract %slice3A[0] : i32 from vector<1xi32>
    %slice3A_12 = vector.extract_strided_slice %get3A_11 {offsets = [1], sizes = [1], strides = [1]} : vector<16xi32> to vector<1xi32>
    %squeeze3A_13 = vector.extract %slice3A_12[0] : i32 from vector<1xi32>
    %slice3A_14 = vector.extract_strided_slice %get3A_11 {offsets = [2], sizes = [1], strides = [1]} : vector<16xi32> to vector<1xi32>
    %squeeze3A_15 = vector.extract %slice3A_14[0] : i32 from vector<1xi32>
    %slice3A_16 = vector.extract_strided_slice %get3A_11 {offsets = [3], sizes = [1], strides = [1]} : vector<16xi32> to vector<1xi32>
    %squeeze3A_17 = vector.extract %slice3A_16[0] : i32 from vector<1xi32>
    %mul3A_18 = arith.constant 16 : i32
    %mul3A_19 = arith.muli %arg0, %mul3A_18 : i32
    %add3A_20 = arith.addi %mul3A_19, %arg1 : i32
    %mul3A_21 = arith.constant 204096 : i32
    %mul3A_22 = arith.muli %add3A_20, %mul3A_21 : i32
    %mul3A_23 = arith.constant 1024 : i32
    %mul3A_24 = arith.muli %squeeze3A, %mul3A_23 : i32
    %add3A_25 = arith.addi %mul3A_22, %mul3A_24 : i32
    %add3A_26 = arith.addi %squeeze3A, %squeeze3A_13 : i32
    %mul3A_27 = arith.constant 1024 : i32
    %mul3A_28 = arith.muli %add3A_26, %mul3A_27 : i32
    %add3A_29 = arith.addi %mul3A_22, %mul3A_28 : i32
    %add3A_30 = arith.addi %squeeze3A, %squeeze3A_13 : i32
    %add3A_31 = arith.addi %add3A_30, %squeeze3A_15 : i32
    %mul3A_32 = arith.constant 1024 : i32
    %mul3A_33 = arith.muli %add3A_31, %mul3A_32 : i32
    %add3A_34 = arith.addi %mul3A_22, %mul3A_33 : i32
    %mul3A_35 = arith.constant 16 : i32
    %mul3A_36 = arith.muli %arg0, %mul3A_35 : i32
    %add3A_37 = arith.addi %mul3A_36, %arg1 : i32
    %mul3A_38 = arith.constant 4 : i32
    %mul3A_39 = arith.muli %add3A_37, %mul3A_38 : i32
    %barrier3A = arith.constant 0 : index
    tpu.barrier barrier_id(%barrier3A)
    %add3A_40 = arith.constant 0 : i32
    %add3A_41 = arith.addi %mul3A_39, %add3A_40 : i32
    %mul3A_42 = arith.constant 201024 : i32
    %mul3A_43 = arith.muli %add3A_41, %mul3A_42 : i32
    %while3A = arith.constant 0 : i32
    %while3A_44 = arith.constant 0 : i32
    %while3A_45 = arith.subi %squeeze3A, %while3A_44 : i32
    %while3A_46 = arith.addi %while3A_44, %while3A_45 : i32
    %while3A_47 = arith.constant 1 : i32
    %while3A_48 = arith.divsi %while3A_45, %while3A_47 : i32
    %while3A_49 = arith.muli %while3A_48, %while3A_47 : i32
    %while3A_50 = arith.addi %while3A_44, %while3A_49 : i32
    %while3A_51 = arith.constant 1 : i32
    scf.for %while3A_228 = %while3A_44 to %while3A_50 step %while3A_51  : i32 {
      %mul3A_229 = arith.constant 1024 : i32
      %mul3A_230 = arith.muli %while3A_228, %mul3A_229 : i32
      %add3A_231 = arith.addi %mul3A_43, %mul3A_230 : i32
      "tpu.region"() ({
        %run_scoped3A = tpu.sem_alloc : memref<!tpu.dma_semaphore, #tpu.memory_space<semaphore_mem>>
        %dma_start3A_239 = tpu.memref_slice %arg3[%add3A_231] : memref<25731072xi32, #tpu.memory_space<hbm>> -> memref<1024xi32, #tpu.memory_space<hbm>>
        %dma_start3A_240 = tpu.memref_slice %arg3[%add3A_231] : memref<25731072xi32, #tpu.memory_space<hbm>> -> memref<1024xi32, #tpu.memory_space<hbm>>
        tpu.enqueue_dma source(%dma_start3A_240 : memref<1024xi32, #tpu.memory_space<hbm>>) target(%arg11 : memref<1024xi32, #tpu.memory_space<vmem>>) target_semaphore(%run_scoped3A : memref<!tpu.dma_semaphore, #tpu.memory_space<semaphore_mem>>)
        %dma_wait3A_241 = tpu.memref_slice %arg3[%add3A_231] : memref<25731072xi32, #tpu.memory_space<hbm>> -> memref<1024xi32, #tpu.memory_space<hbm>>
        %dma_wait3A_242 = tpu.memref_slice %arg3[%add3A_231] : memref<25731072xi32, #tpu.memory_space<hbm>> -> memref<1024xi32, #tpu.memory_space<hbm>>
        tpu.wait_dma2 semaphore(%run_scoped3A : memref<!tpu.dma_semaphore, #tpu.memory_space<semaphore_mem>>) src(%dma_wait3A_242 : memref<1024xi32, #tpu.memory_space<hbm>>) dst(%arg11 : memref<1024xi32, #tpu.memory_space<vmem>>)
        tpu.yield
      }) : () -> ()
      %dma_start3A = arith.constant 0 : i32
      %dma_start3A_232 = arith.constant 0 : i32
      %dma_start3A_233 = tpu.memref_slice %arg15[%dma_start3A, %dma_start3A_232] : memref<100096x16xf32, #tpu.memory_space<vmem_shared>> -> memref<100096x16xf32, #tpu.memory_space<vmem_shared>>
      tpu.enqueue_indirect_dma source(%dma_start3A_233 : memref<100096x16xf32, #tpu.memory_space<vmem_shared>>) target(%arg12 : memref<1024x16xf32, #tpu.memory_space<vmem>>) offsets(%arg11 : memref<1024xi32, #tpu.memory_space<vmem>>) semaphore(%arg17 : memref<!tpu.dma_semaphore, #tpu.memory_space<semaphore_mem>>)
      %dma_wait3A = arith.constant 0 : i32
      %dma_wait3A_234 = arith.constant 0 : i32
      %dma_wait3A_235 = tpu.memref_slice %arg15[%dma_wait3A, %dma_wait3A_234] : memref<100096x16xf32, #tpu.memory_space<vmem_shared>> -> memref<100096x16xf32, #tpu.memory_space<vmem_shared>>
      tpu.wait_indirect_dma semaphore(%arg17 : memref<!tpu.dma_semaphore, #tpu.memory_space<semaphore_mem>>) src(%dma_wait3A_235 : memref<100096x16xf32, #tpu.memory_space<vmem_shared>>) dst(%arg12 : memref<1024x16xf32, #tpu.memory_space<vmem>>)
      %mul3A_236 = arith.constant 1024 : i32
      %mul3A_237 = arith.muli %while3A_228, %mul3A_236 : i32
      %add3A_238 = arith.addi %mul3A_22, %mul3A_237 : i32
      "tpu.region"() ({
        %run_scoped3A = tpu.sem_alloc : memref<!tpu.dma_semaphore, #tpu.memory_space<semaphore_mem>>
        %dma_start3A_239 = arith.constant 0 : i32
        %dma_start3A_240 = tpu.memref_slice %arg10[%add3A_238, %dma_start3A_239] : memref<6531072x16xf32, #tpu.memory_space<hbm>> -> memref<1024x16xf32, #tpu.memory_space<hbm>>
        %dma_start3A_241 = arith.constant 0 : i32
        %dma_start3A_242 = tpu.memref_slice %arg10[%add3A_238, %dma_start3A_241] : memref<6531072x16xf32, #tpu.memory_space<hbm>> -> memref<1024x16xf32, #tpu.memory_space<hbm>>
        tpu.enqueue_dma source(%arg12 : memref<1024x16xf32, #tpu.memory_space<vmem>>) target(%dma_start3A_242 : memref<1024x16xf32, #tpu.memory_space<hbm>>) target_semaphore(%run_scoped3A : memref<!tpu.dma_semaphore, #tpu.memory_space<semaphore_mem>>)
        %dma_wait3A_243 = arith.constant 0 : i32
        %dma_wait3A_244 = tpu.memref_slice %arg10[%add3A_238, %dma_wait3A_243] : memref<6531072x16xf32, #tpu.memory_space<hbm>> -> memref<1024x16xf32, #tpu.memory_space<hbm>>
        %dma_wait3A_245 = arith.constant 0 : i32
        %dma_wait3A_246 = tpu.memref_slice %arg10[%add3A_238, %dma_wait3A_245] : memref<6531072x16xf32, #tpu.memory_space<hbm>> -> memref<1024x16xf32, #tpu.memory_space<hbm>>
        tpu.wait_dma2 semaphore(%run_scoped3A : memref<!tpu.dma_semaphore, #tpu.memory_space<semaphore_mem>>) src(%arg12 : memref<1024x16xf32, #tpu.memory_space<vmem>>) dst(%dma_wait3A_246 : memref<1024x16xf32, #tpu.memory_space<hbm>>)
        tpu.yield
      }) : () -> ()
    }
    %while3A_52 = arith.constant 1 : i32
    scf.for %while3A_228 = %while3A_50 to %while3A_46 step %while3A_52  : i32 {
      %mul3A_229 = arith.constant 1024 : i32
      %mul3A_230 = arith.muli %while3A_228, %mul3A_229 : i32
      %add3A_231 = arith.addi %mul3A_43, %mul3A_230 : i32
      "tpu.region"() ({
        %run_scoped3A = tpu.sem_alloc : memref<!tpu.dma_semaphore, #tpu.memory_space<semaphore_mem>>
        %dma_start3A_239 = tpu.memref_slice %arg3[%add3A_231] : memref<25731072xi32, #tpu.memory_space<hbm>> -> memref<1024xi32, #tpu.memory_space<hbm>>
        %dma_start3A_240 = tpu.memref_slice %arg3[%add3A_231] : memref<25731072xi32, #tpu.memory_space<hbm>> -> memref<1024xi32, #tpu.memory_space<hbm>>
        tpu.enqueue_dma source(%dma_start3A_240 : memref<1024xi32, #tpu.memory_space<hbm>>) target(%arg11 : memref<1024xi32, #tpu.memory_space<vmem>>) target_semaphore(%run_scoped3A : memref<!tpu.dma_semaphore, #tpu.memory_space<semaphore_mem>>)
        %dma_wait3A_241 = tpu.memref_slice %arg3[%add3A_231] : memref<25731072xi32, #tpu.memory_space<hbm>> -> memref<1024xi32, #tpu.memory_space<hbm>>
        %dma_wait3A_242 = tpu.memref_slice %arg3[%add3A_231] : memref<25731072xi32, #tpu.memory_space<hbm>> -> memref<1024xi32, #tpu.memory_space<hbm>>
        tpu.wait_dma2 semaphore(%run_scoped3A : memref<!tpu.dma_semaphore, #tpu.memory_space<semaphore_mem>>) src(%dma_wait3A_242 : memref<1024xi32, #tpu.memory_space<hbm>>) dst(%arg11 : memref<1024xi32, #tpu.memory_space<vmem>>)
        tpu.yield
      }) : () -> ()
      %dma_start3A = arith.constant 0 : i32
      %dma_start3A_232 = arith.constant 0 : i32
      %dma_start3A_233 = tpu.memref_slice %arg15[%dma_start3A, %dma_start3A_232] : memref<100096x16xf32, #tpu.memory_space<vmem_shared>> -> memref<100096x16xf32, #tpu.memory_space<vmem_shared>>
      tpu.enqueue_indirect_dma source(%dma_start3A_233 : memref<100096x16xf32, #tpu.memory_space<vmem_shared>>) target(%arg12 : memref<1024x16xf32, #tpu.memory_space<vmem>>) offsets(%arg11 : memref<1024xi32, #tpu.memory_space<vmem>>) semaphore(%arg17 : memref<!tpu.dma_semaphore, #tpu.memory_space<semaphore_mem>>)
      %dma_wait3A = arith.constant 0 : i32
      %dma_wait3A_234 = arith.constant 0 : i32
      %dma_wait3A_235 = tpu.memref_slice %arg15[%dma_wait3A, %dma_wait3A_234] : memref<100096x16xf32, #tpu.memory_space<vmem_shared>> -> memref<100096x16xf32, #tpu.memory_space<vmem_shared>>
      tpu.wait_indirect_dma semaphore(%arg17 : memref<!tpu.dma_semaphore, #tpu.memory_space<semaphore_mem>>) src(%dma_wait3A_235 : memref<100096x16xf32, #tpu.memory_space<vmem_shared>>) dst(%arg12 : memref<1024x16xf32, #tpu.memory_space<vmem>>)
      %mul3A_236 = arith.constant 1024 : i32
      %mul3A_237 = arith.muli %while3A_228, %mul3A_236 : i32
      %add3A_238 = arith.addi %mul3A_22, %mul3A_237 : i32
      "tpu.region"() ({
        %run_scoped3A = tpu.sem_alloc : memref<!tpu.dma_semaphore, #tpu.memory_space<semaphore_mem>>
        %dma_start3A_239 = arith.constant 0 : i32
        %dma_start3A_240 = tpu.memref_slice %arg10[%add3A_238, %dma_start3A_239] : memref<6531072x16xf32, #tpu.memory_space<hbm>> -> memref<1024x16xf32, #tpu.memory_space<hbm>>
        %dma_start3A_241 = arith.constant 0 : i32
        %dma_start3A_242 = tpu.memref_slice %arg10[%add3A_238, %dma_start3A_241] : memref<6531072x16xf32, #tpu.memory_space<hbm>> -> memref<1024x16xf32, #tpu.memory_space<hbm>>
        tpu.enqueue_dma source(%arg12 : memref<1024x16xf32, #tpu.memory_space<vmem>>) target(%dma_start3A_242 : memref<1024x16xf32, #tpu.memory_space<hbm>>) target_semaphore(%run_scoped3A : memref<!tpu.dma_semaphore, #tpu.memory_space<semaphore_mem>>)
        %dma_wait3A_243 = arith.constant 0 : i32
        %dma_wait3A_244 = tpu.memref_slice %arg10[%add3A_238, %dma_wait3A_243] : memref<6531072x16xf32, #tpu.memory_space<hbm>> -> memref<1024x16xf32, #tpu.memory_space<hbm>>
        %dma_wait3A_245 = arith.constant 0 : i32
        %dma_wait3A_246 = tpu.memref_slice %arg10[%add3A_238, %dma_wait3A_245] : memref<6531072x16xf32, #tpu.memory_space<hbm>> -> memref<1024x16xf32, #tpu.memory_space<hbm>>
        tpu.wait_dma2 semaphore(%run_scoped3A : memref<!tpu.dma_semaphore, #tpu.memory_space<semaphore_mem>>) src(%arg12 : memref<1024x16xf32, #tpu.memory_space<vmem>>) dst(%dma_wait3A_246 : memref<1024x16xf32, #tpu.memory_space<hbm>>)
        tpu.yield
      }) : () -> ()
    }
    %add3A_53 = arith.constant 1 : i32
    %add3A_54 = arith.addi %mul3A_39, %add3A_53 : i32
    %mul3A_55 = arith.constant 201024 : i32
    %mul3A_56 = arith.muli %add3A_54, %mul3A_55 : i32
    %while3A_57 = arith.constant 0 : i32
    %while3A_58 = arith.constant 0 : i32
    %while3A_59 = arith.subi %squeeze3A_13, %while3A_58 : i32
    %while3A_60 = arith.addi %while3A_58, %while3A_59 : i32
    %while3A_61 = arith.constant 1 : i32
    %while3A_62 = arith.divsi %while3A_59, %while3A_61 : i32
    %while3A_63 = arith.muli %while3A_62, %while3A_61 : i32
    %while3A_64 = arith.addi %while3A_58, %while3A_63 : i32
    %while3A_65 = arith.constant 1 : i32
    scf.for %while3A_228 = %while3A_58 to %while3A_64 step %while3A_65  : i32 {
      %mul3A_229 = arith.constant 1024 : i32
      %mul3A_230 = arith.muli %while3A_228, %mul3A_229 : i32
      %add3A_231 = arith.addi %mul3A_56, %mul3A_230 : i32
      "tpu.region"() ({
        %run_scoped3A = tpu.sem_alloc : memref<!tpu.dma_semaphore, #tpu.memory_space<semaphore_mem>>
        %dma_start3A_239 = tpu.memref_slice %arg3[%add3A_231] : memref<25731072xi32, #tpu.memory_space<hbm>> -> memref<1024xi32, #tpu.memory_space<hbm>>
        %dma_start3A_240 = tpu.memref_slice %arg3[%add3A_231] : memref<25731072xi32, #tpu.memory_space<hbm>> -> memref<1024xi32, #tpu.memory_space<hbm>>
        tpu.enqueue_dma source(%dma_start3A_240 : memref<1024xi32, #tpu.memory_space<hbm>>) target(%arg11 : memref<1024xi32, #tpu.memory_space<vmem>>) target_semaphore(%run_scoped3A : memref<!tpu.dma_semaphore, #tpu.memory_space<semaphore_mem>>)
        %dma_wait3A_241 = tpu.memref_slice %arg3[%add3A_231] : memref<25731072xi32, #tpu.memory_space<hbm>> -> memref<1024xi32, #tpu.memory_space<hbm>>
        %dma_wait3A_242 = tpu.memref_slice %arg3[%add3A_231] : memref<25731072xi32, #tpu.memory_space<hbm>> -> memref<1024xi32, #tpu.memory_space<hbm>>
        tpu.wait_dma2 semaphore(%run_scoped3A : memref<!tpu.dma_semaphore, #tpu.memory_space<semaphore_mem>>) src(%dma_wait3A_242 : memref<1024xi32, #tpu.memory_space<hbm>>) dst(%arg11 : memref<1024xi32, #tpu.memory_space<vmem>>)
        tpu.yield
      }) : () -> ()
      %dma_start3A = arith.constant 0 : i32
      %dma_start3A_232 = arith.constant 0 : i32
      %dma_start3A_233 = tpu.memref_slice %arg15[%dma_start3A, %dma_start3A_232] : memref<100096x16xf32, #tpu.memory_space<vmem_shared>> -> memref<100096x16xf32, #tpu.memory_space<vmem_shared>>
      tpu.enqueue_indirect_dma source(%dma_start3A_233 : memref<100096x16xf32, #tpu.memory_space<vmem_shared>>) target(%arg12 : memref<1024x16xf32, #tpu.memory_space<vmem>>) offsets(%arg11 : memref<1024xi32, #tpu.memory_space<vmem>>) semaphore(%arg17 : memref<!tpu.dma_semaphore, #tpu.memory_space<semaphore_mem>>)
      %dma_wait3A = arith.constant 0 : i32
      %dma_wait3A_234 = arith.constant 0 : i32
      %dma_wait3A_235 = tpu.memref_slice %arg15[%dma_wait3A, %dma_wait3A_234] : memref<100096x16xf32, #tpu.memory_space<vmem_shared>> -> memref<100096x16xf32, #tpu.memory_space<vmem_shared>>
      tpu.wait_indirect_dma semaphore(%arg17 : memref<!tpu.dma_semaphore, #tpu.memory_space<semaphore_mem>>) src(%dma_wait3A_235 : memref<100096x16xf32, #tpu.memory_space<vmem_shared>>) dst(%arg12 : memref<1024x16xf32, #tpu.memory_space<vmem>>)
      %mul3A_236 = arith.constant 1024 : i32
      %mul3A_237 = arith.muli %while3A_228, %mul3A_236 : i32
      %add3A_238 = arith.addi %add3A_25, %mul3A_237 : i32
      "tpu.region"() ({
        %run_scoped3A = tpu.sem_alloc : memref<!tpu.dma_semaphore, #tpu.memory_space<semaphore_mem>>
        %dma_start3A_239 = arith.constant 0 : i32
        %dma_start3A_240 = tpu.memref_slice %arg10[%add3A_238, %dma_start3A_239] : memref<6531072x16xf32, #tpu.memory_space<hbm>> -> memref<1024x16xf32, #tpu.memory_space<hbm>>
        %dma_start3A_241 = arith.constant 0 : i32
        %dma_start3A_242 = tpu.memref_slice %arg10[%add3A_238, %dma_start3A_241] : memref<6531072x16xf32, #tpu.memory_space<hbm>> -> memref<1024x16xf32, #tpu.memory_space<hbm>>
        tpu.enqueue_dma source(%arg12 : memref<1024x16xf32, #tpu.memory_space<vmem>>) target(%dma_start3A_242 : memref<1024x16xf32, #tpu.memory_space<hbm>>) target_semaphore(%run_scoped3A : memref<!tpu.dma_semaphore, #tpu.memory_space<semaphore_mem>>)
        %dma_wait3A_243 = arith.constant 0 : i32
        %dma_wait3A_244 = tpu.memref_slice %arg10[%add3A_238, %dma_wait3A_243] : memref<6531072x16xf32, #tpu.memory_space<hbm>> -> memref<1024x16xf32, #tpu.memory_space<hbm>>
        %dma_wait3A_245 = arith.constant 0 : i32
        %dma_wait3A_246 = tpu.memref_slice %arg10[%add3A_238, %dma_wait3A_245] : memref<6531072x16xf32, #tpu.memory_space<hbm>> -> memref<1024x16xf32, #tpu.memory_space<hbm>>
        tpu.wait_dma2 semaphore(%run_scoped3A : memref<!tpu.dma_semaphore, #tpu.memory_space<semaphore_mem>>) src(%arg12 : memref<1024x16xf32, #tpu.memory_space<vmem>>) dst(%dma_wait3A_246 : memref<1024x16xf32, #tpu.memory_space<hbm>>)
        tpu.yield
      }) : () -> ()
    }
    %while3A_66 = arith.constant 1 : i32
    scf.for %while3A_228 = %while3A_64 to %while3A_60 step %while3A_66  : i32 {
      %mul3A_229 = arith.constant 1024 : i32
      %mul3A_230 = arith.muli %while3A_228, %mul3A_229 : i32
      %add3A_231 = arith.addi %mul3A_56, %mul3A_230 : i32
      "tpu.region"() ({
        %run_scoped3A = tpu.sem_alloc : memref<!tpu.dma_semaphore, #tpu.memory_space<semaphore_mem>>
        %dma_start3A_239 = tpu.memref_slice %arg3[%add3A_231] : memref<25731072xi32, #tpu.memory_space<hbm>> -> memref<1024xi32, #tpu.memory_space<hbm>>
        %dma_start3A_240 = tpu.memref_slice %arg3[%add3A_231] : memref<25731072xi32, #tpu.memory_space<hbm>> -> memref<1024xi32, #tpu.memory_space<hbm>>
        tpu.enqueue_dma source(%dma_start3A_240 : memref<1024xi32, #tpu.memory_space<hbm>>) target(%arg11 : memref<1024xi32, #tpu.memory_space<vmem>>) target_semaphore(%run_scoped3A : memref<!tpu.dma_semaphore, #tpu.memory_space<semaphore_mem>>)
        %dma_wait3A_241 = tpu.memref_slice %arg3[%add3A_231] : memref<25731072xi32, #tpu.memory_space<hbm>> -> memref<1024xi32, #tpu.memory_space<hbm>>
        %dma_wait3A_242 = tpu.memref_slice %arg3[%add3A_231] : memref<25731072xi32, #tpu.memory_space<hbm>> -> memref<1024xi32, #tpu.memory_space<hbm>>
        tpu.wait_dma2 semaphore(%run_scoped3A : memref<!tpu.dma_semaphore, #tpu.memory_space<semaphore_mem>>) src(%dma_wait3A_242 : memref<1024xi32, #tpu.memory_space<hbm>>) dst(%arg11 : memref<1024xi32, #tpu.memory_space<vmem>>)
        tpu.yield
      }) : () -> ()
      %dma_start3A = arith.constant 0 : i32
      %dma_start3A_232 = arith.constant 0 : i32
      %dma_start3A_233 = tpu.memref_slice %arg15[%dma_start3A, %dma_start3A_232] : memref<100096x16xf32, #tpu.memory_space<vmem_shared>> -> memref<100096x16xf32, #tpu.memory_space<vmem_shared>>
      tpu.enqueue_indirect_dma source(%dma_start3A_233 : memref<100096x16xf32, #tpu.memory_space<vmem_shared>>) target(%arg12 : memref<1024x16xf32, #tpu.memory_space<vmem>>) offsets(%arg11 : memref<1024xi32, #tpu.memory_space<vmem>>) semaphore(%arg17 : memref<!tpu.dma_semaphore, #tpu.memory_space<semaphore_mem>>)
      %dma_wait3A = arith.constant 0 : i32
      %dma_wait3A_234 = arith.constant 0 : i32
      %dma_wait3A_235 = tpu.memref_slice %arg15[%dma_wait3A, %dma_wait3A_234] : memref<100096x16xf32, #tpu.memory_space<vmem_shared>> -> memref<100096x16xf32, #tpu.memory_space<vmem_shared>>
      tpu.wait_indirect_dma semaphore(%arg17 : memref<!tpu.dma_semaphore, #tpu.memory_space<semaphore_mem>>) src(%dma_wait3A_235 : memref<100096x16xf32, #tpu.memory_space<vmem_shared>>) dst(%arg12 : memref<1024x16xf32, #tpu.memory_space<vmem>>)
      %mul3A_236 = arith.constant 1024 : i32
      %mul3A_237 = arith.muli %while3A_228, %mul3A_236 : i32
      %add3A_238 = arith.addi %add3A_25, %mul3A_237 : i32
      "tpu.region"() ({
        %run_scoped3A = tpu.sem_alloc : memref<!tpu.dma_semaphore, #tpu.memory_space<semaphore_mem>>
        %dma_start3A_239 = arith.constant 0 : i32
        %dma_start3A_240 = tpu.memref_slice %arg10[%add3A_238, %dma_start3A_239] : memref<6531072x16xf32, #tpu.memory_space<hbm>> -> memref<1024x16xf32, #tpu.memory_space<hbm>>
        %dma_start3A_241 = arith.constant 0 : i32
        %dma_start3A_242 = tpu.memref_slice %arg10[%add3A_238, %dma_start3A_241] : memref<6531072x16xf32, #tpu.memory_space<hbm>> -> memref<1024x16xf32, #tpu.memory_space<hbm>>
        tpu.enqueue_dma source(%arg12 : memref<1024x16xf32, #tpu.memory_space<vmem>>) target(%dma_start3A_242 : memref<1024x16xf32, #tpu.memory_space<hbm>>) target_semaphore(%run_scoped3A : memref<!tpu.dma_semaphore, #tpu.memory_space<semaphore_mem>>)
        %dma_wait3A_243 = arith.constant 0 : i32
        %dma_wait3A_244 = tpu.memref_slice %arg10[%add3A_238, %dma_wait3A_243] : memref<6531072x16xf32, #tpu.memory_space<hbm>> -> memref<1024x16xf32, #tpu.memory_space<hbm>>
        %dma_wait3A_245 = arith.constant 0 : i32
        %dma_wait3A_246 = tpu.memref_slice %arg10[%add3A_238, %dma_wait3A_245] : memref<6531072x16xf32, #tpu.memory_space<hbm>> -> memref<1024x16xf32, #tpu.memory_space<hbm>>
        tpu.wait_dma2 semaphore(%run_scoped3A : memref<!tpu.dma_semaphore, #tpu.memory_space<semaphore_mem>>) src(%arg12 : memref<1024x16xf32, #tpu.memory_space<vmem>>) dst(%dma_wait3A_246 : memref<1024x16xf32, #tpu.memory_space<hbm>>)
        tpu.yield
      }) : () -> ()
    }
    %add3A_67 = arith.constant 2 : i32
    %add3A_68 = arith.addi %mul3A_39, %add3A_67 : i32
    %mul3A_69 = arith.constant 201024 : i32
    %mul3A_70 = arith.muli %add3A_68, %mul3A_69 : i32
    %while3A_71 = arith.constant 0 : i32
    %while3A_72 = arith.constant 0 : i32
    %while3A_73 = arith.subi %squeeze3A_15, %while3A_72 : i32
    %while3A_74 = arith.addi %while3A_72, %while3A_73 : i32
    %while3A_75 = arith.constant 1 : i32
    %while3A_76 = arith.divsi %while3A_73, %while3A_75 : i32
    %while3A_77 = arith.muli %while3A_76, %while3A_75 : i32
    %while3A_78 = arith.addi %while3A_72, %while3A_77 : i32
    %while3A_79 = arith.constant 1 : i32
    scf.for %while3A_228 = %while3A_72 to %while3A_78 step %while3A_79  : i32 {
      %mul3A_229 = arith.constant 1024 : i32
      %mul3A_230 = arith.muli %while3A_228, %mul3A_229 : i32
      %add3A_231 = arith.addi %mul3A_70, %mul3A_230 : i32
      "tpu.region"() ({
        %run_scoped3A = tpu.sem_alloc : memref<!tpu.dma_semaphore, #tpu.memory_space<semaphore_mem>>
        %dma_start3A_239 = tpu.memref_slice %arg3[%add3A_231] : memref<25731072xi32, #tpu.memory_space<hbm>> -> memref<1024xi32, #tpu.memory_space<hbm>>
        %dma_start3A_240 = tpu.memref_slice %arg3[%add3A_231] : memref<25731072xi32, #tpu.memory_space<hbm>> -> memref<1024xi32, #tpu.memory_space<hbm>>
        tpu.enqueue_dma source(%dma_start3A_240 : memref<1024xi32, #tpu.memory_space<hbm>>) target(%arg11 : memref<1024xi32, #tpu.memory_space<vmem>>) target_semaphore(%run_scoped3A : memref<!tpu.dma_semaphore, #tpu.memory_space<semaphore_mem>>)
        %dma_wait3A_241 = tpu.memref_slice %arg3[%add3A_231] : memref<25731072xi32, #tpu.memory_space<hbm>> -> memref<1024xi32, #tpu.memory_space<hbm>>
        %dma_wait3A_242 = tpu.memref_slice %arg3[%add3A_231] : memref<25731072xi32, #tpu.memory_space<hbm>> -> memref<1024xi32, #tpu.memory_space<hbm>>
        tpu.wait_dma2 semaphore(%run_scoped3A : memref<!tpu.dma_semaphore, #tpu.memory_space<semaphore_mem>>) src(%dma_wait3A_242 : memref<1024xi32, #tpu.memory_space<hbm>>) dst(%arg11 : memref<1024xi32, #tpu.memory_space<vmem>>)
        tpu.yield
      }) : () -> ()
      %dma_start3A = arith.constant 0 : i32
      %dma_start3A_232 = arith.constant 0 : i32
      %dma_start3A_233 = tpu.memref_slice %arg15[%dma_start3A, %dma_start3A_232] : memref<100096x16xf32, #tpu.memory_space<vmem_shared>> -> memref<100096x16xf32, #tpu.memory_space<vmem_shared>>
      tpu.enqueue_indirect_dma source(%dma_start3A_233 : memref<100096x16xf32, #tpu.memory_space<vmem_shared>>) target(%arg12 : memref<1024x16xf32, #tpu.memory_space<vmem>>) offsets(%arg11 : memref<1024xi32, #tpu.memory_space<vmem>>) semaphore(%arg17 : memref<!tpu.dma_semaphore, #tpu.memory_space<semaphore_mem>>)
      %dma_wait3A = arith.constant 0 : i32
      %dma_wait3A_234 = arith.constant 0 : i32
      %dma_wait3A_235 = tpu.memref_slice %arg15[%dma_wait3A, %dma_wait3A_234] : memref<100096x16xf32, #tpu.memory_space<vmem_shared>> -> memref<100096x16xf32, #tpu.memory_space<vmem_shared>>
      tpu.wait_indirect_dma semaphore(%arg17 : memref<!tpu.dma_semaphore, #tpu.memory_space<semaphore_mem>>) src(%dma_wait3A_235 : memref<100096x16xf32, #tpu.memory_space<vmem_shared>>) dst(%arg12 : memref<1024x16xf32, #tpu.memory_space<vmem>>)
      %mul3A_236 = arith.constant 1024 : i32
      %mul3A_237 = arith.muli %while3A_228, %mul3A_236 : i32
      %add3A_238 = arith.addi %add3A_29, %mul3A_237 : i32
      "tpu.region"() ({
        %run_scoped3A = tpu.sem_alloc : memref<!tpu.dma_semaphore, #tpu.memory_space<semaphore_mem>>
        %dma_start3A_239 = arith.constant 0 : i32
        %dma_start3A_240 = tpu.memref_slice %arg10[%add3A_238, %dma_start3A_239] : memref<6531072x16xf32, #tpu.memory_space<hbm>> -> memref<1024x16xf32, #tpu.memory_space<hbm>>
        %dma_start3A_241 = arith.constant 0 : i32
        %dma_start3A_242 = tpu.memref_slice %arg10[%add3A_238, %dma_start3A_241] : memref<6531072x16xf32, #tpu.memory_space<hbm>> -> memref<1024x16xf32, #tpu.memory_space<hbm>>
        tpu.enqueue_dma source(%arg12 : memref<1024x16xf32, #tpu.memory_space<vmem>>) target(%dma_start3A_242 : memref<1024x16xf32, #tpu.memory_space<hbm>>) target_semaphore(%run_scoped3A : memref<!tpu.dma_semaphore, #tpu.memory_space<semaphore_mem>>)
        %dma_wait3A_243 = arith.constant 0 : i32
        %dma_wait3A_244 = tpu.memref_slice %arg10[%add3A_238, %dma_wait3A_243] : memref<6531072x16xf32, #tpu.memory_space<hbm>> -> memref<1024x16xf32, #tpu.memory_space<hbm>>
        %dma_wait3A_245 = arith.constant 0 : i32
        %dma_wait3A_246 = tpu.memref_slice %arg10[%add3A_238, %dma_wait3A_245] : memref<6531072x16xf32, #tpu.memory_space<hbm>> -> memref<1024x16xf32, #tpu.memory_space<hbm>>
        tpu.wait_dma2 semaphore(%run_scoped3A : memref<!tpu.dma_semaphore, #tpu.memory_space<semaphore_mem>>) src(%arg12 : memref<1024x16xf32, #tpu.memory_space<vmem>>) dst(%dma_wait3A_246 : memref<1024x16xf32, #tpu.memory_space<hbm>>)
        tpu.yield
      }) : () -> ()
    }
    %while3A_80 = arith.constant 1 : i32
    scf.for %while3A_228 = %while3A_78 to %while3A_74 step %while3A_80  : i32 {
      %mul3A_229 = arith.constant 1024 : i32
      %mul3A_230 = arith.muli %while3A_228, %mul3A_229 : i32
      %add3A_231 = arith.addi %mul3A_70, %mul3A_230 : i32
      "tpu.region"() ({
        %run_scoped3A = tpu.sem_alloc : memref<!tpu.dma_semaphore, #tpu.memory_space<semaphore_mem>>
        %dma_start3A_239 = tpu.memref_slice %arg3[%add3A_231] : memref<25731072xi32, #tpu.memory_space<hbm>> -> memref<1024xi32, #tpu.memory_space<hbm>>
        %dma_start3A_240 = tpu.memref_slice %arg3[%add3A_231] : memref<25731072xi32, #tpu.memory_space<hbm>> -> memref<1024xi32, #tpu.memory_space<hbm>>
        tpu.enqueue_dma source(%dma_start3A_240 : memref<1024xi32, #tpu.memory_space<hbm>>) target(%arg11 : memref<1024xi32, #tpu.memory_space<vmem>>) target_semaphore(%run_scoped3A : memref<!tpu.dma_semaphore, #tpu.memory_space<semaphore_mem>>)
        %dma_wait3A_241 = tpu.memref_slice %arg3[%add3A_231] : memref<25731072xi32, #tpu.memory_space<hbm>> -> memref<1024xi32, #tpu.memory_space<hbm>>
        %dma_wait3A_242 = tpu.memref_slice %arg3[%add3A_231] : memref<25731072xi32, #tpu.memory_space<hbm>> -> memref<1024xi32, #tpu.memory_space<hbm>>
        tpu.wait_dma2 semaphore(%run_scoped3A : memref<!tpu.dma_semaphore, #tpu.memory_space<semaphore_mem>>) src(%dma_wait3A_242 : memref<1024xi32, #tpu.memory_space<hbm>>) dst(%arg11 : memref<1024xi32, #tpu.memory_space<vmem>>)
        tpu.yield
      }) : () -> ()
      %dma_start3A = arith.constant 0 : i32
      %dma_start3A_232 = arith.constant 0 : i32
      %dma_start3A_233 = tpu.memref_slice %arg15[%dma_start3A, %dma_start3A_232] : memref<100096x16xf32, #tpu.memory_space<vmem_shared>> -> memref<100096x16xf32, #tpu.memory_space<vmem_shared>>
      tpu.enqueue_indirect_dma source(%dma_start3A_233 : memref<100096x16xf32, #tpu.memory_space<vmem_shared>>) target(%arg12 : memref<1024x16xf32, #tpu.memory_space<vmem>>) offsets(%arg11 : memref<1024xi32, #tpu.memory_space<vmem>>) semaphore(%arg17 : memref<!tpu.dma_semaphore, #tpu.memory_space<semaphore_mem>>)
      %dma_wait3A = arith.constant 0 : i32
      %dma_wait3A_234 = arith.constant 0 : i32
      %dma_wait3A_235 = tpu.memref_slice %arg15[%dma_wait3A, %dma_wait3A_234] : memref<100096x16xf32, #tpu.memory_space<vmem_shared>> -> memref<100096x16xf32, #tpu.memory_space<vmem_shared>>
      tpu.wait_indirect_dma semaphore(%arg17 : memref<!tpu.dma_semaphore, #tpu.memory_space<semaphore_mem>>) src(%dma_wait3A_235 : memref<100096x16xf32, #tpu.memory_space<vmem_shared>>) dst(%arg12 : memref<1024x16xf32, #tpu.memory_space<vmem>>)
      %mul3A_236 = arith.constant 1024 : i32
      %mul3A_237 = arith.muli %while3A_228, %mul3A_236 : i32
      %add3A_238 = arith.addi %add3A_29, %mul3A_237 : i32
      "tpu.region"() ({
        %run_scoped3A = tpu.sem_alloc : memref<!tpu.dma_semaphore, #tpu.memory_space<semaphore_mem>>
        %dma_start3A_239 = arith.constant 0 : i32
        %dma_start3A_240 = tpu.memref_slice %arg10[%add3A_238, %dma_start3A_239] : memref<6531072x16xf32, #tpu.memory_space<hbm>> -> memref<1024x16xf32, #tpu.memory_space<hbm>>
        %dma_start3A_241 = arith.constant 0 : i32
        %dma_start3A_242 = tpu.memref_slice %arg10[%add3A_238, %dma_start3A_241] : memref<6531072x16xf32, #tpu.memory_space<hbm>> -> memref<1024x16xf32, #tpu.memory_space<hbm>>
        tpu.enqueue_dma source(%arg12 : memref<1024x16xf32, #tpu.memory_space<vmem>>) target(%dma_start3A_242 : memref<1024x16xf32, #tpu.memory_space<hbm>>) target_semaphore(%run_scoped3A : memref<!tpu.dma_semaphore, #tpu.memory_space<semaphore_mem>>)
        %dma_wait3A_243 = arith.constant 0 : i32
        %dma_wait3A_244 = tpu.memref_slice %arg10[%add3A_238, %dma_wait3A_243] : memref<6531072x16xf32, #tpu.memory_space<hbm>> -> memref<1024x16xf32, #tpu.memory_space<hbm>>
        %dma_wait3A_245 = arith.constant 0 : i32
        %dma_wait3A_246 = tpu.memref_slice %arg10[%add3A_238, %dma_wait3A_245] : memref<6531072x16xf32, #tpu.memory_space<hbm>> -> memref<1024x16xf32, #tpu.memory_space<hbm>>
        tpu.wait_dma2 semaphore(%run_scoped3A : memref<!tpu.dma_semaphore, #tpu.memory_space<semaphore_mem>>) src(%arg12 : memref<1024x16xf32, #tpu.memory_space<vmem>>) dst(%dma_wait3A_246 : memref<1024x16xf32, #tpu.memory_space<hbm>>)
        tpu.yield
      }) : () -> ()
    }
    %add3A_81 = arith.constant 3 : i32
    %add3A_82 = arith.addi %mul3A_39, %add3A_81 : i32
    %mul3A_83 = arith.constant 201024 : i32
    %mul3A_84 = arith.muli %add3A_82, %mul3A_83 : i32
    %while3A_85 = arith.constant 0 : i32
    %while3A_86 = arith.constant 0 : i32
    %while3A_87 = arith.subi %squeeze3A_17, %while3A_86 : i32
    %while3A_88 = arith.addi %while3A_86, %while3A_87 : i32
    %while3A_89 = arith.constant 1 : i32
    %while3A_90 = arith.divsi %while3A_87, %while3A_89 : i32
    %while3A_91 = arith.muli %while3A_90, %while3A_89 : i32
    %while3A_92 = arith.addi %while3A_86, %while3A_91 : i32
    %while3A_93 = arith.constant 1 : i32
    scf.for %while3A_228 = %while3A_86 to %while3A_92 step %while3A_93  : i32 {
      %mul3A_229 = arith.constant 1024 : i32
      %mul3A_230 = arith.muli %while3A_228, %mul3A_229 : i32
      %add3A_231 = arith.addi %mul3A_84, %mul3A_230 : i32
      "tpu.region"() ({
        %run_scoped3A = tpu.sem_alloc : memref<!tpu.dma_semaphore, #tpu.memory_space<semaphore_mem>>
        %dma_start3A_239 = tpu.memref_slice %arg3[%add3A_231] : memref<25731072xi32, #tpu.memory_space<hbm>> -> memref<1024xi32, #tpu.memory_space<hbm>>
        %dma_start3A_240 = tpu.memref_slice %arg3[%add3A_231] : memref<25731072xi32, #tpu.memory_space<hbm>> -> memref<1024xi32, #tpu.memory_space<hbm>>
        tpu.enqueue_dma source(%dma_start3A_240 : memref<1024xi32, #tpu.memory_space<hbm>>) target(%arg11 : memref<1024xi32, #tpu.memory_space<vmem>>) target_semaphore(%run_scoped3A : memref<!tpu.dma_semaphore, #tpu.memory_space<semaphore_mem>>)
        %dma_wait3A_241 = tpu.memref_slice %arg3[%add3A_231] : memref<25731072xi32, #tpu.memory_space<hbm>> -> memref<1024xi32, #tpu.memory_space<hbm>>
        %dma_wait3A_242 = tpu.memref_slice %arg3[%add3A_231] : memref<25731072xi32, #tpu.memory_space<hbm>> -> memref<1024xi32, #tpu.memory_space<hbm>>
        tpu.wait_dma2 semaphore(%run_scoped3A : memref<!tpu.dma_semaphore, #tpu.memory_space<semaphore_mem>>) src(%dma_wait3A_242 : memref<1024xi32, #tpu.memory_space<hbm>>) dst(%arg11 : memref<1024xi32, #tpu.memory_space<vmem>>)
        tpu.yield
      }) : () -> ()
      %dma_start3A = arith.constant 0 : i32
      %dma_start3A_232 = arith.constant 0 : i32
      %dma_start3A_233 = tpu.memref_slice %arg15[%dma_start3A, %dma_start3A_232] : memref<100096x16xf32, #tpu.memory_space<vmem_shared>> -> memref<100096x16xf32, #tpu.memory_space<vmem_shared>>
      tpu.enqueue_indirect_dma source(%dma_start3A_233 : memref<100096x16xf32, #tpu.memory_space<vmem_shared>>) target(%arg12 : memref<1024x16xf32, #tpu.memory_space<vmem>>) offsets(%arg11 : memref<1024xi32, #tpu.memory_space<vmem>>) semaphore(%arg17 : memref<!tpu.dma_semaphore, #tpu.memory_space<semaphore_mem>>)
      %dma_wait3A = arith.constant 0 : i32
      %dma_wait3A_234 = arith.constant 0 : i32
      %dma_wait3A_235 = tpu.memref_slice %arg15[%dma_wait3A, %dma_wait3A_234] : memref<100096x16xf32, #tpu.memory_space<vmem_shared>> -> memref<100096x16xf32, #tpu.memory_space<vmem_shared>>
      tpu.wait_indirect_dma semaphore(%arg17 : memref<!tpu.dma_semaphore, #tpu.memory_space<semaphore_mem>>) src(%dma_wait3A_235 : memref<100096x16xf32, #tpu.memory_space<vmem_shared>>) dst(%arg12 : memref<1024x16xf32, #tpu.memory_space<vmem>>)
      %mul3A_236 = arith.constant 1024 : i32
      %mul3A_237 = arith.muli %while3A_228, %mul3A_236 : i32
      %add3A_238 = arith.addi %add3A_34, %mul3A_237 : i32
      "tpu.region"() ({
        %run_scoped3A = tpu.sem_alloc : memref<!tpu.dma_semaphore, #tpu.memory_space<semaphore_mem>>
        %dma_start3A_239 = arith.constant 0 : i32
        %dma_start3A_240 = tpu.memref_slice %arg10[%add3A_238, %dma_start3A_239] : memref<6531072x16xf32, #tpu.memory_space<hbm>> -> memref<1024x16xf32, #tpu.memory_space<hbm>>
        %dma_start3A_241 = arith.constant 0 : i32
        %dma_start3A_242 = tpu.memref_slice %arg10[%add3A_238, %dma_start3A_241] : memref<6531072x16xf32, #tpu.memory_space<hbm>> -> memref<1024x16xf32, #tpu.memory_space<hbm>>
        tpu.enqueue_dma source(%arg12 : memref<1024x16xf32, #tpu.memory_space<vmem>>) target(%dma_start3A_242 : memref<1024x16xf32, #tpu.memory_space<hbm>>) target_semaphore(%run_scoped3A : memref<!tpu.dma_semaphore, #tpu.memory_space<semaphore_mem>>)
        %dma_wait3A_243 = arith.constant 0 : i32
        %dma_wait3A_244 = tpu.memref_slice %arg10[%add3A_238, %dma_wait3A_243] : memref<6531072x16xf32, #tpu.memory_space<hbm>> -> memref<1024x16xf32, #tpu.memory_space<hbm>>
        %dma_wait3A_245 = arith.constant 0 : i32
        %dma_wait3A_246 = tpu.memref_slice %arg10[%add3A_238, %dma_wait3A_245] : memref<6531072x16xf32, #tpu.memory_space<hbm>> -> memref<1024x16xf32, #tpu.memory_space<hbm>>
        tpu.wait_dma2 semaphore(%run_scoped3A : memref<!tpu.dma_semaphore, #tpu.memory_space<semaphore_mem>>) src(%arg12 : memref<1024x16xf32, #tpu.memory_space<vmem>>) dst(%dma_wait3A_246 : memref<1024x16xf32, #tpu.memory_space<hbm>>)
        tpu.yield
      }) : () -> ()
    }
    %while3A_94 = arith.constant 1 : i32
    scf.for %while3A_228 = %while3A_92 to %while3A_88 step %while3A_94  : i32 {
      %mul3A_229 = arith.constant 1024 : i32
      %mul3A_230 = arith.muli %while3A_228, %mul3A_229 : i32
      %add3A_231 = arith.addi %mul3A_84, %mul3A_230 : i32
      "tpu.region"() ({
        %run_scoped3A = tpu.sem_alloc : memref<!tpu.dma_semaphore, #tpu.memory_space<semaphore_mem>>
        %dma_start3A_239 = tpu.memref_slice %arg3[%add3A_231] : memref<25731072xi32, #tpu.memory_space<hbm>> -> memref<1024xi32, #tpu.memory_space<hbm>>
        %dma_start3A_240 = tpu.memref_slice %arg3[%add3A_231] : memref<25731072xi32, #tpu.memory_space<hbm>> -> memref<1024xi32, #tpu.memory_space<hbm>>
        tpu.enqueue_dma source(%dma_start3A_240 : memref<1024xi32, #tpu.memory_space<hbm>>) target(%arg11 : memref<1024xi32, #tpu.memory_space<vmem>>) target_semaphore(%run_scoped3A : memref<!tpu.dma_semaphore, #tpu.memory_space<semaphore_mem>>)
        %dma_wait3A_241 = tpu.memref_slice %arg3[%add3A_231] : memref<25731072xi32, #tpu.memory_space<hbm>> -> memref<1024xi32, #tpu.memory_space<hbm>>
        %dma_wait3A_242 = tpu.memref_slice %arg3[%add3A_231] : memref<25731072xi32, #tpu.memory_space<hbm>> -> memref<1024xi32, #tpu.memory_space<hbm>>
        tpu.wait_dma2 semaphore(%run_scoped3A : memref<!tpu.dma_semaphore, #tpu.memory_space<semaphore_mem>>) src(%dma_wait3A_242 : memref<1024xi32, #tpu.memory_space<hbm>>) dst(%arg11 : memref<1024xi32, #tpu.memory_space<vmem>>)
        tpu.yield
      }) : () -> ()
      %dma_start3A = arith.constant 0 : i32
      %dma_start3A_232 = arith.constant 0 : i32
      %dma_start3A_233 = tpu.memref_slice %arg15[%dma_start3A, %dma_start3A_232] : memref<100096x16xf32, #tpu.memory_space<vmem_shared>> -> memref<100096x16xf32, #tpu.memory_space<vmem_shared>>
      tpu.enqueue_indirect_dma source(%dma_start3A_233 : memref<100096x16xf32, #tpu.memory_space<vmem_shared>>) target(%arg12 : memref<1024x16xf32, #tpu.memory_space<vmem>>) offsets(%arg11 : memref<1024xi32, #tpu.memory_space<vmem>>) semaphore(%arg17 : memref<!tpu.dma_semaphore, #tpu.memory_space<semaphore_mem>>)
      %dma_wait3A = arith.constant 0 : i32
      %dma_wait3A_234 = arith.constant 0 : i32
      %dma_wait3A_235 = tpu.memref_slice %arg15[%dma_wait3A, %dma_wait3A_234] : memref<100096x16xf32, #tpu.memory_space<vmem_shared>> -> memref<100096x16xf32, #tpu.memory_space<vmem_shared>>
      tpu.wait_indirect_dma semaphore(%arg17 : memref<!tpu.dma_semaphore, #tpu.memory_space<semaphore_mem>>) src(%dma_wait3A_235 : memref<100096x16xf32, #tpu.memory_space<vmem_shared>>) dst(%arg12 : memref<1024x16xf32, #tpu.memory_space<vmem>>)
      %mul3A_236 = arith.constant 1024 : i32
      %mul3A_237 = arith.muli %while3A_228, %mul3A_236 : i32
      %add3A_238 = arith.addi %add3A_34, %mul3A_237 : i32
      "tpu.region"() ({
        %run_scoped3A = tpu.sem_alloc : memref<!tpu.dma_semaphore, #tpu.memory_space<semaphore_mem>>
        %dma_start3A_239 = arith.constant 0 : i32
        %dma_start3A_240 = tpu.memref_slice %arg10[%add3A_238, %dma_start3A_239] : memref<6531072x16xf32, #tpu.memory_space<hbm>> -> memref<1024x16xf32, #tpu.memory_space<hbm>>
        %dma_start3A_241 = arith.constant 0 : i32
        %dma_start3A_242 = tpu.memref_slice %arg10[%add3A_238, %dma_start3A_241] : memref<6531072x16xf32, #tpu.memory_space<hbm>> -> memref<1024x16xf32, #tpu.memory_space<hbm>>
        tpu.enqueue_dma source(%arg12 : memref<1024x16xf32, #tpu.memory_space<vmem>>) target(%dma_start3A_242 : memref<1024x16xf32, #tpu.memory_space<hbm>>) target_semaphore(%run_scoped3A : memref<!tpu.dma_semaphore, #tpu.memory_space<semaphore_mem>>)
        %dma_wait3A_243 = arith.constant 0 : i32
        %dma_wait3A_244 = tpu.memref_slice %arg10[%add3A_238, %dma_wait3A_243] : memref<6531072x16xf32, #tpu.memory_space<hbm>> -> memref<1024x16xf32, #tpu.memory_space<hbm>>
        %dma_wait3A_245 = arith.constant 0 : i32
        %dma_wait3A_246 = tpu.memref_slice %arg10[%add3A_238, %dma_wait3A_245] : memref<6531072x16xf32, #tpu.memory_space<hbm>> -> memref<1024x16xf32, #tpu.memory_space<hbm>>
        tpu.wait_dma2 semaphore(%run_scoped3A : memref<!tpu.dma_semaphore, #tpu.memory_space<semaphore_mem>>) src(%arg12 : memref<1024x16xf32, #tpu.memory_space<vmem>>) dst(%dma_wait3A_246 : memref<1024x16xf32, #tpu.memory_space<hbm>>)
        tpu.yield
      }) : () -> ()
    }
    %barrier3A_95 = arith.constant 0 : index
    tpu.barrier barrier_id(%barrier3A_95)
    "tpu.region"() ({
      %run_scoped3A = tpu.sem_alloc : memref<!tpu.dma_semaphore, #tpu.memory_space<semaphore_mem>>
      %dma_start3A = arith.constant 0 : i32
      %dma_start3A_228 = tpu.memref_slice %arg15[%mul3A_0, %dma_start3A] : memref<100096x16xf32, #tpu.memory_space<vmem_shared>> -> memref<6256x16xf32, #tpu.memory_space<vmem_shared>>
      tpu.enqueue_dma source(%arg6 : memref<6256x16xf32, #tpu.memory_space<hbm>>) target(%dma_start3A_228 : memref<6256x16xf32, #tpu.memory_space<vmem_shared>>) target_semaphore(%run_scoped3A : memref<!tpu.dma_semaphore, #tpu.memory_space<semaphore_mem>>)
      %dma_wait3A = arith.constant 0 : i32
      %dma_wait3A_229 = tpu.memref_slice %arg15[%mul3A_0, %dma_wait3A] : memref<100096x16xf32, #tpu.memory_space<vmem_shared>> -> memref<6256x16xf32, #tpu.memory_space<vmem_shared>>
      tpu.wait_dma2 semaphore(%run_scoped3A : memref<!tpu.dma_semaphore, #tpu.memory_space<semaphore_mem>>) src(%arg6 : memref<6256x16xf32, #tpu.memory_space<hbm>>) dst(%dma_wait3A_229 : memref<6256x16xf32, #tpu.memory_space<vmem_shared>>)
      tpu.yield
    }) : () -> ()
    %barrier3A_96 = arith.constant 0 : index
    tpu.barrier barrier_id(%barrier3A_96)
    %add3A_97 = arith.constant 0 : i32
    %add3A_98 = arith.addi %mul3A_39, %add3A_97 : i32
    %mul3A_99 = arith.constant 201024 : i32
    %mul3A_100 = arith.muli %add3A_98, %mul3A_99 : i32
    %while3A_101 = arith.constant 0 : i32
    %while3A_102 = arith.constant 0 : i32
    %while3A_103 = arith.subi %squeeze3A, %while3A_102 : i32
    %while3A_104 = arith.addi %while3A_102, %while3A_103 : i32
    %while3A_105 = arith.constant 1 : i32
    %while3A_106 = arith.divsi %while3A_103, %while3A_105 : i32
    %while3A_107 = arith.muli %while3A_106, %while3A_105 : i32
    %while3A_108 = arith.addi %while3A_102, %while3A_107 : i32
    %while3A_109 = arith.constant 1 : i32
    scf.for %while3A_228 = %while3A_102 to %while3A_108 step %while3A_109  : i32 {
      %mul3A_229 = arith.constant 1024 : i32
      %mul3A_230 = arith.muli %while3A_228, %mul3A_229 : i32
      %add3A_231 = arith.addi %mul3A_100, %mul3A_230 : i32
      "tpu.region"() ({
        %run_scoped3A = tpu.sem_alloc : memref<!tpu.dma_semaphore, #tpu.memory_space<semaphore_mem>>
        %dma_start3A = tpu.memref_slice %arg4[%add3A_231] : memref<25731072xi32, #tpu.memory_space<hbm>> -> memref<1024xi32, #tpu.memory_space<hbm>>
        %dma_start3A_235 = tpu.memref_slice %arg4[%add3A_231] : memref<25731072xi32, #tpu.memory_space<hbm>> -> memref<1024xi32, #tpu.memory_space<hbm>>
        tpu.enqueue_dma source(%dma_start3A_235 : memref<1024xi32, #tpu.memory_space<hbm>>) target(%arg11 : memref<1024xi32, #tpu.memory_space<vmem>>) target_semaphore(%run_scoped3A : memref<!tpu.dma_semaphore, #tpu.memory_space<semaphore_mem>>)
        %dma_wait3A = tpu.memref_slice %arg4[%add3A_231] : memref<25731072xi32, #tpu.memory_space<hbm>> -> memref<1024xi32, #tpu.memory_space<hbm>>
        %dma_wait3A_236 = tpu.memref_slice %arg4[%add3A_231] : memref<25731072xi32, #tpu.memory_space<hbm>> -> memref<1024xi32, #tpu.memory_space<hbm>>
        tpu.wait_dma2 semaphore(%run_scoped3A : memref<!tpu.dma_semaphore, #tpu.memory_space<semaphore_mem>>) src(%dma_wait3A_236 : memref<1024xi32, #tpu.memory_space<hbm>>) dst(%arg11 : memref<1024xi32, #tpu.memory_space<vmem>>)
        tpu.yield
      }) : () -> ()
      %mul3A_232 = arith.constant 1024 : i32
      %mul3A_233 = arith.muli %while3A_228, %mul3A_232 : i32
      %add3A_234 = arith.addi %mul3A_22, %mul3A_233 : i32
      "tpu.region"() ({
        %run_scoped3A = tpu.sem_alloc : memref<!tpu.dma_semaphore, #tpu.memory_space<semaphore_mem>>
        %dma_start3A = arith.constant 0 : i32
        %dma_start3A_235 = tpu.memref_slice %arg10[%add3A_234, %dma_start3A] : memref<6531072x16xf32, #tpu.memory_space<hbm>> -> memref<1024x16xf32, #tpu.memory_space<hbm>>
        %dma_start3A_236 = arith.constant 0 : i32
        %dma_start3A_237 = tpu.memref_slice %arg10[%add3A_234, %dma_start3A_236] : memref<6531072x16xf32, #tpu.memory_space<hbm>> -> memref<1024x16xf32, #tpu.memory_space<hbm>>
        tpu.enqueue_dma source(%dma_start3A_237 : memref<1024x16xf32, #tpu.memory_space<hbm>>) target(%arg12 : memref<1024x16xf32, #tpu.memory_space<vmem>>) target_semaphore(%run_scoped3A : memref<!tpu.dma_semaphore, #tpu.memory_space<semaphore_mem>>)
        %dma_wait3A = arith.constant 0 : i32
        %dma_wait3A_238 = tpu.memref_slice %arg10[%add3A_234, %dma_wait3A] : memref<6531072x16xf32, #tpu.memory_space<hbm>> -> memref<1024x16xf32, #tpu.memory_space<hbm>>
        %dma_wait3A_239 = arith.constant 0 : i32
        %dma_wait3A_240 = tpu.memref_slice %arg10[%add3A_234, %dma_wait3A_239] : memref<6531072x16xf32, #tpu.memory_space<hbm>> -> memref<1024x16xf32, #tpu.memory_space<hbm>>
        tpu.wait_dma2 semaphore(%run_scoped3A : memref<!tpu.dma_semaphore, #tpu.memory_space<semaphore_mem>>) src(%dma_wait3A_240 : memref<1024x16xf32, #tpu.memory_space<hbm>>) dst(%arg12 : memref<1024x16xf32, #tpu.memory_space<vmem>>)
        tpu.yield
      }) : () -> ()
      "tpu.region"() ({
        %run_scoped3A = tpu.sem_alloc : memref<!tpu.dma_semaphore, #tpu.memory_space<semaphore_mem>>
        %dma_start3A = arith.constant 0 : i32
        %dma_start3A_235 = arith.constant 0 : i32
        %dma_start3A_236 = tpu.memref_slice %arg15[%dma_start3A, %dma_start3A_235] : memref<100096x16xf32, #tpu.memory_space<vmem_shared>> -> memref<100096x16xf32, #tpu.memory_space<vmem_shared>>
        tpu.enqueue_indirect_dma source(%arg12 : memref<1024x16xf32, #tpu.memory_space<vmem>>) target(%dma_start3A_236 : memref<100096x16xf32, #tpu.memory_space<vmem_shared>>) offsets(%arg11 : memref<1024xi32, #tpu.memory_space<vmem>>) semaphore(%run_scoped3A : memref<!tpu.dma_semaphore, #tpu.memory_space<semaphore_mem>>) {add = true}
        %dma_wait3A = arith.constant 0 : i32
        %dma_wait3A_237 = arith.constant 0 : i32
        %dma_wait3A_238 = tpu.memref_slice %arg15[%dma_wait3A, %dma_wait3A_237] : memref<100096x16xf32, #tpu.memory_space<vmem_shared>> -> memref<100096x16xf32, #tpu.memory_space<vmem_shared>>
        tpu.wait_indirect_dma semaphore(%run_scoped3A : memref<!tpu.dma_semaphore, #tpu.memory_space<semaphore_mem>>) src(%arg12 : memref<1024x16xf32, #tpu.memory_space<vmem>>) dst(%dma_wait3A_238 : memref<100096x16xf32, #tpu.memory_space<vmem_shared>>)
        tpu.yield
      }) : () -> ()
    }
    %while3A_110 = arith.constant 1 : i32
    scf.for %while3A_228 = %while3A_108 to %while3A_104 step %while3A_110  : i32 {
      %mul3A_229 = arith.constant 1024 : i32
      %mul3A_230 = arith.muli %while3A_228, %mul3A_229 : i32
      %add3A_231 = arith.addi %mul3A_100, %mul3A_230 : i32
      "tpu.region"() ({
        %run_scoped3A = tpu.sem_alloc : memref<!tpu.dma_semaphore, #tpu.memory_space<semaphore_mem>>
        %dma_start3A = tpu.memref_slice %arg4[%add3A_231] : memref<25731072xi32, #tpu.memory_space<hbm>> -> memref<1024xi32, #tpu.memory_space<hbm>>
        %dma_start3A_235 = tpu.memref_slice %arg4[%add3A_231] : memref<25731072xi32, #tpu.memory_space<hbm>> -> memref<1024xi32, #tpu.memory_space<hbm>>
        tpu.enqueue_dma source(%dma_start3A_235 : memref<1024xi32, #tpu.memory_space<hbm>>) target(%arg11 : memref<1024xi32, #tpu.memory_space<vmem>>) target_semaphore(%run_scoped3A : memref<!tpu.dma_semaphore, #tpu.memory_space<semaphore_mem>>)
        %dma_wait3A = tpu.memref_slice %arg4[%add3A_231] : memref<25731072xi32, #tpu.memory_space<hbm>> -> memref<1024xi32, #tpu.memory_space<hbm>>
        %dma_wait3A_236 = tpu.memref_slice %arg4[%add3A_231] : memref<25731072xi32, #tpu.memory_space<hbm>> -> memref<1024xi32, #tpu.memory_space<hbm>>
        tpu.wait_dma2 semaphore(%run_scoped3A : memref<!tpu.dma_semaphore, #tpu.memory_space<semaphore_mem>>) src(%dma_wait3A_236 : memref<1024xi32, #tpu.memory_space<hbm>>) dst(%arg11 : memref<1024xi32, #tpu.memory_space<vmem>>)
        tpu.yield
      }) : () -> ()
      %mul3A_232 = arith.constant 1024 : i32
      %mul3A_233 = arith.muli %while3A_228, %mul3A_232 : i32
      %add3A_234 = arith.addi %mul3A_22, %mul3A_233 : i32
      "tpu.region"() ({
        %run_scoped3A = tpu.sem_alloc : memref<!tpu.dma_semaphore, #tpu.memory_space<semaphore_mem>>
        %dma_start3A = arith.constant 0 : i32
        %dma_start3A_235 = tpu.memref_slice %arg10[%add3A_234, %dma_start3A] : memref<6531072x16xf32, #tpu.memory_space<hbm>> -> memref<1024x16xf32, #tpu.memory_space<hbm>>
        %dma_start3A_236 = arith.constant 0 : i32
        %dma_start3A_237 = tpu.memref_slice %arg10[%add3A_234, %dma_start3A_236] : memref<6531072x16xf32, #tpu.memory_space<hbm>> -> memref<1024x16xf32, #tpu.memory_space<hbm>>
        tpu.enqueue_dma source(%dma_start3A_237 : memref<1024x16xf32, #tpu.memory_space<hbm>>) target(%arg12 : memref<1024x16xf32, #tpu.memory_space<vmem>>) target_semaphore(%run_scoped3A : memref<!tpu.dma_semaphore, #tpu.memory_space<semaphore_mem>>)
        %dma_wait3A = arith.constant 0 : i32
        %dma_wait3A_238 = tpu.memref_slice %arg10[%add3A_234, %dma_wait3A] : memref<6531072x16xf32, #tpu.memory_space<hbm>> -> memref<1024x16xf32, #tpu.memory_space<hbm>>
        %dma_wait3A_239 = arith.constant 0 : i32
        %dma_wait3A_240 = tpu.memref_slice %arg10[%add3A_234, %dma_wait3A_239] : memref<6531072x16xf32, #tpu.memory_space<hbm>> -> memref<1024x16xf32, #tpu.memory_space<hbm>>
        tpu.wait_dma2 semaphore(%run_scoped3A : memref<!tpu.dma_semaphore, #tpu.memory_space<semaphore_mem>>) src(%dma_wait3A_240 : memref<1024x16xf32, #tpu.memory_space<hbm>>) dst(%arg12 : memref<1024x16xf32, #tpu.memory_space<vmem>>)
        tpu.yield
      }) : () -> ()
      "tpu.region"() ({
        %run_scoped3A = tpu.sem_alloc : memref<!tpu.dma_semaphore, #tpu.memory_space<semaphore_mem>>
        %dma_start3A = arith.constant 0 : i32
        %dma_start3A_235 = arith.constant 0 : i32
        %dma_start3A_236 = tpu.memref_slice %arg15[%dma_start3A, %dma_start3A_235] : memref<100096x16xf32, #tpu.memory_space<vmem_shared>> -> memref<100096x16xf32, #tpu.memory_space<vmem_shared>>
        tpu.enqueue_indirect_dma source(%arg12 : memref<1024x16xf32, #tpu.memory_space<vmem>>) target(%dma_start3A_236 : memref<100096x16xf32, #tpu.memory_space<vmem_shared>>) offsets(%arg11 : memref<1024xi32, #tpu.memory_space<vmem>>) semaphore(%run_scoped3A : memref<!tpu.dma_semaphore, #tpu.memory_space<semaphore_mem>>) {add = true}
        %dma_wait3A = arith.constant 0 : i32
        %dma_wait3A_237 = arith.constant 0 : i32
        %dma_wait3A_238 = tpu.memref_slice %arg15[%dma_wait3A, %dma_wait3A_237] : memref<100096x16xf32, #tpu.memory_space<vmem_shared>> -> memref<100096x16xf32, #tpu.memory_space<vmem_shared>>
        tpu.wait_indirect_dma semaphore(%run_scoped3A : memref<!tpu.dma_semaphore, #tpu.memory_space<semaphore_mem>>) src(%arg12 : memref<1024x16xf32, #tpu.memory_space<vmem>>) dst(%dma_wait3A_238 : memref<100096x16xf32, #tpu.memory_space<vmem_shared>>)
        tpu.yield
      }) : () -> ()
    }
    %barrier3A_111 = arith.constant 0 : index
    tpu.barrier barrier_id(%barrier3A_111)
    %mul3A_112 = arith.constant 4 : i32
    %mul3A_113 = arith.muli %arg0, %mul3A_112 : i32
    %add3A_114 = arith.constant 0 : i32
    %add3A_115 = arith.addi %mul3A_113, %add3A_114 : i32
    %mul3A_116 = arith.constant 100000 : i32
    %mul3A_117 = arith.muli %add3A_115, %mul3A_116 : i32
    %lt3A_118 = arith.constant 15 : i32
    %lt3A_119 = arith.cmpi slt, %arg1, %lt3A_118 : i32
    %convert_element_type3A_120 = arith.extui %lt3A_119 : i1 to i32
    %cond3A_121 = arith.constant 0 : i32
    %cond3A_122 = arith.cmpi ne, %convert_element_type3A_120, %cond3A_121 : i32
    scf.if %cond3A_122 {
      %add3A_228 = arith.addi %mul3A_117, %mul3A_0 : i32
      "tpu.region"() ({
        %run_scoped3A = tpu.sem_alloc : memref<!tpu.dma_semaphore, #tpu.memory_space<semaphore_mem>>
        %dma_start3A = arith.constant 0 : i32
        %dma_start3A_229 = tpu.memref_slice %arg9[%add3A_228, %dma_start3A] : memref<800000x16xf32, #tpu.memory_space<hbm>> -> memref<6256x16xf32, #tpu.memory_space<hbm>>
        %dma_start3A_230 = arith.constant 0 : i32
        %dma_start3A_231 = tpu.memref_slice %arg15[%mul3A_0, %dma_start3A_230] : memref<100096x16xf32, #tpu.memory_space<vmem_shared>> -> memref<6256x16xf32, #tpu.memory_space<vmem_shared>>
        tpu.enqueue_dma source(%dma_start3A_231 : memref<6256x16xf32, #tpu.memory_space<vmem_shared>>) target(%dma_start3A_229 : memref<6256x16xf32, #tpu.memory_space<hbm>>) target_semaphore(%run_scoped3A : memref<!tpu.dma_semaphore, #tpu.memory_space<semaphore_mem>>)
        %dma_wait3A = arith.constant 0 : i32
        %dma_wait3A_232 = tpu.memref_slice %arg9[%add3A_228, %dma_wait3A] : memref<800000x16xf32, #tpu.memory_space<hbm>> -> memref<6256x16xf32, #tpu.memory_space<hbm>>
        %dma_wait3A_233 = arith.constant 0 : i32
        %dma_wait3A_234 = tpu.memref_slice %arg15[%mul3A_0, %dma_wait3A_233] : memref<100096x16xf32, #tpu.memory_space<vmem_shared>> -> memref<6256x16xf32, #tpu.memory_space<vmem_shared>>
        tpu.wait_dma2 semaphore(%run_scoped3A : memref<!tpu.dma_semaphore, #tpu.memory_space<semaphore_mem>>) src(%dma_wait3A_234 : memref<6256x16xf32, #tpu.memory_space<vmem_shared>>) dst(%dma_wait3A_232 : memref<6256x16xf32, #tpu.memory_space<hbm>>)
        tpu.yield
      }) : () -> ()
    } else {
    }
    %eq3A_123 = arith.constant 15 : i32
    %eq3A_124 = arith.cmpi eq, %arg1, %eq3A_123 : i32
    %convert_element_type3A_125 = arith.extui %eq3A_124 : i1 to i32
    %cond3A_126 = arith.constant 0 : i32
    %cond3A_127 = arith.cmpi ne, %convert_element_type3A_125, %cond3A_126 : i32
    scf.if %cond3A_127 {
      %add3A_228 = arith.constant 93840 : i32
      %add3A_229 = arith.addi %mul3A_117, %add3A_228 : i32
      "tpu.region"() ({
        %run_scoped3A = tpu.sem_alloc : memref<!tpu.dma_semaphore, #tpu.memory_space<semaphore_mem>>
        %dma_start3A = arith.constant 0 : i32
        %dma_start3A_230 = tpu.memref_slice %arg9[%add3A_229, %dma_start3A] : memref<800000x16xf32, #tpu.memory_space<hbm>> -> memref<6160x16xf32, #tpu.memory_space<hbm>>
        %dma_start3A_231 = arith.constant 93840 : i32
        %dma_start3A_232 = arith.constant 0 : i32
        %dma_start3A_233 = tpu.memref_slice %arg15[%dma_start3A_231, %dma_start3A_232] : memref<100096x16xf32, #tpu.memory_space<vmem_shared>> -> memref<6160x16xf32, #tpu.memory_space<vmem_shared>>
        tpu.enqueue_dma source(%dma_start3A_233 : memref<6160x16xf32, #tpu.memory_space<vmem_shared>>) target(%dma_start3A_230 : memref<6160x16xf32, #tpu.memory_space<hbm>>) target_semaphore(%run_scoped3A : memref<!tpu.dma_semaphore, #tpu.memory_space<semaphore_mem>>)
        %dma_wait3A = arith.constant 0 : i32
        %dma_wait3A_234 = tpu.memref_slice %arg9[%add3A_229, %dma_wait3A] : memref<800000x16xf32, #tpu.memory_space<hbm>> -> memref<6160x16xf32, #tpu.memory_space<hbm>>
        %dma_wait3A_235 = arith.constant 93840 : i32
        %dma_wait3A_236 = arith.constant 0 : i32
        %dma_wait3A_237 = tpu.memref_slice %arg15[%dma_wait3A_235, %dma_wait3A_236] : memref<100096x16xf32, #tpu.memory_space<vmem_shared>> -> memref<6160x16xf32, #tpu.memory_space<vmem_shared>>
        tpu.wait_dma2 semaphore(%run_scoped3A : memref<!tpu.dma_semaphore, #tpu.memory_space<semaphore_mem>>) src(%dma_wait3A_237 : memref<6160x16xf32, #tpu.memory_space<vmem_shared>>) dst(%dma_wait3A_234 : memref<6160x16xf32, #tpu.memory_space<hbm>>)
        tpu.yield
      }) : () -> ()
    } else {
    }
    %barrier3A_128 = arith.constant 0 : index
    tpu.barrier barrier_id(%barrier3A_128)
    "tpu.region"() ({
      %run_scoped3A = tpu.sem_alloc : memref<!tpu.dma_semaphore, #tpu.memory_space<semaphore_mem>>
      %dma_start3A = arith.constant 0 : i32
      %dma_start3A_228 = tpu.memref_slice %arg15[%mul3A_0, %dma_start3A] : memref<100096x16xf32, #tpu.memory_space<vmem_shared>> -> memref<6256x16xf32, #tpu.memory_space<vmem_shared>>
      tpu.enqueue_dma source(%arg6 : memref<6256x16xf32, #tpu.memory_space<hbm>>) target(%dma_start3A_228 : memref<6256x16xf32, #tpu.memory_space<vmem_shared>>) target_semaphore(%run_scoped3A : memref<!tpu.dma_semaphore, #tpu.memory_space<semaphore_mem>>)
      %dma_wait3A = arith.constant 0 : i32
      %dma_wait3A_229 = tpu.memref_slice %arg15[%mul3A_0, %dma_wait3A] : memref<100096x16xf32, #tpu.memory_space<vmem_shared>> -> memref<6256x16xf32, #tpu.memory_space<vmem_shared>>
      tpu.wait_dma2 semaphore(%run_scoped3A : memref<!tpu.dma_semaphore, #tpu.memory_space<semaphore_mem>>) src(%arg6 : memref<6256x16xf32, #tpu.memory_space<hbm>>) dst(%dma_wait3A_229 : memref<6256x16xf32, #tpu.memory_space<vmem_shared>>)
      tpu.yield
    }) : () -> ()
    %barrier3A_129 = arith.constant 0 : index
    tpu.barrier barrier_id(%barrier3A_129)
    %add3A_130 = arith.constant 1 : i32
    %add3A_131 = arith.addi %mul3A_39, %add3A_130 : i32
    %mul3A_132 = arith.constant 201024 : i32
    %mul3A_133 = arith.muli %add3A_131, %mul3A_132 : i32
    %while3A_134 = arith.constant 0 : i32
    %while3A_135 = arith.constant 0 : i32
    %while3A_136 = arith.subi %squeeze3A_13, %while3A_135 : i32
    %while3A_137 = arith.addi %while3A_135, %while3A_136 : i32
    %while3A_138 = arith.constant 1 : i32
    %while3A_139 = arith.divsi %while3A_136, %while3A_138 : i32
    %while3A_140 = arith.muli %while3A_139, %while3A_138 : i32
    %while3A_141 = arith.addi %while3A_135, %while3A_140 : i32
    %while3A_142 = arith.constant 1 : i32
    scf.for %while3A_228 = %while3A_135 to %while3A_141 step %while3A_142  : i32 {
      %mul3A_229 = arith.constant 1024 : i32
      %mul3A_230 = arith.muli %while3A_228, %mul3A_229 : i32
      %add3A_231 = arith.addi %mul3A_133, %mul3A_230 : i32
      "tpu.region"() ({
        %run_scoped3A = tpu.sem_alloc : memref<!tpu.dma_semaphore, #tpu.memory_space<semaphore_mem>>
        %dma_start3A = tpu.memref_slice %arg4[%add3A_231] : memref<25731072xi32, #tpu.memory_space<hbm>> -> memref<1024xi32, #tpu.memory_space<hbm>>
        %dma_start3A_235 = tpu.memref_slice %arg4[%add3A_231] : memref<25731072xi32, #tpu.memory_space<hbm>> -> memref<1024xi32, #tpu.memory_space<hbm>>
        tpu.enqueue_dma source(%dma_start3A_235 : memref<1024xi32, #tpu.memory_space<hbm>>) target(%arg11 : memref<1024xi32, #tpu.memory_space<vmem>>) target_semaphore(%run_scoped3A : memref<!tpu.dma_semaphore, #tpu.memory_space<semaphore_mem>>)
        %dma_wait3A = tpu.memref_slice %arg4[%add3A_231] : memref<25731072xi32, #tpu.memory_space<hbm>> -> memref<1024xi32, #tpu.memory_space<hbm>>
        %dma_wait3A_236 = tpu.memref_slice %arg4[%add3A_231] : memref<25731072xi32, #tpu.memory_space<hbm>> -> memref<1024xi32, #tpu.memory_space<hbm>>
        tpu.wait_dma2 semaphore(%run_scoped3A : memref<!tpu.dma_semaphore, #tpu.memory_space<semaphore_mem>>) src(%dma_wait3A_236 : memref<1024xi32, #tpu.memory_space<hbm>>) dst(%arg11 : memref<1024xi32, #tpu.memory_space<vmem>>)
        tpu.yield
      }) : () -> ()
      %mul3A_232 = arith.constant 1024 : i32
      %mul3A_233 = arith.muli %while3A_228, %mul3A_232 : i32
      %add3A_234 = arith.addi %add3A_25, %mul3A_233 : i32
      "tpu.region"() ({
        %run_scoped3A = tpu.sem_alloc : memref<!tpu.dma_semaphore, #tpu.memory_space<semaphore_mem>>
        %dma_start3A = arith.constant 0 : i32
        %dma_start3A_235 = tpu.memref_slice %arg10[%add3A_234, %dma_start3A] : memref<6531072x16xf32, #tpu.memory_space<hbm>> -> memref<1024x16xf32, #tpu.memory_space<hbm>>
        %dma_start3A_236 = arith.constant 0 : i32
        %dma_start3A_237 = tpu.memref_slice %arg10[%add3A_234, %dma_start3A_236] : memref<6531072x16xf32, #tpu.memory_space<hbm>> -> memref<1024x16xf32, #tpu.memory_space<hbm>>
        tpu.enqueue_dma source(%dma_start3A_237 : memref<1024x16xf32, #tpu.memory_space<hbm>>) target(%arg12 : memref<1024x16xf32, #tpu.memory_space<vmem>>) target_semaphore(%run_scoped3A : memref<!tpu.dma_semaphore, #tpu.memory_space<semaphore_mem>>)
        %dma_wait3A = arith.constant 0 : i32
        %dma_wait3A_238 = tpu.memref_slice %arg10[%add3A_234, %dma_wait3A] : memref<6531072x16xf32, #tpu.memory_space<hbm>> -> memref<1024x16xf32, #tpu.memory_space<hbm>>
        %dma_wait3A_239 = arith.constant 0 : i32
        %dma_wait3A_240 = tpu.memref_slice %arg10[%add3A_234, %dma_wait3A_239] : memref<6531072x16xf32, #tpu.memory_space<hbm>> -> memref<1024x16xf32, #tpu.memory_space<hbm>>
        tpu.wait_dma2 semaphore(%run_scoped3A : memref<!tpu.dma_semaphore, #tpu.memory_space<semaphore_mem>>) src(%dma_wait3A_240 : memref<1024x16xf32, #tpu.memory_space<hbm>>) dst(%arg12 : memref<1024x16xf32, #tpu.memory_space<vmem>>)
        tpu.yield
      }) : () -> ()
      "tpu.region"() ({
        %run_scoped3A = tpu.sem_alloc : memref<!tpu.dma_semaphore, #tpu.memory_space<semaphore_mem>>
        %dma_start3A = arith.constant 0 : i32
        %dma_start3A_235 = arith.constant 0 : i32
        %dma_start3A_236 = tpu.memref_slice %arg15[%dma_start3A, %dma_start3A_235] : memref<100096x16xf32, #tpu.memory_space<vmem_shared>> -> memref<100096x16xf32, #tpu.memory_space<vmem_shared>>
        tpu.enqueue_indirect_dma source(%arg12 : memref<1024x16xf32, #tpu.memory_space<vmem>>) target(%dma_start3A_236 : memref<100096x16xf32, #tpu.memory_space<vmem_shared>>) offsets(%arg11 : memref<1024xi32, #tpu.memory_space<vmem>>) semaphore(%run_scoped3A : memref<!tpu.dma_semaphore, #tpu.memory_space<semaphore_mem>>) {add = true}
        %dma_wait3A = arith.constant 0 : i32
        %dma_wait3A_237 = arith.constant 0 : i32
        %dma_wait3A_238 = tpu.memref_slice %arg15[%dma_wait3A, %dma_wait3A_237] : memref<100096x16xf32, #tpu.memory_space<vmem_shared>> -> memref<100096x16xf32, #tpu.memory_space<vmem_shared>>
        tpu.wait_indirect_dma semaphore(%run_scoped3A : memref<!tpu.dma_semaphore, #tpu.memory_space<semaphore_mem>>) src(%arg12 : memref<1024x16xf32, #tpu.memory_space<vmem>>) dst(%dma_wait3A_238 : memref<100096x16xf32, #tpu.memory_space<vmem_shared>>)
        tpu.yield
      }) : () -> ()
    }
    %while3A_143 = arith.constant 1 : i32
    scf.for %while3A_228 = %while3A_141 to %while3A_137 step %while3A_143  : i32 {
      %mul3A_229 = arith.constant 1024 : i32
      %mul3A_230 = arith.muli %while3A_228, %mul3A_229 : i32
      %add3A_231 = arith.addi %mul3A_133, %mul3A_230 : i32
      "tpu.region"() ({
        %run_scoped3A = tpu.sem_alloc : memref<!tpu.dma_semaphore, #tpu.memory_space<semaphore_mem>>
        %dma_start3A = tpu.memref_slice %arg4[%add3A_231] : memref<25731072xi32, #tpu.memory_space<hbm>> -> memref<1024xi32, #tpu.memory_space<hbm>>
        %dma_start3A_235 = tpu.memref_slice %arg4[%add3A_231] : memref<25731072xi32, #tpu.memory_space<hbm>> -> memref<1024xi32, #tpu.memory_space<hbm>>
        tpu.enqueue_dma source(%dma_start3A_235 : memref<1024xi32, #tpu.memory_space<hbm>>) target(%arg11 : memref<1024xi32, #tpu.memory_space<vmem>>) target_semaphore(%run_scoped3A : memref<!tpu.dma_semaphore, #tpu.memory_space<semaphore_mem>>)
        %dma_wait3A = tpu.memref_slice %arg4[%add3A_231] : memref<25731072xi32, #tpu.memory_space<hbm>> -> memref<1024xi32, #tpu.memory_space<hbm>>
        %dma_wait3A_236 = tpu.memref_slice %arg4[%add3A_231] : memref<25731072xi32, #tpu.memory_space<hbm>> -> memref<1024xi32, #tpu.memory_space<hbm>>
        tpu.wait_dma2 semaphore(%run_scoped3A : memref<!tpu.dma_semaphore, #tpu.memory_space<semaphore_mem>>) src(%dma_wait3A_236 : memref<1024xi32, #tpu.memory_space<hbm>>) dst(%arg11 : memref<1024xi32, #tpu.memory_space<vmem>>)
        tpu.yield
      }) : () -> ()
      %mul3A_232 = arith.constant 1024 : i32
      %mul3A_233 = arith.muli %while3A_228, %mul3A_232 : i32
      %add3A_234 = arith.addi %add3A_25, %mul3A_233 : i32
      "tpu.region"() ({
        %run_scoped3A = tpu.sem_alloc : memref<!tpu.dma_semaphore, #tpu.memory_space<semaphore_mem>>
        %dma_start3A = arith.constant 0 : i32
        %dma_start3A_235 = tpu.memref_slice %arg10[%add3A_234, %dma_start3A] : memref<6531072x16xf32, #tpu.memory_space<hbm>> -> memref<1024x16xf32, #tpu.memory_space<hbm>>
        %dma_start3A_236 = arith.constant 0 : i32
        %dma_start3A_237 = tpu.memref_slice %arg10[%add3A_234, %dma_start3A_236] : memref<6531072x16xf32, #tpu.memory_space<hbm>> -> memref<1024x16xf32, #tpu.memory_space<hbm>>
        tpu.enqueue_dma source(%dma_start3A_237 : memref<1024x16xf32, #tpu.memory_space<hbm>>) target(%arg12 : memref<1024x16xf32, #tpu.memory_space<vmem>>) target_semaphore(%run_scoped3A : memref<!tpu.dma_semaphore, #tpu.memory_space<semaphore_mem>>)
        %dma_wait3A = arith.constant 0 : i32
        %dma_wait3A_238 = tpu.memref_slice %arg10[%add3A_234, %dma_wait3A] : memref<6531072x16xf32, #tpu.memory_space<hbm>> -> memref<1024x16xf32, #tpu.memory_space<hbm>>
        %dma_wait3A_239 = arith.constant 0 : i32
        %dma_wait3A_240 = tpu.memref_slice %arg10[%add3A_234, %dma_wait3A_239] : memref<6531072x16xf32, #tpu.memory_space<hbm>> -> memref<1024x16xf32, #tpu.memory_space<hbm>>
        tpu.wait_dma2 semaphore(%run_scoped3A : memref<!tpu.dma_semaphore, #tpu.memory_space<semaphore_mem>>) src(%dma_wait3A_240 : memref<1024x16xf32, #tpu.memory_space<hbm>>) dst(%arg12 : memref<1024x16xf32, #tpu.memory_space<vmem>>)
        tpu.yield
      }) : () -> ()
      "tpu.region"() ({
        %run_scoped3A = tpu.sem_alloc : memref<!tpu.dma_semaphore, #tpu.memory_space<semaphore_mem>>
        %dma_start3A = arith.constant 0 : i32
        %dma_start3A_235 = arith.constant 0 : i32
        %dma_start3A_236 = tpu.memref_slice %arg15[%dma_start3A, %dma_start3A_235] : memref<100096x16xf32, #tpu.memory_space<vmem_shared>> -> memref<100096x16xf32, #tpu.memory_space<vmem_shared>>
        tpu.enqueue_indirect_dma source(%arg12 : memref<1024x16xf32, #tpu.memory_space<vmem>>) target(%dma_start3A_236 : memref<100096x16xf32, #tpu.memory_space<vmem_shared>>) offsets(%arg11 : memref<1024xi32, #tpu.memory_space<vmem>>) semaphore(%run_scoped3A : memref<!tpu.dma_semaphore, #tpu.memory_space<semaphore_mem>>) {add = true}
        %dma_wait3A = arith.constant 0 : i32
        %dma_wait3A_237 = arith.constant 0 : i32
        %dma_wait3A_238 = tpu.memref_slice %arg15[%dma_wait3A, %dma_wait3A_237] : memref<100096x16xf32, #tpu.memory_space<vmem_shared>> -> memref<100096x16xf32, #tpu.memory_space<vmem_shared>>
        tpu.wait_indirect_dma semaphore(%run_scoped3A : memref<!tpu.dma_semaphore, #tpu.memory_space<semaphore_mem>>) src(%arg12 : memref<1024x16xf32, #tpu.memory_space<vmem>>) dst(%dma_wait3A_238 : memref<100096x16xf32, #tpu.memory_space<vmem_shared>>)
        tpu.yield
      }) : () -> ()
    }
    %barrier3A_144 = arith.constant 0 : index
    tpu.barrier barrier_id(%barrier3A_144)
    %mul3A_145 = arith.constant 4 : i32
    %mul3A_146 = arith.muli %arg0, %mul3A_145 : i32
    %add3A_147 = arith.constant 1 : i32
    %add3A_148 = arith.addi %mul3A_146, %add3A_147 : i32
    %mul3A_149 = arith.constant 100000 : i32
    %mul3A_150 = arith.muli %add3A_148, %mul3A_149 : i32
    %lt3A_151 = arith.constant 15 : i32
    %lt3A_152 = arith.cmpi slt, %arg1, %lt3A_151 : i32
    %convert_element_type3A_153 = arith.extui %lt3A_152 : i1 to i32
    %cond3A_154 = arith.constant 0 : i32
    %cond3A_155 = arith.cmpi ne, %convert_element_type3A_153, %cond3A_154 : i32
    scf.if %cond3A_155 {
      %add3A_228 = arith.addi %mul3A_150, %mul3A_0 : i32
      "tpu.region"() ({
        %run_scoped3A = tpu.sem_alloc : memref<!tpu.dma_semaphore, #tpu.memory_space<semaphore_mem>>
        %dma_start3A = arith.constant 0 : i32
        %dma_start3A_229 = tpu.memref_slice %arg9[%add3A_228, %dma_start3A] : memref<800000x16xf32, #tpu.memory_space<hbm>> -> memref<6256x16xf32, #tpu.memory_space<hbm>>
        %dma_start3A_230 = arith.constant 0 : i32
        %dma_start3A_231 = tpu.memref_slice %arg15[%mul3A_0, %dma_start3A_230] : memref<100096x16xf32, #tpu.memory_space<vmem_shared>> -> memref<6256x16xf32, #tpu.memory_space<vmem_shared>>
        tpu.enqueue_dma source(%dma_start3A_231 : memref<6256x16xf32, #tpu.memory_space<vmem_shared>>) target(%dma_start3A_229 : memref<6256x16xf32, #tpu.memory_space<hbm>>) target_semaphore(%run_scoped3A : memref<!tpu.dma_semaphore, #tpu.memory_space<semaphore_mem>>)
        %dma_wait3A = arith.constant 0 : i32
        %dma_wait3A_232 = tpu.memref_slice %arg9[%add3A_228, %dma_wait3A] : memref<800000x16xf32, #tpu.memory_space<hbm>> -> memref<6256x16xf32, #tpu.memory_space<hbm>>
        %dma_wait3A_233 = arith.constant 0 : i32
        %dma_wait3A_234 = tpu.memref_slice %arg15[%mul3A_0, %dma_wait3A_233] : memref<100096x16xf32, #tpu.memory_space<vmem_shared>> -> memref<6256x16xf32, #tpu.memory_space<vmem_shared>>
        tpu.wait_dma2 semaphore(%run_scoped3A : memref<!tpu.dma_semaphore, #tpu.memory_space<semaphore_mem>>) src(%dma_wait3A_234 : memref<6256x16xf32, #tpu.memory_space<vmem_shared>>) dst(%dma_wait3A_232 : memref<6256x16xf32, #tpu.memory_space<hbm>>)
        tpu.yield
      }) : () -> ()
    } else {
    }
    %eq3A_156 = arith.constant 15 : i32
    %eq3A_157 = arith.cmpi eq, %arg1, %eq3A_156 : i32
    %convert_element_type3A_158 = arith.extui %eq3A_157 : i1 to i32
    %cond3A_159 = arith.constant 0 : i32
    %cond3A_160 = arith.cmpi ne, %convert_element_type3A_158, %cond3A_159 : i32
    scf.if %cond3A_160 {
      %add3A_228 = arith.constant 93840 : i32
      %add3A_229 = arith.addi %mul3A_150, %add3A_228 : i32
      "tpu.region"() ({
        %run_scoped3A = tpu.sem_alloc : memref<!tpu.dma_semaphore, #tpu.memory_space<semaphore_mem>>
        %dma_start3A = arith.constant 0 : i32
        %dma_start3A_230 = tpu.memref_slice %arg9[%add3A_229, %dma_start3A] : memref<800000x16xf32, #tpu.memory_space<hbm>> -> memref<6160x16xf32, #tpu.memory_space<hbm>>
        %dma_start3A_231 = arith.constant 93840 : i32
        %dma_start3A_232 = arith.constant 0 : i32
        %dma_start3A_233 = tpu.memref_slice %arg15[%dma_start3A_231, %dma_start3A_232] : memref<100096x16xf32, #tpu.memory_space<vmem_shared>> -> memref<6160x16xf32, #tpu.memory_space<vmem_shared>>
        tpu.enqueue_dma source(%dma_start3A_233 : memref<6160x16xf32, #tpu.memory_space<vmem_shared>>) target(%dma_start3A_230 : memref<6160x16xf32, #tpu.memory_space<hbm>>) target_semaphore(%run_scoped3A : memref<!tpu.dma_semaphore, #tpu.memory_space<semaphore_mem>>)
        %dma_wait3A = arith.constant 0 : i32
        %dma_wait3A_234 = tpu.memref_slice %arg9[%add3A_229, %dma_wait3A] : memref<800000x16xf32, #tpu.memory_space<hbm>> -> memref<6160x16xf32, #tpu.memory_space<hbm>>
        %dma_wait3A_235 = arith.constant 93840 : i32
        %dma_wait3A_236 = arith.constant 0 : i32
        %dma_wait3A_237 = tpu.memref_slice %arg15[%dma_wait3A_235, %dma_wait3A_236] : memref<100096x16xf32, #tpu.memory_space<vmem_shared>> -> memref<6160x16xf32, #tpu.memory_space<vmem_shared>>
        tpu.wait_dma2 semaphore(%run_scoped3A : memref<!tpu.dma_semaphore, #tpu.memory_space<semaphore_mem>>) src(%dma_wait3A_237 : memref<6160x16xf32, #tpu.memory_space<vmem_shared>>) dst(%dma_wait3A_234 : memref<6160x16xf32, #tpu.memory_space<hbm>>)
        tpu.yield
      }) : () -> ()
    } else {
    }
    %barrier3A_161 = arith.constant 0 : index
    tpu.barrier barrier_id(%barrier3A_161)
    "tpu.region"() ({
      %run_scoped3A = tpu.sem_alloc : memref<!tpu.dma_semaphore, #tpu.memory_space<semaphore_mem>>
      %dma_start3A = arith.constant 0 : i32
      %dma_start3A_228 = tpu.memref_slice %arg15[%mul3A_0, %dma_start3A] : memref<100096x16xf32, #tpu.memory_space<vmem_shared>> -> memref<6256x16xf32, #tpu.memory_space<vmem_shared>>
      tpu.enqueue_dma source(%arg6 : memref<6256x16xf32, #tpu.memory_space<hbm>>) target(%dma_start3A_228 : memref<6256x16xf32, #tpu.memory_space<vmem_shared>>) target_semaphore(%run_scoped3A : memref<!tpu.dma_semaphore, #tpu.memory_space<semaphore_mem>>)
      %dma_wait3A = arith.constant 0 : i32
      %dma_wait3A_229 = tpu.memref_slice %arg15[%mul3A_0, %dma_wait3A] : memref<100096x16xf32, #tpu.memory_space<vmem_shared>> -> memref<6256x16xf32, #tpu.memory_space<vmem_shared>>
      tpu.wait_dma2 semaphore(%run_scoped3A : memref<!tpu.dma_semaphore, #tpu.memory_space<semaphore_mem>>) src(%arg6 : memref<6256x16xf32, #tpu.memory_space<hbm>>) dst(%dma_wait3A_229 : memref<6256x16xf32, #tpu.memory_space<vmem_shared>>)
      tpu.yield
    }) : () -> ()
    %barrier3A_162 = arith.constant 0 : index
    tpu.barrier barrier_id(%barrier3A_162)
    %add3A_163 = arith.constant 2 : i32
    %add3A_164 = arith.addi %mul3A_39, %add3A_163 : i32
    %mul3A_165 = arith.constant 201024 : i32
    %mul3A_166 = arith.muli %add3A_164, %mul3A_165 : i32
    %while3A_167 = arith.constant 0 : i32
    %while3A_168 = arith.constant 0 : i32
    %while3A_169 = arith.subi %squeeze3A_15, %while3A_168 : i32
    %while3A_170 = arith.addi %while3A_168, %while3A_169 : i32
    %while3A_171 = arith.constant 1 : i32
    %while3A_172 = arith.divsi %while3A_169, %while3A_171 : i32
    %while3A_173 = arith.muli %while3A_172, %while3A_171 : i32
    %while3A_174 = arith.addi %while3A_168, %while3A_173 : i32
    %while3A_175 = arith.constant 1 : i32
    scf.for %while3A_228 = %while3A_168 to %while3A_174 step %while3A_175  : i32 {
      %mul3A_229 = arith.constant 1024 : i32
      %mul3A_230 = arith.muli %while3A_228, %mul3A_229 : i32
      %add3A_231 = arith.addi %mul3A_166, %mul3A_230 : i32
      "tpu.region"() ({
        %run_scoped3A = tpu.sem_alloc : memref<!tpu.dma_semaphore, #tpu.memory_space<semaphore_mem>>
        %dma_start3A = tpu.memref_slice %arg4[%add3A_231] : memref<25731072xi32, #tpu.memory_space<hbm>> -> memref<1024xi32, #tpu.memory_space<hbm>>
        %dma_start3A_235 = tpu.memref_slice %arg4[%add3A_231] : memref<25731072xi32, #tpu.memory_space<hbm>> -> memref<1024xi32, #tpu.memory_space<hbm>>
        tpu.enqueue_dma source(%dma_start3A_235 : memref<1024xi32, #tpu.memory_space<hbm>>) target(%arg11 : memref<1024xi32, #tpu.memory_space<vmem>>) target_semaphore(%run_scoped3A : memref<!tpu.dma_semaphore, #tpu.memory_space<semaphore_mem>>)
        %dma_wait3A = tpu.memref_slice %arg4[%add3A_231] : memref<25731072xi32, #tpu.memory_space<hbm>> -> memref<1024xi32, #tpu.memory_space<hbm>>
        %dma_wait3A_236 = tpu.memref_slice %arg4[%add3A_231] : memref<25731072xi32, #tpu.memory_space<hbm>> -> memref<1024xi32, #tpu.memory_space<hbm>>
        tpu.wait_dma2 semaphore(%run_scoped3A : memref<!tpu.dma_semaphore, #tpu.memory_space<semaphore_mem>>) src(%dma_wait3A_236 : memref<1024xi32, #tpu.memory_space<hbm>>) dst(%arg11 : memref<1024xi32, #tpu.memory_space<vmem>>)
        tpu.yield
      }) : () -> ()
      %mul3A_232 = arith.constant 1024 : i32
      %mul3A_233 = arith.muli %while3A_228, %mul3A_232 : i32
      %add3A_234 = arith.addi %add3A_29, %mul3A_233 : i32
      "tpu.region"() ({
        %run_scoped3A = tpu.sem_alloc : memref<!tpu.dma_semaphore, #tpu.memory_space<semaphore_mem>>
        %dma_start3A = arith.constant 0 : i32
        %dma_start3A_235 = tpu.memref_slice %arg10[%add3A_234, %dma_start3A] : memref<6531072x16xf32, #tpu.memory_space<hbm>> -> memref<1024x16xf32, #tpu.memory_space<hbm>>
        %dma_start3A_236 = arith.constant 0 : i32
        %dma_start3A_237 = tpu.memref_slice %arg10[%add3A_234, %dma_start3A_236] : memref<6531072x16xf32, #tpu.memory_space<hbm>> -> memref<1024x16xf32, #tpu.memory_space<hbm>>
        tpu.enqueue_dma source(%dma_start3A_237 : memref<1024x16xf32, #tpu.memory_space<hbm>>) target(%arg12 : memref<1024x16xf32, #tpu.memory_space<vmem>>) target_semaphore(%run_scoped3A : memref<!tpu.dma_semaphore, #tpu.memory_space<semaphore_mem>>)
        %dma_wait3A = arith.constant 0 : i32
        %dma_wait3A_238 = tpu.memref_slice %arg10[%add3A_234, %dma_wait3A] : memref<6531072x16xf32, #tpu.memory_space<hbm>> -> memref<1024x16xf32, #tpu.memory_space<hbm>>
        %dma_wait3A_239 = arith.constant 0 : i32
        %dma_wait3A_240 = tpu.memref_slice %arg10[%add3A_234, %dma_wait3A_239] : memref<6531072x16xf32, #tpu.memory_space<hbm>> -> memref<1024x16xf32, #tpu.memory_space<hbm>>
        tpu.wait_dma2 semaphore(%run_scoped3A : memref<!tpu.dma_semaphore, #tpu.memory_space<semaphore_mem>>) src(%dma_wait3A_240 : memref<1024x16xf32, #tpu.memory_space<hbm>>) dst(%arg12 : memref<1024x16xf32, #tpu.memory_space<vmem>>)
        tpu.yield
      }) : () -> ()
      "tpu.region"() ({
        %run_scoped3A = tpu.sem_alloc : memref<!tpu.dma_semaphore, #tpu.memory_space<semaphore_mem>>
        %dma_start3A = arith.constant 0 : i32
        %dma_start3A_235 = arith.constant 0 : i32
        %dma_start3A_236 = tpu.memref_slice %arg15[%dma_start3A, %dma_start3A_235] : memref<100096x16xf32, #tpu.memory_space<vmem_shared>> -> memref<100096x16xf32, #tpu.memory_space<vmem_shared>>
        tpu.enqueue_indirect_dma source(%arg12 : memref<1024x16xf32, #tpu.memory_space<vmem>>) target(%dma_start3A_236 : memref<100096x16xf32, #tpu.memory_space<vmem_shared>>) offsets(%arg11 : memref<1024xi32, #tpu.memory_space<vmem>>) semaphore(%run_scoped3A : memref<!tpu.dma_semaphore, #tpu.memory_space<semaphore_mem>>) {add = true}
        %dma_wait3A = arith.constant 0 : i32
        %dma_wait3A_237 = arith.constant 0 : i32
        %dma_wait3A_238 = tpu.memref_slice %arg15[%dma_wait3A, %dma_wait3A_237] : memref<100096x16xf32, #tpu.memory_space<vmem_shared>> -> memref<100096x16xf32, #tpu.memory_space<vmem_shared>>
        tpu.wait_indirect_dma semaphore(%run_scoped3A : memref<!tpu.dma_semaphore, #tpu.memory_space<semaphore_mem>>) src(%arg12 : memref<1024x16xf32, #tpu.memory_space<vmem>>) dst(%dma_wait3A_238 : memref<100096x16xf32, #tpu.memory_space<vmem_shared>>)
        tpu.yield
      }) : () -> ()
    }
    %while3A_176 = arith.constant 1 : i32
    scf.for %while3A_228 = %while3A_174 to %while3A_170 step %while3A_176  : i32 {
      %mul3A_229 = arith.constant 1024 : i32
      %mul3A_230 = arith.muli %while3A_228, %mul3A_229 : i32
      %add3A_231 = arith.addi %mul3A_166, %mul3A_230 : i32
      "tpu.region"() ({
        %run_scoped3A = tpu.sem_alloc : memref<!tpu.dma_semaphore, #tpu.memory_space<semaphore_mem>>
        %dma_start3A = tpu.memref_slice %arg4[%add3A_231] : memref<25731072xi32, #tpu.memory_space<hbm>> -> memref<1024xi32, #tpu.memory_space<hbm>>
        %dma_start3A_235 = tpu.memref_slice %arg4[%add3A_231] : memref<25731072xi32, #tpu.memory_space<hbm>> -> memref<1024xi32, #tpu.memory_space<hbm>>
        tpu.enqueue_dma source(%dma_start3A_235 : memref<1024xi32, #tpu.memory_space<hbm>>) target(%arg11 : memref<1024xi32, #tpu.memory_space<vmem>>) target_semaphore(%run_scoped3A : memref<!tpu.dma_semaphore, #tpu.memory_space<semaphore_mem>>)
        %dma_wait3A = tpu.memref_slice %arg4[%add3A_231] : memref<25731072xi32, #tpu.memory_space<hbm>> -> memref<1024xi32, #tpu.memory_space<hbm>>
        %dma_wait3A_236 = tpu.memref_slice %arg4[%add3A_231] : memref<25731072xi32, #tpu.memory_space<hbm>> -> memref<1024xi32, #tpu.memory_space<hbm>>
        tpu.wait_dma2 semaphore(%run_scoped3A : memref<!tpu.dma_semaphore, #tpu.memory_space<semaphore_mem>>) src(%dma_wait3A_236 : memref<1024xi32, #tpu.memory_space<hbm>>) dst(%arg11 : memref<1024xi32, #tpu.memory_space<vmem>>)
        tpu.yield
      }) : () -> ()
      %mul3A_232 = arith.constant 1024 : i32
      %mul3A_233 = arith.muli %while3A_228, %mul3A_232 : i32
      %add3A_234 = arith.addi %add3A_29, %mul3A_233 : i32
      "tpu.region"() ({
        %run_scoped3A = tpu.sem_alloc : memref<!tpu.dma_semaphore, #tpu.memory_space<semaphore_mem>>
        %dma_start3A = arith.constant 0 : i32
        %dma_start3A_235 = tpu.memref_slice %arg10[%add3A_234, %dma_start3A] : memref<6531072x16xf32, #tpu.memory_space<hbm>> -> memref<1024x16xf32, #tpu.memory_space<hbm>>
        %dma_start3A_236 = arith.constant 0 : i32
        %dma_start3A_237 = tpu.memref_slice %arg10[%add3A_234, %dma_start3A_236] : memref<6531072x16xf32, #tpu.memory_space<hbm>> -> memref<1024x16xf32, #tpu.memory_space<hbm>>
        tpu.enqueue_dma source(%dma_start3A_237 : memref<1024x16xf32, #tpu.memory_space<hbm>>) target(%arg12 : memref<1024x16xf32, #tpu.memory_space<vmem>>) target_semaphore(%run_scoped3A : memref<!tpu.dma_semaphore, #tpu.memory_space<semaphore_mem>>)
        %dma_wait3A = arith.constant 0 : i32
        %dma_wait3A_238 = tpu.memref_slice %arg10[%add3A_234, %dma_wait3A] : memref<6531072x16xf32, #tpu.memory_space<hbm>> -> memref<1024x16xf32, #tpu.memory_space<hbm>>
        %dma_wait3A_239 = arith.constant 0 : i32
        %dma_wait3A_240 = tpu.memref_slice %arg10[%add3A_234, %dma_wait3A_239] : memref<6531072x16xf32, #tpu.memory_space<hbm>> -> memref<1024x16xf32, #tpu.memory_space<hbm>>
        tpu.wait_dma2 semaphore(%run_scoped3A : memref<!tpu.dma_semaphore, #tpu.memory_space<semaphore_mem>>) src(%dma_wait3A_240 : memref<1024x16xf32, #tpu.memory_space<hbm>>) dst(%arg12 : memref<1024x16xf32, #tpu.memory_space<vmem>>)
        tpu.yield
      }) : () -> ()
      "tpu.region"() ({
        %run_scoped3A = tpu.sem_alloc : memref<!tpu.dma_semaphore, #tpu.memory_space<semaphore_mem>>
        %dma_start3A = arith.constant 0 : i32
        %dma_start3A_235 = arith.constant 0 : i32
        %dma_start3A_236 = tpu.memref_slice %arg15[%dma_start3A, %dma_start3A_235] : memref<100096x16xf32, #tpu.memory_space<vmem_shared>> -> memref<100096x16xf32, #tpu.memory_space<vmem_shared>>
        tpu.enqueue_indirect_dma source(%arg12 : memref<1024x16xf32, #tpu.memory_space<vmem>>) target(%dma_start3A_236 : memref<100096x16xf32, #tpu.memory_space<vmem_shared>>) offsets(%arg11 : memref<1024xi32, #tpu.memory_space<vmem>>) semaphore(%run_scoped3A : memref<!tpu.dma_semaphore, #tpu.memory_space<semaphore_mem>>) {add = true}
        %dma_wait3A = arith.constant 0 : i32
        %dma_wait3A_237 = arith.constant 0 : i32
        %dma_wait3A_238 = tpu.memref_slice %arg15[%dma_wait3A, %dma_wait3A_237] : memref<100096x16xf32, #tpu.memory_space<vmem_shared>> -> memref<100096x16xf32, #tpu.memory_space<vmem_shared>>
        tpu.wait_indirect_dma semaphore(%run_scoped3A : memref<!tpu.dma_semaphore, #tpu.memory_space<semaphore_mem>>) src(%arg12 : memref<1024x16xf32, #tpu.memory_space<vmem>>) dst(%dma_wait3A_238 : memref<100096x16xf32, #tpu.memory_space<vmem_shared>>)
        tpu.yield
      }) : () -> ()
    }
    %barrier3A_177 = arith.constant 0 : index
    tpu.barrier barrier_id(%barrier3A_177)
    %mul3A_178 = arith.constant 4 : i32
    %mul3A_179 = arith.muli %arg0, %mul3A_178 : i32
    %add3A_180 = arith.constant 2 : i32
    %add3A_181 = arith.addi %mul3A_179, %add3A_180 : i32
    %mul3A_182 = arith.constant 100000 : i32
    %mul3A_183 = arith.muli %add3A_181, %mul3A_182 : i32
    %lt3A_184 = arith.constant 15 : i32
    %lt3A_185 = arith.cmpi slt, %arg1, %lt3A_184 : i32
    %convert_element_type3A_186 = arith.extui %lt3A_185 : i1 to i32
    %cond3A_187 = arith.constant 0 : i32
    %cond3A_188 = arith.cmpi ne, %convert_element_type3A_186, %cond3A_187 : i32
    scf.if %cond3A_188 {
      %add3A_228 = arith.addi %mul3A_183, %mul3A_0 : i32
      "tpu.region"() ({
        %run_scoped3A = tpu.sem_alloc : memref<!tpu.dma_semaphore, #tpu.memory_space<semaphore_mem>>
        %dma_start3A = arith.constant 0 : i32
        %dma_start3A_229 = tpu.memref_slice %arg9[%add3A_228, %dma_start3A] : memref<800000x16xf32, #tpu.memory_space<hbm>> -> memref<6256x16xf32, #tpu.memory_space<hbm>>
        %dma_start3A_230 = arith.constant 0 : i32
        %dma_start3A_231 = tpu.memref_slice %arg15[%mul3A_0, %dma_start3A_230] : memref<100096x16xf32, #tpu.memory_space<vmem_shared>> -> memref<6256x16xf32, #tpu.memory_space<vmem_shared>>
        tpu.enqueue_dma source(%dma_start3A_231 : memref<6256x16xf32, #tpu.memory_space<vmem_shared>>) target(%dma_start3A_229 : memref<6256x16xf32, #tpu.memory_space<hbm>>) target_semaphore(%run_scoped3A : memref<!tpu.dma_semaphore, #tpu.memory_space<semaphore_mem>>)
        %dma_wait3A = arith.constant 0 : i32
        %dma_wait3A_232 = tpu.memref_slice %arg9[%add3A_228, %dma_wait3A] : memref<800000x16xf32, #tpu.memory_space<hbm>> -> memref<6256x16xf32, #tpu.memory_space<hbm>>
        %dma_wait3A_233 = arith.constant 0 : i32
        %dma_wait3A_234 = tpu.memref_slice %arg15[%mul3A_0, %dma_wait3A_233] : memref<100096x16xf32, #tpu.memory_space<vmem_shared>> -> memref<6256x16xf32, #tpu.memory_space<vmem_shared>>
        tpu.wait_dma2 semaphore(%run_scoped3A : memref<!tpu.dma_semaphore, #tpu.memory_space<semaphore_mem>>) src(%dma_wait3A_234 : memref<6256x16xf32, #tpu.memory_space<vmem_shared>>) dst(%dma_wait3A_232 : memref<6256x16xf32, #tpu.memory_space<hbm>>)
        tpu.yield
      }) : () -> ()
    } else {
    }
    %eq3A_189 = arith.constant 15 : i32
    %eq3A_190 = arith.cmpi eq, %arg1, %eq3A_189 : i32
    %convert_element_type3A_191 = arith.extui %eq3A_190 : i1 to i32
    %cond3A_192 = arith.constant 0 : i32
    %cond3A_193 = arith.cmpi ne, %convert_element_type3A_191, %cond3A_192 : i32
    scf.if %cond3A_193 {
      %add3A_228 = arith.constant 93840 : i32
      %add3A_229 = arith.addi %mul3A_183, %add3A_228 : i32
      "tpu.region"() ({
        %run_scoped3A = tpu.sem_alloc : memref<!tpu.dma_semaphore, #tpu.memory_space<semaphore_mem>>
        %dma_start3A = arith.constant 0 : i32
        %dma_start3A_230 = tpu.memref_slice %arg9[%add3A_229, %dma_start3A] : memref<800000x16xf32, #tpu.memory_space<hbm>> -> memref<6160x16xf32, #tpu.memory_space<hbm>>
        %dma_start3A_231 = arith.constant 93840 : i32
        %dma_start3A_232 = arith.constant 0 : i32
        %dma_start3A_233 = tpu.memref_slice %arg15[%dma_start3A_231, %dma_start3A_232] : memref<100096x16xf32, #tpu.memory_space<vmem_shared>> -> memref<6160x16xf32, #tpu.memory_space<vmem_shared>>
        tpu.enqueue_dma source(%dma_start3A_233 : memref<6160x16xf32, #tpu.memory_space<vmem_shared>>) target(%dma_start3A_230 : memref<6160x16xf32, #tpu.memory_space<hbm>>) target_semaphore(%run_scoped3A : memref<!tpu.dma_semaphore, #tpu.memory_space<semaphore_mem>>)
        %dma_wait3A = arith.constant 0 : i32
        %dma_wait3A_234 = tpu.memref_slice %arg9[%add3A_229, %dma_wait3A] : memref<800000x16xf32, #tpu.memory_space<hbm>> -> memref<6160x16xf32, #tpu.memory_space<hbm>>
        %dma_wait3A_235 = arith.constant 93840 : i32
        %dma_wait3A_236 = arith.constant 0 : i32
        %dma_wait3A_237 = tpu.memref_slice %arg15[%dma_wait3A_235, %dma_wait3A_236] : memref<100096x16xf32, #tpu.memory_space<vmem_shared>> -> memref<6160x16xf32, #tpu.memory_space<vmem_shared>>
        tpu.wait_dma2 semaphore(%run_scoped3A : memref<!tpu.dma_semaphore, #tpu.memory_space<semaphore_mem>>) src(%dma_wait3A_237 : memref<6160x16xf32, #tpu.memory_space<vmem_shared>>) dst(%dma_wait3A_234 : memref<6160x16xf32, #tpu.memory_space<hbm>>)
        tpu.yield
      }) : () -> ()
    } else {
    }
    %barrier3A_194 = arith.constant 0 : index
    tpu.barrier barrier_id(%barrier3A_194)
    "tpu.region"() ({
      %run_scoped3A = tpu.sem_alloc : memref<!tpu.dma_semaphore, #tpu.memory_space<semaphore_mem>>
      %dma_start3A = arith.constant 0 : i32
      %dma_start3A_228 = tpu.memref_slice %arg15[%mul3A_0, %dma_start3A] : memref<100096x16xf32, #tpu.memory_space<vmem_shared>> -> memref<6256x16xf32, #tpu.memory_space<vmem_shared>>
      tpu.enqueue_dma source(%arg6 : memref<6256x16xf32, #tpu.memory_space<hbm>>) target(%dma_start3A_228 : memref<6256x16xf32, #tpu.memory_space<vmem_shared>>) target_semaphore(%run_scoped3A : memref<!tpu.dma_semaphore, #tpu.memory_space<semaphore_mem>>)
      %dma_wait3A = arith.constant 0 : i32
      %dma_wait3A_229 = tpu.memref_slice %arg15[%mul3A_0, %dma_wait3A] : memref<100096x16xf32, #tpu.memory_space<vmem_shared>> -> memref<6256x16xf32, #tpu.memory_space<vmem_shared>>
      tpu.wait_dma2 semaphore(%run_scoped3A : memref<!tpu.dma_semaphore, #tpu.memory_space<semaphore_mem>>) src(%arg6 : memref<6256x16xf32, #tpu.memory_space<hbm>>) dst(%dma_wait3A_229 : memref<6256x16xf32, #tpu.memory_space<vmem_shared>>)
      tpu.yield
    }) : () -> ()
    %barrier3A_195 = arith.constant 0 : index
    tpu.barrier barrier_id(%barrier3A_195)
    %add3A_196 = arith.constant 3 : i32
    %add3A_197 = arith.addi %mul3A_39, %add3A_196 : i32
    %mul3A_198 = arith.constant 201024 : i32
    %mul3A_199 = arith.muli %add3A_197, %mul3A_198 : i32
    %while3A_200 = arith.constant 0 : i32
    %while3A_201 = arith.constant 0 : i32
    %while3A_202 = arith.subi %squeeze3A_17, %while3A_201 : i32
    %while3A_203 = arith.addi %while3A_201, %while3A_202 : i32
    %while3A_204 = arith.constant 1 : i32
    %while3A_205 = arith.divsi %while3A_202, %while3A_204 : i32
    %while3A_206 = arith.muli %while3A_205, %while3A_204 : i32
    %while3A_207 = arith.addi %while3A_201, %while3A_206 : i32
    %while3A_208 = arith.constant 1 : i32
    scf.for %while3A_228 = %while3A_201 to %while3A_207 step %while3A_208  : i32 {
      %mul3A_229 = arith.constant 1024 : i32
      %mul3A_230 = arith.muli %while3A_228, %mul3A_229 : i32
      %add3A_231 = arith.addi %mul3A_199, %mul3A_230 : i32
      "tpu.region"() ({
        %run_scoped3A = tpu.sem_alloc : memref<!tpu.dma_semaphore, #tpu.memory_space<semaphore_mem>>
        %dma_start3A = tpu.memref_slice %arg4[%add3A_231] : memref<25731072xi32, #tpu.memory_space<hbm>> -> memref<1024xi32, #tpu.memory_space<hbm>>
        %dma_start3A_235 = tpu.memref_slice %arg4[%add3A_231] : memref<25731072xi32, #tpu.memory_space<hbm>> -> memref<1024xi32, #tpu.memory_space<hbm>>
        tpu.enqueue_dma source(%dma_start3A_235 : memref<1024xi32, #tpu.memory_space<hbm>>) target(%arg11 : memref<1024xi32, #tpu.memory_space<vmem>>) target_semaphore(%run_scoped3A : memref<!tpu.dma_semaphore, #tpu.memory_space<semaphore_mem>>)
        %dma_wait3A = tpu.memref_slice %arg4[%add3A_231] : memref<25731072xi32, #tpu.memory_space<hbm>> -> memref<1024xi32, #tpu.memory_space<hbm>>
        %dma_wait3A_236 = tpu.memref_slice %arg4[%add3A_231] : memref<25731072xi32, #tpu.memory_space<hbm>> -> memref<1024xi32, #tpu.memory_space<hbm>>
        tpu.wait_dma2 semaphore(%run_scoped3A : memref<!tpu.dma_semaphore, #tpu.memory_space<semaphore_mem>>) src(%dma_wait3A_236 : memref<1024xi32, #tpu.memory_space<hbm>>) dst(%arg11 : memref<1024xi32, #tpu.memory_space<vmem>>)
        tpu.yield
      }) : () -> ()
      %mul3A_232 = arith.constant 1024 : i32
      %mul3A_233 = arith.muli %while3A_228, %mul3A_232 : i32
      %add3A_234 = arith.addi %add3A_34, %mul3A_233 : i32
      "tpu.region"() ({
        %run_scoped3A = tpu.sem_alloc : memref<!tpu.dma_semaphore, #tpu.memory_space<semaphore_mem>>
        %dma_start3A = arith.constant 0 : i32
        %dma_start3A_235 = tpu.memref_slice %arg10[%add3A_234, %dma_start3A] : memref<6531072x16xf32, #tpu.memory_space<hbm>> -> memref<1024x16xf32, #tpu.memory_space<hbm>>
        %dma_start3A_236 = arith.constant 0 : i32
        %dma_start3A_237 = tpu.memref_slice %arg10[%add3A_234, %dma_start3A_236] : memref<6531072x16xf32, #tpu.memory_space<hbm>> -> memref<1024x16xf32, #tpu.memory_space<hbm>>
        tpu.enqueue_dma source(%dma_start3A_237 : memref<1024x16xf32, #tpu.memory_space<hbm>>) target(%arg12 : memref<1024x16xf32, #tpu.memory_space<vmem>>) target_semaphore(%run_scoped3A : memref<!tpu.dma_semaphore, #tpu.memory_space<semaphore_mem>>)
        %dma_wait3A = arith.constant 0 : i32
        %dma_wait3A_238 = tpu.memref_slice %arg10[%add3A_234, %dma_wait3A] : memref<6531072x16xf32, #tpu.memory_space<hbm>> -> memref<1024x16xf32, #tpu.memory_space<hbm>>
        %dma_wait3A_239 = arith.constant 0 : i32
        %dma_wait3A_240 = tpu.memref_slice %arg10[%add3A_234, %dma_wait3A_239] : memref<6531072x16xf32, #tpu.memory_space<hbm>> -> memref<1024x16xf32, #tpu.memory_space<hbm>>
        tpu.wait_dma2 semaphore(%run_scoped3A : memref<!tpu.dma_semaphore, #tpu.memory_space<semaphore_mem>>) src(%dma_wait3A_240 : memref<1024x16xf32, #tpu.memory_space<hbm>>) dst(%arg12 : memref<1024x16xf32, #tpu.memory_space<vmem>>)
        tpu.yield
      }) : () -> ()
      "tpu.region"() ({
        %run_scoped3A = tpu.sem_alloc : memref<!tpu.dma_semaphore, #tpu.memory_space<semaphore_mem>>
        %dma_start3A = arith.constant 0 : i32
        %dma_start3A_235 = arith.constant 0 : i32
        %dma_start3A_236 = tpu.memref_slice %arg15[%dma_start3A, %dma_start3A_235] : memref<100096x16xf32, #tpu.memory_space<vmem_shared>> -> memref<100096x16xf32, #tpu.memory_space<vmem_shared>>
        tpu.enqueue_indirect_dma source(%arg12 : memref<1024x16xf32, #tpu.memory_space<vmem>>) target(%dma_start3A_236 : memref<100096x16xf32, #tpu.memory_space<vmem_shared>>) offsets(%arg11 : memref<1024xi32, #tpu.memory_space<vmem>>) semaphore(%run_scoped3A : memref<!tpu.dma_semaphore, #tpu.memory_space<semaphore_mem>>) {add = true}
        %dma_wait3A = arith.constant 0 : i32
        %dma_wait3A_237 = arith.constant 0 : i32
        %dma_wait3A_238 = tpu.memref_slice %arg15[%dma_wait3A, %dma_wait3A_237] : memref<100096x16xf32, #tpu.memory_space<vmem_shared>> -> memref<100096x16xf32, #tpu.memory_space<vmem_shared>>
        tpu.wait_indirect_dma semaphore(%run_scoped3A : memref<!tpu.dma_semaphore, #tpu.memory_space<semaphore_mem>>) src(%arg12 : memref<1024x16xf32, #tpu.memory_space<vmem>>) dst(%dma_wait3A_238 : memref<100096x16xf32, #tpu.memory_space<vmem_shared>>)
        tpu.yield
      }) : () -> ()
    }
    %while3A_209 = arith.constant 1 : i32
    scf.for %while3A_228 = %while3A_207 to %while3A_203 step %while3A_209  : i32 {
      %mul3A_229 = arith.constant 1024 : i32
      %mul3A_230 = arith.muli %while3A_228, %mul3A_229 : i32
      %add3A_231 = arith.addi %mul3A_199, %mul3A_230 : i32
      "tpu.region"() ({
        %run_scoped3A = tpu.sem_alloc : memref<!tpu.dma_semaphore, #tpu.memory_space<semaphore_mem>>
        %dma_start3A = tpu.memref_slice %arg4[%add3A_231] : memref<25731072xi32, #tpu.memory_space<hbm>> -> memref<1024xi32, #tpu.memory_space<hbm>>
        %dma_start3A_235 = tpu.memref_slice %arg4[%add3A_231] : memref<25731072xi32, #tpu.memory_space<hbm>> -> memref<1024xi32, #tpu.memory_space<hbm>>
        tpu.enqueue_dma source(%dma_start3A_235 : memref<1024xi32, #tpu.memory_space<hbm>>) target(%arg11 : memref<1024xi32, #tpu.memory_space<vmem>>) target_semaphore(%run_scoped3A : memref<!tpu.dma_semaphore, #tpu.memory_space<semaphore_mem>>)
        %dma_wait3A = tpu.memref_slice %arg4[%add3A_231] : memref<25731072xi32, #tpu.memory_space<hbm>> -> memref<1024xi32, #tpu.memory_space<hbm>>
        %dma_wait3A_236 = tpu.memref_slice %arg4[%add3A_231] : memref<25731072xi32, #tpu.memory_space<hbm>> -> memref<1024xi32, #tpu.memory_space<hbm>>
        tpu.wait_dma2 semaphore(%run_scoped3A : memref<!tpu.dma_semaphore, #tpu.memory_space<semaphore_mem>>) src(%dma_wait3A_236 : memref<1024xi32, #tpu.memory_space<hbm>>) dst(%arg11 : memref<1024xi32, #tpu.memory_space<vmem>>)
        tpu.yield
      }) : () -> ()
      %mul3A_232 = arith.constant 1024 : i32
      %mul3A_233 = arith.muli %while3A_228, %mul3A_232 : i32
      %add3A_234 = arith.addi %add3A_34, %mul3A_233 : i32
      "tpu.region"() ({
        %run_scoped3A = tpu.sem_alloc : memref<!tpu.dma_semaphore, #tpu.memory_space<semaphore_mem>>
        %dma_start3A = arith.constant 0 : i32
        %dma_start3A_235 = tpu.memref_slice %arg10[%add3A_234, %dma_start3A] : memref<6531072x16xf32, #tpu.memory_space<hbm>> -> memref<1024x16xf32, #tpu.memory_space<hbm>>
        %dma_start3A_236 = arith.constant 0 : i32
        %dma_start3A_237 = tpu.memref_slice %arg10[%add3A_234, %dma_start3A_236] : memref<6531072x16xf32, #tpu.memory_space<hbm>> -> memref<1024x16xf32, #tpu.memory_space<hbm>>
        tpu.enqueue_dma source(%dma_start3A_237 : memref<1024x16xf32, #tpu.memory_space<hbm>>) target(%arg12 : memref<1024x16xf32, #tpu.memory_space<vmem>>) target_semaphore(%run_scoped3A : memref<!tpu.dma_semaphore, #tpu.memory_space<semaphore_mem>>)
        %dma_wait3A = arith.constant 0 : i32
        %dma_wait3A_238 = tpu.memref_slice %arg10[%add3A_234, %dma_wait3A] : memref<6531072x16xf32, #tpu.memory_space<hbm>> -> memref<1024x16xf32, #tpu.memory_space<hbm>>
        %dma_wait3A_239 = arith.constant 0 : i32
        %dma_wait3A_240 = tpu.memref_slice %arg10[%add3A_234, %dma_wait3A_239] : memref<6531072x16xf32, #tpu.memory_space<hbm>> -> memref<1024x16xf32, #tpu.memory_space<hbm>>
        tpu.wait_dma2 semaphore(%run_scoped3A : memref<!tpu.dma_semaphore, #tpu.memory_space<semaphore_mem>>) src(%dma_wait3A_240 : memref<1024x16xf32, #tpu.memory_space<hbm>>) dst(%arg12 : memref<1024x16xf32, #tpu.memory_space<vmem>>)
        tpu.yield
      }) : () -> ()
      "tpu.region"() ({
        %run_scoped3A = tpu.sem_alloc : memref<!tpu.dma_semaphore, #tpu.memory_space<semaphore_mem>>
        %dma_start3A = arith.constant 0 : i32
        %dma_start3A_235 = arith.constant 0 : i32
        %dma_start3A_236 = tpu.memref_slice %arg15[%dma_start3A, %dma_start3A_235] : memref<100096x16xf32, #tpu.memory_space<vmem_shared>> -> memref<100096x16xf32, #tpu.memory_space<vmem_shared>>
        tpu.enqueue_indirect_dma source(%arg12 : memref<1024x16xf32, #tpu.memory_space<vmem>>) target(%dma_start3A_236 : memref<100096x16xf32, #tpu.memory_space<vmem_shared>>) offsets(%arg11 : memref<1024xi32, #tpu.memory_space<vmem>>) semaphore(%run_scoped3A : memref<!tpu.dma_semaphore, #tpu.memory_space<semaphore_mem>>) {add = true}
        %dma_wait3A = arith.constant 0 : i32
        %dma_wait3A_237 = arith.constant 0 : i32
        %dma_wait3A_238 = tpu.memref_slice %arg15[%dma_wait3A, %dma_wait3A_237] : memref<100096x16xf32, #tpu.memory_space<vmem_shared>> -> memref<100096x16xf32, #tpu.memory_space<vmem_shared>>
        tpu.wait_indirect_dma semaphore(%run_scoped3A : memref<!tpu.dma_semaphore, #tpu.memory_space<semaphore_mem>>) src(%arg12 : memref<1024x16xf32, #tpu.memory_space<vmem>>) dst(%dma_wait3A_238 : memref<100096x16xf32, #tpu.memory_space<vmem_shared>>)
        tpu.yield
      }) : () -> ()
    }
    %barrier3A_210 = arith.constant 0 : index
    tpu.barrier barrier_id(%barrier3A_210)
    %mul3A_211 = arith.constant 4 : i32
    %mul3A_212 = arith.muli %arg0, %mul3A_211 : i32
    %add3A_213 = arith.constant 3 : i32
    %add3A_214 = arith.addi %mul3A_212, %add3A_213 : i32
    %mul3A_215 = arith.constant 100000 : i32
    %mul3A_216 = arith.muli %add3A_214, %mul3A_215 : i32
    %lt3A_217 = arith.constant 15 : i32
    %lt3A_218 = arith.cmpi slt, %arg1, %lt3A_217 : i32
    %convert_element_type3A_219 = arith.extui %lt3A_218 : i1 to i32
    %cond3A_220 = arith.constant 0 : i32
    %cond3A_221 = arith.cmpi ne, %convert_element_type3A_219, %cond3A_220 : i32
    scf.if %cond3A_221 {
      %add3A_228 = arith.addi %mul3A_216, %mul3A_0 : i32
      "tpu.region"() ({
        %run_scoped3A = tpu.sem_alloc : memref<!tpu.dma_semaphore, #tpu.memory_space<semaphore_mem>>
        %dma_start3A = arith.constant 0 : i32
        %dma_start3A_229 = tpu.memref_slice %arg9[%add3A_228, %dma_start3A] : memref<800000x16xf32, #tpu.memory_space<hbm>> -> memref<6256x16xf32, #tpu.memory_space<hbm>>
        %dma_start3A_230 = arith.constant 0 : i32
        %dma_start3A_231 = tpu.memref_slice %arg15[%mul3A_0, %dma_start3A_230] : memref<100096x16xf32, #tpu.memory_space<vmem_shared>> -> memref<6256x16xf32, #tpu.memory_space<vmem_shared>>
        tpu.enqueue_dma source(%dma_start3A_231 : memref<6256x16xf32, #tpu.memory_space<vmem_shared>>) target(%dma_start3A_229 : memref<6256x16xf32, #tpu.memory_space<hbm>>) target_semaphore(%run_scoped3A : memref<!tpu.dma_semaphore, #tpu.memory_space<semaphore_mem>>)
        %dma_wait3A = arith.constant 0 : i32
        %dma_wait3A_232 = tpu.memref_slice %arg9[%add3A_228, %dma_wait3A] : memref<800000x16xf32, #tpu.memory_space<hbm>> -> memref<6256x16xf32, #tpu.memory_space<hbm>>
        %dma_wait3A_233 = arith.constant 0 : i32
        %dma_wait3A_234 = tpu.memref_slice %arg15[%mul3A_0, %dma_wait3A_233] : memref<100096x16xf32, #tpu.memory_space<vmem_shared>> -> memref<6256x16xf32, #tpu.memory_space<vmem_shared>>
        tpu.wait_dma2 semaphore(%run_scoped3A : memref<!tpu.dma_semaphore, #tpu.memory_space<semaphore_mem>>) src(%dma_wait3A_234 : memref<6256x16xf32, #tpu.memory_space<vmem_shared>>) dst(%dma_wait3A_232 : memref<6256x16xf32, #tpu.memory_space<hbm>>)
        tpu.yield
      }) : () -> ()
    } else {
    }
    %eq3A_222 = arith.constant 15 : i32
    %eq3A_223 = arith.cmpi eq, %arg1, %eq3A_222 : i32
    %convert_element_type3A_224 = arith.extui %eq3A_223 : i1 to i32
    %cond3A_225 = arith.constant 0 : i32
    %cond3A_226 = arith.cmpi ne, %convert_element_type3A_224, %cond3A_225 : i32
    scf.if %cond3A_226 {
      %add3A_228 = arith.constant 93840 : i32
      %add3A_229 = arith.addi %mul3A_216, %add3A_228 : i32
      "tpu.region"() ({
        %run_scoped3A = tpu.sem_alloc : memref<!tpu.dma_semaphore, #tpu.memory_space<semaphore_mem>>
        %dma_start3A = arith.constant 0 : i32
        %dma_start3A_230 = tpu.memref_slice %arg9[%add3A_229, %dma_start3A] : memref<800000x16xf32, #tpu.memory_space<hbm>> -> memref<6160x16xf32, #tpu.memory_space<hbm>>
        %dma_start3A_231 = arith.constant 93840 : i32
        %dma_start3A_232 = arith.constant 0 : i32
        %dma_start3A_233 = tpu.memref_slice %arg15[%dma_start3A_231, %dma_start3A_232] : memref<100096x16xf32, #tpu.memory_space<vmem_shared>> -> memref<6160x16xf32, #tpu.memory_space<vmem_shared>>
        tpu.enqueue_dma source(%dma_start3A_233 : memref<6160x16xf32, #tpu.memory_space<vmem_shared>>) target(%dma_start3A_230 : memref<6160x16xf32, #tpu.memory_space<hbm>>) target_semaphore(%run_scoped3A : memref<!tpu.dma_semaphore, #tpu.memory_space<semaphore_mem>>)
        %dma_wait3A = arith.constant 0 : i32
        %dma_wait3A_234 = tpu.memref_slice %arg9[%add3A_229, %dma_wait3A] : memref<800000x16xf32, #tpu.memory_space<hbm>> -> memref<6160x16xf32, #tpu.memory_space<hbm>>
        %dma_wait3A_235 = arith.constant 93840 : i32
        %dma_wait3A_236 = arith.constant 0 : i32
        %dma_wait3A_237 = tpu.memref_slice %arg15[%dma_wait3A_235, %dma_wait3A_236] : memref<100096x16xf32, #tpu.memory_space<vmem_shared>> -> memref<6160x16xf32, #tpu.memory_space<vmem_shared>>
        tpu.wait_dma2 semaphore(%run_scoped3A : memref<!tpu.dma_semaphore, #tpu.memory_space<semaphore_mem>>) src(%dma_wait3A_237 : memref<6160x16xf32, #tpu.memory_space<vmem_shared>>) dst(%dma_wait3A_234 : memref<6160x16xf32, #tpu.memory_space<hbm>>)
        tpu.yield
      }) : () -> ()
    } else {
    }
    %barrier3A_227 = arith.constant 0 : index
    tpu.barrier barrier_id(%barrier3A_227)
    return
  }
}

#map = affine_map<(d0, d1) -> (0)>
module attributes {stable_mosaic.version = 14 : i64} {
  func.func @_bucket_body(%arg0: i32, %arg1: i32, %arg2: memref<3200000xi32, #tpu.memory_space<hbm>>, %arg3: memref<3200000xi32, #tpu.memory_space<hbm>>, %arg4: memref<3200000xi32, #tpu.memory_space<hbm>>, %arg5: memref<25731072xi32, #tpu.memory_space<hbm>>, %arg6: memref<25731072xi32, #tpu.memory_space<hbm>>, %arg7: memref<512xi32, #tpu.memory_space<hbm>>, %arg8: memref<4000xi32, #tpu.memory_space<vmem>>, %arg9: memref<4000xi32, #tpu.memory_space<vmem>>, %arg10: memref<4000xi32, #tpu.memory_space<vmem>>, %arg11: memref<1056xi32, #tpu.memory_space<vmem>>, %arg12: memref<1056xi32, #tpu.memory_space<vmem>>, %arg13: memref<1056xi32, #tpu.memory_space<vmem>>, %arg14: memref<1056xi32, #tpu.memory_space<vmem>>, %arg15: memref<1056xi32, #tpu.memory_space<vmem>>, %arg16: memref<1056xi32, #tpu.memory_space<vmem>>, %arg17: memref<1056xi32, #tpu.memory_space<vmem>>, %arg18: memref<1056xi32, #tpu.memory_space<vmem>>, %arg19: memref<16xi32, #tpu.memory_space<vmem>>) attributes {dimension_semantics = [#tpu.dimension_semantics<core_parallel>, #tpu.dimension_semantics<subcore_parallel>], iteration_bounds = array<i64: 2, 16>, scalar_prefetch = 0 : i64, scratch_operands = 12 : i64, tpu.core_type = #tpu.core_type<sc_vector_subcore>, window_params = [{transform_indices = #map}, {transform_indices = #map}, {transform_indices = #map}, {transform_indices = #map}, {transform_indices = #map}, {transform_indices = #map}]} {
    %mul3A = arith.constant 16 : i32
    %mul3A_0 = arith.muli %arg0, %mul3A : i32
    %add3A = arith.addi %mul3A_0, %arg1 : i32
    %mul3A_1 = arith.constant 4 : i32
    %mul3A_2 = arith.muli %add3A, %mul3A_1 : i32
    %scan3A = arith.constant 0 : i32
    %scan3A_3 = arith.constant 0 : i32
    %scan3A_4 = arith.constant 0 : i32
    %scan3A_5 = arith.constant 0 : i32
    %scan3A_6 = arith.constant 0 : i32
    %scan3A_7 = arith.constant 0 : i32
    %scan3A_8 = arith.constant 0 : i32
    %scan3A_9 = arith.constant 0 : i32
    %scan3A_10 = arith.constant 0 : i32
    %scan3A_11 = arith.constant 50 : i32
    %scan3A_12 = arith.addi %scan3A_10, %scan3A_11 : i32
    %scan3A_13 = arith.constant 1 : i32
    %scan3A_14:8 = scf.for %scan3A_221 = %scan3A_10 to %scan3A_12 step %scan3A_13 iter_args(%scan3A_222 = %scan3A, %scan3A_223 = %scan3A_3, %scan3A_224 = %scan3A_4, %scan3A_225 = %scan3A_5, %scan3A_226 = %scan3A_6, %scan3A_227 = %scan3A_7, %scan3A_228 = %scan3A_8, %scan3A_229 = %scan3A_9) -> (i32, i32, i32, i32, i32, i32, i32, i32)  : i32 {
      %mul3A_230 = arith.constant 200000 : i32
      %mul3A_231 = arith.muli %arg1, %mul3A_230 : i32
      %mul3A_232 = arith.constant 4000 : i32
      %mul3A_233 = arith.muli %scan3A_221, %mul3A_232 : i32
      %add3A_234 = arith.addi %mul3A_231, %mul3A_233 : i32
      "tpu.region"() ({
        %run_scoped3A = tpu.sem_alloc : memref<!tpu.dma_semaphore, #tpu.memory_space<semaphore_mem>>
        %dma_start3A = tpu.memref_slice %arg2[%add3A_234] : memref<3200000xi32, #tpu.memory_space<hbm>> -> memref<4000xi32, #tpu.memory_space<hbm>>
        %dma_start3A_241 = tpu.memref_slice %arg2[%add3A_234] : memref<3200000xi32, #tpu.memory_space<hbm>> -> memref<4000xi32, #tpu.memory_space<hbm>>
        tpu.enqueue_dma source(%dma_start3A_241 : memref<4000xi32, #tpu.memory_space<hbm>>) target(%arg8 : memref<4000xi32, #tpu.memory_space<vmem>>) target_semaphore(%run_scoped3A : memref<!tpu.dma_semaphore, #tpu.memory_space<semaphore_mem>>)
        %dma_wait3A = tpu.memref_slice %arg2[%add3A_234] : memref<3200000xi32, #tpu.memory_space<hbm>> -> memref<4000xi32, #tpu.memory_space<hbm>>
        %dma_wait3A_242 = tpu.memref_slice %arg2[%add3A_234] : memref<3200000xi32, #tpu.memory_space<hbm>> -> memref<4000xi32, #tpu.memory_space<hbm>>
        tpu.wait_dma2 semaphore(%run_scoped3A : memref<!tpu.dma_semaphore, #tpu.memory_space<semaphore_mem>>) src(%dma_wait3A_242 : memref<4000xi32, #tpu.memory_space<hbm>>) dst(%arg8 : memref<4000xi32, #tpu.memory_space<vmem>>)
        tpu.yield
      }) : () -> ()
      "tpu.region"() ({
        %run_scoped3A = tpu.sem_alloc : memref<!tpu.dma_semaphore, #tpu.memory_space<semaphore_mem>>
        %dma_start3A = tpu.memref_slice %arg3[%add3A_234] : memref<3200000xi32, #tpu.memory_space<hbm>> -> memref<4000xi32, #tpu.memory_space<hbm>>
        %dma_start3A_241 = tpu.memref_slice %arg3[%add3A_234] : memref<3200000xi32, #tpu.memory_space<hbm>> -> memref<4000xi32, #tpu.memory_space<hbm>>
        tpu.enqueue_dma source(%dma_start3A_241 : memref<4000xi32, #tpu.memory_space<hbm>>) target(%arg9 : memref<4000xi32, #tpu.memory_space<vmem>>) target_semaphore(%run_scoped3A : memref<!tpu.dma_semaphore, #tpu.memory_space<semaphore_mem>>)
        %dma_wait3A = tpu.memref_slice %arg3[%add3A_234] : memref<3200000xi32, #tpu.memory_space<hbm>> -> memref<4000xi32, #tpu.memory_space<hbm>>
        %dma_wait3A_242 = tpu.memref_slice %arg3[%add3A_234] : memref<3200000xi32, #tpu.memory_space<hbm>> -> memref<4000xi32, #tpu.memory_space<hbm>>
        tpu.wait_dma2 semaphore(%run_scoped3A : memref<!tpu.dma_semaphore, #tpu.memory_space<semaphore_mem>>) src(%dma_wait3A_242 : memref<4000xi32, #tpu.memory_space<hbm>>) dst(%arg9 : memref<4000xi32, #tpu.memory_space<vmem>>)
        tpu.yield
      }) : () -> ()
      "tpu.region"() ({
        %run_scoped3A = tpu.sem_alloc : memref<!tpu.dma_semaphore, #tpu.memory_space<semaphore_mem>>
        %dma_start3A = tpu.memref_slice %arg4[%add3A_234] : memref<3200000xi32, #tpu.memory_space<hbm>> -> memref<4000xi32, #tpu.memory_space<hbm>>
        %dma_start3A_241 = tpu.memref_slice %arg4[%add3A_234] : memref<3200000xi32, #tpu.memory_space<hbm>> -> memref<4000xi32, #tpu.memory_space<hbm>>
        tpu.enqueue_dma source(%dma_start3A_241 : memref<4000xi32, #tpu.memory_space<hbm>>) target(%arg10 : memref<4000xi32, #tpu.memory_space<vmem>>) target_semaphore(%run_scoped3A : memref<!tpu.dma_semaphore, #tpu.memory_space<semaphore_mem>>)
        %dma_wait3A = tpu.memref_slice %arg4[%add3A_234] : memref<3200000xi32, #tpu.memory_space<hbm>> -> memref<4000xi32, #tpu.memory_space<hbm>>
        %dma_wait3A_242 = tpu.memref_slice %arg4[%add3A_234] : memref<3200000xi32, #tpu.memory_space<hbm>> -> memref<4000xi32, #tpu.memory_space<hbm>>
        tpu.wait_dma2 semaphore(%run_scoped3A : memref<!tpu.dma_semaphore, #tpu.memory_space<semaphore_mem>>) src(%dma_wait3A_242 : memref<4000xi32, #tpu.memory_space<hbm>>) dst(%arg10 : memref<4000xi32, #tpu.memory_space<vmem>>)
        tpu.yield
      }) : () -> ()
      %scan3A_235 = arith.constant 0 : i32
      %scan3A_236 = arith.constant 250 : i32
      %scan3A_237 = arith.addi %scan3A_235, %scan3A_236 : i32
      %scan3A_238 = arith.constant 1 : i32
      %scan3A_239:8 = scf.for %scan3A_241 = %scan3A_235 to %scan3A_237 step %scan3A_238 iter_args(%scan3A_242 = %scan3A_222, %scan3A_243 = %scan3A_223, %scan3A_244 = %scan3A_224, %scan3A_245 = %scan3A_225, %scan3A_246 = %scan3A_226, %scan3A_247 = %scan3A_227, %scan3A_248 = %scan3A_228, %scan3A_249 = %scan3A_229) -> (i32, i32, i32, i32, i32, i32, i32, i32)  : i32 {
        %mul3A_250 = arith.constant 16 : i32
        %mul3A_251 = arith.muli %scan3A_241, %mul3A_250 : i32
        %get3A = arith.index_cast %mul3A_251 : i32 to index
        %get3A_252 = tpu.vector_load %arg8[%get3A] {strides = array<i32>} : memref<4000xi32, #tpu.memory_space<vmem>>, vector<16xi32>,
        %mul3A_253 = arith.constant 16 : i32
        %mul3A_254 = arith.muli %scan3A_241, %mul3A_253 : i32
        %get3A_255 = arith.index_cast %mul3A_254 : i32 to index
        %get3A_256 = tpu.vector_load %arg9[%get3A_255] {strides = array<i32>} : memref<4000xi32, #tpu.memory_space<vmem>>, vector<16xi32>,
        %mul3A_257 = arith.constant 16 : i32
        %mul3A_258 = arith.muli %scan3A_241, %mul3A_257 : i32
        %get3A_259 = arith.index_cast %mul3A_258 : i32 to index
        %get3A_260 = tpu.vector_load %arg10[%get3A_259] {strides = array<i32>} : memref<4000xi32, #tpu.memory_space<vmem>>, vector<16xi32>,
        %convert_element_type3A = arith.sitofp %get3A_256 : vector<16xi32> to vector<16xf32>
        %add3A_261 = arith.constant 5.000000e-01 : f32
        %add3A_262 = vector.broadcast %add3A_261 : f32 to vector<16xf32>
        %add3A_263 = arith.addf %convert_element_type3A, %add3A_262 : vector<16xf32>
        %mul3A_264 = arith.constant 8.000000e-05 : f32
        %mul3A_265 = vector.broadcast %mul3A_264 : f32 to vector<16xf32>
        %mul3A_266 = arith.mulf %add3A_263, %mul3A_265 : vector<16xf32>
        %convert_element_type3A_267 = arith.fptosi %mul3A_266 : vector<16xf32> to vector<16xi32>
        %mul3A_268 = arith.constant 12500 : i32
        %mul3A_269 = vector.broadcast %mul3A_268 : i32 to vector<16xi32>
        %mul3A_270 = arith.muli %convert_element_type3A_267, %mul3A_269 : vector<16xi32>
        %sub3A_271 = arith.subi %get3A_256, %mul3A_270 : vector<16xi32>
        %mul3A_272 = arith.constant 8 : i32
        %mul3A_273 = vector.broadcast %mul3A_272 : i32 to vector<16xi32>
        %mul3A_274 = arith.muli %sub3A_271, %mul3A_273 : vector<16xi32>
        %add3A_275 = arith.addi %mul3A_274, %get3A_260 : vector<16xi32>
        %mul3A_276 = arith.constant 4 : i32
        %mul3A_277 = arith.muli %arg0, %mul3A_276 : i32
        %sub3A_278 = vector.broadcast %mul3A_277 : i32 to vector<16xi32>
        %sub3A_279 = arith.subi %convert_element_type3A_267, %sub3A_278 : vector<16xi32>
        %eq3A_280 = arith.constant 0 : i32
        %eq3A_281 = vector.broadcast %eq3A_280 : i32 to vector<16xi32>
        %eq3A_282 = arith.cmpi eq, %sub3A_279, %eq3A_281 : vector<16xi32>
        %swap3A_283 = arith.index_cast %scan3A_242 : i32 to index
        %swap3A_284 = tpu.vector_load %arg11[%swap3A_283] masked %eq3A_282 {strides = array<i32>} : memref<1056xi32, #tpu.memory_space<vmem>>, vector<16xi32>, vector<16xi1>
        tpu.vector_store %arg11[%swap3A_283], %get3A_252 masked %eq3A_282 {strides = array<i32>} : memref<1056xi32, #tpu.memory_space<vmem>>, vector<16xi32>, vector<16xi1>
        %swap3A_285 = arith.index_cast %scan3A_242 : i32 to index
        %swap3A_286 = tpu.vector_load %arg15[%swap3A_285] masked %eq3A_282 {strides = array<i32>} : memref<1056xi32, #tpu.memory_space<vmem>>, vector<16xi32>, vector<16xi1>
        tpu.vector_store %arg15[%swap3A_285], %add3A_275 masked %eq3A_282 {strides = array<i32>} : memref<1056xi32, #tpu.memory_space<vmem>>, vector<16xi32>, vector<16xi1>
        %all_reduce_population_count3A = tpu.all_reduce %eq3A_282 {dim = 0 : i64, kind = #tpu.reduction_kind<sum>} : vector<16xi1> -> vector<16xi32>
        %slice3A = vector.extract_strided_slice %all_reduce_population_count3A {offsets = [0], sizes = [1], strides = [1]} : vector<16xi32> to vector<1xi32>
        %squeeze3A = vector.extract %slice3A[0] : i32 from vector<1xi32>
        %add3A_287 = arith.addi %scan3A_242, %squeeze3A : i32
        %eq3A_288 = arith.constant 1 : i32
        %eq3A_289 = vector.broadcast %eq3A_288 : i32 to vector<16xi32>
        %eq3A_290 = arith.cmpi eq, %sub3A_279, %eq3A_289 : vector<16xi32>
        %swap3A_291 = arith.index_cast %scan3A_243 : i32 to index
        %swap3A_292 = tpu.vector_load %arg12[%swap3A_291] masked %eq3A_290 {strides = array<i32>} : memref<1056xi32, #tpu.memory_space<vmem>>, vector<16xi32>, vector<16xi1>
        tpu.vector_store %arg12[%swap3A_291], %get3A_252 masked %eq3A_290 {strides = array<i32>} : memref<1056xi32, #tpu.memory_space<vmem>>, vector<16xi32>, vector<16xi1>
        %swap3A_293 = arith.index_cast %scan3A_243 : i32 to index
        %swap3A_294 = tpu.vector_load %arg16[%swap3A_293] masked %eq3A_290 {strides = array<i32>} : memref<1056xi32, #tpu.memory_space<vmem>>, vector<16xi32>, vector<16xi1>
        tpu.vector_store %arg16[%swap3A_293], %add3A_275 masked %eq3A_290 {strides = array<i32>} : memref<1056xi32, #tpu.memory_space<vmem>>, vector<16xi32>, vector<16xi1>
        %all_reduce_population_count3A_295 = tpu.all_reduce %eq3A_290 {dim = 0 : i64, kind = #tpu.reduction_kind<sum>} : vector<16xi1> -> vector<16xi32>
        %slice3A_296 = vector.extract_strided_slice %all_reduce_population_count3A_295 {offsets = [0], sizes = [1], strides = [1]} : vector<16xi32> to vector<1xi32>
        %squeeze3A_297 = vector.extract %slice3A_296[0] : i32 from vector<1xi32>
        %add3A_298 = arith.addi %scan3A_243, %squeeze3A_297 : i32
        %eq3A_299 = arith.constant 2 : i32
        %eq3A_300 = vector.broadcast %eq3A_299 : i32 to vector<16xi32>
        %eq3A_301 = arith.cmpi eq, %sub3A_279, %eq3A_300 : vector<16xi32>
        %swap3A_302 = arith.index_cast %scan3A_244 : i32 to index
        %swap3A_303 = tpu.vector_load %arg13[%swap3A_302] masked %eq3A_301 {strides = array<i32>} : memref<1056xi32, #tpu.memory_space<vmem>>, vector<16xi32>, vector<16xi1>
        tpu.vector_store %arg13[%swap3A_302], %get3A_252 masked %eq3A_301 {strides = array<i32>} : memref<1056xi32, #tpu.memory_space<vmem>>, vector<16xi32>, vector<16xi1>
        %swap3A_304 = arith.index_cast %scan3A_244 : i32 to index
        %swap3A_305 = tpu.vector_load %arg17[%swap3A_304] masked %eq3A_301 {strides = array<i32>} : memref<1056xi32, #tpu.memory_space<vmem>>, vector<16xi32>, vector<16xi1>
        tpu.vector_store %arg17[%swap3A_304], %add3A_275 masked %eq3A_301 {strides = array<i32>} : memref<1056xi32, #tpu.memory_space<vmem>>, vector<16xi32>, vector<16xi1>
        %all_reduce_population_count3A_306 = tpu.all_reduce %eq3A_301 {dim = 0 : i64, kind = #tpu.reduction_kind<sum>} : vector<16xi1> -> vector<16xi32>
        %slice3A_307 = vector.extract_strided_slice %all_reduce_population_count3A_306 {offsets = [0], sizes = [1], strides = [1]} : vector<16xi32> to vector<1xi32>
        %squeeze3A_308 = vector.extract %slice3A_307[0] : i32 from vector<1xi32>
        %add3A_309 = arith.addi %scan3A_244, %squeeze3A_308 : i32
        %eq3A_310 = arith.constant 3 : i32
        %eq3A_311 = vector.broadcast %eq3A_310 : i32 to vector<16xi32>
        %eq3A_312 = arith.cmpi eq, %sub3A_279, %eq3A_311 : vector<16xi32>
        %swap3A_313 = arith.index_cast %scan3A_245 : i32 to index
        %swap3A_314 = tpu.vector_load %arg14[%swap3A_313] masked %eq3A_312 {strides = array<i32>} : memref<1056xi32, #tpu.memory_space<vmem>>, vector<16xi32>, vector<16xi1>
        tpu.vector_store %arg14[%swap3A_313], %get3A_252 masked %eq3A_312 {strides = array<i32>} : memref<1056xi32, #tpu.memory_space<vmem>>, vector<16xi32>, vector<16xi1>
        %swap3A_315 = arith.index_cast %scan3A_245 : i32 to index
        %swap3A_316 = tpu.vector_load %arg18[%swap3A_315] masked %eq3A_312 {strides = array<i32>} : memref<1056xi32, #tpu.memory_space<vmem>>, vector<16xi32>, vector<16xi1>
        tpu.vector_store %arg18[%swap3A_315], %add3A_275 masked %eq3A_312 {strides = array<i32>} : memref<1056xi32, #tpu.memory_space<vmem>>, vector<16xi32>, vector<16xi1>
        %all_reduce_population_count3A_317 = tpu.all_reduce %eq3A_312 {dim = 0 : i64, kind = #tpu.reduction_kind<sum>} : vector<16xi1> -> vector<16xi32>
        %slice3A_318 = vector.extract_strided_slice %all_reduce_population_count3A_317 {offsets = [0], sizes = [1], strides = [1]} : vector<16xi32> to vector<1xi32>
        %squeeze3A_319 = vector.extract %slice3A_318[0] : i32 from vector<1xi32>
        %add3A_320 = arith.addi %scan3A_245, %squeeze3A_319 : i32
        %max3A = arith.maxsi %add3A_287, %add3A_298 : i32
        %max3A_321 = arith.maxsi %add3A_309, %add3A_320 : i32
        %max3A_322 = arith.maxsi %max3A, %max3A_321 : i32
        %ge3A = arith.constant 1024 : i32
        %ge3A_323 = arith.cmpi sge, %max3A_322, %ge3A : i32
        %convert_element_type3A_324 = arith.extui %ge3A_323 : i1 to i32
        %cond3A = arith.constant 0 : i32
        %cond3A_325 = arith.cmpi ne, %convert_element_type3A_324, %cond3A : i32
        scf.if %cond3A_325 {
          %add3A_358 = arith.constant 0 : i32
          %add3A_359 = arith.addi %mul3A_2, %add3A_358 : i32
          %mul3A_360 = arith.constant 201024 : i32
          %mul3A_361 = arith.muli %add3A_359, %mul3A_360 : i32
          %mul3A_362 = arith.constant 1024 : i32
          %mul3A_363 = arith.muli %scan3A_246, %mul3A_362 : i32
          %add3A_364 = arith.addi %mul3A_361, %mul3A_363 : i32
          %ge3A_365 = arith.constant 1024 : i32
          %ge3A_366 = arith.cmpi sge, %add3A_287, %ge3A_365 : i32
          %convert_element_type3A_367 = arith.extui %ge3A_366 : i1 to i32
          %cond3A_368 = arith.constant 0 : i32
          %cond3A_369 = arith.cmpi ne, %convert_element_type3A_367, %cond3A_368 : i32
          scf.if %cond3A_369 {
            "tpu.region"() ({
              %run_scoped3A = tpu.sem_alloc : memref<!tpu.dma_semaphore, #tpu.memory_space<semaphore_mem>>
              %dma_start3A = arith.constant 0 : i32
              %dma_start3A_414 = tpu.memref_slice %arg11[%dma_start3A] : memref<1056xi32, #tpu.memory_space<vmem>> -> memref<1024xi32, #tpu.memory_space<vmem>>
              %dma_start3A_415 = tpu.memref_slice %arg5[%add3A_364] : memref<25731072xi32, #tpu.memory_space<hbm>> -> memref<1024xi32, #tpu.memory_space<hbm>>
              %dma_start3A_416 = tpu.memref_slice %arg5[%add3A_364] : memref<25731072xi32, #tpu.memory_space<hbm>> -> memref<1024xi32, #tpu.memory_space<hbm>>
              %dma_start3A_417 = arith.constant 0 : i32
              %dma_start3A_418 = tpu.memref_slice %arg11[%dma_start3A_417] : memref<1056xi32, #tpu.memory_space<vmem>> -> memref<1024xi32, #tpu.memory_space<vmem>>
              tpu.enqueue_dma source(%dma_start3A_418 : memref<1024xi32, #tpu.memory_space<vmem>>) target(%dma_start3A_416 : memref<1024xi32, #tpu.memory_space<hbm>>) target_semaphore(%run_scoped3A : memref<!tpu.dma_semaphore, #tpu.memory_space<semaphore_mem>>)
              %dma_wait3A = arith.constant 0 : i32
              %dma_wait3A_419 = tpu.memref_slice %arg11[%dma_wait3A] : memref<1056xi32, #tpu.memory_space<vmem>> -> memref<1024xi32, #tpu.memory_space<vmem>>
              %dma_wait3A_420 = tpu.memref_slice %arg5[%add3A_364] : memref<25731072xi32, #tpu.memory_space<hbm>> -> memref<1024xi32, #tpu.memory_space<hbm>>
              %dma_wait3A_421 = tpu.memref_slice %arg5[%add3A_364] : memref<25731072xi32, #tpu.memory_space<hbm>> -> memref<1024xi32, #tpu.memory_space<hbm>>
              %dma_wait3A_422 = arith.constant 0 : i32
              %dma_wait3A_423 = tpu.memref_slice %arg11[%dma_wait3A_422] : memref<1056xi32, #tpu.memory_space<vmem>> -> memref<1024xi32, #tpu.memory_space<vmem>>
              tpu.wait_dma2 semaphore(%run_scoped3A : memref<!tpu.dma_semaphore, #tpu.memory_space<semaphore_mem>>) src(%dma_wait3A_423 : memref<1024xi32, #tpu.memory_space<vmem>>) dst(%dma_wait3A_421 : memref<1024xi32, #tpu.memory_space<hbm>>)
              tpu.yield
            }) : () -> ()
            "tpu.region"() ({
              %run_scoped3A = tpu.sem_alloc : memref<!tpu.dma_semaphore, #tpu.memory_space<semaphore_mem>>
              %dma_start3A = arith.constant 0 : i32
              %dma_start3A_414 = tpu.memref_slice %arg15[%dma_start3A] : memref<1056xi32, #tpu.memory_space<vmem>> -> memref<1024xi32, #tpu.memory_space<vmem>>
              %dma_start3A_415 = tpu.memref_slice %arg6[%add3A_364] : memref<25731072xi32, #tpu.memory_space<hbm>> -> memref<1024xi32, #tpu.memory_space<hbm>>
              %dma_start3A_416 = tpu.memref_slice %arg6[%add3A_364] : memref<25731072xi32, #tpu.memory_space<hbm>> -> memref<1024xi32, #tpu.memory_space<hbm>>
              %dma_start3A_417 = arith.constant 0 : i32
              %dma_start3A_418 = tpu.memref_slice %arg15[%dma_start3A_417] : memref<1056xi32, #tpu.memory_space<vmem>> -> memref<1024xi32, #tpu.memory_space<vmem>>
              tpu.enqueue_dma source(%dma_start3A_418 : memref<1024xi32, #tpu.memory_space<vmem>>) target(%dma_start3A_416 : memref<1024xi32, #tpu.memory_space<hbm>>) target_semaphore(%run_scoped3A : memref<!tpu.dma_semaphore, #tpu.memory_space<semaphore_mem>>)
              %dma_wait3A = arith.constant 0 : i32
              %dma_wait3A_419 = tpu.memref_slice %arg15[%dma_wait3A] : memref<1056xi32, #tpu.memory_space<vmem>> -> memref<1024xi32, #tpu.memory_space<vmem>>
              %dma_wait3A_420 = tpu.memref_slice %arg6[%add3A_364] : memref<25731072xi32, #tpu.memory_space<hbm>> -> memref<1024xi32, #tpu.memory_space<hbm>>
              %dma_wait3A_421 = tpu.memref_slice %arg6[%add3A_364] : memref<25731072xi32, #tpu.memory_space<hbm>> -> memref<1024xi32, #tpu.memory_space<hbm>>
              %dma_wait3A_422 = arith.constant 0 : i32
              %dma_wait3A_423 = tpu.memref_slice %arg15[%dma_wait3A_422] : memref<1056xi32, #tpu.memory_space<vmem>> -> memref<1024xi32, #tpu.memory_space<vmem>>
              tpu.wait_dma2 semaphore(%run_scoped3A : memref<!tpu.dma_semaphore, #tpu.memory_space<semaphore_mem>>) src(%dma_wait3A_423 : memref<1024xi32, #tpu.memory_space<vmem>>) dst(%dma_wait3A_421 : memref<1024xi32, #tpu.memory_space<hbm>>)
              tpu.yield
            }) : () -> ()
            %get3A_406 = arith.constant 1024 : index
            %get3A_407 = tpu.vector_load %arg11[%get3A_406] {strides = array<i32>} : memref<1056xi32, #tpu.memory_space<vmem>>, vector<16xi32>,
            %swap3A_408 = arith.constant 0 : index
            %swap3A_409 = tpu.vector_load %arg11[%swap3A_408] {strides = array<i32>} : memref<1056xi32, #tpu.memory_space<vmem>>, vector<16xi32>,
            tpu.vector_store %arg11[%swap3A_408], %get3A_407 {strides = array<i32>} : memref<1056xi32, #tpu.memory_space<vmem>>, vector<16xi32>,
            %get3A_410 = arith.constant 1024 : index
            %get3A_411 = tpu.vector_load %arg15[%get3A_410] {strides = array<i32>} : memref<1056xi32, #tpu.memory_space<vmem>>, vector<16xi32>,
            %swap3A_412 = arith.constant 0 : index
            %swap3A_413 = tpu.vector_load %arg15[%swap3A_412] {strides = array<i32>} : memref<1056xi32, #tpu.memory_space<vmem>>, vector<16xi32>,
            tpu.vector_store %arg15[%swap3A_412], %get3A_411 {strides = array<i32>} : memref<1056xi32, #tpu.memory_space<vmem>>, vector<16xi32>,
          } else {
          }
          %add3A_370 = arith.constant 1 : i32
          %add3A_371 = arith.addi %mul3A_2, %add3A_370 : i32
          %mul3A_372 = arith.constant 201024 : i32
          %mul3A_373 = arith.muli %add3A_371, %mul3A_372 : i32
          %mul3A_374 = arith.constant 1024 : i32
          %mul3A_375 = arith.muli %scan3A_247, %mul3A_374 : i32
          %add3A_376 = arith.addi %mul3A_373, %mul3A_375 : i32
          %ge3A_377 = arith.constant 1024 : i32
          %ge3A_378 = arith.cmpi sge, %add3A_298, %ge3A_377 : i32
          %convert_element_type3A_379 = arith.extui %ge3A_378 : i1 to i32
          %cond3A_380 = arith.constant 0 : i32
          %cond3A_381 = arith.cmpi ne, %convert_element_type3A_379, %cond3A_380 : i32
          scf.if %cond3A_381 {
            "tpu.region"() ({
              %run_scoped3A = tpu.sem_alloc : memref<!tpu.dma_semaphore, #tpu.memory_space<semaphore_mem>>
              %dma_start3A = arith.constant 0 : i32
              %dma_start3A_414 = tpu.memref_slice %arg12[%dma_start3A] : memref<1056xi32, #tpu.memory_space<vmem>> -> memref<1024xi32, #tpu.memory_space<vmem>>
              %dma_start3A_415 = tpu.memref_slice %arg5[%add3A_376] : memref<25731072xi32, #tpu.memory_space<hbm>> -> memref<1024xi32, #tpu.memory_space<hbm>>
              %dma_start3A_416 = tpu.memref_slice %arg5[%add3A_376] : memref<25731072xi32, #tpu.memory_space<hbm>> -> memref<1024xi32, #tpu.memory_space<hbm>>
              %dma_start3A_417 = arith.constant 0 : i32
              %dma_start3A_418 = tpu.memref_slice %arg12[%dma_start3A_417] : memref<1056xi32, #tpu.memory_space<vmem>> -> memref<1024xi32, #tpu.memory_space<vmem>>
              tpu.enqueue_dma source(%dma_start3A_418 : memref<1024xi32, #tpu.memory_space<vmem>>) target(%dma_start3A_416 : memref<1024xi32, #tpu.memory_space<hbm>>) target_semaphore(%run_scoped3A : memref<!tpu.dma_semaphore, #tpu.memory_space<semaphore_mem>>)
              %dma_wait3A = arith.constant 0 : i32
              %dma_wait3A_419 = tpu.memref_slice %arg12[%dma_wait3A] : memref<1056xi32, #tpu.memory_space<vmem>> -> memref<1024xi32, #tpu.memory_space<vmem>>
              %dma_wait3A_420 = tpu.memref_slice %arg5[%add3A_376] : memref<25731072xi32, #tpu.memory_space<hbm>> -> memref<1024xi32, #tpu.memory_space<hbm>>
              %dma_wait3A_421 = tpu.memref_slice %arg5[%add3A_376] : memref<25731072xi32, #tpu.memory_space<hbm>> -> memref<1024xi32, #tpu.memory_space<hbm>>
              %dma_wait3A_422 = arith.constant 0 : i32
              %dma_wait3A_423 = tpu.memref_slice %arg12[%dma_wait3A_422] : memref<1056xi32, #tpu.memory_space<vmem>> -> memref<1024xi32, #tpu.memory_space<vmem>>
              tpu.wait_dma2 semaphore(%run_scoped3A : memref<!tpu.dma_semaphore, #tpu.memory_space<semaphore_mem>>) src(%dma_wait3A_423 : memref<1024xi32, #tpu.memory_space<vmem>>) dst(%dma_wait3A_421 : memref<1024xi32, #tpu.memory_space<hbm>>)
              tpu.yield
            }) : () -> ()
            "tpu.region"() ({
              %run_scoped3A = tpu.sem_alloc : memref<!tpu.dma_semaphore, #tpu.memory_space<semaphore_mem>>
              %dma_start3A = arith.constant 0 : i32
              %dma_start3A_414 = tpu.memref_slice %arg16[%dma_start3A] : memref<1056xi32, #tpu.memory_space<vmem>> -> memref<1024xi32, #tpu.memory_space<vmem>>
              %dma_start3A_415 = tpu.memref_slice %arg6[%add3A_376] : memref<25731072xi32, #tpu.memory_space<hbm>> -> memref<1024xi32, #tpu.memory_space<hbm>>
              %dma_start3A_416 = tpu.memref_slice %arg6[%add3A_376] : memref<25731072xi32, #tpu.memory_space<hbm>> -> memref<1024xi32, #tpu.memory_space<hbm>>
              %dma_start3A_417 = arith.constant 0 : i32
              %dma_start3A_418 = tpu.memref_slice %arg16[%dma_start3A_417] : memref<1056xi32, #tpu.memory_space<vmem>> -> memref<1024xi32, #tpu.memory_space<vmem>>
              tpu.enqueue_dma source(%dma_start3A_418 : memref<1024xi32, #tpu.memory_space<vmem>>) target(%dma_start3A_416 : memref<1024xi32, #tpu.memory_space<hbm>>) target_semaphore(%run_scoped3A : memref<!tpu.dma_semaphore, #tpu.memory_space<semaphore_mem>>)
              %dma_wait3A = arith.constant 0 : i32
              %dma_wait3A_419 = tpu.memref_slice %arg16[%dma_wait3A] : memref<1056xi32, #tpu.memory_space<vmem>> -> memref<1024xi32, #tpu.memory_space<vmem>>
              %dma_wait3A_420 = tpu.memref_slice %arg6[%add3A_376] : memref<25731072xi32, #tpu.memory_space<hbm>> -> memref<1024xi32, #tpu.memory_space<hbm>>
              %dma_wait3A_421 = tpu.memref_slice %arg6[%add3A_376] : memref<25731072xi32, #tpu.memory_space<hbm>> -> memref<1024xi32, #tpu.memory_space<hbm>>
              %dma_wait3A_422 = arith.constant 0 : i32
              %dma_wait3A_423 = tpu.memref_slice %arg16[%dma_wait3A_422] : memref<1056xi32, #tpu.memory_space<vmem>> -> memref<1024xi32, #tpu.memory_space<vmem>>
              tpu.wait_dma2 semaphore(%run_scoped3A : memref<!tpu.dma_semaphore, #tpu.memory_space<semaphore_mem>>) src(%dma_wait3A_423 : memref<1024xi32, #tpu.memory_space<vmem>>) dst(%dma_wait3A_421 : memref<1024xi32, #tpu.memory_space<hbm>>)
              tpu.yield
            }) : () -> ()
            %get3A_406 = arith.constant 1024 : index
            %get3A_407 = tpu.vector_load %arg12[%get3A_406] {strides = array<i32>} : memref<1056xi32, #tpu.memory_space<vmem>>, vector<16xi32>,
            %swap3A_408 = arith.constant 0 : index
            %swap3A_409 = tpu.vector_load %arg12[%swap3A_408] {strides = array<i32>} : memref<1056xi32, #tpu.memory_space<vmem>>, vector<16xi32>,
            tpu.vector_store %arg12[%swap3A_408], %get3A_407 {strides = array<i32>} : memref<1056xi32, #tpu.memory_space<vmem>>, vector<16xi32>,
            %get3A_410 = arith.constant 1024 : index
            %get3A_411 = tpu.vector_load %arg16[%get3A_410] {strides = array<i32>} : memref<1056xi32, #tpu.memory_space<vmem>>, vector<16xi32>,
            %swap3A_412 = arith.constant 0 : index
            %swap3A_413 = tpu.vector_load %arg16[%swap3A_412] {strides = array<i32>} : memref<1056xi32, #tpu.memory_space<vmem>>, vector<16xi32>,
            tpu.vector_store %arg16[%swap3A_412], %get3A_411 {strides = array<i32>} : memref<1056xi32, #tpu.memory_space<vmem>>, vector<16xi32>,
          } else {
          }
          %add3A_382 = arith.constant 2 : i32
          %add3A_383 = arith.addi %mul3A_2, %add3A_382 : i32
          %mul3A_384 = arith.constant 201024 : i32
          %mul3A_385 = arith.muli %add3A_383, %mul3A_384 : i32
          %mul3A_386 = arith.constant 1024 : i32
          %mul3A_387 = arith.muli %scan3A_248, %mul3A_386 : i32
          %add3A_388 = arith.addi %mul3A_385, %mul3A_387 : i32
          %ge3A_389 = arith.constant 1024 : i32
          %ge3A_390 = arith.cmpi sge, %add3A_309, %ge3A_389 : i32
          %convert_element_type3A_391 = arith.extui %ge3A_390 : i1 to i32
          %cond3A_392 = arith.constant 0 : i32
          %cond3A_393 = arith.cmpi ne, %convert_element_type3A_391, %cond3A_392 : i32
          scf.if %cond3A_393 {
            "tpu.region"() ({
              %run_scoped3A = tpu.sem_alloc : memref<!tpu.dma_semaphore, #tpu.memory_space<semaphore_mem>>
              %dma_start3A = arith.constant 0 : i32
              %dma_start3A_414 = tpu.memref_slice %arg13[%dma_start3A] : memref<1056xi32, #tpu.memory_space<vmem>> -> memref<1024xi32, #tpu.memory_space<vmem>>
              %dma_start3A_415 = tpu.memref_slice %arg5[%add3A_388] : memref<25731072xi32, #tpu.memory_space<hbm>> -> memref<1024xi32, #tpu.memory_space<hbm>>
              %dma_start3A_416 = tpu.memref_slice %arg5[%add3A_388] : memref<25731072xi32, #tpu.memory_space<hbm>> -> memref<1024xi32, #tpu.memory_space<hbm>>
              %dma_start3A_417 = arith.constant 0 : i32
              %dma_start3A_418 = tpu.memref_slice %arg13[%dma_start3A_417] : memref<1056xi32, #tpu.memory_space<vmem>> -> memref<1024xi32, #tpu.memory_space<vmem>>
              tpu.enqueue_dma source(%dma_start3A_418 : memref<1024xi32, #tpu.memory_space<vmem>>) target(%dma_start3A_416 : memref<1024xi32, #tpu.memory_space<hbm>>) target_semaphore(%run_scoped3A : memref<!tpu.dma_semaphore, #tpu.memory_space<semaphore_mem>>)
              %dma_wait3A = arith.constant 0 : i32
              %dma_wait3A_419 = tpu.memref_slice %arg13[%dma_wait3A] : memref<1056xi32, #tpu.memory_space<vmem>> -> memref<1024xi32, #tpu.memory_space<vmem>>
              %dma_wait3A_420 = tpu.memref_slice %arg5[%add3A_388] : memref<25731072xi32, #tpu.memory_space<hbm>> -> memref<1024xi32, #tpu.memory_space<hbm>>
              %dma_wait3A_421 = tpu.memref_slice %arg5[%add3A_388] : memref<25731072xi32, #tpu.memory_space<hbm>> -> memref<1024xi32, #tpu.memory_space<hbm>>
              %dma_wait3A_422 = arith.constant 0 : i32
              %dma_wait3A_423 = tpu.memref_slice %arg13[%dma_wait3A_422] : memref<1056xi32, #tpu.memory_space<vmem>> -> memref<1024xi32, #tpu.memory_space<vmem>>
              tpu.wait_dma2 semaphore(%run_scoped3A : memref<!tpu.dma_semaphore, #tpu.memory_space<semaphore_mem>>) src(%dma_wait3A_423 : memref<1024xi32, #tpu.memory_space<vmem>>) dst(%dma_wait3A_421 : memref<1024xi32, #tpu.memory_space<hbm>>)
              tpu.yield
            }) : () -> ()
            "tpu.region"() ({
              %run_scoped3A = tpu.sem_alloc : memref<!tpu.dma_semaphore, #tpu.memory_space<semaphore_mem>>
              %dma_start3A = arith.constant 0 : i32
              %dma_start3A_414 = tpu.memref_slice %arg17[%dma_start3A] : memref<1056xi32, #tpu.memory_space<vmem>> -> memref<1024xi32, #tpu.memory_space<vmem>>
              %dma_start3A_415 = tpu.memref_slice %arg6[%add3A_388] : memref<25731072xi32, #tpu.memory_space<hbm>> -> memref<1024xi32, #tpu.memory_space<hbm>>
              %dma_start3A_416 = tpu.memref_slice %arg6[%add3A_388] : memref<25731072xi32, #tpu.memory_space<hbm>> -> memref<1024xi32, #tpu.memory_space<hbm>>
              %dma_start3A_417 = arith.constant 0 : i32
              %dma_start3A_418 = tpu.memref_slice %arg17[%dma_start3A_417] : memref<1056xi32, #tpu.memory_space<vmem>> -> memref<1024xi32, #tpu.memory_space<vmem>>
              tpu.enqueue_dma source(%dma_start3A_418 : memref<1024xi32, #tpu.memory_space<vmem>>) target(%dma_start3A_416 : memref<1024xi32, #tpu.memory_space<hbm>>) target_semaphore(%run_scoped3A : memref<!tpu.dma_semaphore, #tpu.memory_space<semaphore_mem>>)
              %dma_wait3A = arith.constant 0 : i32
              %dma_wait3A_419 = tpu.memref_slice %arg17[%dma_wait3A] : memref<1056xi32, #tpu.memory_space<vmem>> -> memref<1024xi32, #tpu.memory_space<vmem>>
              %dma_wait3A_420 = tpu.memref_slice %arg6[%add3A_388] : memref<25731072xi32, #tpu.memory_space<hbm>> -> memref<1024xi32, #tpu.memory_space<hbm>>
              %dma_wait3A_421 = tpu.memref_slice %arg6[%add3A_388] : memref<25731072xi32, #tpu.memory_space<hbm>> -> memref<1024xi32, #tpu.memory_space<hbm>>
              %dma_wait3A_422 = arith.constant 0 : i32
              %dma_wait3A_423 = tpu.memref_slice %arg17[%dma_wait3A_422] : memref<1056xi32, #tpu.memory_space<vmem>> -> memref<1024xi32, #tpu.memory_space<vmem>>
              tpu.wait_dma2 semaphore(%run_scoped3A : memref<!tpu.dma_semaphore, #tpu.memory_space<semaphore_mem>>) src(%dma_wait3A_423 : memref<1024xi32, #tpu.memory_space<vmem>>) dst(%dma_wait3A_421 : memref<1024xi32, #tpu.memory_space<hbm>>)
              tpu.yield
            }) : () -> ()
            %get3A_406 = arith.constant 1024 : index
            %get3A_407 = tpu.vector_load %arg13[%get3A_406] {strides = array<i32>} : memref<1056xi32, #tpu.memory_space<vmem>>, vector<16xi32>,
            %swap3A_408 = arith.constant 0 : index
            %swap3A_409 = tpu.vector_load %arg13[%swap3A_408] {strides = array<i32>} : memref<1056xi32, #tpu.memory_space<vmem>>, vector<16xi32>,
            tpu.vector_store %arg13[%swap3A_408], %get3A_407 {strides = array<i32>} : memref<1056xi32, #tpu.memory_space<vmem>>, vector<16xi32>,
            %get3A_410 = arith.constant 1024 : index
            %get3A_411 = tpu.vector_load %arg17[%get3A_410] {strides = array<i32>} : memref<1056xi32, #tpu.memory_space<vmem>>, vector<16xi32>,
            %swap3A_412 = arith.constant 0 : index
            %swap3A_413 = tpu.vector_load %arg17[%swap3A_412] {strides = array<i32>} : memref<1056xi32, #tpu.memory_space<vmem>>, vector<16xi32>,
            tpu.vector_store %arg17[%swap3A_412], %get3A_411 {strides = array<i32>} : memref<1056xi32, #tpu.memory_space<vmem>>, vector<16xi32>,
          } else {
          }
          %add3A_394 = arith.constant 3 : i32
          %add3A_395 = arith.addi %mul3A_2, %add3A_394 : i32
          %mul3A_396 = arith.constant 201024 : i32
          %mul3A_397 = arith.muli %add3A_395, %mul3A_396 : i32
          %mul3A_398 = arith.constant 1024 : i32
          %mul3A_399 = arith.muli %scan3A_249, %mul3A_398 : i32
          %add3A_400 = arith.addi %mul3A_397, %mul3A_399 : i32
          %ge3A_401 = arith.constant 1024 : i32
          %ge3A_402 = arith.cmpi sge, %add3A_320, %ge3A_401 : i32
          %convert_element_type3A_403 = arith.extui %ge3A_402 : i1 to i32
          %cond3A_404 = arith.constant 0 : i32
          %cond3A_405 = arith.cmpi ne, %convert_element_type3A_403, %cond3A_404 : i32
          scf.if %cond3A_405 {
            "tpu.region"() ({
              %run_scoped3A = tpu.sem_alloc : memref<!tpu.dma_semaphore, #tpu.memory_space<semaphore_mem>>
              %dma_start3A = arith.constant 0 : i32
              %dma_start3A_414 = tpu.memref_slice %arg14[%dma_start3A] : memref<1056xi32, #tpu.memory_space<vmem>> -> memref<1024xi32, #tpu.memory_space<vmem>>
              %dma_start3A_415 = tpu.memref_slice %arg5[%add3A_400] : memref<25731072xi32, #tpu.memory_space<hbm>> -> memref<1024xi32, #tpu.memory_space<hbm>>
              %dma_start3A_416 = tpu.memref_slice %arg5[%add3A_400] : memref<25731072xi32, #tpu.memory_space<hbm>> -> memref<1024xi32, #tpu.memory_space<hbm>>
              %dma_start3A_417 = arith.constant 0 : i32
              %dma_start3A_418 = tpu.memref_slice %arg14[%dma_start3A_417] : memref<1056xi32, #tpu.memory_space<vmem>> -> memref<1024xi32, #tpu.memory_space<vmem>>
              tpu.enqueue_dma source(%dma_start3A_418 : memref<1024xi32, #tpu.memory_space<vmem>>) target(%dma_start3A_416 : memref<1024xi32, #tpu.memory_space<hbm>>) target_semaphore(%run_scoped3A : memref<!tpu.dma_semaphore, #tpu.memory_space<semaphore_mem>>)
              %dma_wait3A = arith.constant 0 : i32
              %dma_wait3A_419 = tpu.memref_slice %arg14[%dma_wait3A] : memref<1056xi32, #tpu.memory_space<vmem>> -> memref<1024xi32, #tpu.memory_space<vmem>>
              %dma_wait3A_420 = tpu.memref_slice %arg5[%add3A_400] : memref<25731072xi32, #tpu.memory_space<hbm>> -> memref<1024xi32, #tpu.memory_space<hbm>>
              %dma_wait3A_421 = tpu.memref_slice %arg5[%add3A_400] : memref<25731072xi32, #tpu.memory_space<hbm>> -> memref<1024xi32, #tpu.memory_space<hbm>>
              %dma_wait3A_422 = arith.constant 0 : i32
              %dma_wait3A_423 = tpu.memref_slice %arg14[%dma_wait3A_422] : memref<1056xi32, #tpu.memory_space<vmem>> -> memref<1024xi32, #tpu.memory_space<vmem>>
              tpu.wait_dma2 semaphore(%run_scoped3A : memref<!tpu.dma_semaphore, #tpu.memory_space<semaphore_mem>>) src(%dma_wait3A_423 : memref<1024xi32, #tpu.memory_space<vmem>>) dst(%dma_wait3A_421 : memref<1024xi32, #tpu.memory_space<hbm>>)
              tpu.yield
            }) : () -> ()
            "tpu.region"() ({
              %run_scoped3A = tpu.sem_alloc : memref<!tpu.dma_semaphore, #tpu.memory_space<semaphore_mem>>
              %dma_start3A = arith.constant 0 : i32
              %dma_start3A_414 = tpu.memref_slice %arg18[%dma_start3A] : memref<1056xi32, #tpu.memory_space<vmem>> -> memref<1024xi32, #tpu.memory_space<vmem>>
              %dma_start3A_415 = tpu.memref_slice %arg6[%add3A_400] : memref<25731072xi32, #tpu.memory_space<hbm>> -> memref<1024xi32, #tpu.memory_space<hbm>>
              %dma_start3A_416 = tpu.memref_slice %arg6[%add3A_400] : memref<25731072xi32, #tpu.memory_space<hbm>> -> memref<1024xi32, #tpu.memory_space<hbm>>
              %dma_start3A_417 = arith.constant 0 : i32
              %dma_start3A_418 = tpu.memref_slice %arg18[%dma_start3A_417] : memref<1056xi32, #tpu.memory_space<vmem>> -> memref<1024xi32, #tpu.memory_space<vmem>>
              tpu.enqueue_dma source(%dma_start3A_418 : memref<1024xi32, #tpu.memory_space<vmem>>) target(%dma_start3A_416 : memref<1024xi32, #tpu.memory_space<hbm>>) target_semaphore(%run_scoped3A : memref<!tpu.dma_semaphore, #tpu.memory_space<semaphore_mem>>)
              %dma_wait3A = arith.constant 0 : i32
              %dma_wait3A_419 = tpu.memref_slice %arg18[%dma_wait3A] : memref<1056xi32, #tpu.memory_space<vmem>> -> memref<1024xi32, #tpu.memory_space<vmem>>
              %dma_wait3A_420 = tpu.memref_slice %arg6[%add3A_400] : memref<25731072xi32, #tpu.memory_space<hbm>> -> memref<1024xi32, #tpu.memory_space<hbm>>
              %dma_wait3A_421 = tpu.memref_slice %arg6[%add3A_400] : memref<25731072xi32, #tpu.memory_space<hbm>> -> memref<1024xi32, #tpu.memory_space<hbm>>
              %dma_wait3A_422 = arith.constant 0 : i32
              %dma_wait3A_423 = tpu.memref_slice %arg18[%dma_wait3A_422] : memref<1056xi32, #tpu.memory_space<vmem>> -> memref<1024xi32, #tpu.memory_space<vmem>>
              tpu.wait_dma2 semaphore(%run_scoped3A : memref<!tpu.dma_semaphore, #tpu.memory_space<semaphore_mem>>) src(%dma_wait3A_423 : memref<1024xi32, #tpu.memory_space<vmem>>) dst(%dma_wait3A_421 : memref<1024xi32, #tpu.memory_space<hbm>>)
              tpu.yield
            }) : () -> ()
            %get3A_406 = arith.constant 1024 : index
            %get3A_407 = tpu.vector_load %arg14[%get3A_406] {strides = array<i32>} : memref<1056xi32, #tpu.memory_space<vmem>>, vector<16xi32>,
            %swap3A_408 = arith.constant 0 : index
            %swap3A_409 = tpu.vector_load %arg14[%swap3A_408] {strides = array<i32>} : memref<1056xi32, #tpu.memory_space<vmem>>, vector<16xi32>,
            tpu.vector_store %arg14[%swap3A_408], %get3A_407 {strides = array<i32>} : memref<1056xi32, #tpu.memory_space<vmem>>, vector<16xi32>,
            %get3A_410 = arith.constant 1024 : index
            %get3A_411 = tpu.vector_load %arg18[%get3A_410] {strides = array<i32>} : memref<1056xi32, #tpu.memory_space<vmem>>, vector<16xi32>,
            %swap3A_412 = arith.constant 0 : index
            %swap3A_413 = tpu.vector_load %arg18[%swap3A_412] {strides = array<i32>} : memref<1056xi32, #tpu.memory_space<vmem>>, vector<16xi32>,
            tpu.vector_store %arg18[%swap3A_412], %get3A_411 {strides = array<i32>} : memref<1056xi32, #tpu.memory_space<vmem>>, vector<16xi32>,
          } else {
          }
        } else {
        }
        %ge3A_326 = arith.constant 1024 : i32
        %ge3A_327 = arith.cmpi sge, %add3A_287, %ge3A_326 : i32
        %sub3A_328 = arith.constant 1024 : i32
        %sub3A_329 = arith.subi %add3A_287, %sub3A_328 : i32
        %select_n3A_330 = arith.select %ge3A_327, %sub3A_329, %add3A_287 : i32
        %add3A_331 = arith.constant 1 : i32
        %add3A_332 = arith.addi %scan3A_246, %add3A_331 : i32
        %select_n3A_333 = arith.select %ge3A_327, %add3A_332, %scan3A_246 : i32
        %ge3A_334 = arith.constant 1024 : i32
        %ge3A_335 = arith.cmpi sge, %add3A_298, %ge3A_334 : i32
        %sub3A_336 = arith.constant 1024 : i32
        %sub3A_337 = arith.subi %add3A_298, %sub3A_336 : i32
        %select_n3A_338 = arith.select %ge3A_335, %sub3A_337, %add3A_298 : i32
        %add3A_339 = arith.constant 1 : i32
        %add3A_340 = arith.addi %scan3A_247, %add3A_339 : i32
        %select_n3A_341 = arith.select %ge3A_335, %add3A_340, %scan3A_247 : i32
        %ge3A_342 = arith.constant 1024 : i32
        %ge3A_343 = arith.cmpi sge, %add3A_309, %ge3A_342 : i32
        %sub3A_344 = arith.constant 1024 : i32
        %sub3A_345 = arith.subi %add3A_309, %sub3A_344 : i32
        %select_n3A_346 = arith.select %ge3A_343, %sub3A_345, %add3A_309 : i32
        %add3A_347 = arith.constant 1 : i32
        %add3A_348 = arith.addi %scan3A_248, %add3A_347 : i32
        %select_n3A_349 = arith.select %ge3A_343, %add3A_348, %scan3A_248 : i32
        %ge3A_350 = arith.constant 1024 : i32
        %ge3A_351 = arith.cmpi sge, %add3A_320, %ge3A_350 : i32
        %sub3A_352 = arith.constant 1024 : i32
        %sub3A_353 = arith.subi %add3A_320, %sub3A_352 : i32
        %select_n3A_354 = arith.select %ge3A_351, %sub3A_353, %add3A_320 : i32
        %add3A_355 = arith.constant 1 : i32
        %add3A_356 = arith.addi %scan3A_249, %add3A_355 : i32
        %select_n3A_357 = arith.select %ge3A_351, %add3A_356, %scan3A_249 : i32
        scf.yield %select_n3A_330, %select_n3A_338, %select_n3A_346, %select_n3A_354, %select_n3A_333, %select_n3A_341, %select_n3A_349, %select_n3A_357 : i32, i32, i32, i32, i32, i32, i32, i32
      }
      %scan3A_240 = arith.constant 250 : i32
      scf.yield %scan3A_239#0, %scan3A_239#1, %scan3A_239#2, %scan3A_239#3, %scan3A_239#4, %scan3A_239#5, %scan3A_239#6, %scan3A_239#7 : i32, i32, i32, i32, i32, i32, i32, i32
    }
    %scan3A_15 = arith.constant 50 : i32
    %iota3A = tpu.iota {dimensions = array<i32: 0>} : vector<16xi32>
    %broadcast_in_dim3A = arith.constant 0 : i32
    %broadcast_in_dim3A_16 = vector.broadcast %broadcast_in_dim3A : i32 to vector<16xi32>
    %sub3A = arith.constant 1024 : i32
    %sub3A_17 = arith.subi %sub3A, %scan3A_14#0 : i32
    %add3A_18 = arith.constant 15 : i32
    %add3A_19 = arith.addi %sub3A_17, %add3A_18 : i32
    %jit3A = arith.constant 16 : i32
    %div3A = arith.divsi %add3A_19, %jit3A : i32
    %sign3A = arith.constant 0 : i32
    %sign3A_20 = arith.cmpi sgt, %add3A_19, %sign3A : i32
    %sign3A_21 = arith.extui %sign3A_20 : i1 to i32
    %sign3A_22 = arith.constant 0 : i32
    %sign3A_23 = arith.cmpi slt, %add3A_19, %sign3A_22 : i32
    %sign3A_24 = arith.extui %sign3A_23 : i1 to i32
    %sign3A_25 = arith.subi %sign3A_21, %sign3A_24 : i32
    %sign3A_26 = arith.constant 0 : i32
    %sign3A_27 = arith.cmpi sgt, %jit3A, %sign3A_26 : i32
    %sign3A_28 = arith.extui %sign3A_27 : i1 to i32
    %sign3A_29 = arith.constant 0 : i32
    %sign3A_30 = arith.cmpi slt, %jit3A, %sign3A_29 : i32
    %sign3A_31 = arith.extui %sign3A_30 : i1 to i32
    %sign3A_32 = arith.subi %sign3A_28, %sign3A_31 : i32
    %ne3A = arith.cmpi ne, %sign3A_25, %sign3A_32 : i32
    %rem3A = arith.remsi %add3A_19, %jit3A : i32
    %ne3A_33 = arith.constant 0 : i32
    %ne3A_34 = arith.cmpi ne, %rem3A, %ne3A_33 : i32
    %and3A = arith.andi %ne3A, %ne3A_34 : i1
    %sub3A_35 = arith.constant 1 : i32
    %sub3A_36 = arith.subi %div3A, %sub3A_35 : i32
    %select_n3A = arith.select %and3A, %sub3A_36, %div3A : i32
    %while3A = arith.constant 0 : i32
    %while3A_37 = arith.constant 0 : i32
    %while3A_38 = arith.subi %select_n3A, %while3A_37 : i32
    %while3A_39 = arith.addi %while3A_37, %while3A_38 : i32
    %while3A_40 = arith.constant 1 : i32
    %while3A_41 = arith.divsi %while3A_38, %while3A_40 : i32
    %while3A_42 = arith.muli %while3A_41, %while3A_40 : i32
    %while3A_43 = arith.addi %while3A_37, %while3A_42 : i32
    %while3A_44 = arith.constant 1 : i32
    scf.for %while3A_221 = %while3A_37 to %while3A_43 step %while3A_44  : i32 {
      %broadcast_in_dim3A_222 = arith.constant 0 : i32
      %broadcast_in_dim3A_223 = vector.broadcast %broadcast_in_dim3A_222 : i32 to vector<16xi32>
      %mul3A_224 = arith.constant 16 : i32
      %mul3A_225 = arith.muli %while3A_221, %mul3A_224 : i32
      %add3A_226 = arith.addi %scan3A_14#0, %mul3A_225 : i32
      %swap3A_227 = arith.index_cast %add3A_226 : i32 to index
      %swap3A_228 = tpu.vector_load %arg11[%swap3A_227] {strides = array<i32>} : memref<1056xi32, #tpu.memory_space<vmem>>, vector<16xi32>,
      tpu.vector_store %arg11[%swap3A_227], %broadcast_in_dim3A_223 {strides = array<i32>} : memref<1056xi32, #tpu.memory_space<vmem>>, vector<16xi32>,
      %broadcast_in_dim3A_229 = arith.constant 100000 : i32
      %broadcast_in_dim3A_230 = vector.broadcast %broadcast_in_dim3A_229 : i32 to vector<16xi32>
      %mul3A_231 = arith.constant 16 : i32
      %mul3A_232 = arith.muli %while3A_221, %mul3A_231 : i32
      %add3A_233 = arith.addi %scan3A_14#0, %mul3A_232 : i32
      %swap3A_234 = arith.index_cast %add3A_233 : i32 to index
      %swap3A_235 = tpu.vector_load %arg15[%swap3A_234] {strides = array<i32>} : memref<1056xi32, #tpu.memory_space<vmem>>, vector<16xi32>,
      tpu.vector_store %arg15[%swap3A_234], %broadcast_in_dim3A_230 {strides = array<i32>} : memref<1056xi32, #tpu.memory_space<vmem>>, vector<16xi32>,
    }
    %while3A_45 = arith.constant 1 : i32
    scf.for %while3A_221 = %while3A_43 to %while3A_39 step %while3A_45  : i32 {
      %broadcast_in_dim3A_222 = arith.constant 0 : i32
      %broadcast_in_dim3A_223 = vector.broadcast %broadcast_in_dim3A_222 : i32 to vector<16xi32>
      %mul3A_224 = arith.constant 16 : i32
      %mul3A_225 = arith.muli %while3A_221, %mul3A_224 : i32
      %add3A_226 = arith.addi %scan3A_14#0, %mul3A_225 : i32
      %swap3A_227 = arith.index_cast %add3A_226 : i32 to index
      %swap3A_228 = tpu.vector_load %arg11[%swap3A_227] {strides = array<i32>} : memref<1056xi32, #tpu.memory_space<vmem>>, vector<16xi32>,
      tpu.vector_store %arg11[%swap3A_227], %broadcast_in_dim3A_223 {strides = array<i32>} : memref<1056xi32, #tpu.memory_space<vmem>>, vector<16xi32>,
      %broadcast_in_dim3A_229 = arith.constant 100000 : i32
      %broadcast_in_dim3A_230 = vector.broadcast %broadcast_in_dim3A_229 : i32 to vector<16xi32>
      %mul3A_231 = arith.constant 16 : i32
      %mul3A_232 = arith.muli %while3A_221, %mul3A_231 : i32
      %add3A_233 = arith.addi %scan3A_14#0, %mul3A_232 : i32
      %swap3A_234 = arith.index_cast %add3A_233 : i32 to index
      %swap3A_235 = tpu.vector_load %arg15[%swap3A_234] {strides = array<i32>} : memref<1056xi32, #tpu.memory_space<vmem>>, vector<16xi32>,
      tpu.vector_store %arg15[%swap3A_234], %broadcast_in_dim3A_230 {strides = array<i32>} : memref<1056xi32, #tpu.memory_space<vmem>>, vector<16xi32>,
    }
    %add3A_46 = arith.constant 0 : i32
    %add3A_47 = arith.addi %mul3A_2, %add3A_46 : i32
    %mul3A_48 = arith.constant 201024 : i32
    %mul3A_49 = arith.muli %add3A_47, %mul3A_48 : i32
    %mul3A_50 = arith.constant 1024 : i32
    %mul3A_51 = arith.muli %scan3A_14#4, %mul3A_50 : i32
    %add3A_52 = arith.addi %mul3A_49, %mul3A_51 : i32
    "tpu.region"() ({
      %run_scoped3A = tpu.sem_alloc : memref<!tpu.dma_semaphore, #tpu.memory_space<semaphore_mem>>
      %dma_start3A = arith.constant 0 : i32
      %dma_start3A_221 = tpu.memref_slice %arg11[%dma_start3A] : memref<1056xi32, #tpu.memory_space<vmem>> -> memref<1024xi32, #tpu.memory_space<vmem>>
      %dma_start3A_222 = tpu.memref_slice %arg5[%add3A_52] : memref<25731072xi32, #tpu.memory_space<hbm>> -> memref<1024xi32, #tpu.memory_space<hbm>>
      %dma_start3A_223 = tpu.memref_slice %arg5[%add3A_52] : memref<25731072xi32, #tpu.memory_space<hbm>> -> memref<1024xi32, #tpu.memory_space<hbm>>
      %dma_start3A_224 = arith.constant 0 : i32
      %dma_start3A_225 = tpu.memref_slice %arg11[%dma_start3A_224] : memref<1056xi32, #tpu.memory_space<vmem>> -> memref<1024xi32, #tpu.memory_space<vmem>>
      tpu.enqueue_dma source(%dma_start3A_225 : memref<1024xi32, #tpu.memory_space<vmem>>) target(%dma_start3A_223 : memref<1024xi32, #tpu.memory_space<hbm>>) target_semaphore(%run_scoped3A : memref<!tpu.dma_semaphore, #tpu.memory_space<semaphore_mem>>)
      %dma_wait3A = arith.constant 0 : i32
      %dma_wait3A_226 = tpu.memref_slice %arg11[%dma_wait3A] : memref<1056xi32, #tpu.memory_space<vmem>> -> memref<1024xi32, #tpu.memory_space<vmem>>
      %dma_wait3A_227 = tpu.memref_slice %arg5[%add3A_52] : memref<25731072xi32, #tpu.memory_space<hbm>> -> memref<1024xi32, #tpu.memory_space<hbm>>
      %dma_wait3A_228 = tpu.memref_slice %arg5[%add3A_52] : memref<25731072xi32, #tpu.memory_space<hbm>> -> memref<1024xi32, #tpu.memory_space<hbm>>
      %dma_wait3A_229 = arith.constant 0 : i32
      %dma_wait3A_230 = tpu.memref_slice %arg11[%dma_wait3A_229] : memref<1056xi32, #tpu.memory_space<vmem>> -> memref<1024xi32, #tpu.memory_space<vmem>>
      tpu.wait_dma2 semaphore(%run_scoped3A : memref<!tpu.dma_semaphore, #tpu.memory_space<semaphore_mem>>) src(%dma_wait3A_230 : memref<1024xi32, #tpu.memory_space<vmem>>) dst(%dma_wait3A_228 : memref<1024xi32, #tpu.memory_space<hbm>>)
      tpu.yield
    }) : () -> ()
    "tpu.region"() ({
      %run_scoped3A = tpu.sem_alloc : memref<!tpu.dma_semaphore, #tpu.memory_space<semaphore_mem>>
      %dma_start3A = arith.constant 0 : i32
      %dma_start3A_221 = tpu.memref_slice %arg15[%dma_start3A] : memref<1056xi32, #tpu.memory_space<vmem>> -> memref<1024xi32, #tpu.memory_space<vmem>>
      %dma_start3A_222 = tpu.memref_slice %arg6[%add3A_52] : memref<25731072xi32, #tpu.memory_space<hbm>> -> memref<1024xi32, #tpu.memory_space<hbm>>
      %dma_start3A_223 = tpu.memref_slice %arg6[%add3A_52] : memref<25731072xi32, #tpu.memory_space<hbm>> -> memref<1024xi32, #tpu.memory_space<hbm>>
      %dma_start3A_224 = arith.constant 0 : i32
      %dma_start3A_225 = tpu.memref_slice %arg15[%dma_start3A_224] : memref<1056xi32, #tpu.memory_space<vmem>> -> memref<1024xi32, #tpu.memory_space<vmem>>
      tpu.enqueue_dma source(%dma_start3A_225 : memref<1024xi32, #tpu.memory_space<vmem>>) target(%dma_start3A_223 : memref<1024xi32, #tpu.memory_space<hbm>>) target_semaphore(%run_scoped3A : memref<!tpu.dma_semaphore, #tpu.memory_space<semaphore_mem>>)
      %dma_wait3A = arith.constant 0 : i32
      %dma_wait3A_226 = tpu.memref_slice %arg15[%dma_wait3A] : memref<1056xi32, #tpu.memory_space<vmem>> -> memref<1024xi32, #tpu.memory_space<vmem>>
      %dma_wait3A_227 = tpu.memref_slice %arg6[%add3A_52] : memref<25731072xi32, #tpu.memory_space<hbm>> -> memref<1024xi32, #tpu.memory_space<hbm>>
      %dma_wait3A_228 = tpu.memref_slice %arg6[%add3A_52] : memref<25731072xi32, #tpu.memory_space<hbm>> -> memref<1024xi32, #tpu.memory_space<hbm>>
      %dma_wait3A_229 = arith.constant 0 : i32
      %dma_wait3A_230 = tpu.memref_slice %arg15[%dma_wait3A_229] : memref<1056xi32, #tpu.memory_space<vmem>> -> memref<1024xi32, #tpu.memory_space<vmem>>
      tpu.wait_dma2 semaphore(%run_scoped3A : memref<!tpu.dma_semaphore, #tpu.memory_space<semaphore_mem>>) src(%dma_wait3A_230 : memref<1024xi32, #tpu.memory_space<vmem>>) dst(%dma_wait3A_228 : memref<1024xi32, #tpu.memory_space<hbm>>)
      tpu.yield
    }) : () -> ()
    %eq3A = arith.constant 0 : i32
    %eq3A_53 = vector.broadcast %eq3A : i32 to vector<16xi32>
    %eq3A_54 = arith.cmpi eq, %iota3A, %eq3A_53 : vector<16xi32>
    %add3A_55 = arith.constant 1 : i32
    %add3A_56 = arith.addi %scan3A_14#4, %add3A_55 : i32
    %broadcast_in_dim3A_57 = vector.broadcast %add3A_56 : i32 to vector<16xi32>
    %select_n3A_58 = arith.select %eq3A_54, %broadcast_in_dim3A_57, %broadcast_in_dim3A_16 : vector<16xi1>, vector<16xi32>
    %sub3A_59 = arith.constant 1024 : i32
    %sub3A_60 = arith.subi %sub3A_59, %scan3A_14#1 : i32
    %add3A_61 = arith.constant 15 : i32
    %add3A_62 = arith.addi %sub3A_60, %add3A_61 : i32
    %jit3A_63 = arith.constant 16 : i32
    %div3A_64 = arith.divsi %add3A_62, %jit3A_63 : i32
    %sign3A_65 = arith.constant 0 : i32
    %sign3A_66 = arith.cmpi sgt, %add3A_62, %sign3A_65 : i32
    %sign3A_67 = arith.extui %sign3A_66 : i1 to i32
    %sign3A_68 = arith.constant 0 : i32
    %sign3A_69 = arith.cmpi slt, %add3A_62, %sign3A_68 : i32
    %sign3A_70 = arith.extui %sign3A_69 : i1 to i32
    %sign3A_71 = arith.subi %sign3A_67, %sign3A_70 : i32
    %sign3A_72 = arith.constant 0 : i32
    %sign3A_73 = arith.cmpi sgt, %jit3A_63, %sign3A_72 : i32
    %sign3A_74 = arith.extui %sign3A_73 : i1 to i32
    %sign3A_75 = arith.constant 0 : i32
    %sign3A_76 = arith.cmpi slt, %jit3A_63, %sign3A_75 : i32
    %sign3A_77 = arith.extui %sign3A_76 : i1 to i32
    %sign3A_78 = arith.subi %sign3A_74, %sign3A_77 : i32
    %ne3A_79 = arith.cmpi ne, %sign3A_71, %sign3A_78 : i32
    %rem3A_80 = arith.remsi %add3A_62, %jit3A_63 : i32
    %ne3A_81 = arith.constant 0 : i32
    %ne3A_82 = arith.cmpi ne, %rem3A_80, %ne3A_81 : i32
    %and3A_83 = arith.andi %ne3A_79, %ne3A_82 : i1
    %sub3A_84 = arith.constant 1 : i32
    %sub3A_85 = arith.subi %div3A_64, %sub3A_84 : i32
    %select_n3A_86 = arith.select %and3A_83, %sub3A_85, %div3A_64 : i32
    %while3A_87 = arith.constant 0 : i32
    %while3A_88 = arith.constant 0 : i32
    %while3A_89 = arith.subi %select_n3A_86, %while3A_88 : i32
    %while3A_90 = arith.addi %while3A_88, %while3A_89 : i32
    %while3A_91 = arith.constant 1 : i32
    %while3A_92 = arith.divsi %while3A_89, %while3A_91 : i32
    %while3A_93 = arith.muli %while3A_92, %while3A_91 : i32
    %while3A_94 = arith.addi %while3A_88, %while3A_93 : i32
    %while3A_95 = arith.constant 1 : i32
    scf.for %while3A_221 = %while3A_88 to %while3A_94 step %while3A_95  : i32 {
      %broadcast_in_dim3A_222 = arith.constant 0 : i32
      %broadcast_in_dim3A_223 = vector.broadcast %broadcast_in_dim3A_222 : i32 to vector<16xi32>
      %mul3A_224 = arith.constant 16 : i32
      %mul3A_225 = arith.muli %while3A_221, %mul3A_224 : i32
      %add3A_226 = arith.addi %scan3A_14#1, %mul3A_225 : i32
      %swap3A_227 = arith.index_cast %add3A_226 : i32 to index
      %swap3A_228 = tpu.vector_load %arg12[%swap3A_227] {strides = array<i32>} : memref<1056xi32, #tpu.memory_space<vmem>>, vector<16xi32>,
      tpu.vector_store %arg12[%swap3A_227], %broadcast_in_dim3A_223 {strides = array<i32>} : memref<1056xi32, #tpu.memory_space<vmem>>, vector<16xi32>,
      %broadcast_in_dim3A_229 = arith.constant 100000 : i32
      %broadcast_in_dim3A_230 = vector.broadcast %broadcast_in_dim3A_229 : i32 to vector<16xi32>
      %mul3A_231 = arith.constant 16 : i32
      %mul3A_232 = arith.muli %while3A_221, %mul3A_231 : i32
      %add3A_233 = arith.addi %scan3A_14#1, %mul3A_232 : i32
      %swap3A_234 = arith.index_cast %add3A_233 : i32 to index
      %swap3A_235 = tpu.vector_load %arg16[%swap3A_234] {strides = array<i32>} : memref<1056xi32, #tpu.memory_space<vmem>>, vector<16xi32>,
      tpu.vector_store %arg16[%swap3A_234], %broadcast_in_dim3A_230 {strides = array<i32>} : memref<1056xi32, #tpu.memory_space<vmem>>, vector<16xi32>,
    }
    %while3A_96 = arith.constant 1 : i32
    scf.for %while3A_221 = %while3A_94 to %while3A_90 step %while3A_96  : i32 {
      %broadcast_in_dim3A_222 = arith.constant 0 : i32
      %broadcast_in_dim3A_223 = vector.broadcast %broadcast_in_dim3A_222 : i32 to vector<16xi32>
      %mul3A_224 = arith.constant 16 : i32
      %mul3A_225 = arith.muli %while3A_221, %mul3A_224 : i32
      %add3A_226 = arith.addi %scan3A_14#1, %mul3A_225 : i32
      %swap3A_227 = arith.index_cast %add3A_226 : i32 to index
      %swap3A_228 = tpu.vector_load %arg12[%swap3A_227] {strides = array<i32>} : memref<1056xi32, #tpu.memory_space<vmem>>, vector<16xi32>,
      tpu.vector_store %arg12[%swap3A_227], %broadcast_in_dim3A_223 {strides = array<i32>} : memref<1056xi32, #tpu.memory_space<vmem>>, vector<16xi32>,
      %broadcast_in_dim3A_229 = arith.constant 100000 : i32
      %broadcast_in_dim3A_230 = vector.broadcast %broadcast_in_dim3A_229 : i32 to vector<16xi32>
      %mul3A_231 = arith.constant 16 : i32
      %mul3A_232 = arith.muli %while3A_221, %mul3A_231 : i32
      %add3A_233 = arith.addi %scan3A_14#1, %mul3A_232 : i32
      %swap3A_234 = arith.index_cast %add3A_233 : i32 to index
      %swap3A_235 = tpu.vector_load %arg16[%swap3A_234] {strides = array<i32>} : memref<1056xi32, #tpu.memory_space<vmem>>, vector<16xi32>,
      tpu.vector_store %arg16[%swap3A_234], %broadcast_in_dim3A_230 {strides = array<i32>} : memref<1056xi32, #tpu.memory_space<vmem>>, vector<16xi32>,
    }
    %add3A_97 = arith.constant 1 : i32
    %add3A_98 = arith.addi %mul3A_2, %add3A_97 : i32
    %mul3A_99 = arith.constant 201024 : i32
    %mul3A_100 = arith.muli %add3A_98, %mul3A_99 : i32
    %mul3A_101 = arith.constant 1024 : i32
    %mul3A_102 = arith.muli %scan3A_14#5, %mul3A_101 : i32
    %add3A_103 = arith.addi %mul3A_100, %mul3A_102 : i32
    "tpu.region"() ({
      %run_scoped3A = tpu.sem_alloc : memref<!tpu.dma_semaphore, #tpu.memory_space<semaphore_mem>>
      %dma_start3A = arith.constant 0 : i32
      %dma_start3A_221 = tpu.memref_slice %arg12[%dma_start3A] : memref<1056xi32, #tpu.memory_space<vmem>> -> memref<1024xi32, #tpu.memory_space<vmem>>
      %dma_start3A_222 = tpu.memref_slice %arg5[%add3A_103] : memref<25731072xi32, #tpu.memory_space<hbm>> -> memref<1024xi32, #tpu.memory_space<hbm>>
      %dma_start3A_223 = tpu.memref_slice %arg5[%add3A_103] : memref<25731072xi32, #tpu.memory_space<hbm>> -> memref<1024xi32, #tpu.memory_space<hbm>>
      %dma_start3A_224 = arith.constant 0 : i32
      %dma_start3A_225 = tpu.memref_slice %arg12[%dma_start3A_224] : memref<1056xi32, #tpu.memory_space<vmem>> -> memref<1024xi32, #tpu.memory_space<vmem>>
      tpu.enqueue_dma source(%dma_start3A_225 : memref<1024xi32, #tpu.memory_space<vmem>>) target(%dma_start3A_223 : memref<1024xi32, #tpu.memory_space<hbm>>) target_semaphore(%run_scoped3A : memref<!tpu.dma_semaphore, #tpu.memory_space<semaphore_mem>>)
      %dma_wait3A = arith.constant 0 : i32
      %dma_wait3A_226 = tpu.memref_slice %arg12[%dma_wait3A] : memref<1056xi32, #tpu.memory_space<vmem>> -> memref<1024xi32, #tpu.memory_space<vmem>>
      %dma_wait3A_227 = tpu.memref_slice %arg5[%add3A_103] : memref<25731072xi32, #tpu.memory_space<hbm>> -> memref<1024xi32, #tpu.memory_space<hbm>>
      %dma_wait3A_228 = tpu.memref_slice %arg5[%add3A_103] : memref<25731072xi32, #tpu.memory_space<hbm>> -> memref<1024xi32, #tpu.memory_space<hbm>>
      %dma_wait3A_229 = arith.constant 0 : i32
      %dma_wait3A_230 = tpu.memref_slice %arg12[%dma_wait3A_229] : memref<1056xi32, #tpu.memory_space<vmem>> -> memref<1024xi32, #tpu.memory_space<vmem>>
      tpu.wait_dma2 semaphore(%run_scoped3A : memref<!tpu.dma_semaphore, #tpu.memory_space<semaphore_mem>>) src(%dma_wait3A_230 : memref<1024xi32, #tpu.memory_space<vmem>>) dst(%dma_wait3A_228 : memref<1024xi32, #tpu.memory_space<hbm>>)
      tpu.yield
    }) : () -> ()
    "tpu.region"() ({
      %run_scoped3A = tpu.sem_alloc : memref<!tpu.dma_semaphore, #tpu.memory_space<semaphore_mem>>
      %dma_start3A = arith.constant 0 : i32
      %dma_start3A_221 = tpu.memref_slice %arg16[%dma_start3A] : memref<1056xi32, #tpu.memory_space<vmem>> -> memref<1024xi32, #tpu.memory_space<vmem>>
      %dma_start3A_222 = tpu.memref_slice %arg6[%add3A_103] : memref<25731072xi32, #tpu.memory_space<hbm>> -> memref<1024xi32, #tpu.memory_space<hbm>>
      %dma_start3A_223 = tpu.memref_slice %arg6[%add3A_103] : memref<25731072xi32, #tpu.memory_space<hbm>> -> memref<1024xi32, #tpu.memory_space<hbm>>
      %dma_start3A_224 = arith.constant 0 : i32
      %dma_start3A_225 = tpu.memref_slice %arg16[%dma_start3A_224] : memref<1056xi32, #tpu.memory_space<vmem>> -> memref<1024xi32, #tpu.memory_space<vmem>>
      tpu.enqueue_dma source(%dma_start3A_225 : memref<1024xi32, #tpu.memory_space<vmem>>) target(%dma_start3A_223 : memref<1024xi32, #tpu.memory_space<hbm>>) target_semaphore(%run_scoped3A : memref<!tpu.dma_semaphore, #tpu.memory_space<semaphore_mem>>)
      %dma_wait3A = arith.constant 0 : i32
      %dma_wait3A_226 = tpu.memref_slice %arg16[%dma_wait3A] : memref<1056xi32, #tpu.memory_space<vmem>> -> memref<1024xi32, #tpu.memory_space<vmem>>
      %dma_wait3A_227 = tpu.memref_slice %arg6[%add3A_103] : memref<25731072xi32, #tpu.memory_space<hbm>> -> memref<1024xi32, #tpu.memory_space<hbm>>
      %dma_wait3A_228 = tpu.memref_slice %arg6[%add3A_103] : memref<25731072xi32, #tpu.memory_space<hbm>> -> memref<1024xi32, #tpu.memory_space<hbm>>
      %dma_wait3A_229 = arith.constant 0 : i32
      %dma_wait3A_230 = tpu.memref_slice %arg16[%dma_wait3A_229] : memref<1056xi32, #tpu.memory_space<vmem>> -> memref<1024xi32, #tpu.memory_space<vmem>>
      tpu.wait_dma2 semaphore(%run_scoped3A : memref<!tpu.dma_semaphore, #tpu.memory_space<semaphore_mem>>) src(%dma_wait3A_230 : memref<1024xi32, #tpu.memory_space<vmem>>) dst(%dma_wait3A_228 : memref<1024xi32, #tpu.memory_space<hbm>>)
      tpu.yield
    }) : () -> ()
    %eq3A_104 = arith.constant 1 : i32
    %eq3A_105 = vector.broadcast %eq3A_104 : i32 to vector<16xi32>
    %eq3A_106 = arith.cmpi eq, %iota3A, %eq3A_105 : vector<16xi32>
    %add3A_107 = arith.constant 1 : i32
    %add3A_108 = arith.addi %scan3A_14#5, %add3A_107 : i32
    %broadcast_in_dim3A_109 = vector.broadcast %add3A_108 : i32 to vector<16xi32>
    %select_n3A_110 = arith.select %eq3A_106, %broadcast_in_dim3A_109, %select_n3A_58 : vector<16xi1>, vector<16xi32>
    %sub3A_111 = arith.constant 1024 : i32
    %sub3A_112 = arith.subi %sub3A_111, %scan3A_14#2 : i32
    %add3A_113 = arith.constant 15 : i32
    %add3A_114 = arith.addi %sub3A_112, %add3A_113 : i32
    %jit3A_115 = arith.constant 16 : i32
    %div3A_116 = arith.divsi %add3A_114, %jit3A_115 : i32
    %sign3A_117 = arith.constant 0 : i32
    %sign3A_118 = arith.cmpi sgt, %add3A_114, %sign3A_117 : i32
    %sign3A_119 = arith.extui %sign3A_118 : i1 to i32
    %sign3A_120 = arith.constant 0 : i32
    %sign3A_121 = arith.cmpi slt, %add3A_114, %sign3A_120 : i32
    %sign3A_122 = arith.extui %sign3A_121 : i1 to i32
    %sign3A_123 = arith.subi %sign3A_119, %sign3A_122 : i32
    %sign3A_124 = arith.constant 0 : i32
    %sign3A_125 = arith.cmpi sgt, %jit3A_115, %sign3A_124 : i32
    %sign3A_126 = arith.extui %sign3A_125 : i1 to i32
    %sign3A_127 = arith.constant 0 : i32
    %sign3A_128 = arith.cmpi slt, %jit3A_115, %sign3A_127 : i32
    %sign3A_129 = arith.extui %sign3A_128 : i1 to i32
    %sign3A_130 = arith.subi %sign3A_126, %sign3A_129 : i32
    %ne3A_131 = arith.cmpi ne, %sign3A_123, %sign3A_130 : i32
    %rem3A_132 = arith.remsi %add3A_114, %jit3A_115 : i32
    %ne3A_133 = arith.constant 0 : i32
    %ne3A_134 = arith.cmpi ne, %rem3A_132, %ne3A_133 : i32
    %and3A_135 = arith.andi %ne3A_131, %ne3A_134 : i1
    %sub3A_136 = arith.constant 1 : i32
    %sub3A_137 = arith.subi %div3A_116, %sub3A_136 : i32
    %select_n3A_138 = arith.select %and3A_135, %sub3A_137, %div3A_116 : i32
    %while3A_139 = arith.constant 0 : i32
    %while3A_140 = arith.constant 0 : i32
    %while3A_141 = arith.subi %select_n3A_138, %while3A_140 : i32
    %while3A_142 = arith.addi %while3A_140, %while3A_141 : i32
    %while3A_143 = arith.constant 1 : i32
    %while3A_144 = arith.divsi %while3A_141, %while3A_143 : i32
    %while3A_145 = arith.muli %while3A_144, %while3A_143 : i32
    %while3A_146 = arith.addi %while3A_140, %while3A_145 : i32
    %while3A_147 = arith.constant 1 : i32
    scf.for %while3A_221 = %while3A_140 to %while3A_146 step %while3A_147  : i32 {
      %broadcast_in_dim3A_222 = arith.constant 0 : i32
      %broadcast_in_dim3A_223 = vector.broadcast %broadcast_in_dim3A_222 : i32 to vector<16xi32>
      %mul3A_224 = arith.constant 16 : i32
      %mul3A_225 = arith.muli %while3A_221, %mul3A_224 : i32
      %add3A_226 = arith.addi %scan3A_14#2, %mul3A_225 : i32
      %swap3A_227 = arith.index_cast %add3A_226 : i32 to index
      %swap3A_228 = tpu.vector_load %arg13[%swap3A_227] {strides = array<i32>} : memref<1056xi32, #tpu.memory_space<vmem>>, vector<16xi32>,
      tpu.vector_store %arg13[%swap3A_227], %broadcast_in_dim3A_223 {strides = array<i32>} : memref<1056xi32, #tpu.memory_space<vmem>>, vector<16xi32>,
      %broadcast_in_dim3A_229 = arith.constant 100000 : i32
      %broadcast_in_dim3A_230 = vector.broadcast %broadcast_in_dim3A_229 : i32 to vector<16xi32>
      %mul3A_231 = arith.constant 16 : i32
      %mul3A_232 = arith.muli %while3A_221, %mul3A_231 : i32
      %add3A_233 = arith.addi %scan3A_14#2, %mul3A_232 : i32
      %swap3A_234 = arith.index_cast %add3A_233 : i32 to index
      %swap3A_235 = tpu.vector_load %arg17[%swap3A_234] {strides = array<i32>} : memref<1056xi32, #tpu.memory_space<vmem>>, vector<16xi32>,
      tpu.vector_store %arg17[%swap3A_234], %broadcast_in_dim3A_230 {strides = array<i32>} : memref<1056xi32, #tpu.memory_space<vmem>>, vector<16xi32>,
    }
    %while3A_148 = arith.constant 1 : i32
    scf.for %while3A_221 = %while3A_146 to %while3A_142 step %while3A_148  : i32 {
      %broadcast_in_dim3A_222 = arith.constant 0 : i32
      %broadcast_in_dim3A_223 = vector.broadcast %broadcast_in_dim3A_222 : i32 to vector<16xi32>
      %mul3A_224 = arith.constant 16 : i32
      %mul3A_225 = arith.muli %while3A_221, %mul3A_224 : i32
      %add3A_226 = arith.addi %scan3A_14#2, %mul3A_225 : i32
      %swap3A_227 = arith.index_cast %add3A_226 : i32 to index
      %swap3A_228 = tpu.vector_load %arg13[%swap3A_227] {strides = array<i32>} : memref<1056xi32, #tpu.memory_space<vmem>>, vector<16xi32>,
      tpu.vector_store %arg13[%swap3A_227], %broadcast_in_dim3A_223 {strides = array<i32>} : memref<1056xi32, #tpu.memory_space<vmem>>, vector<16xi32>,
      %broadcast_in_dim3A_229 = arith.constant 100000 : i32
      %broadcast_in_dim3A_230 = vector.broadcast %broadcast_in_dim3A_229 : i32 to vector<16xi32>
      %mul3A_231 = arith.constant 16 : i32
      %mul3A_232 = arith.muli %while3A_221, %mul3A_231 : i32
      %add3A_233 = arith.addi %scan3A_14#2, %mul3A_232 : i32
      %swap3A_234 = arith.index_cast %add3A_233 : i32 to index
      %swap3A_235 = tpu.vector_load %arg17[%swap3A_234] {strides = array<i32>} : memref<1056xi32, #tpu.memory_space<vmem>>, vector<16xi32>,
      tpu.vector_store %arg17[%swap3A_234], %broadcast_in_dim3A_230 {strides = array<i32>} : memref<1056xi32, #tpu.memory_space<vmem>>, vector<16xi32>,
    }
    %add3A_149 = arith.constant 2 : i32
    %add3A_150 = arith.addi %mul3A_2, %add3A_149 : i32
    %mul3A_151 = arith.constant 201024 : i32
    %mul3A_152 = arith.muli %add3A_150, %mul3A_151 : i32
    %mul3A_153 = arith.constant 1024 : i32
    %mul3A_154 = arith.muli %scan3A_14#6, %mul3A_153 : i32
    %add3A_155 = arith.addi %mul3A_152, %mul3A_154 : i32
    "tpu.region"() ({
      %run_scoped3A = tpu.sem_alloc : memref<!tpu.dma_semaphore, #tpu.memory_space<semaphore_mem>>
      %dma_start3A = arith.constant 0 : i32
      %dma_start3A_221 = tpu.memref_slice %arg13[%dma_start3A] : memref<1056xi32, #tpu.memory_space<vmem>> -> memref<1024xi32, #tpu.memory_space<vmem>>
      %dma_start3A_222 = tpu.memref_slice %arg5[%add3A_155] : memref<25731072xi32, #tpu.memory_space<hbm>> -> memref<1024xi32, #tpu.memory_space<hbm>>
      %dma_start3A_223 = tpu.memref_slice %arg5[%add3A_155] : memref<25731072xi32, #tpu.memory_space<hbm>> -> memref<1024xi32, #tpu.memory_space<hbm>>
      %dma_start3A_224 = arith.constant 0 : i32
      %dma_start3A_225 = tpu.memref_slice %arg13[%dma_start3A_224] : memref<1056xi32, #tpu.memory_space<vmem>> -> memref<1024xi32, #tpu.memory_space<vmem>>
      tpu.enqueue_dma source(%dma_start3A_225 : memref<1024xi32, #tpu.memory_space<vmem>>) target(%dma_start3A_223 : memref<1024xi32, #tpu.memory_space<hbm>>) target_semaphore(%run_scoped3A : memref<!tpu.dma_semaphore, #tpu.memory_space<semaphore_mem>>)
      %dma_wait3A = arith.constant 0 : i32
      %dma_wait3A_226 = tpu.memref_slice %arg13[%dma_wait3A] : memref<1056xi32, #tpu.memory_space<vmem>> -> memref<1024xi32, #tpu.memory_space<vmem>>
      %dma_wait3A_227 = tpu.memref_slice %arg5[%add3A_155] : memref<25731072xi32, #tpu.memory_space<hbm>> -> memref<1024xi32, #tpu.memory_space<hbm>>
      %dma_wait3A_228 = tpu.memref_slice %arg5[%add3A_155] : memref<25731072xi32, #tpu.memory_space<hbm>> -> memref<1024xi32, #tpu.memory_space<hbm>>
      %dma_wait3A_229 = arith.constant 0 : i32
      %dma_wait3A_230 = tpu.memref_slice %arg13[%dma_wait3A_229] : memref<1056xi32, #tpu.memory_space<vmem>> -> memref<1024xi32, #tpu.memory_space<vmem>>
      tpu.wait_dma2 semaphore(%run_scoped3A : memref<!tpu.dma_semaphore, #tpu.memory_space<semaphore_mem>>) src(%dma_wait3A_230 : memref<1024xi32, #tpu.memory_space<vmem>>) dst(%dma_wait3A_228 : memref<1024xi32, #tpu.memory_space<hbm>>)
      tpu.yield
    }) : () -> ()
    "tpu.region"() ({
      %run_scoped3A = tpu.sem_alloc : memref<!tpu.dma_semaphore, #tpu.memory_space<semaphore_mem>>
      %dma_start3A = arith.constant 0 : i32
      %dma_start3A_221 = tpu.memref_slice %arg17[%dma_start3A] : memref<1056xi32, #tpu.memory_space<vmem>> -> memref<1024xi32, #tpu.memory_space<vmem>>
      %dma_start3A_222 = tpu.memref_slice %arg6[%add3A_155] : memref<25731072xi32, #tpu.memory_space<hbm>> -> memref<1024xi32, #tpu.memory_space<hbm>>
      %dma_start3A_223 = tpu.memref_slice %arg6[%add3A_155] : memref<25731072xi32, #tpu.memory_space<hbm>> -> memref<1024xi32, #tpu.memory_space<hbm>>
      %dma_start3A_224 = arith.constant 0 : i32
      %dma_start3A_225 = tpu.memref_slice %arg17[%dma_start3A_224] : memref<1056xi32, #tpu.memory_space<vmem>> -> memref<1024xi32, #tpu.memory_space<vmem>>
      tpu.enqueue_dma source(%dma_start3A_225 : memref<1024xi32, #tpu.memory_space<vmem>>) target(%dma_start3A_223 : memref<1024xi32, #tpu.memory_space<hbm>>) target_semaphore(%run_scoped3A : memref<!tpu.dma_semaphore, #tpu.memory_space<semaphore_mem>>)
      %dma_wait3A = arith.constant 0 : i32
      %dma_wait3A_226 = tpu.memref_slice %arg17[%dma_wait3A] : memref<1056xi32, #tpu.memory_space<vmem>> -> memref<1024xi32, #tpu.memory_space<vmem>>
      %dma_wait3A_227 = tpu.memref_slice %arg6[%add3A_155] : memref<25731072xi32, #tpu.memory_space<hbm>> -> memref<1024xi32, #tpu.memory_space<hbm>>
      %dma_wait3A_228 = tpu.memref_slice %arg6[%add3A_155] : memref<25731072xi32, #tpu.memory_space<hbm>> -> memref<1024xi32, #tpu.memory_space<hbm>>
      %dma_wait3A_229 = arith.constant 0 : i32
      %dma_wait3A_230 = tpu.memref_slice %arg17[%dma_wait3A_229] : memref<1056xi32, #tpu.memory_space<vmem>> -> memref<1024xi32, #tpu.memory_space<vmem>>
      tpu.wait_dma2 semaphore(%run_scoped3A : memref<!tpu.dma_semaphore, #tpu.memory_space<semaphore_mem>>) src(%dma_wait3A_230 : memref<1024xi32, #tpu.memory_space<vmem>>) dst(%dma_wait3A_228 : memref<1024xi32, #tpu.memory_space<hbm>>)
      tpu.yield
    }) : () -> ()
    %eq3A_156 = arith.constant 2 : i32
    %eq3A_157 = vector.broadcast %eq3A_156 : i32 to vector<16xi32>
    %eq3A_158 = arith.cmpi eq, %iota3A, %eq3A_157 : vector<16xi32>
    %add3A_159 = arith.constant 1 : i32
    %add3A_160 = arith.addi %scan3A_14#6, %add3A_159 : i32
    %broadcast_in_dim3A_161 = vector.broadcast %add3A_160 : i32 to vector<16xi32>
    %select_n3A_162 = arith.select %eq3A_158, %broadcast_in_dim3A_161, %select_n3A_110 : vector<16xi1>, vector<16xi32>
    %sub3A_163 = arith.constant 1024 : i32
    %sub3A_164 = arith.subi %sub3A_163, %scan3A_14#3 : i32
    %add3A_165 = arith.constant 15 : i32
    %add3A_166 = arith.addi %sub3A_164, %add3A_165 : i32
    %jit3A_167 = arith.constant 16 : i32
    %div3A_168 = arith.divsi %add3A_166, %jit3A_167 : i32
    %sign3A_169 = arith.constant 0 : i32
    %sign3A_170 = arith.cmpi sgt, %add3A_166, %sign3A_169 : i32
    %sign3A_171 = arith.extui %sign3A_170 : i1 to i32
    %sign3A_172 = arith.constant 0 : i32
    %sign3A_173 = arith.cmpi slt, %add3A_166, %sign3A_172 : i32
    %sign3A_174 = arith.extui %sign3A_173 : i1 to i32
    %sign3A_175 = arith.subi %sign3A_171, %sign3A_174 : i32
    %sign3A_176 = arith.constant 0 : i32
    %sign3A_177 = arith.cmpi sgt, %jit3A_167, %sign3A_176 : i32
    %sign3A_178 = arith.extui %sign3A_177 : i1 to i32
    %sign3A_179 = arith.constant 0 : i32
    %sign3A_180 = arith.cmpi slt, %jit3A_167, %sign3A_179 : i32
    %sign3A_181 = arith.extui %sign3A_180 : i1 to i32
    %sign3A_182 = arith.subi %sign3A_178, %sign3A_181 : i32
    %ne3A_183 = arith.cmpi ne, %sign3A_175, %sign3A_182 : i32
    %rem3A_184 = arith.remsi %add3A_166, %jit3A_167 : i32
    %ne3A_185 = arith.constant 0 : i32
    %ne3A_186 = arith.cmpi ne, %rem3A_184, %ne3A_185 : i32
    %and3A_187 = arith.andi %ne3A_183, %ne3A_186 : i1
    %sub3A_188 = arith.constant 1 : i32
    %sub3A_189 = arith.subi %div3A_168, %sub3A_188 : i32
    %select_n3A_190 = arith.select %and3A_187, %sub3A_189, %div3A_168 : i32
    %while3A_191 = arith.constant 0 : i32
    %while3A_192 = arith.constant 0 : i32
    %while3A_193 = arith.subi %select_n3A_190, %while3A_192 : i32
    %while3A_194 = arith.addi %while3A_192, %while3A_193 : i32
    %while3A_195 = arith.constant 1 : i32
    %while3A_196 = arith.divsi %while3A_193, %while3A_195 : i32
    %while3A_197 = arith.muli %while3A_196, %while3A_195 : i32
    %while3A_198 = arith.addi %while3A_192, %while3A_197 : i32
    %while3A_199 = arith.constant 1 : i32
    scf.for %while3A_221 = %while3A_192 to %while3A_198 step %while3A_199  : i32 {
      %broadcast_in_dim3A_222 = arith.constant 0 : i32
      %broadcast_in_dim3A_223 = vector.broadcast %broadcast_in_dim3A_222 : i32 to vector<16xi32>
      %mul3A_224 = arith.constant 16 : i32
      %mul3A_225 = arith.muli %while3A_221, %mul3A_224 : i32
      %add3A_226 = arith.addi %scan3A_14#3, %mul3A_225 : i32
      %swap3A_227 = arith.index_cast %add3A_226 : i32 to index
      %swap3A_228 = tpu.vector_load %arg14[%swap3A_227] {strides = array<i32>} : memref<1056xi32, #tpu.memory_space<vmem>>, vector<16xi32>,
      tpu.vector_store %arg14[%swap3A_227], %broadcast_in_dim3A_223 {strides = array<i32>} : memref<1056xi32, #tpu.memory_space<vmem>>, vector<16xi32>,
      %broadcast_in_dim3A_229 = arith.constant 100000 : i32
      %broadcast_in_dim3A_230 = vector.broadcast %broadcast_in_dim3A_229 : i32 to vector<16xi32>
      %mul3A_231 = arith.constant 16 : i32
      %mul3A_232 = arith.muli %while3A_221, %mul3A_231 : i32
      %add3A_233 = arith.addi %scan3A_14#3, %mul3A_232 : i32
      %swap3A_234 = arith.index_cast %add3A_233 : i32 to index
      %swap3A_235 = tpu.vector_load %arg18[%swap3A_234] {strides = array<i32>} : memref<1056xi32, #tpu.memory_space<vmem>>, vector<16xi32>,
      tpu.vector_store %arg18[%swap3A_234], %broadcast_in_dim3A_230 {strides = array<i32>} : memref<1056xi32, #tpu.memory_space<vmem>>, vector<16xi32>,
    }
    %while3A_200 = arith.constant 1 : i32
    scf.for %while3A_221 = %while3A_198 to %while3A_194 step %while3A_200  : i32 {
      %broadcast_in_dim3A_222 = arith.constant 0 : i32
      %broadcast_in_dim3A_223 = vector.broadcast %broadcast_in_dim3A_222 : i32 to vector<16xi32>
      %mul3A_224 = arith.constant 16 : i32
      %mul3A_225 = arith.muli %while3A_221, %mul3A_224 : i32
      %add3A_226 = arith.addi %scan3A_14#3, %mul3A_225 : i32
      %swap3A_227 = arith.index_cast %add3A_226 : i32 to index
      %swap3A_228 = tpu.vector_load %arg14[%swap3A_227] {strides = array<i32>} : memref<1056xi32, #tpu.memory_space<vmem>>, vector<16xi32>,
      tpu.vector_store %arg14[%swap3A_227], %broadcast_in_dim3A_223 {strides = array<i32>} : memref<1056xi32, #tpu.memory_space<vmem>>, vector<16xi32>,
      %broadcast_in_dim3A_229 = arith.constant 100000 : i32
      %broadcast_in_dim3A_230 = vector.broadcast %broadcast_in_dim3A_229 : i32 to vector<16xi32>
      %mul3A_231 = arith.constant 16 : i32
      %mul3A_232 = arith.muli %while3A_221, %mul3A_231 : i32
      %add3A_233 = arith.addi %scan3A_14#3, %mul3A_232 : i32
      %swap3A_234 = arith.index_cast %add3A_233 : i32 to index
      %swap3A_235 = tpu.vector_load %arg18[%swap3A_234] {strides = array<i32>} : memref<1056xi32, #tpu.memory_space<vmem>>, vector<16xi32>,
      tpu.vector_store %arg18[%swap3A_234], %broadcast_in_dim3A_230 {strides = array<i32>} : memref<1056xi32, #tpu.memory_space<vmem>>, vector<16xi32>,
    }
    %add3A_201 = arith.constant 3 : i32
    %add3A_202 = arith.addi %mul3A_2, %add3A_201 : i32
    %mul3A_203 = arith.constant 201024 : i32
    %mul3A_204 = arith.muli %add3A_202, %mul3A_203 : i32
    %mul3A_205 = arith.constant 1024 : i32
    %mul3A_206 = arith.muli %scan3A_14#7, %mul3A_205 : i32
    %add3A_207 = arith.addi %mul3A_204, %mul3A_206 : i32
    "tpu.region"() ({
      %run_scoped3A = tpu.sem_alloc : memref<!tpu.dma_semaphore, #tpu.memory_space<semaphore_mem>>
      %dma_start3A = arith.constant 0 : i32
      %dma_start3A_221 = tpu.memref_slice %arg14[%dma_start3A] : memref<1056xi32, #tpu.memory_space<vmem>> -> memref<1024xi32, #tpu.memory_space<vmem>>
      %dma_start3A_222 = tpu.memref_slice %arg5[%add3A_207] : memref<25731072xi32, #tpu.memory_space<hbm>> -> memref<1024xi32, #tpu.memory_space<hbm>>
      %dma_start3A_223 = tpu.memref_slice %arg5[%add3A_207] : memref<25731072xi32, #tpu.memory_space<hbm>> -> memref<1024xi32, #tpu.memory_space<hbm>>
      %dma_start3A_224 = arith.constant 0 : i32
      %dma_start3A_225 = tpu.memref_slice %arg14[%dma_start3A_224] : memref<1056xi32, #tpu.memory_space<vmem>> -> memref<1024xi32, #tpu.memory_space<vmem>>
      tpu.enqueue_dma source(%dma_start3A_225 : memref<1024xi32, #tpu.memory_space<vmem>>) target(%dma_start3A_223 : memref<1024xi32, #tpu.memory_space<hbm>>) target_semaphore(%run_scoped3A : memref<!tpu.dma_semaphore, #tpu.memory_space<semaphore_mem>>)
      %dma_wait3A = arith.constant 0 : i32
      %dma_wait3A_226 = tpu.memref_slice %arg14[%dma_wait3A] : memref<1056xi32, #tpu.memory_space<vmem>> -> memref<1024xi32, #tpu.memory_space<vmem>>
      %dma_wait3A_227 = tpu.memref_slice %arg5[%add3A_207] : memref<25731072xi32, #tpu.memory_space<hbm>> -> memref<1024xi32, #tpu.memory_space<hbm>>
      %dma_wait3A_228 = tpu.memref_slice %arg5[%add3A_207] : memref<25731072xi32, #tpu.memory_space<hbm>> -> memref<1024xi32, #tpu.memory_space<hbm>>
      %dma_wait3A_229 = arith.constant 0 : i32
      %dma_wait3A_230 = tpu.memref_slice %arg14[%dma_wait3A_229] : memref<1056xi32, #tpu.memory_space<vmem>> -> memref<1024xi32, #tpu.memory_space<vmem>>
      tpu.wait_dma2 semaphore(%run_scoped3A : memref<!tpu.dma_semaphore, #tpu.memory_space<semaphore_mem>>) src(%dma_wait3A_230 : memref<1024xi32, #tpu.memory_space<vmem>>) dst(%dma_wait3A_228 : memref<1024xi32, #tpu.memory_space<hbm>>)
      tpu.yield
    }) : () -> ()
    "tpu.region"() ({
      %run_scoped3A = tpu.sem_alloc : memref<!tpu.dma_semaphore, #tpu.memory_space<semaphore_mem>>
      %dma_start3A = arith.constant 0 : i32
      %dma_start3A_221 = tpu.memref_slice %arg18[%dma_start3A] : memref<1056xi32, #tpu.memory_space<vmem>> -> memref<1024xi32, #tpu.memory_space<vmem>>
      %dma_start3A_222 = tpu.memref_slice %arg6[%add3A_207] : memref<25731072xi32, #tpu.memory_space<hbm>> -> memref<1024xi32, #tpu.memory_space<hbm>>
      %dma_start3A_223 = tpu.memref_slice %arg6[%add3A_207] : memref<25731072xi32, #tpu.memory_space<hbm>> -> memref<1024xi32, #tpu.memory_space<hbm>>
      %dma_start3A_224 = arith.constant 0 : i32
      %dma_start3A_225 = tpu.memref_slice %arg18[%dma_start3A_224] : memref<1056xi32, #tpu.memory_space<vmem>> -> memref<1024xi32, #tpu.memory_space<vmem>>
      tpu.enqueue_dma source(%dma_start3A_225 : memref<1024xi32, #tpu.memory_space<vmem>>) target(%dma_start3A_223 : memref<1024xi32, #tpu.memory_space<hbm>>) target_semaphore(%run_scoped3A : memref<!tpu.dma_semaphore, #tpu.memory_space<semaphore_mem>>)
      %dma_wait3A = arith.constant 0 : i32
      %dma_wait3A_226 = tpu.memref_slice %arg18[%dma_wait3A] : memref<1056xi32, #tpu.memory_space<vmem>> -> memref<1024xi32, #tpu.memory_space<vmem>>
      %dma_wait3A_227 = tpu.memref_slice %arg6[%add3A_207] : memref<25731072xi32, #tpu.memory_space<hbm>> -> memref<1024xi32, #tpu.memory_space<hbm>>
      %dma_wait3A_228 = tpu.memref_slice %arg6[%add3A_207] : memref<25731072xi32, #tpu.memory_space<hbm>> -> memref<1024xi32, #tpu.memory_space<hbm>>
      %dma_wait3A_229 = arith.constant 0 : i32
      %dma_wait3A_230 = tpu.memref_slice %arg18[%dma_wait3A_229] : memref<1056xi32, #tpu.memory_space<vmem>> -> memref<1024xi32, #tpu.memory_space<vmem>>
      tpu.wait_dma2 semaphore(%run_scoped3A : memref<!tpu.dma_semaphore, #tpu.memory_space<semaphore_mem>>) src(%dma_wait3A_230 : memref<1024xi32, #tpu.memory_space<vmem>>) dst(%dma_wait3A_228 : memref<1024xi32, #tpu.memory_space<hbm>>)
      tpu.yield
    }) : () -> ()
    %eq3A_208 = arith.constant 3 : i32
    %eq3A_209 = vector.broadcast %eq3A_208 : i32 to vector<16xi32>
    %eq3A_210 = arith.cmpi eq, %iota3A, %eq3A_209 : vector<16xi32>
    %add3A_211 = arith.constant 1 : i32
    %add3A_212 = arith.addi %scan3A_14#7, %add3A_211 : i32
    %broadcast_in_dim3A_213 = vector.broadcast %add3A_212 : i32 to vector<16xi32>
    %select_n3A_214 = arith.select %eq3A_210, %broadcast_in_dim3A_213, %select_n3A_162 : vector<16xi1>, vector<16xi32>
    %swap3A = arith.constant 0 : index
    %swap3A_215 = tpu.vector_load %arg19[%swap3A] {strides = array<i32>} : memref<16xi32, #tpu.memory_space<vmem>>, vector<16xi32>,
    tpu.vector_store %arg19[%swap3A], %select_n3A_214 {strides = array<i32>} : memref<16xi32, #tpu.memory_space<vmem>>, vector<16xi32>,
    %mul3A_216 = arith.constant 16 : i32
    %mul3A_217 = arith.muli %arg0, %mul3A_216 : i32
    %add3A_218 = arith.addi %mul3A_217, %arg1 : i32
    %mul3A_219 = arith.constant 16 : i32
    %mul3A_220 = arith.muli %add3A_218, %mul3A_219 : i32
    "tpu.region"() ({
      %run_scoped3A = tpu.sem_alloc : memref<!tpu.dma_semaphore, #tpu.memory_space<semaphore_mem>>
      %dma_start3A = tpu.memref_slice %arg7[%mul3A_220] : memref<512xi32, #tpu.memory_space<hbm>> -> memref<16xi32, #tpu.memory_space<hbm>>
      %dma_start3A_221 = tpu.memref_slice %arg7[%mul3A_220] : memref<512xi32, #tpu.memory_space<hbm>> -> memref<16xi32, #tpu.memory_space<hbm>>
      tpu.enqueue_dma source(%arg19 : memref<16xi32, #tpu.memory_space<vmem>>) target(%dma_start3A_221 : memref<16xi32, #tpu.memory_space<hbm>>) target_semaphore(%run_scoped3A : memref<!tpu.dma_semaphore, #tpu.memory_space<semaphore_mem>>)
      %dma_wait3A = tpu.memref_slice %arg7[%mul3A_220] : memref<512xi32, #tpu.memory_space<hbm>> -> memref<16xi32, #tpu.memory_space<hbm>>
      %dma_wait3A_222 = tpu.memref_slice %arg7[%mul3A_220] : memref<512xi32, #tpu.memory_space<hbm>> -> memref<16xi32, #tpu.memory_space<hbm>>
      tpu.wait_dma2 semaphore(%run_scoped3A : memref<!tpu.dma_semaphore, #tpu.memory_space<semaphore_mem>>) src(%arg19 : memref<16xi32, #tpu.memory_space<vmem>>) dst(%dma_wait3A_222 : memref<16xi32, #tpu.memory_space<hbm>>)
      tpu.yield
    }) : () -> ()
    return
  }
}

module attributes {stable_mosaic.version = 14 : i64} {
  func.func @_dense_body(%arg0: i32, %arg1: memref<2000x128xf32, #tpu.memory_space<vmem>>, %arg2: memref<2000x8xf32, #tpu.memory_space<vmem>>, %arg3: memref<2000x16xf32, #tpu.memory_space<vmem>>, %arg4: memref<128x16xf32, #tpu.memory_space<vmem>>, %arg5: memref<16x16xf32, #tpu.memory_space<vmem>>, %arg6: memref<1x16xf32, #tpu.memory_space<vmem>>, %arg7: memref<2000x16xf32, #tpu.memory_space<vmem>>) attributes {dimension_semantics = [#tpu.dimension_semantics<arbitrary>], iteration_bounds = array<i64: 50>, scalar_prefetch = 0 : i64, scratch_operands = 0 : i64, tpu.core_type = #tpu.core_type<tc>, window_params = [{transform_indices = @transform_0, window_bounds = array<i64: 2000, 128>}, {transform_indices = @transform_1, window_bounds = array<i64: 2000, 8>}, {transform_indices = @transform_2, window_bounds = array<i64: 2000, 16>}, {transform_indices = @transform_3, window_bounds = array<i64: 128, 16>}, {transform_indices = @transform_4, window_bounds = array<i64: 16, 16>}, {transform_indices = @transform_5, window_bounds = array<i64: 1, 16>}, {transform_indices = @transform_6, window_bounds = array<i64: 2000, 16>}]} {
    %get3A = arith.constant 0 : index
    %get3A_0 = arith.constant 0 : index
    %get3A_1 = vector.load %arg3[%get3A, %get3A_0] : memref<2000x16xf32, #tpu.memory_space<vmem>>, vector<2000x16xf32>
    %get3A_2 = arith.constant 0 : index
    %get3A_3 = arith.constant 0 : index
    %get3A_4 = vector.load %arg5[%get3A_2, %get3A_3] : memref<16x16xf32, #tpu.memory_space<vmem>>, vector<16x16xf32>
    %dot_general3A = arith.constant dense<0.000000e+00> : vector<2000x16xf32>
    %dot_general3A_5 = tpu.matmul %get3A_1, %get3A_4, %dot_general3A {dimension_numbers = #tpu.dot_dimension_numbers<[1], [0], [0], [1], [0, 0, 1, 1], [], []>, transpose_lhs_hint = false} : vector<2000x16xf32>, vector<16x16xf32>, vector<2000x16xf32> -> vector<2000x16xf32>
    %get3A_6 = arith.constant 0 : index
    %get3A_7 = arith.constant 0 : index
    %get3A_8 = vector.load %arg6[%get3A_6, %get3A_7] : memref<1x16xf32, #tpu.memory_space<vmem>>, vector<1x16xf32>
    %add3A = vector.broadcast %get3A_8 : vector<1x16xf32> to vector<2000x16xf32>
    %add3A_9 = arith.addf %dot_general3A_5, %add3A : vector<2000x16xf32>
    %get3A_10 = arith.constant 0 : index
    %get3A_11 = arith.constant 0 : index
    %get3A_12 = vector.load %arg2[%get3A_10, %get3A_11] : memref<2000x8xf32, #tpu.memory_space<vmem>>, vector<2000x8xf32>
    %max3A = arith.constant 1.000000e+00 : f32
    %max3A_13 = vector.broadcast %max3A : f32 to vector<2000x8xf32>
    %max3A_14 = arith.maximumf %get3A_12, %max3A_13 : vector<2000x8xf32>
    %div3A = arith.constant 1.000000e+00 : f32
    %div3A_15 = vector.broadcast %div3A : f32 to vector<2000x8xf32>
    %div3A_16 = arith.divf %div3A_15, %max3A_14 : vector<2000x8xf32>
    %get3A_17 = arith.constant 0 : index
    %get3A_18 = arith.constant 0 : index
    %get3A_19 = vector.load %arg1[%get3A_17, %get3A_18] : memref<2000x128xf32, #tpu.memory_space<vmem>>, vector<2000x16xf32>
    %slice3A = vector.extract_strided_slice %div3A_16 {offsets = [0, 0], sizes = [2000, 1], strides = [1, 1]} : vector<2000x8xf32> to vector<2000x1xf32>
    %squeeze3A = vector.shape_cast %slice3A : vector<2000x1xf32> to vector<2000xf32>
    %broadcast_in_dim3A = vector.shape_cast %squeeze3A : vector<2000xf32> to vector<2000x1xf32>
    %mul3A = vector.broadcast %broadcast_in_dim3A : vector<2000x1xf32> to vector<2000x16xf32>
    %mul3A_20 = arith.mulf %get3A_19, %mul3A : vector<2000x16xf32>
    %get3A_21 = arith.constant 0 : index
    %get3A_22 = arith.constant 16 : index
    %get3A_23 = vector.load %arg1[%get3A_21, %get3A_22] : memref<2000x128xf32, #tpu.memory_space<vmem>>, vector<2000x16xf32>
    %slice3A_24 = vector.extract_strided_slice %div3A_16 {offsets = [0, 1], sizes = [2000, 1], strides = [1, 1]} : vector<2000x8xf32> to vector<2000x1xf32>
    %squeeze3A_25 = vector.shape_cast %slice3A_24 : vector<2000x1xf32> to vector<2000xf32>
    %broadcast_in_dim3A_26 = vector.shape_cast %squeeze3A_25 : vector<2000xf32> to vector<2000x1xf32>
    %mul3A_27 = vector.broadcast %broadcast_in_dim3A_26 : vector<2000x1xf32> to vector<2000x16xf32>
    %mul3A_28 = arith.mulf %get3A_23, %mul3A_27 : vector<2000x16xf32>
    %get3A_29 = arith.constant 0 : index
    %get3A_30 = arith.constant 32 : index
    %get3A_31 = vector.load %arg1[%get3A_29, %get3A_30] : memref<2000x128xf32, #tpu.memory_space<vmem>>, vector<2000x16xf32>
    %slice3A_32 = vector.extract_strided_slice %div3A_16 {offsets = [0, 2], sizes = [2000, 1], strides = [1, 1]} : vector<2000x8xf32> to vector<2000x1xf32>
    %squeeze3A_33 = vector.shape_cast %slice3A_32 : vector<2000x1xf32> to vector<2000xf32>
    %broadcast_in_dim3A_34 = vector.shape_cast %squeeze3A_33 : vector<2000xf32> to vector<2000x1xf32>
    %mul3A_35 = vector.broadcast %broadcast_in_dim3A_34 : vector<2000x1xf32> to vector<2000x16xf32>
    %mul3A_36 = arith.mulf %get3A_31, %mul3A_35 : vector<2000x16xf32>
    %get3A_37 = arith.constant 0 : index
    %get3A_38 = arith.constant 48 : index
    %get3A_39 = vector.load %arg1[%get3A_37, %get3A_38] : memref<2000x128xf32, #tpu.memory_space<vmem>>, vector<2000x16xf32>
    %slice3A_40 = vector.extract_strided_slice %div3A_16 {offsets = [0, 3], sizes = [2000, 1], strides = [1, 1]} : vector<2000x8xf32> to vector<2000x1xf32>
    %squeeze3A_41 = vector.shape_cast %slice3A_40 : vector<2000x1xf32> to vector<2000xf32>
    %broadcast_in_dim3A_42 = vector.shape_cast %squeeze3A_41 : vector<2000xf32> to vector<2000x1xf32>
    %mul3A_43 = vector.broadcast %broadcast_in_dim3A_42 : vector<2000x1xf32> to vector<2000x16xf32>
    %mul3A_44 = arith.mulf %get3A_39, %mul3A_43 : vector<2000x16xf32>
    %get3A_45 = arith.constant 0 : index
    %get3A_46 = arith.constant 64 : index
    %get3A_47 = vector.load %arg1[%get3A_45, %get3A_46] : memref<2000x128xf32, #tpu.memory_space<vmem>>, vector<2000x16xf32>
    %slice3A_48 = vector.extract_strided_slice %div3A_16 {offsets = [0, 4], sizes = [2000, 1], strides = [1, 1]} : vector<2000x8xf32> to vector<2000x1xf32>
    %squeeze3A_49 = vector.shape_cast %slice3A_48 : vector<2000x1xf32> to vector<2000xf32>
    %broadcast_in_dim3A_50 = vector.shape_cast %squeeze3A_49 : vector<2000xf32> to vector<2000x1xf32>
    %mul3A_51 = vector.broadcast %broadcast_in_dim3A_50 : vector<2000x1xf32> to vector<2000x16xf32>
    %mul3A_52 = arith.mulf %get3A_47, %mul3A_51 : vector<2000x16xf32>
    %get3A_53 = arith.constant 0 : index
    %get3A_54 = arith.constant 80 : index
    %get3A_55 = vector.load %arg1[%get3A_53, %get3A_54] : memref<2000x128xf32, #tpu.memory_space<vmem>>, vector<2000x16xf32>
    %slice3A_56 = vector.extract_strided_slice %div3A_16 {offsets = [0, 5], sizes = [2000, 1], strides = [1, 1]} : vector<2000x8xf32> to vector<2000x1xf32>
    %squeeze3A_57 = vector.shape_cast %slice3A_56 : vector<2000x1xf32> to vector<2000xf32>
    %broadcast_in_dim3A_58 = vector.shape_cast %squeeze3A_57 : vector<2000xf32> to vector<2000x1xf32>
    %mul3A_59 = vector.broadcast %broadcast_in_dim3A_58 : vector<2000x1xf32> to vector<2000x16xf32>
    %mul3A_60 = arith.mulf %get3A_55, %mul3A_59 : vector<2000x16xf32>
    %get3A_61 = arith.constant 0 : index
    %get3A_62 = arith.constant 96 : index
    %get3A_63 = vector.load %arg1[%get3A_61, %get3A_62] : memref<2000x128xf32, #tpu.memory_space<vmem>>, vector<2000x16xf32>
    %slice3A_64 = vector.extract_strided_slice %div3A_16 {offsets = [0, 6], sizes = [2000, 1], strides = [1, 1]} : vector<2000x8xf32> to vector<2000x1xf32>
    %squeeze3A_65 = vector.shape_cast %slice3A_64 : vector<2000x1xf32> to vector<2000xf32>
    %broadcast_in_dim3A_66 = vector.shape_cast %squeeze3A_65 : vector<2000xf32> to vector<2000x1xf32>
    %mul3A_67 = vector.broadcast %broadcast_in_dim3A_66 : vector<2000x1xf32> to vector<2000x16xf32>
    %mul3A_68 = arith.mulf %get3A_63, %mul3A_67 : vector<2000x16xf32>
    %get3A_69 = arith.constant 0 : index
    %get3A_70 = arith.constant 112 : index
    %get3A_71 = vector.load %arg1[%get3A_69, %get3A_70] : memref<2000x128xf32, #tpu.memory_space<vmem>>, vector<2000x16xf32>
    %slice3A_72 = vector.extract_strided_slice %div3A_16 {offsets = [0, 7], sizes = [2000, 1], strides = [1, 1]} : vector<2000x8xf32> to vector<2000x1xf32>
    %squeeze3A_73 = vector.shape_cast %slice3A_72 : vector<2000x1xf32> to vector<2000xf32>
    %broadcast_in_dim3A_74 = vector.shape_cast %squeeze3A_73 : vector<2000xf32> to vector<2000x1xf32>
    %mul3A_75 = vector.broadcast %broadcast_in_dim3A_74 : vector<2000x1xf32> to vector<2000x16xf32>
    %mul3A_76 = arith.mulf %get3A_71, %mul3A_75 : vector<2000x16xf32>
    %concatenate3A = tpu.concatenate %mul3A_20, %mul3A_28, %mul3A_36, %mul3A_44, %mul3A_52, %mul3A_60, %mul3A_68, %mul3A_76 in 1 : vector<2000x16xf32>, vector<2000x16xf32>, vector<2000x16xf32>, vector<2000x16xf32>, vector<2000x16xf32>, vector<2000x16xf32>, vector<2000x16xf32>, vector<2000x16xf32> -> vector<2000x128xf32>
    %get3A_77 = arith.constant 0 : index
    %get3A_78 = arith.constant 0 : index
    %get3A_79 = vector.load %arg4[%get3A_77, %get3A_78] : memref<128x16xf32, #tpu.memory_space<vmem>>, vector<128x16xf32>
    %dot_general3A_80 = arith.constant dense<0.000000e+00> : vector<2000x16xf32>
    %dot_general3A_81 = tpu.matmul %concatenate3A, %get3A_79, %dot_general3A_80 {dimension_numbers = #tpu.dot_dimension_numbers<[1], [0], [0], [1], [0, 0, 1, 1], [], []>, transpose_lhs_hint = false} : vector<2000x128xf32>, vector<128x16xf32>, vector<2000x16xf32> -> vector<2000x16xf32>
    %add3A_82 = arith.addf %add3A_9, %dot_general3A_81 : vector<2000x16xf32>
    %max3A_83 = arith.constant 0.000000e+00 : f32
    %max3A_84 = vector.broadcast %max3A_83 : f32 to vector<2000x16xf32>
    %max3A_85 = arith.maximumf %add3A_82, %max3A_84 : vector<2000x16xf32>
    %swap3A = arith.constant 0 : index
    %swap3A_86 = arith.constant 0 : index
    %swap3A_87 = vector.load %arg7[%swap3A, %swap3A_86] : memref<2000x16xf32, #tpu.memory_space<vmem>>, vector<2000x16xf32>
    tpu.vector_store %arg7[%swap3A, %swap3A_86], %max3A_85 {strides = array<i32>} : memref<2000x16xf32, #tpu.memory_space<vmem>>, vector<2000x16xf32>,
    return
  }
  func.func @transform_0(%arg0: i32) -> (i32, i32) {
    %sub3A = arith.subi %arg0, %arg0 : i32
    %c0_i32 = arith.constant 0 : i32
    return %arg0, %sub3A : i32, i32
  }
  func.func @transform_1(%arg0: i32) -> (i32, i32) {
    %sub3A = arith.subi %arg0, %arg0 : i32
    %c0_i32 = arith.constant 0 : i32
    return %arg0, %sub3A : i32, i32
  }
  func.func @transform_2(%arg0: i32) -> (i32, i32) {
    %sub3A = arith.subi %arg0, %arg0 : i32
    %c0_i32 = arith.constant 0 : i32
    return %arg0, %sub3A : i32, i32
  }
  func.func @transform_3(%arg0: i32) -> (i32, i32) {
    %sub3A = arith.subi %arg0, %arg0 : i32
    %sub3A_0 = arith.subi %arg0, %arg0 : i32
    %c0_i32 = arith.constant 0 : i32
    return %sub3A, %sub3A_0 : i32, i32
  }
  func.func @transform_4(%arg0: i32) -> (i32, i32) {
    %sub3A = arith.subi %arg0, %arg0 : i32
    %sub3A_0 = arith.subi %arg0, %arg0 : i32
    %c0_i32 = arith.constant 0 : i32
    return %sub3A, %sub3A_0 : i32, i32
  }
  func.func @transform_5(%arg0: i32) -> (i32, i32) {
    %sub3A = arith.subi %arg0, %arg0 : i32
    %sub3A_0 = arith.subi %arg0, %arg0 : i32
    %c0_i32 = arith.constant 0 : i32
    return %sub3A, %sub3A_0 : i32, i32
  }
  func.func @transform_6(%arg0: i32) -> (i32, i32) {
    %sub3A = arith.subi %arg0, %arg0 : i32
    %c0_i32 = arith.constant 0 : i32
    return %arg0, %sub3A : i32, i32
  }
}

module attributes {stable_mosaic.version = 14 : i64} {
  func.func @_dense_body(%arg0: i32, %arg1: memref<2000x128xf32, #tpu.memory_space<vmem>>, %arg2: memref<2000x8xf32, #tpu.memory_space<vmem>>, %arg3: memref<2000x16xf32, #tpu.memory_space<vmem>>, %arg4: memref<128x32xf32, #tpu.memory_space<vmem>>, %arg5: memref<16x32xf32, #tpu.memory_space<vmem>>, %arg6: memref<1x32xf32, #tpu.memory_space<vmem>>, %arg7: memref<2000x32xf32, #tpu.memory_space<vmem>>) attributes {dimension_semantics = [#tpu.dimension_semantics<arbitrary>], iteration_bounds = array<i64: 50>, scalar_prefetch = 0 : i64, scratch_operands = 0 : i64, tpu.core_type = #tpu.core_type<tc>, window_params = [{transform_indices = @transform_0, window_bounds = array<i64: 2000, 128>}, {transform_indices = @transform_1, window_bounds = array<i64: 2000, 8>}, {transform_indices = @transform_2, window_bounds = array<i64: 2000, 16>}, {transform_indices = @transform_3, window_bounds = array<i64: 128, 32>}, {transform_indices = @transform_4, window_bounds = array<i64: 16, 32>}, {transform_indices = @transform_5, window_bounds = array<i64: 1, 32>}, {transform_indices = @transform_6, window_bounds = array<i64: 2000, 32>}]} {
    %get3A = arith.constant 0 : index
    %get3A_0 = arith.constant 0 : index
    %get3A_1 = vector.load %arg3[%get3A, %get3A_0] : memref<2000x16xf32, #tpu.memory_space<vmem>>, vector<2000x16xf32>
    %get3A_2 = arith.constant 0 : index
    %get3A_3 = arith.constant 0 : index
    %get3A_4 = vector.load %arg5[%get3A_2, %get3A_3] : memref<16x32xf32, #tpu.memory_space<vmem>>, vector<16x32xf32>
    %dot_general3A = arith.constant dense<0.000000e+00> : vector<2000x32xf32>
    %dot_general3A_5 = tpu.matmul %get3A_1, %get3A_4, %dot_general3A {dimension_numbers = #tpu.dot_dimension_numbers<[1], [0], [0], [1], [0, 0, 1, 1], [], []>, transpose_lhs_hint = false} : vector<2000x16xf32>, vector<16x32xf32>, vector<2000x32xf32> -> vector<2000x32xf32>
    %get3A_6 = arith.constant 0 : index
    %get3A_7 = arith.constant 0 : index
    %get3A_8 = vector.load %arg6[%get3A_6, %get3A_7] : memref<1x32xf32, #tpu.memory_space<vmem>>, vector<1x32xf32>
    %add3A = vector.broadcast %get3A_8 : vector<1x32xf32> to vector<2000x32xf32>
    %add3A_9 = arith.addf %dot_general3A_5, %add3A : vector<2000x32xf32>
    %get3A_10 = arith.constant 0 : index
    %get3A_11 = arith.constant 0 : index
    %get3A_12 = vector.load %arg2[%get3A_10, %get3A_11] : memref<2000x8xf32, #tpu.memory_space<vmem>>, vector<2000x8xf32>
    %max3A = arith.constant 1.000000e+00 : f32
    %max3A_13 = vector.broadcast %max3A : f32 to vector<2000x8xf32>
    %max3A_14 = arith.maximumf %get3A_12, %max3A_13 : vector<2000x8xf32>
    %div3A = arith.constant 1.000000e+00 : f32
    %div3A_15 = vector.broadcast %div3A : f32 to vector<2000x8xf32>
    %div3A_16 = arith.divf %div3A_15, %max3A_14 : vector<2000x8xf32>
    %get3A_17 = arith.constant 0 : index
    %get3A_18 = arith.constant 0 : index
    %get3A_19 = vector.load %arg1[%get3A_17, %get3A_18] : memref<2000x128xf32, #tpu.memory_space<vmem>>, vector<2000x16xf32>
    %slice3A = vector.extract_strided_slice %div3A_16 {offsets = [0, 0], sizes = [2000, 1], strides = [1, 1]} : vector<2000x8xf32> to vector<2000x1xf32>
    %squeeze3A = vector.shape_cast %slice3A : vector<2000x1xf32> to vector<2000xf32>
    %broadcast_in_dim3A = vector.shape_cast %squeeze3A : vector<2000xf32> to vector<2000x1xf32>
    %mul3A = vector.broadcast %broadcast_in_dim3A : vector<2000x1xf32> to vector<2000x16xf32>
    %mul3A_20 = arith.mulf %get3A_19, %mul3A : vector<2000x16xf32>
    %get3A_21 = arith.constant 0 : index
    %get3A_22 = arith.constant 16 : index
    %get3A_23 = vector.load %arg1[%get3A_21, %get3A_22] : memref<2000x128xf32, #tpu.memory_space<vmem>>, vector<2000x16xf32>
    %slice3A_24 = vector.extract_strided_slice %div3A_16 {offsets = [0, 1], sizes = [2000, 1], strides = [1, 1]} : vector<2000x8xf32> to vector<2000x1xf32>
    %squeeze3A_25 = vector.shape_cast %slice3A_24 : vector<2000x1xf32> to vector<2000xf32>
    %broadcast_in_dim3A_26 = vector.shape_cast %squeeze3A_25 : vector<2000xf32> to vector<2000x1xf32>
    %mul3A_27 = vector.broadcast %broadcast_in_dim3A_26 : vector<2000x1xf32> to vector<2000x16xf32>
    %mul3A_28 = arith.mulf %get3A_23, %mul3A_27 : vector<2000x16xf32>
    %get3A_29 = arith.constant 0 : index
    %get3A_30 = arith.constant 32 : index
    %get3A_31 = vector.load %arg1[%get3A_29, %get3A_30] : memref<2000x128xf32, #tpu.memory_space<vmem>>, vector<2000x16xf32>
    %slice3A_32 = vector.extract_strided_slice %div3A_16 {offsets = [0, 2], sizes = [2000, 1], strides = [1, 1]} : vector<2000x8xf32> to vector<2000x1xf32>
    %squeeze3A_33 = vector.shape_cast %slice3A_32 : vector<2000x1xf32> to vector<2000xf32>
    %broadcast_in_dim3A_34 = vector.shape_cast %squeeze3A_33 : vector<2000xf32> to vector<2000x1xf32>
    %mul3A_35 = vector.broadcast %broadcast_in_dim3A_34 : vector<2000x1xf32> to vector<2000x16xf32>
    %mul3A_36 = arith.mulf %get3A_31, %mul3A_35 : vector<2000x16xf32>
    %get3A_37 = arith.constant 0 : index
    %get3A_38 = arith.constant 48 : index
    %get3A_39 = vector.load %arg1[%get3A_37, %get3A_38] : memref<2000x128xf32, #tpu.memory_space<vmem>>, vector<2000x16xf32>
    %slice3A_40 = vector.extract_strided_slice %div3A_16 {offsets = [0, 3], sizes = [2000, 1], strides = [1, 1]} : vector<2000x8xf32> to vector<2000x1xf32>
    %squeeze3A_41 = vector.shape_cast %slice3A_40 : vector<2000x1xf32> to vector<2000xf32>
    %broadcast_in_dim3A_42 = vector.shape_cast %squeeze3A_41 : vector<2000xf32> to vector<2000x1xf32>
    %mul3A_43 = vector.broadcast %broadcast_in_dim3A_42 : vector<2000x1xf32> to vector<2000x16xf32>
    %mul3A_44 = arith.mulf %get3A_39, %mul3A_43 : vector<2000x16xf32>
    %get3A_45 = arith.constant 0 : index
    %get3A_46 = arith.constant 64 : index
    %get3A_47 = vector.load %arg1[%get3A_45, %get3A_46] : memref<2000x128xf32, #tpu.memory_space<vmem>>, vector<2000x16xf32>
    %slice3A_48 = vector.extract_strided_slice %div3A_16 {offsets = [0, 4], sizes = [2000, 1], strides = [1, 1]} : vector<2000x8xf32> to vector<2000x1xf32>
    %squeeze3A_49 = vector.shape_cast %slice3A_48 : vector<2000x1xf32> to vector<2000xf32>
    %broadcast_in_dim3A_50 = vector.shape_cast %squeeze3A_49 : vector<2000xf32> to vector<2000x1xf32>
    %mul3A_51 = vector.broadcast %broadcast_in_dim3A_50 : vector<2000x1xf32> to vector<2000x16xf32>
    %mul3A_52 = arith.mulf %get3A_47, %mul3A_51 : vector<2000x16xf32>
    %get3A_53 = arith.constant 0 : index
    %get3A_54 = arith.constant 80 : index
    %get3A_55 = vector.load %arg1[%get3A_53, %get3A_54] : memref<2000x128xf32, #tpu.memory_space<vmem>>, vector<2000x16xf32>
    %slice3A_56 = vector.extract_strided_slice %div3A_16 {offsets = [0, 5], sizes = [2000, 1], strides = [1, 1]} : vector<2000x8xf32> to vector<2000x1xf32>
    %squeeze3A_57 = vector.shape_cast %slice3A_56 : vector<2000x1xf32> to vector<2000xf32>
    %broadcast_in_dim3A_58 = vector.shape_cast %squeeze3A_57 : vector<2000xf32> to vector<2000x1xf32>
    %mul3A_59 = vector.broadcast %broadcast_in_dim3A_58 : vector<2000x1xf32> to vector<2000x16xf32>
    %mul3A_60 = arith.mulf %get3A_55, %mul3A_59 : vector<2000x16xf32>
    %get3A_61 = arith.constant 0 : index
    %get3A_62 = arith.constant 96 : index
    %get3A_63 = vector.load %arg1[%get3A_61, %get3A_62] : memref<2000x128xf32, #tpu.memory_space<vmem>>, vector<2000x16xf32>
    %slice3A_64 = vector.extract_strided_slice %div3A_16 {offsets = [0, 6], sizes = [2000, 1], strides = [1, 1]} : vector<2000x8xf32> to vector<2000x1xf32>
    %squeeze3A_65 = vector.shape_cast %slice3A_64 : vector<2000x1xf32> to vector<2000xf32>
    %broadcast_in_dim3A_66 = vector.shape_cast %squeeze3A_65 : vector<2000xf32> to vector<2000x1xf32>
    %mul3A_67 = vector.broadcast %broadcast_in_dim3A_66 : vector<2000x1xf32> to vector<2000x16xf32>
    %mul3A_68 = arith.mulf %get3A_63, %mul3A_67 : vector<2000x16xf32>
    %get3A_69 = arith.constant 0 : index
    %get3A_70 = arith.constant 112 : index
    %get3A_71 = vector.load %arg1[%get3A_69, %get3A_70] : memref<2000x128xf32, #tpu.memory_space<vmem>>, vector<2000x16xf32>
    %slice3A_72 = vector.extract_strided_slice %div3A_16 {offsets = [0, 7], sizes = [2000, 1], strides = [1, 1]} : vector<2000x8xf32> to vector<2000x1xf32>
    %squeeze3A_73 = vector.shape_cast %slice3A_72 : vector<2000x1xf32> to vector<2000xf32>
    %broadcast_in_dim3A_74 = vector.shape_cast %squeeze3A_73 : vector<2000xf32> to vector<2000x1xf32>
    %mul3A_75 = vector.broadcast %broadcast_in_dim3A_74 : vector<2000x1xf32> to vector<2000x16xf32>
    %mul3A_76 = arith.mulf %get3A_71, %mul3A_75 : vector<2000x16xf32>
    %concatenate3A = tpu.concatenate %mul3A_20, %mul3A_28, %mul3A_36, %mul3A_44, %mul3A_52, %mul3A_60, %mul3A_68, %mul3A_76 in 1 : vector<2000x16xf32>, vector<2000x16xf32>, vector<2000x16xf32>, vector<2000x16xf32>, vector<2000x16xf32>, vector<2000x16xf32>, vector<2000x16xf32>, vector<2000x16xf32> -> vector<2000x128xf32>
    %get3A_77 = arith.constant 0 : index
    %get3A_78 = arith.constant 0 : index
    %get3A_79 = vector.load %arg4[%get3A_77, %get3A_78] : memref<128x32xf32, #tpu.memory_space<vmem>>, vector<128x32xf32>
    %dot_general3A_80 = arith.constant dense<0.000000e+00> : vector<2000x32xf32>
    %dot_general3A_81 = tpu.matmul %concatenate3A, %get3A_79, %dot_general3A_80 {dimension_numbers = #tpu.dot_dimension_numbers<[1], [0], [0], [1], [0, 0, 1, 1], [], []>, transpose_lhs_hint = false} : vector<2000x128xf32>, vector<128x32xf32>, vector<2000x32xf32> -> vector<2000x32xf32>
    %add3A_82 = arith.addf %add3A_9, %dot_general3A_81 : vector<2000x32xf32>
    %reduce_max3A = arith.constant dense<0xFF800000> : vector<2000xf32>
    %reduce_max3A_83 = vector.multi_reduction <maximumf>, %add3A_82, %reduce_max3A [1] : vector<2000x32xf32> to vector<2000xf32>
    %broadcast_in_dim3A_84 = vector.shape_cast %reduce_max3A_83 : vector<2000xf32> to vector<2000x1xf32>
    %sub3A = vector.broadcast %broadcast_in_dim3A_84 : vector<2000x1xf32> to vector<2000x32xf32>
    %sub3A_85 = arith.subf %add3A_82, %sub3A : vector<2000x32xf32>
    %exp3A = math.exp %sub3A_85 : vector<2000x32xf32>
    %reduce_sum3A = arith.constant dense<0.000000e+00> : vector<2000xf32>
    %reduce_sum3A_86 = vector.multi_reduction <add>, %exp3A, %reduce_sum3A [1] : vector<2000x32xf32> to vector<2000xf32>
    %broadcast_in_dim3A_87 = vector.shape_cast %reduce_sum3A_86 : vector<2000xf32> to vector<2000x1xf32>
    %log3A = math.log %broadcast_in_dim3A_87 : vector<2000x1xf32>
    %sub3A_88 = vector.broadcast %log3A : vector<2000x1xf32> to vector<2000x32xf32>
    %sub3A_89 = arith.subf %sub3A_85, %sub3A_88 : vector<2000x32xf32>
    %swap3A = arith.constant 0 : index
    %swap3A_90 = arith.constant 0 : index
    %swap3A_91 = vector.load %arg7[%swap3A, %swap3A_90] : memref<2000x32xf32, #tpu.memory_space<vmem>>, vector<2000x32xf32>
    tpu.vector_store %arg7[%swap3A, %swap3A_90], %sub3A_89 {strides = array<i32>} : memref<2000x32xf32, #tpu.memory_space<vmem>>, vector<2000x32xf32>,
    return
  }
  func.func @transform_0(%arg0: i32) -> (i32, i32) {
    %sub3A = arith.subi %arg0, %arg0 : i32
    %c0_i32 = arith.constant 0 : i32
    return %arg0, %sub3A : i32, i32
  }
  func.func @transform_1(%arg0: i32) -> (i32, i32) {
    %sub3A = arith.subi %arg0, %arg0 : i32
    %c0_i32 = arith.constant 0 : i32
    return %arg0, %sub3A : i32, i32
  }
  func.func @transform_2(%arg0: i32) -> (i32, i32) {
    %sub3A = arith.subi %arg0, %arg0 : i32
    %c0_i32 = arith.constant 0 : i32
    return %arg0, %sub3A : i32, i32
  }
  func.func @transform_3(%arg0: i32) -> (i32, i32) {
    %sub3A = arith.subi %arg0, %arg0 : i32
    %sub3A_0 = arith.subi %arg0, %arg0 : i32
    %c0_i32 = arith.constant 0 : i32
    return %sub3A, %sub3A_0 : i32, i32
  }
  func.func @transform_4(%arg0: i32) -> (i32, i32) {
    %sub3A = arith.subi %arg0, %arg0 : i32
    %sub3A_0 = arith.subi %arg0, %arg0 : i32
    %c0_i32 = arith.constant 0 : i32
    return %sub3A, %sub3A_0 : i32, i32
  }
  func.func @transform_5(%arg0: i32) -> (i32, i32) {
    %sub3A = arith.subi %arg0, %arg0 : i32
    %sub3A_0 = arith.subi %arg0, %arg0 : i32
    %c0_i32 = arith.constant 0 : i32
    return %sub3A, %sub3A_0 : i32, i32
  }
  func.func @transform_6(%arg0: i32) -> (i32, i32) {
    %sub3A = arith.subi %arg0, %arg0 : i32
    %c0_i32 = arith.constant 0 : i32
    return %arg0, %sub3A : i32, i32
  }
}

</mosaic_0001>

<sc_bundles>
// kernel: kernel.10.cloned.1.call-start
scs
__scs_entry_jumppad:
0x0: {  	(pc) =	sbr.rel $0x88, $3  }
0x1: {  	(tag) =	ssettag $0x0;
	lr =	simm.s32 $0x1  }
0x2: {  	[smem:$0x3F98] =	sst lr;
	_ =	strace $0xD0000000  }
0x3: {  	_ = 	snop  }
0x4: {  	_ = 	snop  }
0x5: {  	_ = 	snop  }
0x6: {  	_ = 	snop  }
0x7: {  	_ = 	snop  }
__scs_overlays_trampoline_lowered:
0x8: {  	[smem:$0x3FA7] =	sst s0  }
0x9: {  	[smem:$0x3FA8] =	sst s1  }
0xa: {  	[smem:$0x3FA9] =	sst s2  }
0xb: {  	[smem:$0x3FAA] =	sst s3  }
0xc: {  	[smem:$0x3FAB] =	sst s4  }
0xd: {  	[smem:$0x3FAC] =	sst s5  }
0xe: {  	[smem:$0x3FAD] =	sst s6  }
0xf: {  	[smem:$0x3FAE] =	sst s7  }
0x10: {  	[smem:$0x3FAF] =	sst s8  }
0x11: {  	[smem:$0x3FB0] =	sst s9;
	s0 =	simm.s32 @!p0 $0x0  }
0x12: {  	s1 =	sld [smem:$0x3F96];
	s0 =	simm.s32 @p0 $0x1  }
0x13: {  	[smem:$0x3FB1] =	sst s0;
	s0 =	simm.s32 @!p1 $0x0  }
0x14: {  	s2 =	sld [smem:$0x3F95];
	s0 =	simm.s32 @p1 $0x1  }
0x15: {  	[smem:$0x3FB2] =	sst s0;
	s0 =	simm.s32 @!p2 $0x0  }
0x16: {  	s3 =	sld [smem:$0x3FDB];
	s0 =	simm.s32 @p2 $0x1  }
0x17: {  	s4 =	simm.s32 $0x1BF5;
	[smem:$0x3FB4] =	sst s0  }
0x18: {  	s0 =	sld [smem:$0x3F97];
	_ =	swait.ge [sflag:s4], $0x0  }
0x19: {  	s7 =	sld [smem:$0x3F98]  }
0x1a: {  	s8 =	sadd.s32 $0xFFFFE003, lr  }
0x1b: {  	s9 =	sadd.s32 $0xFFFFFEF7, lr;
	s5 =	simm.s32 $0xFFFFFFFF;
	p2 =	slt.u32 s8, $0xFFFFF086  }
0x1c: {  	p1 =	slt.u32 s9, $0xF7A;
	s5 =	simm.s32 @!p2 $0x0  }
0x1d: {  	s5 =	simm.s32 @p1 $0x1;
	p0 =	seq.s32 s7, s2  }
0x1e: {  	s7 =	smul.u32 @!p0 $0xF7A, s2;
	p2 =	seq.s32 @!p0 s5, $0x0  }
0x1f: {  	s9 =	smul.u32 $0xF7A, s1;
	s8 =	simm.s32 @!p0 $0x1BF5;
	p2 =	por !p2, p0  }
0x20: {  	[sflag:s8] =	ssyncset.s32 @!p0 $0xFFFFF086;
	s6 =	sadd.s32 @!p0 s3, s7;
	s7 =	simm.s32 @!p0 $0x108  }
0x21: {  	s3 =	sadd.s32 s3, s9;
	s6 =	sadd.s32 @!p0 $0x88, s6;
	s7 =	simm.s32 @p2 $0x1082  }
0x22: {  	[simem:s7], [sflag:s8] =	dma.local @!p0 [hbm:s6], $0xF7A  }
0x23: {  	s9 =	sor.u32 $0xD0000000, s2;
	s6 =	simm.s32 $0x108;
	_ =	swait.ge @!p0 [sflag:s8], $0x0  }
0x24: {  	s3 =	sadd.s32 $0x88, s3;
	s6 =	simm.s32 @!p1 $0x1082;
	[sflag:s4] =	ssyncset.s32 $0xFFFFF086  }
0x25: {  	[simem:s6], [sflag:s4] =	dma.local [hbm:s3], $0xF7A  }
0x26: {  	[smem:$0x3F98] =	sst s1;
	(tag) =	ssettag s2;
	_ =	strace s9  }
0x27: {  	s1 =	sld [smem:$0x3FA8]  }
0x28: {  	s2 =	sld [smem:$0x3FA9]  }
0x29: {  	s4 =	sld [smem:$0x3FAB]  }
0x2a: {  	p0 =	seq.s32 s5, $0x0;
	s5 =	sld [smem:$0x3FAC]  }
0x2b: {  	s6 =	sld [smem:$0x3FAD]  }
0x2c: {  	s7 =	sld [smem:$0x3FAE]  }
0x2d: {  	s3 =	simm.s32 $0x108;
	s8 =	sld [smem:$0x3FAF]  }
0x2e: {  	s3 =	simm.s32 @!p0 $0x1082;
	s9 =	sld [smem:$0x3FB0]  }
0x2f: {  	lr =	sadd.s32 s0, s3;
	s0 =	sld [smem:$0x3FA7]  }
0x30: {  	s3 =	sld [smem:$0x3FAA]  }
0x31: {  	[smem:$0x3FB3] =	sst s10  }
0x32: {  	s10 =	sld [smem:$0x3FB1];
	_ =	sdelay $0x3  }
0x33: {  	p0 =	seq.s32 s10, $0x1;
	s10 =	sld [smem:$0x3FB3];
	_ =	sdelay $0x3  }
0x34: {  	[smem:$0x3FB3] =	sst s10  }
0x35: {  	s10 =	sld [smem:$0x3FB2];
	_ =	sdelay $0x3  }
0x36: {  	p1 =	seq.s32 s10, $0x1;
	s10 =	sld [smem:$0x3FB3];
	_ =	sdelay $0x3  }
0x37: {  	[smem:$0x3FB3] =	sst s10  }
0x38: {  	s10 =	sld [smem:$0x3FB4]  }
0x39: {  	_ = 	snop;
	(pc) =	sbr.ind lr, $3  }
0x3a: {  	_ = 	snop  }
0x3b: {  	_ = 	snop  }
0x3c: {  	p2 =	seq.s32 s10, $0x1;
	s10 =	sld [smem:$0x3FB3]  }
0x3d: {  	_ =	shalt  }
0x3e: {  	_ =	shalt  }
0x3f: {  	_ =	shalt  }
0x40: {  	_ =	shalt  }
0x41: {  	_ =	shalt  }
0x42: {  	_ =	shalt  }
0x43: {  	_ =	shalt  }
0x44: {  	_ =	shalt  }
0x45: {  	_ =	shalt  }
0x46: {  	_ =	shalt  }
0x47: {  	_ =	shalt  }
0x48: {  	_ =	shalt  }
0x49: {  	_ =	shalt  }
0x4a: {  	_ =	shalt  }
0x4b: {  	_ =	shalt  }
0x4c: {  	_ =	shalt  }
0x4d: {  	_ =	shalt  }
0x4e: {  	_ =	shalt  }
0x4f: {  	_ =	shalt  }
0x50: {  	_ =	shalt  }
0x51: {  	_ =	shalt  }
0x52: {  	_ =	shalt  }
0x53: {  	_ =	shalt  }
0x54: {  	_ =	shalt  }
0x55: {  	_ =	shalt  }
0x56: {  	_ =	shalt  }
0x57: {  	_ =	shalt  }
0x58: {  	_ =	shalt  }
0x59: {  	_ =	shalt  }
0x5a: {  	_ =	shalt  }
0x5b: {  	_ =	shalt  }
0x5c: {  	_ =	shalt  }
0x5d: {  	_ =	shalt  }
0x5e: {  	_ =	shalt  }
0x5f: {  	_ =	shalt  }
0x60: {  	_ =	shalt  }
0x61: {  	_ =	shalt  }
0x62: {  	_ =	shalt  }
0x63: {  	_ =	shalt  }
0x64: {  	_ =	shalt  }
0x65: {  	_ =	shalt  }
0x66: {  	_ =	shalt  }
0x67: {  	_ =	shalt  }
0x68: {  	_ =	shalt  }
0x69: {  	_ =	shalt  }
0x6a: {  	_ =	shalt  }
0x6b: {  	_ =	shalt  }
0x6c: {  	_ =	shalt  }
0x6d: {  	_ =	shalt  }
0x6e: {  	_ =	shalt  }
0x6f: {  	_ =	shalt  }
0x70: {  	_ =	shalt  }
0x71: {  	_ =	shalt  }
0x72: {  	_ =	shalt  }
0x73: {  	_ =	shalt  }
0x74: {  	_ =	shalt  }
0x75: {  	_ =	shalt  }
0x76: {  	_ =	shalt  }
0x77: {  	_ =	shalt  }
0x78: {  	_ =	shalt  }
0x79: {  	_ =	shalt  }
0x7a: {  	_ =	shalt  }
0x7b: {  	_ =	shalt  }
0x7c: {  	_ =	shalt  }
0x7d: {  	_ =	shalt  }
0x7e: {  	_ =	shalt  }
0x7f: {  	_ =	shalt  }
0x80: {  	_ =	shalt  }
0x81: {  	_ =	shalt  }
0x82: {  	_ =	shalt  }
0x83: {  	_ =	shalt  }
0x84: {  	_ =	shalt  }
0x85: {  	_ =	shalt  }
0x86: {  	_ =	shalt  }
0x87: {  	_ =	shalt  }
.Lfunc_end0:
.L_simem_size_0:
called_computation.1_lowered:
.L_overlay_start_0:
0x88: {  	s2 =	sld [smem:$0x3FD9]  }
0x89: {  	s3 =	sld [smem:$0x3FFE];
	_ =	sdelay $0x1  }
0x8a: {  	s1 =	srdreg.scid  }
0x8b: {  	s0 =	sand.u32 $0x1, s1  }
0x8c: {  	s18 =	sshll.u32 s0, $0xA;
	s2 =	sadd.s32 s3, s2  }
0x8d: {  	s3 =	sadd.s32 s2, s18  }
0x8e: {  	[smem:$0x3FBF] =	sst s3  }
0x8f: {  	_ = 	snop  }
0x90: {  	s3 =	sld [smem:$0x3FD0];
	(tm) =	ssettm $0x1  }
0x91: {  	s4 =	sld [smem:$0x3FFB];
	_ =	sdelay $0x3  }
0x92: {  	_ =	strace s4  }
0x93: {  	s4 =	sld [smem:$0x3FFC];
	_ =	sdelay $0x3  }
0x94: {  	_ =	strace s4  }
0x95: {  	s4 =	sld [smem:$0x3FFD];
	_ =	sdelay $0x3  }
0x96: {  	_ =	strace s4  }
0x97: {  	_ =	strace $0x8FFFFFFF  }
0x98: {  	s19 =	sld [smem:$0x3FDB];
	_ =	sdelay $0x1  }
0x99: {  	s5 =	simm.s32 $_scs_section_size  }
0x9a: {  	s6 =	simm.s32 $_size__tile_overlayer_lowered;
	s7 =	simm.s32 $_tile_overlayer_lowered  }
0x9b: {  	s22 =	simm.s32 $0x1BFF;
	s21 =	sshll.u32 s7, $0x1;
	s4 =	sadd.s32 s5, s19  }
0x9c: {  	s8 =	simm.s32 $0x0;
	s20 =	sshll.u32 s6, $0x1;
	s6 =	sadd.s32 s21, s4  }
0x9d: {  	[timem:s8], [sflag:s22] =	dma.local [hbm:s6], s20  }
0x9e: {  	_ =	swait.ge [sflag:s22], s20  }
0x9f: {  	s5 =	ssub.s32 $0x0, s20;
	[sflag:s22] =	ssyncset.done $0x0  }
0xa0: {  	[sflag:s22] =	ssyncadd.s32 s5;
	_ =	sdelay $0x1  }
0xa1: {  	s23 =	simm.s32 $0x1B8B  }
0xa2: {  	_ =	swait.ge [sflag:s23], $0x1  }
0xa3: {  	[sflag:s23] =	ssyncset.done $0x0  }
0xa4: {  	s25 =	simm.s32 $0x1B8E;
	s24 =	sld [smem:$0x3FFE];
	[sflag:s23] =	ssyncadd.s32 $0xFFFFFFFF  }
0xa5: {  	s26 =	simm.s32 $execute0_lowered;
	[smem:$0x3FD2] =	sst s25  }
0xa6: {  	s6 =	sshll.u32 s26, $0x1;
	_ =	strace $0x80000049;
	[dreg:$0x1] =	wrdreg $0xFFFFFFFF  }
0xa7: {  	s28 =	simm.s32 $_size_execute0_lowered;
	s4 =	sadd.s32 s4, s6;
	[dreg:$0x0] =	wrdreg $0x0  }
0xa8: {  	s6 =	sshll.u32 s28, $0x1;
	[dreg:$0x2] =	wrdreg s4  }
0xa9: {  	[dreg:$0x3] =	wrdreg s6  }
0xaa: {  	[dreg:$0x4] =	wrdreg $0xC0  }
0xab: {  	_ =	task [dreg:s8], $0x5FFFF  }
0xac: {  	[dreg:$0x1] =	wrdreg $0xFFFFFFFF  }
0xad: {  	[dreg:$0x0] =	wrdreg $0x60  }
0xae: {  	[dreg:$0x2] =	wrdreg s24  }
0xaf: {  	[dreg:$0x3] =	wrdreg s3  }
0xb0: {  	s2 =	sadd.s32 $0x800, s2;
	[dreg:$0x4] =	wrdreg $0x48100  }
0xb1: {  	[dreg:$0x5] =	wrdreg s2  }
0xb2: {  	[dreg:$0x6] =	wrdreg $0x1CF100  }
0xb3: {  	[dreg:$0x7] =	wrdreg $0x9  }
0xb4: {  	_ =	task.clear_ibuf [dreg:s8], $0x8FFFF;
	_ =	strace $0x90000049  }
0xb5: {  	s29 =	simm.s32 $0x9;
	_ =	strace $0x8000004B  }
0xb6: {  	_ =	swait.ge [sflag:s29], $0x1  }
0xb7: {  	[sflag:s29] =	ssyncadd.s32 $0xFFFFFFFF  }
0xb8: {  	_ =	strace $0x9000004B  }
0xb9: {  	_ =	sfence  }
0xba: {  	s30 =	sld [smem:$0x0];
	_ =	sdelay $0x2  }
0xbb: {  	s31 =	sshll.u32 s1, $0xD;
	s1 =	sshrl.u32 s1, $0x2  }
0xbc: {  	s3 =	sand.u32 $0x4000, s31;
	s1 =	sadd.s32 s1, s30  }
0xbd: {  	s0 =	sor.u32 s3, s0;
	s1 =	sshll.u32 s1, $0x11  }
0xbe: {  	s0 =	sor.u32 s1, s0  }
0xbf: {  	s0 =	sadd.s32 $0x8F2B, s0  }
0xc0: {  	[sflag:s0] =	ssyncadd.remote.s32 $0x1  }
0xc1: {  	_ =	sfence.sel $0xFFFF  }
0xc2: {  	[dreg:$0x0] =	wrdreg $0xFFFFFFFF;
	(pc) =	sbr.abs _section_cstart, $3  }
0xc3: {  	[dreg:$0x1] =	wrdreg $0xFFFFFFFF  }
0xc4: {  	_ =	task.clear_ibuf [dreg:s8], $0x2FFFF;
	_ =	strace $0x9FFFFFFF  }
0xc5: {  	(tm) =	ssettm $0x7FFFFFFF  }
tec
execute0_lowered:
.L_overlay_start_1:
0x0: {  	(tag) =	ssettag $0x1  }
0x1: {  	s0 =	rddreg [dreg:$0x0]  }
0x2: {  	s4 =	rddreg [dreg:$0x1]  }
0x3: {  	s1 =	simm.s32 $0x0;
	s29 =	stileid.u32;
	s2 =	srdreg.scid  }
0x4: {  	s5 =	sand.u32 $0x1, s2;
	s2 =	smul.u32 $0x1870, s29;
	[smem:$0x7FF] =	sst s1  }
0x5: {  	s3 =	sshll.u32 s29, $0x1;
	s9 =	sadd.s32 $0x719A00, s0;
	s28 =	sadd.s32 $0x3D7600, s0  }
0x6: {  	s6 =	sshll.u32 s5, $0x5;
	s7 =	ssub.s32 $0x2, s5;
	s8 =	smul.u32 $0x61A80, s5  }
0x7: {  	s30 =	sadd.s32 $0x2A00, s0;
	s6 =	sor.u32 s3, s6;
	s14 =	sshrl.u32 s7, $0x1  }
0x8: {  	s3 =	ssub.s32 s7, s14;
	s15 =	sadd.s32 s2, s8;
	s12 =	sadd.s32 $0x16E90, s8  }
0x9: {  	s22 =	sadd.s32 $0x2F530, s8;
	s13 =	sadd.s32 $0x47BD0, s8;
	s8 =	sadd.s32 $0x60270, s8  }
0xa: {  	s6 =	sadd.s32 s6, s0;
	s10 =	sshll.u32 s15, $0x1;
	s11 =	sshrl.u32 s15, $0x3  }
0xb: {  	s18 =	sshll.u32 s12, $0x1;
	s20 =	sadd.s32 $0x186A0, s15;
	s10 =	sadd.s32 s9, s10  }
0xc: {  	s21 =	sshll.u32 s20, $0x1;
	s23 =	sshrl.u32 s20, $0x3;
	s20 =	rddreg [dreg:$0x3]  }
0xd: {  	s24 =	sshll.u32 s22, $0x1;
	s17 =	sadd.s32 s4, s11;
	[dreg:$0x6] =	wrdreg s10  }
0xe: {  	s31 =	sshrl.u32 s22, $0x3;
	s25 =	sadd.s32 s9, s24;
	[dreg:$0x7] =	wrdreg s17  }
0xf: {  	s26 =	sadd.s32 $0x30D40, s15;
	s11 =	sadd.s32 s4, s31;
	[dreg:$0xc] =	wrdreg s25  }
0x10: {  	s16 =	sshll.u32 s26, $0x1;
	s10 =	sadd.s32 s9, s18;
	[dreg:$0x11] =	wrdreg s11  }
0x11: {  	s19 =	sshrl.u32 s12, $0x3;
	s12 =	sadd.s32 s9, s16;
	[dreg:$0x8] =	wrdreg s10  }
0x12: {  	s7 =	sadd.s32 $0x493E0, s15;
	s17 =	sshll.u32 s13, $0x1;
	[dreg:$0xd] =	wrdreg s12  }
0x13: {  	s10 =	sadd.s32 s4, s19;
	s12 =	sadd.s32 s9, s17;
	s17 =	rddreg [dreg:$0x2]  }
0x14: {  	s18 =	sshll.u32 s7, $0x1;
	s7 =	sshrl.u32 s7, $0x3;
	[dreg:$0x9] =	wrdreg s10  }
0x15: {  	s14 =	sshll.u32 s8, $0x1;
	s7 =	sadd.s32 s4, s7;
	[dreg:$0xe] =	wrdreg s12  }
0x16: {  	s15 =	smul.u32 $0xC45000, s5;
	s10 =	sadd.s32 s9, s21;
	[dreg:$0x14] =	wrdreg s7  }
0x17: {  	s22 =	smul.u32 $0x18700, s29;
	s12 =	sadd.s32 s9, s18;
	[dreg:$0xa] =	wrdreg s10  }
0x18: {  	s8 =	sshrl.u32 s8, $0x3;
	s9 =	sadd.s32 s9, s14;
	[dreg:$0xf] =	wrdreg s12  }
0x19: {  	s31 =	smul.u32 $0x63A80, s29;
	s10 =	sadd.s32 s4, s23;
	[dreg:$0x10] =	wrdreg s9  }
0x1a: {  	s21 =	sshrl.u32 s13, $0x3;
	[dreg:$0xb] =	wrdreg s10;
	s10 =	sshrl.u32 s26, $0x3  }
0x1b: {  	s13 =	sadd.s32 $0x6000, s0;
	s23 =	rddreg [dreg:$0x4];
	s10 =	sadd.s32 s4, s10  }
0x1c: {  	s26 =	smul.u32 $0xC4500, s29;
	[dreg:$0x12] =	wrdreg s10;
	s10 =	sadd.s32 s4, s21  }
0x1d: {  	s9 =	sshrl.u32 s22, $0x3;
	s4 =	sadd.s32 s4, s8;
	[dreg:$0x13] =	wrdreg s10  }
0x1e: {  	s12 =	sadd.s32 $0x5C00, s0;
	s24 =	sadd.s32 s26, s15;
	[dreg:$0x15] =	wrdreg s4  }
0x1f: {  	s26 =	sadd.s32 $0xC6200, s0;
	_ =	strace $0x8000004A;
	[dreg:$0x18] =	wrdreg s12  }
0x20: {  	s4 =	sadd.s32 s9, s0;
	s0 =	sadd.s32 $0x716920, s0;
	[dreg:$0x19] =	wrdreg s13  }
0x21: {  	s19 =	smul.u32 $0x63A800, s5;
	s14 =	sadd.s32 $0x6E8A00, s6;
	[dreg:$0x1a] =	wrdreg s0  }
0x22: {  	p0 =	seq.s32 s29, $0xF;
	s16 =	sadd.s32 s2, s23;
	[dreg:$0x1b] =	wrdreg s14  }
0x23: {  	s18 =	sadd.s32 s31, s19;
	s19 =	smax.u32 s3, $0x1;
	[dreg:$0x1d] =	wrdreg s16  }
0x24: {  	s5 =	smul.u32 $0x31D400, s5;
	s21 =	sadd.s32 $0x16E900, s17;
	[dreg:$0x1e] =	wrdreg s19  }
0x25: {  	s7 =	sadd.s32 s22, s17;
	s22 =	sadd.s32 $0x16E90, s23;
	[smem:$0x7F9] =	sst s21  }
0x26: {  	s8 =	smul.u32 $0x31D40, s29;
	s31 =	sadd.s32 $0x933C0, s24;
	[smem:$0x7FA] =	sst s22  }
0x27: {  	s10 =	smul.u32 $0x61C00, s29;
	s4 =	sadd.s32 $0x6E8C00, s4;
	[smem:$0x7FB] =	sst s31  }
0x28: {  	s25 =	sadd.s32 s8, s5;
	s0 =	sshrl.u32 @!p0 s7, $0x3;
	[dreg:$0x17] =	wrdreg s4  }
.Ltmp0:
0x29: {  	s22 =	sadd.s32 $0x62280, s24;
	[dreg:$0x1f] =	wrdreg s0;
	(pc) =	sbr.rel .LBB2_1-.Ltmp0, $4  }
0x2a: {  	s21 =	sadd.s32 $0x31140, s24;
	s12 =	simm.s32 $0x4400;
	[smem:$0x7FC] =	sst s22  }
0x2b: {  	s13 =	simm.s32 $0x2;
	s11 =	sshrl.u32 s10, $0x2;
	[dreg:$0x16] =	wrdreg s25  }
0x2c: {  	s14 =	simm.s32 $0x400;
	[smem:$0x7FD] =	sst s21;
	s15 =	sadd.s32 s11, s17  }
0x2d: {  	s16 =	simm.s32 $0x0;
	[dreg:$0x1c] =	wrdreg s15;
	s15 =	simm.s32 $0x1  }
.LBB2_54:
0x2e: {  	s8 =	sld [smem:$0x7F4];
	_ =	sdelay $0x2  }
0x2f: {  	s2 =	smov.u32 s8  }
.LBB2_58:
0x30: {  	s5 =	sadd.s32 s28, s5;
	[sflag:s13] =	ssyncadd.s32 @p1 $0xFFFFFC00;
	s2 =	sadd.s32 @p1 $0x800, s2  }
0x31: {  	[tilespmem:s1], [sflag:$0x2] =	stream.linear.gather [hbm4b:s5+s1], $0x400, $0x38;
	[tilespmem:$0x1E780] =	vst v63  }
0x32: {  	s8 =	smov.u32 @p1 s2;
	_ =	swait.ge [sflag:s13], $0x400  }
0x33: {  	s2 =	sand.u32 $0x1FFFFF80, s8;
	[sflag:s13] =	ssyncset.done $0x0  }
0x34: {  	s2 =	sadd.s32 s2, s20;
	[sflag:s13] =	ssyncadd.s32 $0xFFFFFC00  }
0x35: {  	[tilespmem:s14], [sflag:$0x2] =	stream.linear.gather [hbm4b:s2+s1], $0x4000, $0x38;
	[tilespmem:$0x1E780] =	vst v63  }
0x36: {  	_ =	swait.ge [sflag:s13], $0x4000  }
0x37: {  	[sflag:s13] =	ssyncset.done $0x0  }
0x38: {  	[sflag:s13] =	ssyncadd.s32 $0xFFFFC000  }
0x39: {  	[spmem:s17] =	stream.indirect.scatter.add.f32 [tilespmem:s14], [sflag:$0x2], $0x10, s1, s14, $0xb8;
	[tilespmem:$0x1E780] =	vst v63  }
0x3a: {  	_ =	swait.ge [sflag:s13], $0x4000  }
0x3b: {  	[sflag:s13] =	ssyncset.done $0x0  }
0x3c: {  	[sflag:s13] =	ssyncadd.s32 $0xFFFFC000  }
0x3d: {  	[spmem:s23] =	stream.indirect.scatter.add.f32 [tilespmem:s12], [sflag:$0x2], $0x1, s1, s14, $0xb8;
	[tilespmem:$0x1E780] =	vst v63  }
0x3e: {  	_ =	swait.ge [sflag:s13], $0x400  }
0x3f: {  	[sflag:s13] =	ssyncset.done $0x0  }
0x40: {  	[sflag:s13] =	ssyncadd.s32 $0xFFFFFC00  }
.LBB2_59:
0x41: {  	[bflag:$0x0] =	sbarrier.arrive $0xFFFF  }
0x42: {  	s2 =	rddreg [dreg:$0x10]  }
0x43: {  	[hbm:s2], [sflag:s19] =	dma.local @p0 [spmem:s25], $0x3020  }
0x44: {  	_ =	swait.ge @p0 [sflag:s3], $0x3020  }
0x45: {  	[sflag:s3] =	ssyncset.done @p0 $0x0  }
0x46: {  	s2 =	rddreg [dreg:$0x15];
	[sflag:s3] =	ssyncadd.s32 @p0 $0xFFFFCFE0  }
0x47: {  	[hbm:s2], [sflag:s19] =	dma.local @p0 [spmem:s4], $0x302  }
0x48: {  	_ =	swait.ge @p0 [sflag:s3], $0x302  }
0x49: {  	[sflag:s3] =	ssyncset.done @p0 $0x0  }
0x4a: {  	s2 =	rddreg [dreg:$0xf];
	[sflag:s3] =	ssyncadd.s32 @p0 $0xFFFFFCFE  }
0x4b: {  	[hbm:s2], [sflag:s19] =	dma.local @!p0 [spmem:s10], $0x30E0  }
0x4c: {  	_ =	swait.ge @!p0 [sflag:s0], $0x30E0  }
0x4d: {  	[sflag:s0] =	ssyncset.done @!p0 $0x0  }
0x4e: {  	s2 =	rddreg [dreg:$0x14];
	[sflag:s0] =	ssyncadd.s32 @!p0 $0xFFFFCF20  }
0x4f: {  	[hbm:s2], [sflag:s19] =	dma.local @!p0 [spmem:s11], $0x30E  }
0x50: {  	_ =	swait.ge @!p0 [sflag:s0], $0x30E  }
0x51: {  	s16 =	sadd.s32 $0x1, s16;
	s31 =	rddreg [dreg:$0x1e]  }
0x52: {  	p1 =	sne.s32 s16, s31  }
.Ltmp1:
0x53: {  	_ = 	snop;
	(pc) =	sbr.rel @!p1 .LBB2_60-.Ltmp1, $4  }
0x54: {  	[sflag:s0] =	ssyncset.done @!p0 $0x0  }
0x55: {  	[sflag:s0] =	ssyncadd.s32 @!p0 $0xFFFFFCF2  }
0x56: {  	[bflag:$0x0] =	sbarrier.arrive $0xFFFF  }
0x57: {  	s25 =	rddreg [dreg:$0x16]  }
.LBB2_1:
0x58: {  	s0 =	sld [smem:$0x7F9];
	_ =	sdelay $0x2  }
0x59: {  	s2 =	rddreg [dreg:$0x1a];
	s3 =	sshrl.u32 @p0 s0, $0x3  }
0x5a: {  	s0 =	simm.s32 @p0 $0x1FC2;
	[smem:$0x7F7] =	sst s3  }
0x5b: {  	[spmem:s3], [sflag:s0] =	dma.local @p0 [hbm:s2], $0x3020  }
0x5c: {  	s0 =	simm.s32 @p0 $0x2  }
0x5d: {  	_ =	swait.ge @p0 [sflag:s0], $0x3020  }
0x5e: {  	s2 =	sshll.u32 @!p0 s29, $0x6;
	[sflag:s0] =	ssyncset.done @p0 $0x0;
	s3 =	rddreg [dreg:$0x1f]  }
0x5f: {  	[sflag:s0] =	ssyncadd.s32 @p0 $0xFFFFCFE0;
	s0 =	sor.u32 @!p0 $0x1C02, s2;
	s2 =	rddreg [dreg:$0x17]  }
0x60: {  	[spmem:s3], [sflag:s0] =	dma.local @!p0 [hbm:s2], $0x30E0  }
0x61: {  	s0 =	simm.s32 @!p0 $0x2  }
0x62: {  	_ =	swait.ge @!p0 [sflag:s0], $0x30E0  }
0x63: {  	[sflag:s0] =	ssyncset.done @!p0 $0x0  }
0x64: {  	s11 =	rddreg [dreg:$0x19];
	[sflag:s0] =	ssyncadd.s32 @!p0 $0xFFFFCF20  }
0x65: {  	[tilespmem:s12], [sflag:$0x2] =	stream.linear.gather [hbm4b:s11+s1], $0x400, $0x38;
	[tilespmem:$0x1E780] =	vst v63  }
0x66: {  	_ =	swait.ge [sflag:s13], $0x400  }
0x67: {  	[sflag:s13] =	ssyncset.done $0x0  }
0x68: {  	s31 =	simm.s32 $0x4800;
	s19 =	rddreg [dreg:$0x1b];
	[sflag:s13] =	ssyncadd.s32 $0xFFFFFC00  }
0x69: {  	[tilespmem:s31], [sflag:$0x2] =	stream.linear.gather [hbm4b:s19+s1], $0x10, $0x38;
	[tilespmem:$0x1E780] =	vst v63  }
0x6a: {  	_ =	swait.ge [sflag:s13], $0x10  }
0x6b: {  	[sflag:s13] =	ssyncset.done $0x0  }
0x6c: {  	[sflag:s13] =	ssyncadd.s32 $0xFFFFFFF0  }
0x6d: {  	v0 =	vld [tilespmem:$0x4800];
	_ =	sdelay $0x4  }
0x6e: {  	(v2sf) =	vpush v0, $0x0;
	_ =	sdelay $0x1  }
0x6f: {  	(v2sf) =	vpush v0, $0x1  }
0x70: {  	(v2sf) =	vpush v0, $0x2  }
0x71: {  	(v2sf) =	vpush v0, $0x3;
	_ =	sdelay $0xa  }
0x72: {  	s4 =	spop (v2sf)  }
0x73: {  	p1 =	slt.s32 s4, $0x1  }
.Ltmp2:
0x74: {  	s7 =	spop (v2sf);
	(pc) =	sbr.rel @p1 .LBB2_8-.Ltmp2, $4  }
0x75: {  	s5 =	spop (v2sf)  }
0x76: {  	s0 =	simm.s32 @!p1 $0x0;
	s2 =	spop (v2sf)  }
0x77: {  	s0 =	simm.s32 @p1 $0x1;
	[bflag:$0x0] =	sbarrier.arrive $0xFFFF  }
0x78: {  	[smem:$0x7F8] =	sst s0  }
0x79: {  	p3 =	sne.s32 s4, $0x1  }
.Ltmp3:
0x7a: {  	_ = 	snop;
	(pc) =	sbr.rel @!p3 .LBB2_3-.Ltmp3, $2  }
0x7b: {  	_ =	sdelay $0x2  }
0x7c: {  	s0 =	sadd.s32 $0xFFFFFFFF, s4;
	s8 =	sshrl.u32 s24, $0x3;
	p2 =	por $0x0, $0x0  }
0x7d: {  	s3 =	sadd.s32 s26, s8  }
0x7e: {  	[tilespmem:s1], [sflag:$0x2] =	stream.linear.gather [hbm4b:s3+s1], $0x400, $0x38;
	[tilespmem:$0x1E780] =	vst v63  }
0x7f: {  	_ =	swait.ge [sflag:s13], $0x400  }
0x80: {  	[sflag:s13] =	ssyncset.done $0x0  }
0x81: {  	[sflag:s13] =	ssyncadd.s32 $0xFFFFFC00  }
0x82: {  	[tilespmem:s14], [sflag:$0x1] =	stream.indirect.gather [spmem:s17], $0x10, s1, s14, $0xb8;
	[tilespmem:$0x1E780] =	vst v63  }
0x83: {  	p3 =	sne.s32 s0, $0x1;
	_ =	swait.ge [sflag:s15], $0x4000  }
.Ltmp4:
0x84: {  	s31 =	sand.u32 $0x1FFFFF80, s18;
	[sflag:s15] =	ssyncset.done $0x0;
	(pc) =	sbr.rel @!p3 .LBB2_5-.Ltmp4, $4  }
0x85: {  	s6 =	sadd.s32 $0x400, s24;
	s3 =	sadd.s32 s31, s20;
	[sflag:s15] =	ssyncadd.s32 $0xFFFFC000  }
0x86: {  	[hbm4b:s3+s1] =	stream.linear.scatter [tilespmem:s14], [sflag:$0x2], $0x4000, $0x38;
	[tilespmem:$0x1E780] =	vst v63  }
0x87: {  	p2 =	por $0x1, $0x1;
	s8 =	sshrl.u32 s6, $0x3;
	_ =	swait.ge [sflag:s13], $0x4000  }
0x88: {  	s3 =	sadd.s32 $0xFFFFFFFF, s0;
	s0 =	smov.u32 s18;
	[sflag:s13] =	ssyncset.done $0x0  }
.LBB2_6:
0x89: {  	s8 =	sadd.s32 s26, s8;
	[sflag:s13] =	ssyncadd.s32 $0xFFFFC000;
	s0 =	sadd.s32 $0x800, s0  }
0x8a: {  	[tilespmem:s1], [sflag:$0x2] =	stream.linear.gather [hbm4b:s8+s1], $0x400, $0x38;
	[tilespmem:$0x1E780] =	vst v63  }
0x8b: {  	p3 =	sne.s32 s3, $0x1;
	s3 =	sadd.s32 $0xFFFFFFFF, s3;
	_ =	swait.ge [sflag:s13], $0x400  }
0x8c: {  	[sflag:s13] =	ssyncset.done $0x0  }
0x8d: {  	[sflag:s13] =	ssyncadd.s32 $0xFFFFFC00  }
0x8e: {  	[tilespmem:s14], [sflag:$0x1] =	stream.indirect.gather [spmem:s17], $0x10, s1, s14, $0xb8;
	[tilespmem:$0x1E780] =	vst v63  }
0x8f: {  	_ =	swait.ge [sflag:s15], $0x4000  }
.Ltmp5:
0x90: {  	s8 =	sand.u32 $0x1FFFFF80, s0;
	[sflag:s15] =	ssyncset.done $0x0;
	(pc) =	sbr.rel @p3 .LBB2_6-.Ltmp5, $4  }
0x91: {  	s8 =	sadd.s32 s8, s20;
	[sflag:s15] =	ssyncadd.s32 $0xFFFFC000  }
0x92: {  	[hbm4b:s8+s1] =	stream.linear.scatter [tilespmem:s14], [sflag:$0x2], $0x4000, $0x38;
	[tilespmem:$0x1E780] =	vst v63  }
0x93: {  	s6 =	sadd.s32 $0x400, s6;
	_ =	swait.ge [sflag:s13], $0x4000  }
0x94: {  	s8 =	sshrl.u32 s6, $0x3;
	[sflag:s13] =	ssyncset.done $0x0  }
.LBB2_7:
0x95: {  	s3 =	sadd.s32 s26, s8;
	[sflag:s13] =	ssyncadd.s32 @p2 $0xFFFFC000  }
0x96: {  	[tilespmem:s1], [sflag:$0x2] =	stream.linear.gather [hbm4b:s3+s1], $0x400, $0x38;
	[tilespmem:$0x1E780] =	vst v63  }
0x97: {  	_ =	swait.ge [sflag:s13], $0x400  }
0x98: {  	[sflag:s13] =	ssyncset.done $0x0  }
0x99: {  	s0 =	sadd.s32 @p2 $0x800, s0;
	s3 =	smov.u32 s18;
	[sflag:s13] =	ssyncadd.s32 $0xFFFFFC00  }
0x9a: {  	[tilespmem:s14], [sflag:$0x1] =	stream.indirect.gather [spmem:s17], $0x10, s1, s14, $0xb8;
	[tilespmem:$0x1E780] =	vst v63  }
0x9b: {  	s3 =	smov.u32 @p2 s0;
	_ =	swait.ge [sflag:s15], $0x4000  }
0x9c: {  	s0 =	sand.u32 $0x1FFFFF80, s3;
	[sflag:s15] =	ssyncset.done $0x0  }
0x9d: {  	s0 =	sadd.s32 s0, s20;
	[sflag:s15] =	ssyncadd.s32 $0xFFFFC000  }
0x9e: {  	[hbm4b:s0+s1] =	stream.linear.scatter [tilespmem:s14], [sflag:$0x2], $0x4000, $0x38;
	[tilespmem:$0x1E780] =	vst v63  }
0x9f: {  	_ =	swait.ge [sflag:s13], $0x4000  }
0xa0: {  	[sflag:s13] =	ssyncset.done $0x0  }
0xa1: {  	[sflag:s13] =	ssyncadd.s32 $0xFFFFC000  }
.LBB2_8:
0xa2: {  	p2 =	slt.s32 s7, $0x1  }
.Ltmp6:
0xa3: {  	_ = 	snop;
	(pc) =	sbr.rel @p2 .LBB2_15-.Ltmp6, $4  }
0xa4: {  	_ = 	snop  }
0xa5: {  	s0 =	sshll.u32 s4, $0xA;
	p1 =	sne.s32 s7, $0x1;
	s9 =	simm.s32 @!p2 $0x0  }
0xa6: {  	s3 =	sshrl.u32 s21, $0x3;
	s8 =	sadd.s32 s0, s25;
	s9 =	simm.s32 @p2 $0x1  }
0xa7: {  	s0 =	sadd.s32 $0xFFFFFFFF, s7;
	s6 =	sshll.u32 s8, $0x1;
	[smem:$0x7F6] =	sst s9  }
.Ltmp7:
0xa8: {  	(pc) =	sbr.rel @!p1 .LBB2_10-.Ltmp7, $2  }
0xa9: {  	_ =	sdelay $0x2  }
0xaa: {  	s8 =	sshll.u32 s8, $0x1;
	s19 =	sshrl.u32 s21, $0x3;
	p2 =	por $0x0, $0x0  }
0xab: {  	s9 =	sadd.s32 s26, s19  }
0xac: {  	[tilespmem:s1], [sflag:$0x2] =	stream.linear.gather [hbm4b:s9+s1], $0x400, $0x38;
	[tilespmem:$0x1E780] =	vst v63  }
0xad: {  	_ =	swait.ge [sflag:s13], $0x400  }
0xae: {  	[sflag:s13] =	ssyncset.done $0x0  }
0xaf: {  	[sflag:s13] =	ssyncadd.s32 $0xFFFFFC00  }
0xb0: {  	[tilespmem:s14], [sflag:$0x1] =	stream.indirect.gather [spmem:s17], $0x10, s1, s14, $0xb8;
	[tilespmem:$0x1E780] =	vst v63  }
0xb1: {  	p3 =	sne.s32 s0, $0x1;
	_ =	swait.ge [sflag:s15], $0x4000  }
.Ltmp8:
0xb2: {  	s31 =	sand.u32 $0x1FFFFF80, s8;
	[sflag:s15] =	ssyncset.done $0x0;
	(pc) =	sbr.rel @!p3 .LBB2_12-.Ltmp8, $4  }
0xb3: {  	s10 =	sadd.s32 $0xFFFFFFFF, s0;
	s9 =	sadd.s32 s31, s20;
	[sflag:s15] =	ssyncadd.s32 $0xFFFFC000  }
0xb4: {  	[hbm4b:s9+s1] =	stream.linear.scatter [tilespmem:s14], [sflag:$0x2], $0x4000, $0x38;
	[tilespmem:$0x1E780] =	vst v63  }
0xb5: {  	s11 =	sadd.s32 $0x400, s21;
	p2 =	por $0x1, $0x1;
	_ =	swait.ge [sflag:s13], $0x4000  }
0xb6: {  	s19 =	sshrl.u32 s11, $0x3;
	s9 =	smov.u32 s8;
	[sflag:s13] =	ssyncset.done $0x0  }
.LBB2_13:
0xb7: {  	s19 =	sadd.s32 s26, s19;
	[sflag:s13] =	ssyncadd.s32 $0xFFFFC000;
	s9 =	sadd.s32 $0x800, s9  }
0xb8: {  	[tilespmem:s1], [sflag:$0x2] =	stream.linear.gather [hbm4b:s19+s1], $0x400, $0x38;
	[tilespmem:$0x1E780] =	vst v63  }
0xb9: {  	p3 =	sne.s32 s10, $0x1;
	s10 =	sadd.s32 $0xFFFFFFFF, s10;
	_ =	swait.ge [sflag:s13], $0x400  }
0xba: {  	[sflag:s13] =	ssyncset.done $0x0  }
0xbb: {  	[sflag:s13] =	ssyncadd.s32 $0xFFFFFC00  }
0xbc: {  	[tilespmem:s14], [sflag:$0x1] =	stream.indirect.gather [spmem:s17], $0x10, s1, s14, $0xb8;
	[tilespmem:$0x1E780] =	vst v63  }
0xbd: {  	_ =	swait.ge [sflag:s15], $0x4000  }
.Ltmp9:
0xbe: {  	s19 =	sand.u32 $0x1FFFFF80, s9;
	[sflag:s15] =	ssyncset.done $0x0;
	(pc) =	sbr.rel @p3 .LBB2_13-.Ltmp9, $4  }
0xbf: {  	s19 =	sadd.s32 s19, s20;
	[sflag:s15] =	ssyncadd.s32 $0xFFFFC000  }
0xc0: {  	[hbm4b:s19+s1] =	stream.linear.scatter [tilespmem:s14], [sflag:$0x2], $0x4000, $0x38;
	[tilespmem:$0x1E780] =	vst v63  }
0xc1: {  	s11 =	sadd.s32 $0x400, s11;
	_ =	swait.ge [sflag:s13], $0x4000  }
0xc2: {  	s19 =	sshrl.u32 s11, $0x3;
	[sflag:s13] =	ssyncset.done $0x0  }
.LBB2_14:
0xc3: {  	s10 =	sadd.s32 s26, s19;
	[sflag:s13] =	ssyncadd.s32 @p2 $0xFFFFC000  }
0xc4: {  	[tilespmem:s1], [sflag:$0x2] =	stream.linear.gather [hbm4b:s10+s1], $0x400, $0x38;
	[tilespmem:$0x1E780] =	vst v63  }
0xc5: {  	_ =	swait.ge [sflag:s13], $0x400  }
0xc6: {  	[sflag:s13] =	ssyncset.done $0x0  }
0xc7: {  	s9 =	sadd.s32 @p2 $0x800, s9;
	[sflag:s13] =	ssyncadd.s32 $0xFFFFFC00  }
0xc8: {  	[tilespmem:s14], [sflag:$0x1] =	stream.indirect.gather [spmem:s17], $0x10, s1, s14, $0xb8;
	[tilespmem:$0x1E780] =	vst v63  }
0xc9: {  	s8 =	smov.u32 @p2 s9;
	_ =	swait.ge [sflag:s15], $0x4000  }
0xca: {  	s8 =	sand.u32 $0x1FFFFF80, s8;
	[sflag:s15] =	ssyncset.done $0x0  }
0xcb: {  	s8 =	sadd.s32 s8, s20;
	[sflag:s15] =	ssyncadd.s32 $0xFFFFC000  }
0xcc: {  	[hbm4b:s8+s1] =	stream.linear.scatter [tilespmem:s14], [sflag:$0x2], $0x4000, $0x38;
	[tilespmem:$0x1E780] =	vst v63  }
0xcd: {  	_ =	swait.ge [sflag:s13], $0x4000  }
0xce: {  	[sflag:s13] =	ssyncset.done $0x0  }
0xcf: {  	[sflag:s13] =	ssyncadd.s32 $0xFFFFC000  }
.LBB2_15:
0xd0: {  	p6 =	slt.s32 s5, $0x1  }
.Ltmp10:
0xd1: {  	_ = 	snop;
	(pc) =	sbr.rel @p6 .LBB2_22-.Ltmp10, $4  }
0xd2: {  	s8 =	simm.s32 @!p1 $0x0;
	s9 =	sadd.s32 s7, s4  }
0xd3: {  	s8 =	simm.s32 @p1 $0x1;
	s7 =	sshll.u32 s9, $0xA  }
0xd4: {  	p4 =	sne.s32 s5, $0x1;
	[smem:$0x7F5] =	sst s8;
	s10 =	sadd.s32 s7, s25  }
0xd5: {  	s7 =	sadd.s32 $0xFFFFFFFF, s5;
	s8 =	sshrl.u32 s22, $0x3;
	s31 =	sshll.u32 s10, $0x1  }
.Ltmp11:
0xd6: {  	(pc) =	sbr.rel @!p4 .LBB2_17-.Ltmp11, $3  }
0xd7: {  	_ =	sdelay $0x1  }
0xd8: {  	s10 =	sshll.u32 s10, $0x1  }
0xd9: {  	s21 =	smov.u32 s22;
	s22 =	sshrl.u32 s22, $0x3;
	p2 =	por $0x0, $0x0  }
0xda: {  	s11 =	sadd.s32 s26, s22  }
0xdb: {  	[tilespmem:s1], [sflag:$0x2] =	stream.linear.gather [hbm4b:s11+s1], $0x400, $0x38;
	[tilespmem:$0x1E780] =	vst v63  }
0xdc: {  	_ =	swait.ge [sflag:s13], $0x400  }
0xdd: {  	[sflag:s13] =	ssyncset.done $0x0  }
0xde: {  	[sflag:s13] =	ssyncadd.s32 $0xFFFFFC00  }
0xdf: {  	[tilespmem:s14], [sflag:$0x1] =	stream.indirect.gather [spmem:s17], $0x10, s1, s14, $0xb8;
	[tilespmem:$0x1E780] =	vst v63  }
0xe0: {  	p3 =	sne.s32 s7, $0x1;
	_ =	swait.ge [sflag:s15], $0x4000  }
.Ltmp12:
0xe1: {  	s22 =	sand.u32 $0x1FFFFF80, s10;
	[sflag:s15] =	ssyncset.done $0x0;
	(pc) =	sbr.rel @!p3 .LBB2_19-.Ltmp12, $4  }
0xe2: {  	s19 =	sadd.s32 $0xFFFFFFFF, s7;
	s11 =	sadd.s32 s22, s20;
	[sflag:s15] =	ssyncadd.s32 $0xFFFFC000  }
0xe3: {  	[hbm4b:s11+s1] =	stream.linear.scatter [tilespmem:s14], [sflag:$0x2], $0x4000, $0x38;
	[tilespmem:$0x1E780] =	vst v63  }
0xe4: {  	s21 =	sadd.s32 $0x400, s21;
	p2 =	por $0x1, $0x1;
	_ =	swait.ge [sflag:s13], $0x4000  }
0xe5: {  	s22 =	sshrl.u32 s21, $0x3;
	s11 =	smov.u32 s10;
	[sflag:s13] =	ssyncset.done $0x0  }
.LBB2_20:
0xe6: {  	s22 =	sadd.s32 s26, s22;
	[sflag:s13] =	ssyncadd.s32 $0xFFFFC000;
	s11 =	sadd.s32 $0x800, s11  }
0xe7: {  	[tilespmem:s1], [sflag:$0x2] =	stream.linear.gather [hbm4b:s22+s1], $0x400, $0x38;
	[tilespmem:$0x1E780] =	vst v63  }
0xe8: {  	p3 =	sne.s32 s19, $0x1;
	s19 =	sadd.s32 $0xFFFFFFFF, s19;
	_ =	swait.ge [sflag:s13], $0x400  }
0xe9: {  	[sflag:s13] =	ssyncset.done $0x0  }
0xea: {  	[sflag:s13] =	ssyncadd.s32 $0xFFFFFC00  }
0xeb: {  	[tilespmem:s14], [sflag:$0x1] =	stream.indirect.gather [spmem:s17], $0x10, s1, s14, $0xb8;
	[tilespmem:$0x1E780] =	vst v63  }
0xec: {  	_ =	swait.ge [sflag:s15], $0x4000  }
.Ltmp13:
0xed: {  	s22 =	sand.u32 $0x1FFFFF80, s11;
	[sflag:s15] =	ssyncset.done $0x0;
	(pc) =	sbr.rel @p3 .LBB2_20-.Ltmp13, $4  }
0xee: {  	s22 =	sadd.s32 s22, s20;
	[sflag:s15] =	ssyncadd.s32 $0xFFFFC000  }
0xef: {  	[hbm4b:s22+s1] =	stream.linear.scatter [tilespmem:s14], [sflag:$0x2], $0x4000, $0x38;
	[tilespmem:$0x1E780] =	vst v63  }
0xf0: {  	s21 =	sadd.s32 $0x400, s21;
	_ =	swait.ge [sflag:s13], $0x4000  }
0xf1: {  	s22 =	sshrl.u32 s21, $0x3;
	[sflag:s13] =	ssyncset.done $0x0  }
.LBB2_21:
0xf2: {  	s19 =	sadd.s32 s26, s22;
	[sflag:s13] =	ssyncadd.s32 @p2 $0xFFFFC000  }
0xf3: {  	[tilespmem:s1], [sflag:$0x2] =	stream.linear.gather [hbm4b:s19+s1], $0x400, $0x38;
	[tilespmem:$0x1E780] =	vst v63  }
0xf4: {  	_ =	swait.ge [sflag:s13], $0x400  }
0xf5: {  	[sflag:s13] =	ssyncset.done $0x0  }
0xf6: {  	s11 =	sadd.s32 @p2 $0x800, s11;
	[sflag:s13] =	ssyncadd.s32 $0xFFFFFC00  }
0xf7: {  	[tilespmem:s14], [sflag:$0x1] =	stream.indirect.gather [spmem:s17], $0x10, s1, s14, $0xb8;
	[tilespmem:$0x1E780] =	vst v63  }
0xf8: {  	s10 =	smov.u32 @p2 s11;
	_ =	swait.ge [sflag:s15], $0x4000  }
0xf9: {  	s10 =	sand.u32 $0x1FFFFF80, s10;
	[sflag:s15] =	ssyncset.done $0x0  }
0xfa: {  	s10 =	sadd.s32 s10, s20;
	[sflag:s15] =	ssyncadd.s32 $0xFFFFC000  }
0xfb: {  	[hbm4b:s10+s1] =	stream.linear.scatter [tilespmem:s14], [sflag:$0x2], $0x4000, $0x38;
	[tilespmem:$0x1E780] =	vst v63  }
0xfc: {  	_ =	swait.ge [sflag:s13], $0x4000  }
0xfd: {  	[sflag:s13] =	ssyncset.done $0x0  }
0xfe: {  	[sflag:s13] =	ssyncadd.s32 $0xFFFFC000  }
.LBB2_22:
0xff: {  	p2 =	slt.s32 s2, $0x1  }
.Ltmp14:
0x100: {  	s5 =	sadd.s32 s5, s9;
	p5 =	sne.s32 s2, $0x1;
	(pc) =	sbr.rel @p2 .LBB2_30-.Ltmp14, $4  }
0x101: {  	s22 =	sadd.s32 $0xFFFFFFFF, s2;
	s2 =	sld [smem:$0x7FB];
	s5 =	sshll.u32 s5, $0xA  }
0x102: {  	s9 =	sadd.s32 s5, s25  }
0x103: {  	s5 =	sshll.u32 s9, $0x1  }
0x104: {  	[smem:$0x7F4] =	sst s5;
	s5 =	sshrl.u32 s2, $0x3  }
.Ltmp15:
0x105: {  	(pc) =	sbr.rel @!p5 .LBB2_24-.Ltmp15, $2  }
0x106: {  	_ =	sdelay $0x2  }
0x107: {  	s9 =	sshll.u32 s9, $0x1;
	s21 =	sshrl.u32 s2, $0x3;
	p3 =	por $0x0, $0x0  }
0x108: {  	s10 =	sadd.s32 s26, s21  }
0x109: {  	[tilespmem:s1], [sflag:$0x2] =	stream.linear.gather [hbm4b:s10+s1], $0x400, $0x38;
	[tilespmem:$0x1E780] =	vst v63  }
0x10a: {  	_ =	swait.ge [sflag:s13], $0x400  }
0x10b: {  	p1 =	por p6, p6;
	[sflag:s13] =	ssyncset.done $0x0  }
0x10c: {  	p6 =	por p4, p4;
	p4 =	por p2, p2;
	[sflag:s13] =	ssyncadd.s32 $0xFFFFFC00  }
0x10d: {  	[tilespmem:s14], [sflag:$0x1] =	stream.indirect.gather [spmem:s17], $0x10, s1, s14, $0xb8;
	[tilespmem:$0x1E780] =	vst v63  }
0x10e: {  	p2 =	por p5, p5;
	p5 =	sne.s32 s22, $0x1;
	_ =	swait.ge [sflag:s15], $0x4000  }
.Ltmp16:
0x10f: {  	s25 =	sand.u32 $0x1FFFFF80, s9;
	[sflag:s15] =	ssyncset.done $0x0;
	(pc) =	sbr.rel @!p5 .LBB2_26-.Ltmp16, $4  }
0x110: {  	s11 =	sadd.s32 $0xFFFFFFFF, s22;
	s10 =	sadd.s32 s25, s20;
	[sflag:s15] =	ssyncadd.s32 $0xFFFFC000  }
0x111: {  	[hbm4b:s10+s1] =	stream.linear.scatter [tilespmem:s14], [sflag:$0x2], $0x4000, $0x38;
	[tilespmem:$0x1E780] =	vst v63  }
0x112: {  	s19 =	sadd.s32 $0x400, s2;
	p3 =	por $0x1, $0x1;
	_ =	swait.ge [sflag:s13], $0x4000  }
0x113: {  	s21 =	sshrl.u32 s19, $0x3;
	s10 =	smov.u32 s9;
	[sflag:s13] =	ssyncset.done $0x0  }
.LBB2_27:
0x114: {  	s21 =	sadd.s32 s26, s21;
	[sflag:s13] =	ssyncadd.s32 $0xFFFFC000;
	s10 =	sadd.s32 $0x800, s10  }
0x115: {  	[tilespmem:s1], [sflag:$0x2] =	stream.linear.gather [hbm4b:s21+s1], $0x400, $0x38;
	[tilespmem:$0x1E780] =	vst v63  }
0x116: {  	p5 =	sne.s32 s11, $0x1;
	s11 =	sadd.s32 $0xFFFFFFFF, s11;
	_ =	swait.ge [sflag:s13], $0x400  }
0x117: {  	[sflag:s13] =	ssyncset.done $0x0  }
0x118: {  	[sflag:s13] =	ssyncadd.s32 $0xFFFFFC00  }
0x119: {  	[tilespmem:s14], [sflag:$0x1] =	stream.indirect.gather [spmem:s17], $0x10, s1, s14, $0xb8;
	[tilespmem:$0x1E780] =	vst v63  }
0x11a: {  	_ =	swait.ge [sflag:s15], $0x4000  }
.Ltmp17:
0x11b: {  	s21 =	sand.u32 $0x1FFFFF80, s10;
	[sflag:s15] =	ssyncset.done $0x0;
	(pc) =	sbr.rel @p5 .LBB2_27-.Ltmp17, $4  }
0x11c: {  	s21 =	sadd.s32 s21, s20;
	[sflag:s15] =	ssyncadd.s32 $0xFFFFC000  }
0x11d: {  	[hbm4b:s21+s1] =	stream.linear.scatter [tilespmem:s14], [sflag:$0x2], $0x4000, $0x38;
	[tilespmem:$0x1E780] =	vst v63  }
0x11e: {  	s19 =	sadd.s32 $0x400, s19;
	_ =	swait.ge [sflag:s13], $0x4000  }
0x11f: {  	s21 =	sshrl.u32 s19, $0x3;
	[sflag:s13] =	ssyncset.done $0x0  }
0x120: {  	p5 =	por p2, p2  }
0x121: {  	p2 =	por p4, p4;
	p4 =	por p6, p6;
	p6 =	por p1, p1  }
.LBB2_29:
0x122: {  	s11 =	sadd.s32 s26, s21;
	[sflag:s13] =	ssyncadd.s32 @p3 $0xFFFFC000  }
0x123: {  	[tilespmem:s1], [sflag:$0x2] =	stream.linear.gather [hbm4b:s11+s1], $0x400, $0x38;
	[tilespmem:$0x1E780] =	vst v63  }
0x124: {  	_ =	swait.ge [sflag:s13], $0x400  }
0x125: {  	[sflag:s13] =	ssyncset.done $0x0  }
0x126: {  	s10 =	sadd.s32 @p3 $0x800, s10;
	[sflag:s13] =	ssyncadd.s32 $0xFFFFFC00  }
0x127: {  	[tilespmem:s14], [sflag:$0x1] =	stream.indirect.gather [spmem:s17], $0x10, s1, s14, $0xb8;
	[tilespmem:$0x1E780] =	vst v63  }
0x128: {  	s9 =	smov.u32 @p3 s10;
	_ =	swait.ge [sflag:s15], $0x4000  }
0x129: {  	s9 =	sand.u32 $0x1FFFFF80, s9;
	[sflag:s15] =	ssyncset.done $0x0  }
0x12a: {  	s9 =	sadd.s32 s9, s20;
	[sflag:s15] =	ssyncadd.s32 $0xFFFFC000  }
0x12b: {  	[hbm4b:s9+s1] =	stream.linear.scatter [tilespmem:s14], [sflag:$0x2], $0x4000, $0x38;
	[tilespmem:$0x1E780] =	vst v63  }
0x12c: {  	_ =	swait.ge [sflag:s13], $0x4000  }
0x12d: {  	[sflag:s13] =	ssyncset.done $0x0  }
0x12e: {  	[sflag:s13] =	ssyncadd.s32 $0xFFFFC000  }
.LBB2_30:
0x12f: {  	[smem:$0x7F3] =	sst s22  }
0x130: {  	[bflag:$0x0] =	sbarrier.arrive $0xFFFF  }
0x131: {  	s9 =	sshll.u32 s29, $0x6;
	s2 =	rddreg [dreg:$0x1c]  }
0x132: {  	s19 =	sor.u32 $0x1C02, s9;
	s21 =	sshrl.u32 s2, $0x3  }
0x133: {  	[spmem:s21], [sflag:s19] =	dma.local [hbm:s30], $0x30E0  }
0x134: {  	_ =	swait.ge [sflag:s13], $0x30E0  }
0x135: {  	[sflag:s13] =	ssyncset.done $0x0;
	s22 =	rddreg [dreg:$0x1d]  }
0x136: {  	s29 =	rddreg [dreg:$0x18];
	[sflag:s13] =	ssyncadd.s32 $0xFFFFCF20;
	s9 =	sshrl.u32 s22, $0x3  }
0x137: {  	[spmem:s9], [sflag:s19] =	dma.local [hbm:s29], $0x30E  }
0x138: {  	_ =	swait.ge [sflag:s13], $0x30E  }
0x139: {  	[sflag:s13] =	ssyncset.done $0x0  }
0x13a: {  	[sflag:s13] =	ssyncadd.s32 $0xFFFFFCF2  }
0x13b: {  	[bflag:$0x0] =	sbarrier.arrive $0xFFFF  }
0x13c: {  	s25 =	smov.u32 s30;
	s30 =	sld [smem:$0x7F8];
	_ =	sdelay $0x2  }
0x13d: {  	p1 =	seq.s32 s30, $0x1  }
.Ltmp18:
0x13e: {  	_ = 	snop;
	(pc) =	sbr.rel @p1 .LBB2_37-.Ltmp18, $1  }
0x13f: {  	_ =	sdelay $0x3  }
0x140: {  	p3 =	sne.s32 s4, $0x1  }
.Ltmp19:
0x141: {  	_ = 	snop;
	(pc) =	sbr.rel @!p3 .LBB2_32-.Ltmp19, $2  }
0x142: {  	_ =	sdelay $0x2  }
0x143: {  	s4 =	sadd.s32 $0xFFFFFFFF, s4;
	s22 =	sshrl.u32 s24, $0x3;
	p1 =	por $0x0, $0x0  }
0x144: {  	s10 =	sadd.s32 s28, s22  }
0x145: {  	[tilespmem:s1], [sflag:$0x2] =	stream.linear.gather [hbm4b:s10+s1], $0x400, $0x38;
	[tilespmem:$0x1E780] =	vst v63  }
0x146: {  	_ =	swait.ge [sflag:s13], $0x400  }
0x147: {  	s30 =	sand.u32 $0x1FFFFF80, s18;
	[sflag:s13] =	ssyncset.done $0x0  }
0x148: {  	s10 =	sadd.s32 s30, s20;
	[sflag:s13] =	ssyncadd.s32 $0xFFFFFC00  }
0x149: {  	[tilespmem:s14], [sflag:$0x2] =	stream.linear.gather [hbm4b:s10+s1], $0x4000, $0x38;
	[tilespmem:$0x1E780] =	vst v63  }
0x14a: {  	_ =	swait.ge [sflag:s13], $0x4000  }
0x14b: {  	[sflag:s13] =	ssyncset.done $0x0  }
0x14c: {  	[sflag:s13] =	ssyncadd.s32 $0xFFFFC000  }
0x14d: {  	[spmem:s17] =	stream.indirect.scatter.add.f32 [tilespmem:s14], [sflag:$0x2], $0x10, s1, s14, $0xb8;
	[tilespmem:$0x1E780] =	vst v63  }
0x14e: {  	p3 =	sne.s32 s4, $0x1;
	_ =	swait.ge [sflag:s13], $0x4000  }
.Ltmp20:
0x14f: {  	[sflag:s13] =	ssyncset.done $0x0;
	(pc) =	sbr.rel @!p3 .LBB2_34-.Ltmp20, $4  }
0x150: {  	s11 =	sadd.s32 $0x400, s24;
	[sflag:s13] =	ssyncadd.s32 $0xFFFFC000  }
0x151: {  	[spmem:s23] =	stream.indirect.scatter.add.f32 [tilespmem:s12], [sflag:$0x2], $0x1, s1, s14, $0xb8;
	[tilespmem:$0x1E780] =	vst v63  }
0x152: {  	p1 =	por $0x1, $0x1;
	s22 =	sshrl.u32 s11, $0x3;
	_ =	swait.ge [sflag:s13], $0x400  }
0x153: {  	s10 =	sadd.s32 $0xFFFFFFFF, s4;
	s4 =	smov.u32 s18;
	[sflag:s13] =	ssyncset.done $0x0  }
.LBB2_35:
0x154: {  	s22 =	sadd.s32 s28, s22;
	[sflag:s13] =	ssyncadd.s32 $0xFFFFFC00;
	s4 =	sadd.s32 $0x800, s4  }
0x155: {  	[tilespmem:s1], [sflag:$0x2] =	stream.linear.gather [hbm4b:s22+s1], $0x400, $0x38;
	[tilespmem:$0x1E780] =	vst v63  }
0x156: {  	p3 =	sne.s32 s10, $0x1;
	s10 =	sadd.s32 $0xFFFFFFFF, s10;
	_ =	swait.ge [sflag:s13], $0x400  }
0x157: {  	s22 =	sand.u32 $0x1FFFFF80, s4;
	[sflag:s13] =	ssyncset.done $0x0  }
0x158: {  	s22 =	sadd.s32 s22, s20;
	[sflag:s13] =	ssyncadd.s32 $0xFFFFFC00  }
0x159: {  	[tilespmem:s14], [sflag:$0x2] =	stream.linear.gather [hbm4b:s22+s1], $0x4000, $0x38;
	[tilespmem:$0x1E780] =	vst v63  }
0x15a: {  	_ =	swait.ge [sflag:s13], $0x4000  }
0x15b: {  	[sflag:s13] =	ssyncset.done $0x0  }
0x15c: {  	[sflag:s13] =	ssyncadd.s32 $0xFFFFC000  }
0x15d: {  	[spmem:s17] =	stream.indirect.scatter.add.f32 [tilespmem:s14], [sflag:$0x2], $0x10, s1, s14, $0xb8;
	[tilespmem:$0x1E780] =	vst v63  }
0x15e: {  	_ =	swait.ge [sflag:s13], $0x4000  }
.Ltmp21:
0x15f: {  	[sflag:s13] =	ssyncset.done $0x0;
	(pc) =	sbr.rel @p3 .LBB2_35-.Ltmp21, $4  }
0x160: {  	[sflag:s13] =	ssyncadd.s32 $0xFFFFC000  }
0x161: {  	[spmem:s23] =	stream.indirect.scatter.add.f32 [tilespmem:s12], [sflag:$0x2], $0x1, s1, s14, $0xb8;
	[tilespmem:$0x1E780] =	vst v63  }
0x162: {  	s11 =	sadd.s32 $0x400, s11;
	_ =	swait.ge [sflag:s13], $0x400  }
0x163: {  	s22 =	sshrl.u32 s11, $0x3;
	[sflag:s13] =	ssyncset.done $0x0  }
.LBB2_36:
0x164: {  	s10 =	sadd.s32 s28, s22;
	[sflag:s13] =	ssyncadd.s32 @p1 $0xFFFFFC00  }
0x165: {  	[tilespmem:s1], [sflag:$0x2] =	stream.linear.gather [hbm4b:s10+s1], $0x400, $0x38;
	[tilespmem:$0x1E780] =	vst v63  }
0x166: {  	s4 =	sadd.s32 @p1 $0x800, s4;
	s10 =	smov.u32 s18  }
0x167: {  	_ =	swait.ge [sflag:s13], $0x400;
	s10 =	smov.u32 @p1 s4  }
0x168: {  	[sflag:s13] =	ssyncset.done $0x0;
	s4 =	sand.u32 $0x1FFFFF80, s10  }
0x169: {  	[sflag:s13] =	ssyncadd.s32 $0xFFFFFC00;
	s4 =	sadd.s32 s4, s20  }
0x16a: {  	[tilespmem:s14], [sflag:$0x2] =	stream.linear.gather [hbm4b:s4+s1], $0x4000, $0x38;
	[tilespmem:$0x1E780] =	vst v63  }
0x16b: {  	_ =	swait.ge [sflag:s13], $0x4000  }
0x16c: {  	[sflag:s13] =	ssyncset.done $0x0  }
0x16d: {  	[sflag:s13] =	ssyncadd.s32 $0xFFFFC000  }
0x16e: {  	[spmem:s17] =	stream.indirect.scatter.add.f32 [tilespmem:s14], [sflag:$0x2], $0x10, s1, s14, $0xb8;
	[tilespmem:$0x1E780] =	vst v63  }
0x16f: {  	_ =	swait.ge [sflag:s13], $0x4000  }
0x170: {  	[sflag:s13] =	ssyncset.done $0x0  }
0x171: {  	[sflag:s13] =	ssyncadd.s32 $0xFFFFC000  }
0x172: {  	[spmem:s23] =	stream.indirect.scatter.add.f32 [tilespmem:s12], [sflag:$0x2], $0x1, s1, s14, $0xb8;
	[tilespmem:$0x1E780] =	vst v63  }
0x173: {  	_ =	swait.ge [sflag:s13], $0x400  }
0x174: {  	[sflag:s13] =	ssyncset.done $0x0  }
0x175: {  	[sflag:s13] =	ssyncadd.s32 $0xFFFFFC00  }
.LBB2_37:
0x176: {  	[bflag:$0x0] =	sbarrier.arrive $0xFFFF  }
0x177: {  	s10 =	sld [smem:$0x7F7]  }
0x178: {  	s2 =	smov.u32 s18  }
0x179: {  	s18 =	smov.u32 s24;
	s24 =	simm.s32 @p0 $0x2;
	s4 =	rddreg [dreg:$0x8]  }
0x17a: {  	[hbm:s4], [sflag:s19] =	dma.local @p0 [spmem:s10], $0x3020  }
0x17b: {  	_ =	swait.ge @p0 [sflag:s24], $0x3020  }
0x17c: {  	s4 =	sld [smem:$0x7FA];
	_ =	sdelay $0x1  }
0x17d: {  	[sflag:s24] =	ssyncset.done @p0 $0x0  }
0x17e: {  	s10 =	rddreg [dreg:$0x9];
	[sflag:s24] =	ssyncadd.s32 @p0 $0xFFFFCFE0;
	s4 =	sshrl.u32 @p0 s4, $0x3  }
0x17f: {  	[hbm:s10], [sflag:s19] =	dma.local @p0 [spmem:s4], $0x302  }
0x180: {  	_ =	swait.ge @p0 [sflag:s24], $0x302  }
0x181: {  	s22 =	simm.s32 @!p0 $0x2;
	[sflag:s24] =	ssyncset.done @p0 $0x0;
	s10 =	rddreg [dreg:$0x1c]  }
0x182: {  	s11 =	rddreg [dreg:$0x6];
	[sflag:s24] =	ssyncadd.s32 @p0 $0xFFFFFCFE;
	s10 =	sshrl.u32 @!p0 s10, $0x3  }
0x183: {  	[hbm:s11], [sflag:s19] =	dma.local @!p0 [spmem:s10], $0x30E0  }
0x184: {  	_ =	swait.ge @!p0 [sflag:s22], $0x30E0  }
0x185: {  	[sflag:s22] =	ssyncset.done @!p0 $0x0;
	s11 =	rddreg [dreg:$0x1d]  }
0x186: {  	s30 =	rddreg [dreg:$0x7];
	[sflag:s22] =	ssyncadd.s32 @!p0 $0xFFFFCF20;
	s11 =	sshrl.u32 @!p0 s11, $0x3  }
0x187: {  	[hbm:s30], [sflag:s19] =	dma.local @!p0 [spmem:s11], $0x30E  }
0x188: {  	_ =	swait.ge @!p0 [sflag:s22], $0x30E  }
0x189: {  	[sflag:s22] =	ssyncset.done @!p0 $0x0  }
0x18a: {  	[sflag:s22] =	ssyncadd.s32 @!p0 $0xFFFFFCF2  }
0x18b: {  	[bflag:$0x0] =	sbarrier.arrive $0xFFFF  }
0x18c: {  	[spmem:s21], [sflag:s19] =	dma.local [hbm:s25], $0x30E0  }
0x18d: {  	_ =	swait.ge [sflag:s13], $0x30E0  }
0x18e: {  	[sflag:s13] =	ssyncset.done $0x0  }
0x18f: {  	s29 =	rddreg [dreg:$0x18];
	[sflag:s13] =	ssyncadd.s32 $0xFFFFCF20  }
0x190: {  	[spmem:s9], [sflag:s19] =	dma.local [hbm:s29], $0x30E  }
0x191: {  	_ =	swait.ge [sflag:s13], $0x30E  }
0x192: {  	[sflag:s13] =	ssyncset.done $0x0  }
0x193: {  	[sflag:s13] =	ssyncadd.s32 $0xFFFFFCF2  }
0x194: {  	[bflag:$0x0] =	sbarrier.arrive $0xFFFF  }
0x195: {  	s29 =	sld [smem:$0x7F6];
	_ =	sdelay $0x2  }
0x196: {  	p1 =	seq.s32 s29, $0x1  }
.Ltmp22:
0x197: {  	_ = 	snop;
	(pc) =	sbr.rel @p1 .LBB2_45-.Ltmp22, $2  }
0x198: {  	_ =	sdelay $0x2  }
0x199: {  	s30 =	smov.u32 s25  }
0x19a: {  	s29 =	sld [smem:$0x7F5];
	_ =	sdelay $0x2  }
0x19b: {  	p3 =	seq.s32 s29, $0x1  }
.Ltmp23:
0x19c: {  	_ = 	snop;
	(pc) =	sbr.rel @!p3 .LBB2_39-.Ltmp23, $2  }
0x19d: {  	_ =	sdelay $0x2  }
0x19e: {  	p1 =	por $0x0, $0x0  }
0x19f: {  	s3 =	sadd.s32 s28, s3  }
0x1a0: {  	[tilespmem:s1], [sflag:$0x2] =	stream.linear.gather [hbm4b:s3+s1], $0x400, $0x38;
	[tilespmem:$0x1E780] =	vst v63  }
0x1a1: {  	_ =	swait.ge [sflag:s13], $0x400  }
0x1a2: {  	s3 =	sand.u32 $0x1FFFFF80, s6;
	[sflag:s13] =	ssyncset.done $0x0  }
0x1a3: {  	s3 =	sadd.s32 s3, s20;
	[sflag:s13] =	ssyncadd.s32 $0xFFFFFC00  }
0x1a4: {  	[tilespmem:s14], [sflag:$0x2] =	stream.linear.gather [hbm4b:s3+s1], $0x4000, $0x38;
	[tilespmem:$0x1E780] =	vst v63  }
0x1a5: {  	_ =	swait.ge [sflag:s13], $0x4000  }
0x1a6: {  	[sflag:s13] =	ssyncset.done $0x0  }
0x1a7: {  	[sflag:s13] =	ssyncadd.s32 $0xFFFFC000  }
0x1a8: {  	[spmem:s17] =	stream.indirect.scatter.add.f32 [tilespmem:s14], [sflag:$0x2], $0x10, s1, s14, $0xb8;
	[tilespmem:$0x1E780] =	vst v63  }
0x1a9: {  	_ =	swait.ge [sflag:s13], $0x4000  }
0x1aa: {  	[sflag:s13] =	ssyncset.done $0x0  }
0x1ab: {  	[sflag:s13] =	ssyncadd.s32 $0xFFFFC000  }
0x1ac: {  	[spmem:s23] =	stream.indirect.scatter.add.f32 [tilespmem:s12], [sflag:$0x2], $0x1, s1, s14, $0xb8;
	[tilespmem:$0x1E780] =	vst v63  }
0x1ad: {  	p3 =	sne.s32 s0, $0x1;
	_ =	swait.ge [sflag:s13], $0x400  }
.Ltmp24:
0x1ae: {  	s3 =	sld [smem:$0x7FD];
	(pc) =	sbr.rel @!p3 .LBB2_41-.Ltmp24, $3  }
0x1af: {  	_ =	sdelay $0x1  }
0x1b0: {  	s29 =	sadd.s32 $0xFFFFFFFF, s0;
	p1 =	por $0x1, $0x1;
	s30 =	sadd.s32 $0x400, s3  }
0x1b1: {  	s0 =	smov.u32 s6;
	[sflag:s13] =	ssyncset.done $0x0;
	s3 =	sshrl.u32 s30, $0x3  }
.LBB2_42:
0x1b2: {  	s3 =	sadd.s32 s28, s3;
	[sflag:s13] =	ssyncadd.s32 $0xFFFFFC00;
	s0 =	sadd.s32 $0x800, s0  }
0x1b3: {  	[tilespmem:s1], [sflag:$0x2] =	stream.linear.gather [hbm4b:s3+s1], $0x400, $0x38;
	[tilespmem:$0x1E780] =	vst v63  }
0x1b4: {  	p3 =	sne.s32 s29, $0x1;
	s29 =	sadd.s32 $0xFFFFFFFF, s29;
	_ =	swait.ge [sflag:s13], $0x400  }
0x1b5: {  	s3 =	sand.u32 $0x1FFFFF80, s0;
	[sflag:s13] =	ssyncset.done $0x0  }
0x1b6: {  	s3 =	sadd.s32 s3, s20;
	[sflag:s13] =	ssyncadd.s32 $0xFFFFFC00  }
0x1b7: {  	[tilespmem:s14], [sflag:$0x2] =	stream.linear.gather [hbm4b:s3+s1], $0x4000, $0x38;
	[tilespmem:$0x1E780] =	vst v63  }
0x1b8: {  	_ =	swait.ge [sflag:s13], $0x4000  }
0x1b9: {  	[sflag:s13] =	ssyncset.done $0x0  }
0x1ba: {  	[sflag:s13] =	ssyncadd.s32 $0xFFFFC000  }
0x1bb: {  	[spmem:s17] =	stream.indirect.scatter.add.f32 [tilespmem:s14], [sflag:$0x2], $0x10, s1, s14, $0xb8;
	[tilespmem:$0x1E780] =	vst v63  }
0x1bc: {  	_ =	swait.ge [sflag:s13], $0x4000  }
.Ltmp25:
0x1bd: {  	[sflag:s13] =	ssyncset.done $0x0;
	(pc) =	sbr.rel @p3 .LBB2_42-.Ltmp25, $4  }
0x1be: {  	[sflag:s13] =	ssyncadd.s32 $0xFFFFC000  }
0x1bf: {  	[spmem:s23] =	stream.indirect.scatter.add.f32 [tilespmem:s12], [sflag:$0x2], $0x1, s1, s14, $0xb8;
	[tilespmem:$0x1E780] =	vst v63  }
0x1c0: {  	s30 =	sadd.s32 $0x400, s30;
	_ =	swait.ge [sflag:s13], $0x400  }
0x1c1: {  	s3 =	sshrl.u32 s30, $0x3;
	[sflag:s13] =	ssyncset.done $0x0  }
0x1c2: {  	s30 =	smov.u32 s25  }
.LBB2_44:
0x1c3: {  	s3 =	sadd.s32 s28, s3;
	[sflag:s13] =	ssyncadd.s32 @p1 $0xFFFFFC00;
	s0 =	sadd.s32 @p1 $0x800, s0  }
0x1c4: {  	[tilespmem:s1], [sflag:$0x2] =	stream.linear.gather [hbm4b:s3+s1], $0x400, $0x38;
	[tilespmem:$0x1E780] =	vst v63  }
0x1c5: {  	s6 =	smov.u32 @p1 s0;
	_ =	swait.ge [sflag:s13], $0x400  }
0x1c6: {  	s0 =	sand.u32 $0x1FFFFF80, s6;
	[sflag:s13] =	ssyncset.done $0x0  }
0x1c7: {  	s0 =	sadd.s32 s0, s20;
	[sflag:s13] =	ssyncadd.s32 $0xFFFFFC00  }
0x1c8: {  	[tilespmem:s14], [sflag:$0x2] =	stream.linear.gather [hbm4b:s0+s1], $0x4000, $0x38;
	[tilespmem:$0x1E780] =	vst v63  }
0x1c9: {  	_ =	swait.ge [sflag:s13], $0x4000  }
0x1ca: {  	[sflag:s13] =	ssyncset.done $0x0  }
0x1cb: {  	[sflag:s13] =	ssyncadd.s32 $0xFFFFC000  }
0x1cc: {  	[spmem:s17] =	stream.indirect.scatter.add.f32 [tilespmem:s14], [sflag:$0x2], $0x10, s1, s14, $0xb8;
	[tilespmem:$0x1E780] =	vst v63  }
0x1cd: {  	_ =	swait.ge [sflag:s13], $0x4000  }
0x1ce: {  	[sflag:s13] =	ssyncset.done $0x0  }
0x1cf: {  	[sflag:s13] =	ssyncadd.s32 $0xFFFFC000  }
0x1d0: {  	[spmem:s23] =	stream.indirect.scatter.add.f32 [tilespmem:s12], [sflag:$0x2], $0x1, s1, s14, $0xb8;
	[tilespmem:$0x1E780] =	vst v63  }
0x1d1: {  	_ =	swait.ge [sflag:s13], $0x400  }
0x1d2: {  	[sflag:s13] =	ssyncset.done $0x0  }
0x1d3: {  	[sflag:s13] =	ssyncadd.s32 $0xFFFFFC00  }
.LBB2_45:
0x1d4: {  	[bflag:$0x0] =	sbarrier.arrive $0xFFFF  }
0x1d5: {  	s25 =	sld [smem:$0x7F7];
	_ =	sdelay $0x1  }
0x1d6: {  	s0 =	rddreg [dreg:$0xc]  }
0x1d7: {  	[hbm:s0], [sflag:s19] =	dma.local @p0 [spmem:s25], $0x3020  }
0x1d8: {  	_ =	swait.ge @p0 [sflag:s24], $0x3020  }
0x1d9: {  	[sflag:s24] =	ssyncset.done @p0 $0x0  }
0x1da: {  	s0 =	rddreg [dreg:$0x11];
	[sflag:s24] =	ssyncadd.s32 @p0 $0xFFFFCFE0  }
0x1db: {  	[hbm:s0], [sflag:s19] =	dma.local @p0 [spmem:s4], $0x302  }
0x1dc: {  	_ =	swait.ge @p0 [sflag:s24], $0x302  }
0x1dd: {  	[sflag:s24] =	ssyncset.done @p0 $0x0  }
0x1de: {  	s0 =	rddreg [dreg:$0xa];
	[sflag:s24] =	ssyncadd.s32 @p0 $0xFFFFFCFE  }
0x1df: {  	[hbm:s0], [sflag:s19] =	dma.local @!p0 [spmem:s10], $0x30E0  }
0x1e0: {  	_ =	swait.ge @!p0 [sflag:s22], $0x30E0  }
0x1e1: {  	[sflag:s22] =	ssyncset.done @!p0 $0x0  }
0x1e2: {  	s0 =	rddreg [dreg:$0xb];
	[sflag:s22] =	ssyncadd.s32 @!p0 $0xFFFFCF20  }
0x1e3: {  	[hbm:s0], [sflag:s19] =	dma.local @!p0 [spmem:s11], $0x30E  }
0x1e4: {  	_ =	swait.ge @!p0 [sflag:s22], $0x30E  }
0x1e5: {  	[sflag:s22] =	ssyncset.done @!p0 $0x0  }
0x1e6: {  	[sflag:s22] =	ssyncadd.s32 @!p0 $0xFFFFFCF2  }
0x1e7: {  	[bflag:$0x0] =	sbarrier.arrive $0xFFFF  }
0x1e8: {  	[spmem:s21], [sflag:s19] =	dma.local [hbm:s30], $0x30E0  }
0x1e9: {  	_ =	swait.ge [sflag:s13], $0x30E0  }
0x1ea: {  	[sflag:s13] =	ssyncset.done $0x0  }
0x1eb: {  	s24 =	rddreg [dreg:$0x18];
	[sflag:s13] =	ssyncadd.s32 $0xFFFFCF20  }
0x1ec: {  	[spmem:s9], [sflag:s19] =	dma.local [hbm:s24], $0x30E  }
.Ltmp26:
0x1ed: {  	_ =	swait.ge [sflag:s13], $0x30E;
	(pc) =	sbr.rel @p6 .LBB2_52-.Ltmp26, $4  }
0x1ee: {  	[sflag:s13] =	ssyncset.done $0x0  }
0x1ef: {  	[sflag:s13] =	ssyncadd.s32 $0xFFFFFCF2  }
0x1f0: {  	s29 =	stileid.u32;
	[bflag:$0x0] =	sbarrier.arrive $0xFFFF  }
0x1f1: {  	s24 =	smov.u32 s18;
	s18 =	smov.u32 s2;
	s22 =	sld [smem:$0x7FC]  }
.Ltmp27:
0x1f2: {  	(pc) =	sbr.rel @!p4 .LBB2_47-.Ltmp27, $2  }
0x1f3: {  	_ =	sdelay $0x2  }
0x1f4: {  	p1 =	por $0x0, $0x0  }
0x1f5: {  	s0 =	sadd.s32 s28, s8  }
0x1f6: {  	[tilespmem:s1], [sflag:$0x2] =	stream.linear.gather [hbm4b:s0+s1], $0x400, $0x38;
	[tilespmem:$0x1E780] =	vst v63  }
0x1f7: {  	_ =	swait.ge [sflag:s13], $0x400  }
0x1f8: {  	s8 =	sand.u32 $0x1FFFFF80, s31;
	[sflag:s13] =	ssyncset.done $0x0  }
0x1f9: {  	s0 =	sadd.s32 s8, s20;
	[sflag:s13] =	ssyncadd.s32 $0xFFFFFC00  }
0x1fa: {  	[tilespmem:s14], [sflag:$0x2] =	stream.linear.gather [hbm4b:s0+s1], $0x4000, $0x38;
	[tilespmem:$0x1E780] =	vst v63  }
0x1fb: {  	_ =	swait.ge [sflag:s13], $0x4000  }
0x1fc: {  	[sflag:s13] =	ssyncset.done $0x0  }
0x1fd: {  	[sflag:s13] =	ssyncadd.s32 $0xFFFFC000  }
0x1fe: {  	[spmem:s17] =	stream.indirect.scatter.add.f32 [tilespmem:s14], [sflag:$0x2], $0x10, s1, s14, $0xb8;
	[tilespmem:$0x1E780] =	vst v63  }
0x1ff: {  	p3 =	sne.s32 s7, $0x1;
	_ =	swait.ge [sflag:s13], $0x4000  }
.Ltmp28:
0x200: {  	[sflag:s13] =	ssyncset.done $0x0;
	(pc) =	sbr.rel @!p3 .LBB2_49-.Ltmp28, $4  }
0x201: {  	s3 =	sadd.s32 $0xFFFFFFFF, s7;
	[sflag:s13] =	ssyncadd.s32 $0xFFFFC000  }
0x202: {  	[spmem:s23] =	stream.indirect.scatter.add.f32 [tilespmem:s12], [sflag:$0x2], $0x1, s1, s14, $0xb8;
	[tilespmem:$0x1E780] =	vst v63  }
0x203: {  	p1 =	por $0x1, $0x1;
	s6 =	sadd.s32 $0x400, s22;
	_ =	swait.ge [sflag:s13], $0x400  }
0x204: {  	s8 =	sshrl.u32 s6, $0x3;
	s0 =	smov.u32 s31;
	[sflag:s13] =	ssyncset.done $0x0  }
.LBB2_50:
0x205: {  	s7 =	sadd.s32 s28, s8;
	[sflag:s13] =	ssyncadd.s32 $0xFFFFFC00;
	s0 =	sadd.s32 $0x800, s0  }
0x206: {  	[tilespmem:s1], [sflag:$0x2] =	stream.linear.gather [hbm4b:s7+s1], $0x400, $0x38;
	[tilespmem:$0x1E780] =	vst v63  }
0x207: {  	p3 =	sne.s32 s3, $0x1;
	s3 =	sadd.s32 $0xFFFFFFFF, s3;
	_ =	swait.ge [sflag:s13], $0x400  }
0x208: {  	s7 =	sand.u32 $0x1FFFFF80, s0;
	[sflag:s13] =	ssyncset.done $0x0  }
0x209: {  	s7 =	sadd.s32 s7, s20;
	[sflag:s13] =	ssyncadd.s32 $0xFFFFFC00  }
0x20a: {  	[tilespmem:s14], [sflag:$0x2] =	stream.linear.gather [hbm4b:s7+s1], $0x4000, $0x38;
	[tilespmem:$0x1E780] =	vst v63  }
0x20b: {  	_ =	swait.ge [sflag:s13], $0x4000  }
0x20c: {  	[sflag:s13] =	ssyncset.done $0x0  }
0x20d: {  	[sflag:s13] =	ssyncadd.s32 $0xFFFFC000  }
0x20e: {  	[spmem:s17] =	stream.indirect.scatter.add.f32 [tilespmem:s14], [sflag:$0x2], $0x10, s1, s14, $0xb8;
	[tilespmem:$0x1E780] =	vst v63  }
0x20f: {  	_ =	swait.ge [sflag:s13], $0x4000  }
.Ltmp29:
0x210: {  	[sflag:s13] =	ssyncset.done $0x0;
	(pc) =	sbr.rel @p3 .LBB2_50-.Ltmp29, $4  }
0x211: {  	[sflag:s13] =	ssyncadd.s32 $0xFFFFC000  }
0x212: {  	[spmem:s23] =	stream.indirect.scatter.add.f32 [tilespmem:s12], [sflag:$0x2], $0x1, s1, s14, $0xb8;
	[tilespmem:$0x1E780] =	vst v63  }
0x213: {  	s6 =	sadd.s32 $0x400, s6;
	_ =	swait.ge [sflag:s13], $0x400  }
0x214: {  	s8 =	sshrl.u32 s6, $0x3;
	[sflag:s13] =	ssyncset.done $0x0  }
.LBB2_51:
0x215: {  	s3 =	sadd.s32 s28, s8;
	[sflag:s13] =	ssyncadd.s32 @p1 $0xFFFFFC00;
	s0 =	sadd.s32 @p1 $0x800, s0  }
0x216: {  	[tilespmem:s1], [sflag:$0x2] =	stream.linear.gather [hbm4b:s3+s1], $0x400, $0x38;
	[tilespmem:$0x1E780] =	vst v63  }
0x217: {  	s31 =	smov.u32 @p1 s0;
	_ =	swait.ge [sflag:s13], $0x400  }
0x218: {  	s0 =	sand.u32 $0x1FFFFF80, s31;
	[sflag:s13] =	ssyncset.done $0x0  }
0x219: {  	s0 =	sadd.s32 s0, s20;
	[sflag:s13] =	ssyncadd.s32 $0xFFFFFC00  }
0x21a: {  	[tilespmem:s14], [sflag:$0x2] =	stream.linear.gather [hbm4b:s0+s1], $0x4000, $0x38;
	[tilespmem:$0x1E780] =	vst v63  }
0x21b: {  	_ =	swait.ge [sflag:s13], $0x4000  }
0x21c: {  	[sflag:s13] =	ssyncset.done $0x0  }
0x21d: {  	[sflag:s13] =	ssyncadd.s32 $0xFFFFC000  }
0x21e: {  	[spmem:s17] =	stream.indirect.scatter.add.f32 [tilespmem:s14], [sflag:$0x2], $0x10, s1, s14, $0xb8;
	[tilespmem:$0x1E780] =	vst v63  }
0x21f: {  	_ =	swait.ge [sflag:s13], $0x4000  }
0x220: {  	[sflag:s13] =	ssyncset.done $0x0  }
0x221: {  	[sflag:s13] =	ssyncadd.s32 $0xFFFFC000  }
0x222: {  	[spmem:s23] =	stream.indirect.scatter.add.f32 [tilespmem:s12], [sflag:$0x2], $0x1, s1, s14, $0xb8;
	[tilespmem:$0x1E780] =	vst v63  }
0x223: {  	_ =	swait.ge [sflag:s13], $0x400  }
0x224: {  	[sflag:s13] =	ssyncset.done $0x0  }
0x225: {  	[sflag:s13] =	ssyncadd.s32 $0xFFFFFC00  }
.LBB2_52:
0x226: {  	[bflag:$0x0] =	sbarrier.arrive $0xFFFF  }
0x227: {  	s3 =	simm.s32 @p0 $0x2;
	s0 =	rddreg [dreg:$0xe]  }
0x228: {  	[hbm:s0], [sflag:s19] =	dma.local @p0 [spmem:s25], $0x3020  }
0x229: {  	_ =	swait.ge @p0 [sflag:s3], $0x3020  }
0x22a: {  	[sflag:s3] =	ssyncset.done @p0 $0x0  }
0x22b: {  	s0 =	rddreg [dreg:$0x13];
	[sflag:s3] =	ssyncadd.s32 @p0 $0xFFFFCFE0  }
0x22c: {  	[hbm:s0], [sflag:s19] =	dma.local @p0 [spmem:s4], $0x302  }
0x22d: {  	_ =	swait.ge @p0 [sflag:s3], $0x302  }
0x22e: {  	[sflag:s3] =	ssyncset.done @p0 $0x0  }
0x22f: {  	s0 =	rddreg [dreg:$0xd];
	[sflag:s3] =	ssyncadd.s32 @p0 $0xFFFFFCFE  }
0x230: {  	[hbm:s0], [sflag:s19] =	dma.local @!p0 [spmem:s10], $0x30E0  }
0x231: {  	s0 =	simm.s32 @!p0 $0x2  }
0x232: {  	_ =	swait.ge @!p0 [sflag:s0], $0x30E0  }
0x233: {  	[sflag:s0] =	ssyncset.done @!p0 $0x0  }
0x234: {  	s6 =	rddreg [dreg:$0x12];
	[sflag:s0] =	ssyncadd.s32 @!p0 $0xFFFFCF20  }
0x235: {  	[hbm:s6], [sflag:s19] =	dma.local @!p0 [spmem:s11], $0x30E  }
0x236: {  	_ =	swait.ge @!p0 [sflag:s0], $0x30E  }
0x237: {  	[sflag:s0] =	ssyncset.done @!p0 $0x0  }
0x238: {  	[sflag:s0] =	ssyncadd.s32 @!p0 $0xFFFFFCF2  }
0x239: {  	[bflag:$0x0] =	sbarrier.arrive $0xFFFF  }
0x23a: {  	[spmem:s21], [sflag:s19] =	dma.local [hbm:s30], $0x30E0  }
0x23b: {  	_ =	swait.ge [sflag:s13], $0x30E0  }
0x23c: {  	[sflag:s13] =	ssyncset.done $0x0  }
0x23d: {  	s2 =	rddreg [dreg:$0x18];
	[sflag:s13] =	ssyncadd.s32 $0xFFFFCF20  }
0x23e: {  	[spmem:s9], [sflag:s19] =	dma.local [hbm:s2], $0x30E  }
.Ltmp30:
0x23f: {  	_ =	swait.ge [sflag:s13], $0x30E;
	(pc) =	sbr.rel @p2 .LBB2_59-.Ltmp30, $4  }
0x240: {  	[sflag:s13] =	ssyncset.done $0x0  }
0x241: {  	[sflag:s13] =	ssyncadd.s32 $0xFFFFFCF2  }
0x242: {  	[bflag:$0x0] =	sbarrier.arrive $0xFFFF  }
0x243: {  	s21 =	sld [smem:$0x7FD]  }
.Ltmp31:
0x244: {  	(pc) =	sbr.rel @!p5 .LBB2_54-.Ltmp31, $2  }
0x245: {  	_ =	sdelay $0x2  }
0x246: {  	p1 =	por $0x0, $0x0  }
0x247: {  	s5 =	sadd.s32 s28, s5  }
0x248: {  	[tilespmem:s1], [sflag:$0x2] =	stream.linear.gather [hbm4b:s5+s1], $0x400, $0x38;
	[tilespmem:$0x1E780] =	vst v63  }
0x249: {  	_ =	swait.ge [sflag:s13], $0x400  }
0x24a: {  	s8 =	sld [smem:$0x7F4];
	_ =	sdelay $0x2  }
0x24b: {  	[sflag:s13] =	ssyncset.done $0x0;
	s9 =	sand.u32 $0x1FFFFF80, s8  }
0x24c: {  	[sflag:s13] =	ssyncadd.s32 $0xFFFFFC00;
	s5 =	sadd.s32 s9, s20  }
0x24d: {  	[tilespmem:s14], [sflag:$0x2] =	stream.linear.gather [hbm4b:s5+s1], $0x4000, $0x38;
	[tilespmem:$0x1E780] =	vst v63  }
0x24e: {  	_ =	swait.ge [sflag:s13], $0x4000  }
0x24f: {  	[sflag:s13] =	ssyncset.done $0x0  }
0x250: {  	[sflag:s13] =	ssyncadd.s32 $0xFFFFC000  }
0x251: {  	[spmem:s17] =	stream.indirect.scatter.add.f32 [tilespmem:s14], [sflag:$0x2], $0x10, s1, s14, $0xb8;
	[tilespmem:$0x1E780] =	vst v63  }
0x252: {  	_ =	swait.ge [sflag:s13], $0x4000  }
0x253: {  	[sflag:s13] =	ssyncset.done $0x0;
	s2 =	sld [smem:$0x7F3]  }
0x254: {  	[sflag:s13] =	ssyncadd.s32 $0xFFFFC000  }
0x255: {  	[spmem:s23] =	stream.indirect.scatter.add.f32 [tilespmem:s12], [sflag:$0x2], $0x1, s1, s14, $0xb8;
	[tilespmem:$0x1E780] =	vst v63  }
0x256: {  	p2 =	sne.s32 s2, $0x1;
	_ =	swait.ge [sflag:s13], $0x400  }
.Ltmp32:
0x257: {  	s31 =	sld [smem:$0x7FB];
	(pc) =	sbr.rel @!p2 .LBB2_56-.Ltmp32, $3  }
0x258: {  	_ =	sdelay $0x1  }
0x259: {  	p1 =	por $0x1, $0x1;
	s6 =	sadd.s32 $0xFFFFFFFF, s2;
	s7 =	sadd.s32 $0x400, s31  }
0x25a: {  	s2 =	smov.u32 s8;
	[sflag:s13] =	ssyncset.done $0x0;
	s5 =	sshrl.u32 s7, $0x3  }
.LBB2_57:
0x25b: {  	s5 =	sadd.s32 s28, s5;
	[sflag:s13] =	ssyncadd.s32 $0xFFFFFC00;
	s2 =	sadd.s32 $0x800, s2  }
0x25c: {  	[tilespmem:s1], [sflag:$0x2] =	stream.linear.gather [hbm4b:s5+s1], $0x400, $0x38;
	[tilespmem:$0x1E780] =	vst v63  }
0x25d: {  	p2 =	sne.s32 s6, $0x1;
	s6 =	sadd.s32 $0xFFFFFFFF, s6;
	_ =	swait.ge [sflag:s13], $0x400  }
0x25e: {  	s5 =	sand.u32 $0x1FFFFF80, s2;
	[sflag:s13] =	ssyncset.done $0x0  }
0x25f: {  	s5 =	sadd.s32 s5, s20;
	[sflag:s13] =	ssyncadd.s32 $0xFFFFFC00  }
0x260: {  	[tilespmem:s14], [sflag:$0x2] =	stream.linear.gather [hbm4b:s5+s1], $0x4000, $0x38;
	[tilespmem:$0x1E780] =	vst v63  }
0x261: {  	_ =	swait.ge [sflag:s13], $0x4000  }
0x262: {  	[sflag:s13] =	ssyncset.done $0x0  }
0x263: {  	[sflag:s13] =	ssyncadd.s32 $0xFFFFC000  }
0x264: {  	[spmem:s17] =	stream.indirect.scatter.add.f32 [tilespmem:s14], [sflag:$0x2], $0x10, s1, s14, $0xb8;
	[tilespmem:$0x1E780] =	vst v63  }
0x265: {  	_ =	swait.ge [sflag:s13], $0x4000  }
.Ltmp33:
0x266: {  	[sflag:s13] =	ssyncset.done $0x0;
	(pc) =	sbr.rel @p2 .LBB2_57-.Ltmp33, $4  }
0x267: {  	[sflag:s13] =	ssyncadd.s32 $0xFFFFC000  }
0x268: {  	[spmem:s23] =	stream.indirect.scatter.add.f32 [tilespmem:s12], [sflag:$0x2], $0x1, s1, s14, $0xb8;
	[tilespmem:$0x1E780] =	vst v63  }
0x269: {  	s7 =	sadd.s32 $0x400, s7;
	_ =	swait.ge [sflag:s13], $0x400  }
0x26a: {  	s5 =	sshrl.u32 s7, $0x3;
	[sflag:s13] =	ssyncset.done $0x0  }
.Ltmp34:
0x26b: {  	_ = 	snop;
	(pc) =	sbr.rel .LBB2_58-.Ltmp34, $1  }
0x26c: {  	_ =	sdelay $0x3  }
.LBB2_3:
.Ltmp35:
0x26d: {  	(pc) =	sbr.rel .LBB2_7-.Ltmp35, $2  }
0x26e: {  	_ =	sdelay $0x2  }
0x26f: {  	s0 =	smov.u32 s18  }
.LBB2_10:
.Ltmp36:
0x270: {  	(pc) =	sbr.rel .LBB2_14-.Ltmp36, $2  }
0x271: {  	_ =	sdelay $0x2  }
0x272: {  	s9 =	smov.u32 s8  }
.LBB2_17:
.Ltmp37:
0x273: {  	(pc) =	sbr.rel .LBB2_21-.Ltmp37, $2  }
0x274: {  	_ =	sdelay $0x2  }
0x275: {  	s11 =	smov.u32 s10  }
.LBB2_24:
.Ltmp38:
0x276: {  	(pc) =	sbr.rel .LBB2_29-.Ltmp38, $2  }
0x277: {  	_ =	sdelay $0x2  }
0x278: {  	s10 =	smov.u32 s9  }
.LBB2_32:
.Ltmp39:
0x279: {  	(pc) =	sbr.rel .LBB2_36-.Ltmp39, $2  }
0x27a: {  	_ =	sdelay $0x2  }
0x27b: {  	s4 =	smov.u32 s18  }
.LBB2_39:
.Ltmp40:
0x27c: {  	(pc) =	sbr.rel .LBB2_44-.Ltmp40, $2  }
0x27d: {  	_ =	sdelay $0x2  }
0x27e: {  	s0 =	smov.u32 s6  }
.LBB2_47:
.Ltmp41:
0x27f: {  	(pc) =	sbr.rel .LBB2_51-.Ltmp41, $2  }
0x280: {  	_ =	sdelay $0x2  }
0x281: {  	s0 =	smov.u32 s31  }
.LBB2_5:
.Ltmp42:
0x282: {  	(pc) =	sbr.rel .LBB2_7-.Ltmp42, $2  }
0x283: {  	_ =	sdelay $0x2  }
0x284: {  	s0 =	smov.u32 s18  }
.LBB2_12:
.Ltmp43:
0x285: {  	(pc) =	sbr.rel .LBB2_14-.Ltmp43, $2  }
0x286: {  	_ =	sdelay $0x2  }
0x287: {  	s9 =	smov.u32 s8  }
.LBB2_19:
.Ltmp44:
0x288: {  	(pc) =	sbr.rel .LBB2_21-.Ltmp44, $2  }
0x289: {  	_ =	sdelay $0x2  }
0x28a: {  	s11 =	smov.u32 s10  }
.LBB2_26:
.Ltmp45:
0x28b: {  	(pc) =	sbr.rel .LBB2_29-.Ltmp45, $3  }
0x28c: {  	_ =	sdelay $0x1  }
0x28d: {  	s10 =	smov.u32 s9;
	p5 =	por p2, p2  }
0x28e: {  	p2 =	por p4, p4;
	p4 =	por p6, p6;
	p6 =	por p1, p1  }
.LBB2_34:
.Ltmp46:
0x28f: {  	(pc) =	sbr.rel .LBB2_36-.Ltmp46, $2  }
0x290: {  	_ =	sdelay $0x2  }
0x291: {  	s4 =	smov.u32 s18  }
.LBB2_41:
.Ltmp47:
0x292: {  	(pc) =	sbr.rel .LBB2_44-.Ltmp47, $2  }
0x293: {  	_ =	sdelay $0x2  }
0x294: {  	s0 =	smov.u32 s6;
	s30 =	smov.u32 s25  }
.LBB2_49:
.Ltmp48:
0x295: {  	(pc) =	sbr.rel .LBB2_51-.Ltmp48, $2  }
0x296: {  	_ =	sdelay $0x2  }
0x297: {  	s0 =	smov.u32 s31  }
.LBB2_56:
.Ltmp49:
0x298: {  	(pc) =	sbr.rel .LBB2_58-.Ltmp49, $2  }
0x299: {  	_ =	sdelay $0x2  }
0x29a: {  	s2 =	smov.u32 s8  }
.LBB2_60:
0x29b: {  	_ =	sfence.sel $0x180000  }
0x29c: {  	[bflag:$0x0] =	sbarrier.arrive $0xFFFF  }
0x29d: {  	_ =	strace $0x9000004A  }
0x29e: {  	[bflag:$0x2] =	sbarrier.arrive $0xFFFF  }
0x29f: {  	p0 =	sne.s32 s29, $0x0;
	s0 =	rddreg [dreg:$0x5]  }
0x2a0: {  	s0 =	sadd.s32 @!p0 $0x100000, s0  }
0x2a1: {  	[sflag:s0] =	ssyncadd.tile.s32 @!p0 $0x1;
	_ =	shalt  }
.Lfunc_end2:
_tile_overlayer_lowered:
.L_overlay_start_2:
0x2a2: {  	(tag) =	ssettag $0x2  }
0x2a3: {  	s0 =	rddreg [dreg:$0x0];
	s2 =	stileid.u32  }
0x2a4: {  	s1 =	rddreg [dreg:$0x1];
	p0 =	sne.s32 s2, $0x0  }
0x2a5: {  	s3 =	rddreg [dreg:$0x2];
	[bflag:$0x3] =	sbarrier.arrive $0xFFFF;
	s2 =	simm.s32 @!p0 $0x1C02  }
0x2a6: {  	[timem:s3], [sflag:s2] =	dma.local @!p0 [hbm:s0], s1  }
0x2a7: {  	s0 =	simm.s32 @!p0 $0x2  }
0x2a8: {  	_ =	swait.ge @!p0 [sflag:s0], s1  }
0x2a9: {  	s1 =	ssub.s32 @!p0 $0x0, s1;
	[sflag:s0] =	ssyncset.done @!p0 $0x0  }
0x2aa: {  	[sflag:s0] =	ssyncadd.s32 @!p0 s1  }
0x2ab: {  	[bflag:$0x3] =	sbarrier.arrive $0xFFFF  }
0x2ac: {  	_ =	shalt  }

// kernel: kernel.13.cloned.1.call-start
scs
__scs_entry_jumppad:
0x0: {  	(pc) =	sbr.rel $0x88, $3  }
0x1: {  	(tag) =	ssettag $0x0;
	lr =	simm.s32 $0x1  }
0x2: {  	[smem:$0x3F98] =	sst lr;
	_ =	strace $0xD0000000  }
0x3: {  	_ = 	snop  }
0x4: {  	_ = 	snop  }
0x5: {  	_ = 	snop  }
0x6: {  	_ = 	snop  }
0x7: {  	_ = 	snop  }
__scs_overlays_trampoline_lowered:
0x8: {  	[smem:$0x3FA7] =	sst s0  }
0x9: {  	[smem:$0x3FA8] =	sst s1  }
0xa: {  	[smem:$0x3FA9] =	sst s2  }
0xb: {  	[smem:$0x3FAA] =	sst s3  }
0xc: {  	[smem:$0x3FAB] =	sst s4  }
0xd: {  	[smem:$0x3FAC] =	sst s5  }
0xe: {  	[smem:$0x3FAD] =	sst s6  }
0xf: {  	[smem:$0x3FAE] =	sst s7  }
0x10: {  	[smem:$0x3FAF] =	sst s8  }
0x11: {  	[smem:$0x3FB0] =	sst s9;
	s0 =	simm.s32 @!p0 $0x0  }
0x12: {  	s1 =	sld [smem:$0x3F96];
	s0 =	simm.s32 @p0 $0x1  }
0x13: {  	[smem:$0x3FB1] =	sst s0;
	s0 =	simm.s32 @!p1 $0x0  }
0x14: {  	s2 =	sld [smem:$0x3F95];
	s0 =	simm.s32 @p1 $0x1  }
0x15: {  	[smem:$0x3FB2] =	sst s0;
	s0 =	simm.s32 @!p2 $0x0  }
0x16: {  	s3 =	sld [smem:$0x3FDB];
	s0 =	simm.s32 @p2 $0x1  }
0x17: {  	s4 =	simm.s32 $0x1BF5;
	[smem:$0x3FB4] =	sst s0  }
0x18: {  	s0 =	sld [smem:$0x3F97];
	_ =	swait.ge [sflag:s4], $0x0  }
0x19: {  	s7 =	sld [smem:$0x3F98]  }
0x1a: {  	s8 =	sadd.s32 $0xFFFFE003, lr  }
0x1b: {  	s9 =	sadd.s32 $0xFFFFFEF7, lr;
	s5 =	simm.s32 $0xFFFFFFFF;
	p2 =	slt.u32 s8, $0xFFFFF086  }
0x1c: {  	p1 =	slt.u32 s9, $0xF7A;
	s5 =	simm.s32 @!p2 $0x0  }
0x1d: {  	s5 =	simm.s32 @p1 $0x1;
	p0 =	seq.s32 s7, s2  }
0x1e: {  	s7 =	smul.u32 @!p0 $0xF7A, s2;
	p2 =	seq.s32 @!p0 s5, $0x0  }
0x1f: {  	s9 =	smul.u32 $0xF7A, s1;
	s8 =	simm.s32 @!p0 $0x1BF5;
	p2 =	por !p2, p0  }
0x20: {  	[sflag:s8] =	ssyncset.s32 @!p0 $0xFFFFF086;
	s6 =	sadd.s32 @!p0 s3, s7;
	s7 =	simm.s32 @!p0 $0x108  }
0x21: {  	s3 =	sadd.s32 s3, s9;
	s6 =	sadd.s32 @!p0 $0x88, s6;
	s7 =	simm.s32 @p2 $0x1082  }
0x22: {  	[simem:s7], [sflag:s8] =	dma.local @!p0 [hbm:s6], $0xF7A  }
0x23: {  	s9 =	sor.u32 $0xD0000000, s2;
	s6 =	simm.s32 $0x108;
	_ =	swait.ge @!p0 [sflag:s8], $0x0  }
0x24: {  	s3 =	sadd.s32 $0x88, s3;
	s6 =	simm.s32 @!p1 $0x1082;
	[sflag:s4] =	ssyncset.s32 $0xFFFFF086  }
0x25: {  	[simem:s6], [sflag:s4] =	dma.local [hbm:s3], $0xF7A  }
0x26: {  	[smem:$0x3F98] =	sst s1;
	(tag) =	ssettag s2;
	_ =	strace s9  }
0x27: {  	s1 =	sld [smem:$0x3FA8]  }
0x28: {  	s2 =	sld [smem:$0x3FA9]  }
0x29: {  	s4 =	sld [smem:$0x3FAB]  }
0x2a: {  	p0 =	seq.s32 s5, $0x0;
	s5 =	sld [smem:$0x3FAC]  }
0x2b: {  	s6 =	sld [smem:$0x3FAD]  }
0x2c: {  	s7 =	sld [smem:$0x3FAE]  }
0x2d: {  	s3 =	simm.s32 $0x108;
	s8 =	sld [smem:$0x3FAF]  }
0x2e: {  	s3 =	simm.s32 @!p0 $0x1082;
	s9 =	sld [smem:$0x3FB0]  }
0x2f: {  	lr =	sadd.s32 s0, s3;
	s0 =	sld [smem:$0x3FA7]  }
0x30: {  	s3 =	sld [smem:$0x3FAA]  }
0x31: {  	[smem:$0x3FB3] =	sst s10  }
0x32: {  	s10 =	sld [smem:$0x3FB1];
	_ =	sdelay $0x3  }
0x33: {  	p0 =	seq.s32 s10, $0x1;
	s10 =	sld [smem:$0x3FB3];
	_ =	sdelay $0x3  }
0x34: {  	[smem:$0x3FB3] =	sst s10  }
0x35: {  	s10 =	sld [smem:$0x3FB2];
	_ =	sdelay $0x3  }
0x36: {  	p1 =	seq.s32 s10, $0x1;
	s10 =	sld [smem:$0x3FB3];
	_ =	sdelay $0x3  }
0x37: {  	[smem:$0x3FB3] =	sst s10  }
0x38: {  	s10 =	sld [smem:$0x3FB4]  }
0x39: {  	_ = 	snop;
	(pc) =	sbr.ind lr, $3  }
0x3a: {  	_ = 	snop  }
0x3b: {  	_ = 	snop  }
0x3c: {  	p2 =	seq.s32 s10, $0x1;
	s10 =	sld [smem:$0x3FB3]  }
0x3d: {  	_ =	shalt  }
0x3e: {  	_ =	shalt  }
0x3f: {  	_ =	shalt  }
0x40: {  	_ =	shalt  }
0x41: {  	_ =	shalt  }
0x42: {  	_ =	shalt  }
0x43: {  	_ =	shalt  }
0x44: {  	_ =	shalt  }
0x45: {  	_ =	shalt  }
0x46: {  	_ =	shalt  }
0x47: {  	_ =	shalt  }
0x48: {  	_ =	shalt  }
0x49: {  	_ =	shalt  }
0x4a: {  	_ =	shalt  }
0x4b: {  	_ =	shalt  }
0x4c: {  	_ =	shalt  }
0x4d: {  	_ =	shalt  }
0x4e: {  	_ =	shalt  }
0x4f: {  	_ =	shalt  }
0x50: {  	_ =	shalt  }
0x51: {  	_ =	shalt  }
0x52: {  	_ =	shalt  }
0x53: {  	_ =	shalt  }
0x54: {  	_ =	shalt  }
0x55: {  	_ =	shalt  }
0x56: {  	_ =	shalt  }
0x57: {  	_ =	shalt  }
0x58: {  	_ =	shalt  }
0x59: {  	_ =	shalt  }
0x5a: {  	_ =	shalt  }
0x5b: {  	_ =	shalt  }
0x5c: {  	_ =	shalt  }
0x5d: {  	_ =	shalt  }
0x5e: {  	_ =	shalt  }
0x5f: {  	_ =	shalt  }
0x60: {  	_ =	shalt  }
0x61: {  	_ =	shalt  }
0x62: {  	_ =	shalt  }
0x63: {  	_ =	shalt  }
0x64: {  	_ =	shalt  }
0x65: {  	_ =	shalt  }
0x66: {  	_ =	shalt  }
0x67: {  	_ =	shalt  }
0x68: {  	_ =	shalt  }
0x69: {  	_ =	shalt  }
0x6a: {  	_ =	shalt  }
0x6b: {  	_ =	shalt  }
0x6c: {  	_ =	shalt  }
0x6d: {  	_ =	shalt  }
0x6e: {  	_ =	shalt  }
0x6f: {  	_ =	shalt  }
0x70: {  	_ =	shalt  }
0x71: {  	_ =	shalt  }
0x72: {  	_ =	shalt  }
0x73: {  	_ =	shalt  }
0x74: {  	_ =	shalt  }
0x75: {  	_ =	shalt  }
0x76: {  	_ =	shalt  }
0x77: {  	_ =	shalt  }
0x78: {  	_ =	shalt  }
0x79: {  	_ =	shalt  }
0x7a: {  	_ =	shalt  }
0x7b: {  	_ =	shalt  }
0x7c: {  	_ =	shalt  }
0x7d: {  	_ =	shalt  }
0x7e: {  	_ =	shalt  }
0x7f: {  	_ =	shalt  }
0x80: {  	_ =	shalt  }
0x81: {  	_ =	shalt  }
0x82: {  	_ =	shalt  }
0x83: {  	_ =	shalt  }
0x84: {  	_ =	shalt  }
0x85: {  	_ =	shalt  }
0x86: {  	_ =	shalt  }
0x87: {  	_ =	shalt  }
.Lfunc_end0:
.L_simem_size_0:
called_computation.2_lowered:
.L_overlay_start_0:
0x88: {  	s2 =	sld [smem:$0x3FD9]  }
0x89: {  	s3 =	sld [smem:$0x3FFE];
	_ =	sdelay $0x1  }
0x8a: {  	s1 =	srdreg.scid  }
0x8b: {  	s0 =	sand.u32 $0x1, s1  }
0x8c: {  	s18 =	sshll.u32 s0, $0xA;
	s2 =	sadd.s32 s3, s2  }
0x8d: {  	s3 =	sadd.s32 s2, s18  }
0x8e: {  	[smem:$0x3FBF] =	sst s3  }
0x8f: {  	_ = 	snop  }
0x90: {  	s3 =	sld [smem:$0x3FD0];
	(tm) =	ssettm $0x1  }
0x91: {  	s4 =	sld [smem:$0x3FFB];
	_ =	sdelay $0x3  }
0x92: {  	_ =	strace s4  }
0x93: {  	s4 =	sld [smem:$0x3FFC];
	_ =	sdelay $0x3  }
0x94: {  	_ =	strace s4  }
0x95: {  	s4 =	sld [smem:$0x3FFD];
	_ =	sdelay $0x3  }
0x96: {  	_ =	strace s4  }
0x97: {  	_ =	strace $0x8FFFFFFF  }
0x98: {  	s19 =	sld [smem:$0x3FDB];
	_ =	sdelay $0x1  }
0x99: {  	s5 =	simm.s32 $_scs_section_size  }
0x9a: {  	s6 =	simm.s32 $_size__tile_overlayer_lowered;
	s7 =	simm.s32 $_tile_overlayer_lowered  }
0x9b: {  	s22 =	simm.s32 $0x1BFF;
	s21 =	sshll.u32 s7, $0x1;
	s4 =	sadd.s32 s5, s19  }
0x9c: {  	s8 =	simm.s32 $0x0;
	s20 =	sshll.u32 s6, $0x1;
	s6 =	sadd.s32 s21, s4  }
0x9d: {  	[timem:s8], [sflag:s22] =	dma.local [hbm:s6], s20  }
0x9e: {  	_ =	swait.ge [sflag:s22], s20  }
0x9f: {  	s5 =	ssub.s32 $0x0, s20;
	[sflag:s22] =	ssyncset.done $0x0  }
0xa0: {  	[sflag:s22] =	ssyncadd.s32 s5;
	_ =	sdelay $0x1  }
0xa1: {  	s23 =	simm.s32 $0x1B8B  }
0xa2: {  	_ =	swait.ge [sflag:s23], $0x1  }
0xa3: {  	[sflag:s23] =	ssyncset.done $0x0  }
0xa4: {  	s25 =	simm.s32 $0x1B8E;
	s24 =	sld [smem:$0x3FFE];
	[sflag:s23] =	ssyncadd.s32 $0xFFFFFFFF  }
0xa5: {  	s26 =	simm.s32 $execute0_lowered;
	[smem:$0x3FD2] =	sst s25  }
0xa6: {  	s6 =	sshll.u32 s26, $0x1;
	_ =	strace $0x8000004C;
	[dreg:$0x1] =	wrdreg $0xFFFFFFFF  }
0xa7: {  	s28 =	simm.s32 $_size_execute0_lowered;
	s4 =	sadd.s32 s4, s6;
	[dreg:$0x0] =	wrdreg $0x0  }
0xa8: {  	s6 =	sshll.u32 s28, $0x1;
	[dreg:$0x2] =	wrdreg s4  }
0xa9: {  	[dreg:$0x3] =	wrdreg s6  }
0xaa: {  	[dreg:$0x4] =	wrdreg $0xC0  }
0xab: {  	_ =	task [dreg:s8], $0x5FFFF  }
0xac: {  	[dreg:$0x1] =	wrdreg $0xFFFFFFFF  }
0xad: {  	[dreg:$0x0] =	wrdreg $0x60  }
0xae: {  	[dreg:$0x2] =	wrdreg s3  }
0xaf: {  	[dreg:$0x3] =	wrdreg s24  }
0xb0: {  	s2 =	sadd.s32 $0x800, s2;
	[dreg:$0x4] =	wrdreg $0x48100  }
0xb1: {  	[dreg:$0x5] =	wrdreg s2  }
0xb2: {  	[dreg:$0x6] =	wrdreg $0x9  }
0xb3: {  	_ =	task.clear_ibuf [dreg:s8], $0x7FFFF;
	_ =	strace $0x9000004C  }
0xb4: {  	s29 =	simm.s32 $0x9;
	_ =	strace $0x8000004E  }
0xb5: {  	_ =	swait.ge [sflag:s29], $0x1  }
0xb6: {  	[sflag:s29] =	ssyncadd.s32 $0xFFFFFFFF  }
0xb7: {  	_ =	strace $0x9000004E  }
0xb8: {  	_ =	sfence  }
0xb9: {  	s30 =	sld [smem:$0x0];
	_ =	sdelay $0x2  }
0xba: {  	s31 =	sshll.u32 s1, $0xD;
	s1 =	sshrl.u32 s1, $0x2  }
0xbb: {  	s3 =	sand.u32 $0x4000, s31;
	s1 =	sadd.s32 s1, s30  }
0xbc: {  	s0 =	sor.u32 s3, s0;
	s1 =	sshll.u32 s1, $0x11  }
0xbd: {  	s0 =	sor.u32 s1, s0  }
0xbe: {  	s0 =	sadd.s32 $0x8F2B, s0  }
0xbf: {  	[sflag:s0] =	ssyncadd.remote.s32 $0x1  }
0xc0: {  	_ =	sfence.sel $0xFFFF  }
0xc1: {  	[dreg:$0x0] =	wrdreg $0xFFFFFFFF;
	(pc) =	sbr.abs _section_cstart, $3  }
0xc2: {  	[dreg:$0x1] =	wrdreg $0xFFFFFFFF  }
0xc3: {  	_ =	task.clear_ibuf [dreg:s8], $0x2FFFF;
	_ =	strace $0x9FFFFFFF  }
0xc4: {  	(tm) =	ssettm $0x7FFFFFFF  }
0xc5: {  	_ =	shalt  }
tec
execute0_lowered:
.L_overlay_start_1:
0x0: {  	(tag) =	ssettag $0x1  }
0x1: {  	s0 =	rddreg [dreg:$0x0]  }
0x2: {  	s2 =	rddreg [dreg:$0x1]  }
0x3: {  	s1 =	rddreg [dreg:$0x2];
	s28 =	stileid.u32  }
0x4: {  	s3 =	rddreg [dreg:$0x3];
	s10 =	smul.u32 $0x1870, s28  }
0x5: {  	s5 =	srdreg.scid;
	s12 =	smul.u32 $0x18700, s28  }
0x6: {  	s4 =	simm.s32 $0x0;
	s8 =	sand.u32 $0x1, s5;
	s14 =	smul.u32 $0x61C00, s28  }
0x7: {  	[smem:$0x7FF] =	sst s4;
	s6 =	sshll.u32 s28, $0x1;
	s22 =	smul.u32 $0xC4500, s28  }
0x8: {  	s5 =	sadd.s32 $0xC6200, s2;
	s13 =	sadd.s32 $0x6000, s2;
	s18 =	smul.u32 $0x61A80, s8  }
0x9: {  	s19 =	sadd.s32 $0x16E900, s1;
	s7 =	sshll.u32 s8, $0x5;
	s16 =	smul.u32 $0x61A800, s8  }
0xa: {  	_ =	strace $0x8000004D;
	[dreg:$0x5] =	wrdreg s13;
	s20 =	smul.u32 $0xC45000, s8  }
0xb: {  	s11 =	ssub.s32 $0x2, s8;
	[dreg:$0x7] =	wrdreg s19;
	s23 =	smul.u32 $0x63A800, s8  }
0xc: {  	s8 =	smul.u32 $0x31D400, s8;
	s7 =	sor.u32 s6, s7;
	s6 =	sadd.s32 $0x3D7600, s2  }
0xd: {  	s17 =	sshrl.u32 s11, $0x1;
	s15 =	sadd.s32 s12, s1;
	s12 =	sshrl.u32 s12, $0x3  }
0xe: {  	s21 =	sshrl.u32 s14, $0x2;
	s9 =	sadd.s32 s7, s2;
	s7 =	sadd.s32 $0x2A00, s2  }
0xf: {  	s2 =	sadd.s32 $0x6E8C00, s2;
	s11 =	ssub.s32 s11, s17;
	s12 =	sadd.s32 s0, s12  }
0x10: {  	s0 =	sadd.s32 $0x2DD20, s0;
	s24 =	sadd.s32 s10, s18;
	[dreg:$0x6] =	wrdreg s12  }
0x11: {  	s25 =	sshrl.u32 s16, $0x3;
	[dreg:$0x8] =	wrdreg s0;
	s9 =	sadd.s32 $0x6E8A00, s9  }
0x12: {  	s0 =	sadd.s32 s21, s1;
	s10 =	sadd.s32 s2, s25;
	[dreg:$0x9] =	wrdreg s9  }
0x13: {  	s17 =	smul.u32 $0x31D40, s28;
	[dreg:$0xa] =	wrdreg s0;
	s16 =	sadd.s32 $0x2DD20, s10  }
0x14: {  	s26 =	smul.u32 $0x63A80, s28;
	s19 =	sadd.s32 $0x5EA60, s10;
	[dreg:$0xc] =	wrdreg s16  }
0x15: {  	p0 =	seq.s32 s28, $0xF;
	s21 =	sadd.s32 s17, s8;
	[dreg:$0xe] =	wrdreg s19  }
0x16: {  	s29 =	sadd.s32 s22, s20;
	s22 =	sadd.s32 $0x8F7A0, s10;
	[dreg:$0x15] =	wrdreg s21  }
0x17: {  	s9 =	sshll.u32 s24, $0x1;
	s24 =	smax.u32 s11, $0x1;
	[dreg:$0x10] =	wrdreg s22  }
0x18: {  	s0 =	sshrl.u32 @!p0 s15, $0x3;
	[dreg:$0x12] =	wrdreg s24  }
0x19: {  	s19 =	sadd.s32 s26, s23;
	s23 =	sadd.s32 $0xC04E0, s10;
	[dreg:$0x13] =	wrdreg s0  }
0x1a: {  	s31 =	simm.s32 $0x400;
	s9 =	sadd.s32 s2, s9;
	[dreg:$0x11] =	wrdreg s23  }
.Ltmp0:
0x1b: {  	s26 =	sadd.s32 $0x933C0, s29;
	[dreg:$0xb] =	wrdreg s9;
	(pc) =	sbr.rel .LBB2_1-.Ltmp0, $4  }
0x1c: {  	s30 =	sadd.s32 $0x31140, s29;
	s18 =	sadd.s32 $0x30D40, s9;
	[dreg:$0x16] =	wrdreg s26  }
0x1d: {  	s8 =	simm.s32 $0x1;
	s20 =	sadd.s32 $0x61A80, s9;
	[dreg:$0xd] =	wrdreg s18  }
0x1e: {  	s0 =	simm.s32 $0x2;
	s25 =	sadd.s32 $0x927C0, s9;
	[dreg:$0xf] =	wrdreg s20  }
0x1f: {  	s9 =	simm.s32 $0x0;
	[dreg:$0x14] =	wrdreg s25;
	s20 =	sadd.s32 $0x62280, s29  }
.LBB2_54:
0x20: {  	s2 =	smov.u32 s11  }
.LBB2_58:
0x21: {  	s13 =	sadd.s32 s6, s16;
	[sflag:s0] =	ssyncadd.s32 @p1 $0xFFFFC000;
	s2 =	sadd.s32 @p1 $0x800, s2  }
0x22: {  	[tilespmem:s4], [sflag:$0x2] =	stream.linear.gather [hbm4b:s13+s4], $0x400, $0x38;
	[tilespmem:$0x1CF10] =	vst v63  }
0x23: {  	s11 =	smov.u32 @p1 s2;
	_ =	swait.ge [sflag:s0], $0x400  }
0x24: {  	s2 =	sand.u32 $0x1FFFFF80, s11;
	[sflag:s0] =	ssyncset.done $0x0  }
0x25: {  	s2 =	sadd.s32 s2, s3;
	[sflag:s0] =	ssyncadd.s32 $0xFFFFFC00  }
0x26: {  	[tilespmem:s31], [sflag:$0x2] =	stream.linear.gather [hbm4b:s2+s4], $0x4000, $0x38;
	[tilespmem:$0x1CF10] =	vst v63  }
0x27: {  	_ =	swait.ge [sflag:s0], $0x4000  }
0x28: {  	[sflag:s0] =	ssyncset.done $0x0  }
0x29: {  	[sflag:s0] =	ssyncadd.s32 $0xFFFFC000  }
0x2a: {  	[spmem:s1] =	stream.indirect.scatter.add.f32 [tilespmem:s31], [sflag:$0x2], $0x10, s4, s31, $0xb8;
	[tilespmem:$0x1CF10] =	vst v63  }
0x2b: {  	_ =	swait.ge [sflag:s0], $0x4000  }
0x2c: {  	[sflag:s0] =	ssyncset.done $0x0  }
0x2d: {  	[sflag:s0] =	ssyncadd.s32 $0xFFFFC000  }
.LBB2_59:
0x2e: {  	[bflag:$0x0] =	sbarrier.arrive $0xFFFF  }
0x2f: {  	s2 =	rddreg [dreg:$0x11]  }
0x30: {  	[hbm:s2], [sflag:s25] =	dma.local @p0 [spmem:s10], $0x3020  }
0x31: {  	_ =	swait.ge @p0 [sflag:s14], $0x3020  }
0x32: {  	[sflag:s14] =	ssyncset.done @p0 $0x0  }
0x33: {  	s2 =	rddreg [dreg:$0x14];
	[sflag:s14] =	ssyncadd.s32 @p0 $0xFFFFCFE0  }
0x34: {  	[hbm:s2], [sflag:s25] =	dma.local @!p0 [spmem:s26], $0x30E0  }
0x35: {  	_ =	swait.ge @!p0 [sflag:s12], $0x30E0  }
0x36: {  	s9 =	sadd.s32 $0x1, s9;
	s26 =	rddreg [dreg:$0x12]  }
0x37: {  	p1 =	sne.s32 s9, s26  }
.Ltmp1:
0x38: {  	_ = 	snop;
	(pc) =	sbr.rel @!p1 .LBB2_60-.Ltmp1, $3  }
0x39: {  	[sflag:s12] =	ssyncset.done @!p0 $0x0  }
0x3a: {  	[sflag:s12] =	ssyncadd.s32 @!p0 $0xFFFFCF20  }
0x3b: {  	[bflag:$0x0] =	sbarrier.arrive $0xFFFF;
	_ =	sdelay $0x1  }
.LBB2_1:
0x3c: {  	s2 =	rddreg [dreg:$0x7]  }
0x3d: {  	s11 =	rddreg [dreg:$0x8];
	s10 =	sshrl.u32 @p0 s2, $0x3;
	s2 =	simm.s32 @p0 $0x1FC2  }
0x3e: {  	[spmem:s10], [sflag:s2] =	dma.local @p0 [hbm:s11], $0x3020  }
0x3f: {  	s2 =	simm.s32 @p0 $0x2  }
0x40: {  	_ =	swait.ge @p0 [sflag:s2], $0x3020  }
0x41: {  	s11 =	sshll.u32 @!p0 s28, $0x6;
	[sflag:s2] =	ssyncset.done @p0 $0x0;
	s12 =	rddreg [dreg:$0x13]  }
0x42: {  	[sflag:s2] =	ssyncadd.s32 @p0 $0xFFFFCFE0;
	s2 =	sor.u32 @!p0 $0x1C02, s11;
	s11 =	rddreg [dreg:$0x6]  }
0x43: {  	[spmem:s12], [sflag:s2] =	dma.local @!p0 [hbm:s11], $0x30E0  }
0x44: {  	s2 =	simm.s32 @!p0 $0x2  }
0x45: {  	_ =	swait.ge @!p0 [sflag:s2], $0x30E0  }
0x46: {  	[sflag:s2] =	ssyncset.done @!p0 $0x0  }
0x47: {  	s24 =	simm.s32 $0x4400;
	s23 =	rddreg [dreg:$0x5];
	[sflag:s2] =	ssyncadd.s32 @!p0 $0xFFFFCF20  }
0x48: {  	[tilespmem:s24], [sflag:$0x2] =	stream.linear.gather [hbm4b:s23+s4], $0x400, $0x38;
	[tilespmem:$0x1CF10] =	vst v63  }
0x49: {  	_ =	swait.ge [sflag:s0], $0x400  }
0x4a: {  	[sflag:s0] =	ssyncset.done $0x0  }
0x4b: {  	s26 =	simm.s32 $0x4800;
	s25 =	rddreg [dreg:$0x9];
	[sflag:s0] =	ssyncadd.s32 $0xFFFFFC00  }
0x4c: {  	[tilespmem:s26], [sflag:$0x2] =	stream.linear.gather [hbm4b:s25+s4], $0x10, $0x38;
	[tilespmem:$0x1CF10] =	vst v63  }
0x4d: {  	_ =	swait.ge [sflag:s0], $0x10  }
0x4e: {  	[sflag:s0] =	ssyncset.done $0x0  }
0x4f: {  	[sflag:s0] =	ssyncadd.s32 $0xFFFFFFF0  }
0x50: {  	v0 =	vld [tilespmem:$0x4800];
	_ =	sdelay $0x4  }
0x51: {  	(v2sf) =	vpush v0, $0x0;
	_ =	sdelay $0x1  }
0x52: {  	(v2sf) =	vpush v0, $0x1  }
0x53: {  	(v2sf) =	vpush v0, $0x2  }
0x54: {  	(v2sf) =	vpush v0, $0x3;
	_ =	sdelay $0xa  }
0x55: {  	s26 =	spop (v2sf)  }
0x56: {  	p1 =	slt.s32 s26, $0x1  }
.Ltmp2:
0x57: {  	s12 =	spop (v2sf);
	(pc) =	sbr.rel @p1 .LBB2_8-.Ltmp2, $4  }
0x58: {  	s11 =	spop (v2sf)  }
0x59: {  	s13 =	simm.s32 @!p1 $0x0;
	s2 =	spop (v2sf)  }
0x5a: {  	s13 =	simm.s32 @p1 $0x1;
	[bflag:$0x0] =	sbarrier.arrive $0xFFFF  }
0x5b: {  	[smem:$0x7FD] =	sst s13  }
0x5c: {  	p3 =	sne.s32 s26, $0x1  }
.Ltmp3:
0x5d: {  	_ = 	snop;
	(pc) =	sbr.rel @!p3 .LBB2_3-.Ltmp3, $2  }
0x5e: {  	_ =	sdelay $0x2  }
0x5f: {  	s13 =	sadd.s32 $0xFFFFFFFF, s26;
	s16 =	sshrl.u32 s29, $0x3;
	p2 =	por $0x0, $0x0  }
0x60: {  	s14 =	sadd.s32 s5, s16  }
0x61: {  	[tilespmem:s4], [sflag:$0x2] =	stream.linear.gather [hbm4b:s14+s4], $0x400, $0x38;
	[tilespmem:$0x1CF10] =	vst v63  }
0x62: {  	_ =	swait.ge [sflag:s0], $0x400  }
0x63: {  	[sflag:s0] =	ssyncset.done $0x0  }
0x64: {  	[sflag:s0] =	ssyncadd.s32 $0xFFFFFC00  }
0x65: {  	[tilespmem:s31], [sflag:$0x1] =	stream.indirect.gather [spmem:s1], $0x10, s4, s31, $0xb8;
	[tilespmem:$0x1CF10] =	vst v63  }
0x66: {  	p3 =	sne.s32 s13, $0x1;
	_ =	swait.ge [sflag:s8], $0x4000  }
.Ltmp4:
0x67: {  	s25 =	sand.u32 $0x1FFFFF80, s19;
	[sflag:s8] =	ssyncset.done $0x0;
	(pc) =	sbr.rel @!p3 .LBB2_5-.Ltmp4, $4  }
0x68: {  	s15 =	sadd.s32 $0x400, s29;
	s14 =	sadd.s32 s25, s3;
	[sflag:s8] =	ssyncadd.s32 $0xFFFFC000  }
0x69: {  	[hbm4b:s14+s4] =	stream.linear.scatter [tilespmem:s31], [sflag:$0x2], $0x4000, $0x38;
	[tilespmem:$0x1CF10] =	vst v63  }
0x6a: {  	p2 =	por $0x1, $0x1;
	s16 =	sshrl.u32 s15, $0x3;
	_ =	swait.ge [sflag:s0], $0x4000  }
0x6b: {  	s14 =	sadd.s32 $0xFFFFFFFF, s13;
	s13 =	smov.u32 s19;
	[sflag:s0] =	ssyncset.done $0x0  }
.LBB2_6:
0x6c: {  	s16 =	sadd.s32 s5, s16;
	[sflag:s0] =	ssyncadd.s32 $0xFFFFC000;
	s13 =	sadd.s32 $0x800, s13  }
0x6d: {  	[tilespmem:s4], [sflag:$0x2] =	stream.linear.gather [hbm4b:s16+s4], $0x400, $0x38;
	[tilespmem:$0x1CF10] =	vst v63  }
0x6e: {  	p3 =	sne.s32 s14, $0x1;
	s14 =	sadd.s32 $0xFFFFFFFF, s14;
	_ =	swait.ge [sflag:s0], $0x400  }
0x6f: {  	[sflag:s0] =	ssyncset.done $0x0  }
0x70: {  	[sflag:s0] =	ssyncadd.s32 $0xFFFFFC00  }
0x71: {  	[tilespmem:s31], [sflag:$0x1] =	stream.indirect.gather [spmem:s1], $0x10, s4, s31, $0xb8;
	[tilespmem:$0x1CF10] =	vst v63  }
0x72: {  	_ =	swait.ge [sflag:s8], $0x4000  }
.Ltmp5:
0x73: {  	s16 =	sand.u32 $0x1FFFFF80, s13;
	[sflag:s8] =	ssyncset.done $0x0;
	(pc) =	sbr.rel @p3 .LBB2_6-.Ltmp5, $4  }
0x74: {  	s16 =	sadd.s32 s16, s3;
	[sflag:s8] =	ssyncadd.s32 $0xFFFFC000  }
0x75: {  	[hbm4b:s16+s4] =	stream.linear.scatter [tilespmem:s31], [sflag:$0x2], $0x4000, $0x38;
	[tilespmem:$0x1CF10] =	vst v63  }
0x76: {  	s15 =	sadd.s32 $0x400, s15;
	_ =	swait.ge [sflag:s0], $0x4000  }
0x77: {  	s16 =	sshrl.u32 s15, $0x3;
	[sflag:s0] =	ssyncset.done $0x0  }
.LBB2_7:
0x78: {  	s14 =	sadd.s32 s5, s16;
	[sflag:s0] =	ssyncadd.s32 @p2 $0xFFFFC000  }
0x79: {  	[tilespmem:s4], [sflag:$0x2] =	stream.linear.gather [hbm4b:s14+s4], $0x400, $0x38;
	[tilespmem:$0x1CF10] =	vst v63  }
0x7a: {  	_ =	swait.ge [sflag:s0], $0x400  }
0x7b: {  	[sflag:s0] =	ssyncset.done $0x0  }
0x7c: {  	s13 =	sadd.s32 @p2 $0x800, s13;
	s14 =	smov.u32 s19;
	[sflag:s0] =	ssyncadd.s32 $0xFFFFFC00  }
0x7d: {  	[tilespmem:s31], [sflag:$0x1] =	stream.indirect.gather [spmem:s1], $0x10, s4, s31, $0xb8;
	[tilespmem:$0x1CF10] =	vst v63  }
0x7e: {  	s14 =	smov.u32 @p2 s13;
	_ =	swait.ge [sflag:s8], $0x4000  }
0x7f: {  	s13 =	sand.u32 $0x1FFFFF80, s14;
	[sflag:s8] =	ssyncset.done $0x0  }
0x80: {  	s13 =	sadd.s32 s13, s3;
	[sflag:s8] =	ssyncadd.s32 $0xFFFFC000  }
0x81: {  	[hbm4b:s13+s4] =	stream.linear.scatter [tilespmem:s31], [sflag:$0x2], $0x4000, $0x38;
	[tilespmem:$0x1CF10] =	vst v63  }
0x82: {  	_ =	swait.ge [sflag:s0], $0x4000  }
0x83: {  	[sflag:s0] =	ssyncset.done $0x0  }
0x84: {  	[sflag:s0] =	ssyncadd.s32 $0xFFFFC000  }
.LBB2_8:
0x85: {  	p2 =	slt.s32 s12, $0x1  }
.Ltmp6:
0x86: {  	_ = 	snop;
	(pc) =	sbr.rel @p2 .LBB2_15-.Ltmp6, $4  }
0x87: {  	s13 =	sshll.u32 s26, $0xA;
	s14 =	rddreg [dreg:$0x15]  }
0x88: {  	s13 =	sadd.s32 s13, s14;
	s14 =	simm.s32 @!p2 $0x0  }
0x89: {  	p1 =	sne.s32 s12, $0x1;
	s24 =	sadd.s32 $0xFFFFFFFF, s12;
	s14 =	simm.s32 @p2 $0x1  }
0x8a: {  	s23 =	sshrl.u32 s30, $0x3;
	s15 =	sshll.u32 s13, $0x1;
	[smem:$0x7FC] =	sst s14  }
.Ltmp7:
0x8b: {  	(pc) =	sbr.rel @!p1 .LBB2_10-.Ltmp7, $2  }
0x8c: {  	_ =	sdelay $0x2  }
0x8d: {  	s13 =	sshll.u32 s13, $0x1;
	s18 =	sshrl.u32 s30, $0x3;
	p2 =	por $0x0, $0x0  }
0x8e: {  	s14 =	sadd.s32 s5, s18  }
0x8f: {  	[tilespmem:s4], [sflag:$0x2] =	stream.linear.gather [hbm4b:s14+s4], $0x400, $0x38;
	[tilespmem:$0x1CF10] =	vst v63  }
0x90: {  	_ =	swait.ge [sflag:s0], $0x400  }
0x91: {  	[sflag:s0] =	ssyncset.done $0x0  }
0x92: {  	[sflag:s0] =	ssyncadd.s32 $0xFFFFFC00  }
0x93: {  	[tilespmem:s31], [sflag:$0x1] =	stream.indirect.gather [spmem:s1], $0x10, s4, s31, $0xb8;
	[tilespmem:$0x1CF10] =	vst v63  }
0x94: {  	p3 =	sne.s32 s24, $0x1;
	_ =	swait.ge [sflag:s8], $0x4000  }
.Ltmp8:
0x95: {  	s25 =	sand.u32 $0x1FFFFF80, s13;
	[sflag:s8] =	ssyncset.done $0x0;
	(pc) =	sbr.rel @!p3 .LBB2_12-.Ltmp8, $4  }
0x96: {  	s16 =	sadd.s32 $0xFFFFFFFF, s24;
	s14 =	sadd.s32 s25, s3;
	[sflag:s8] =	ssyncadd.s32 $0xFFFFC000  }
0x97: {  	[hbm4b:s14+s4] =	stream.linear.scatter [tilespmem:s31], [sflag:$0x2], $0x4000, $0x38;
	[tilespmem:$0x1CF10] =	vst v63  }
0x98: {  	s17 =	sadd.s32 $0x400, s30;
	p2 =	por $0x1, $0x1;
	_ =	swait.ge [sflag:s0], $0x4000  }
0x99: {  	s18 =	sshrl.u32 s17, $0x3;
	s14 =	smov.u32 s13;
	[sflag:s0] =	ssyncset.done $0x0  }
.LBB2_13:
0x9a: {  	s18 =	sadd.s32 s5, s18;
	[sflag:s0] =	ssyncadd.s32 $0xFFFFC000;
	s14 =	sadd.s32 $0x800, s14  }
0x9b: {  	[tilespmem:s4], [sflag:$0x2] =	stream.linear.gather [hbm4b:s18+s4], $0x400, $0x38;
	[tilespmem:$0x1CF10] =	vst v63  }
0x9c: {  	p3 =	sne.s32 s16, $0x1;
	s16 =	sadd.s32 $0xFFFFFFFF, s16;
	_ =	swait.ge [sflag:s0], $0x400  }
0x9d: {  	[sflag:s0] =	ssyncset.done $0x0  }
0x9e: {  	[sflag:s0] =	ssyncadd.s32 $0xFFFFFC00  }
0x9f: {  	[tilespmem:s31], [sflag:$0x1] =	stream.indirect.gather [spmem:s1], $0x10, s4, s31, $0xb8;
	[tilespmem:$0x1CF10] =	vst v63  }
0xa0: {  	_ =	swait.ge [sflag:s8], $0x4000  }
.Ltmp9:
0xa1: {  	s18 =	sand.u32 $0x1FFFFF80, s14;
	[sflag:s8] =	ssyncset.done $0x0;
	(pc) =	sbr.rel @p3 .LBB2_13-.Ltmp9, $4  }
0xa2: {  	s18 =	sadd.s32 s18, s3;
	[sflag:s8] =	ssyncadd.s32 $0xFFFFC000  }
0xa3: {  	[hbm4b:s18+s4] =	stream.linear.scatter [tilespmem:s31], [sflag:$0x2], $0x4000, $0x38;
	[tilespmem:$0x1CF10] =	vst v63  }
0xa4: {  	s17 =	sadd.s32 $0x400, s17;
	_ =	swait.ge [sflag:s0], $0x4000  }
0xa5: {  	s18 =	sshrl.u32 s17, $0x3;
	[sflag:s0] =	ssyncset.done $0x0  }
.LBB2_14:
0xa6: {  	s16 =	sadd.s32 s5, s18;
	[sflag:s0] =	ssyncadd.s32 @p2 $0xFFFFC000  }
0xa7: {  	[tilespmem:s4], [sflag:$0x2] =	stream.linear.gather [hbm4b:s16+s4], $0x400, $0x38;
	[tilespmem:$0x1CF10] =	vst v63  }
0xa8: {  	_ =	swait.ge [sflag:s0], $0x400  }
0xa9: {  	[sflag:s0] =	ssyncset.done $0x0  }
0xaa: {  	s14 =	sadd.s32 @p2 $0x800, s14;
	[sflag:s0] =	ssyncadd.s32 $0xFFFFFC00  }
0xab: {  	[tilespmem:s31], [sflag:$0x1] =	stream.indirect.gather [spmem:s1], $0x10, s4, s31, $0xb8;
	[tilespmem:$0x1CF10] =	vst v63  }
0xac: {  	s13 =	smov.u32 @p2 s14;
	_ =	swait.ge [sflag:s8], $0x4000  }
0xad: {  	s13 =	sand.u32 $0x1FFFFF80, s13;
	[sflag:s8] =	ssyncset.done $0x0  }
0xae: {  	s13 =	sadd.s32 s13, s3;
	[sflag:s8] =	ssyncadd.s32 $0xFFFFC000  }
0xaf: {  	[hbm4b:s13+s4] =	stream.linear.scatter [tilespmem:s31], [sflag:$0x2], $0x4000, $0x38;
	[tilespmem:$0x1CF10] =	vst v63  }
0xb0: {  	_ =	swait.ge [sflag:s0], $0x4000  }
0xb1: {  	[sflag:s0] =	ssyncset.done $0x0  }
0xb2: {  	[sflag:s0] =	ssyncadd.s32 $0xFFFFC000  }
.LBB2_15:
0xb3: {  	s13 =	simm.s32 @!p1 $0x0;
	p6 =	slt.s32 s11, $0x1  }
.Ltmp10:
0xb4: {  	s13 =	simm.s32 @p1 $0x1;
	(pc) =	sbr.rel @p6 .LBB2_22-.Ltmp10, $4  }
0xb5: {  	[smem:$0x7FB] =	sst s13;
	s13 =	sadd.s32 s12, s26  }
0xb6: {  	s14 =	rddreg [dreg:$0x15];
	s12 =	sshll.u32 s13, $0xA  }
0xb7: {  	p4 =	sne.s32 s11, $0x1;
	s22 =	sadd.s32 $0xFFFFFFFF, s11;
	s14 =	sadd.s32 s12, s14  }
0xb8: {  	s21 =	smov.u32 s20;
	s20 =	sshrl.u32 s20, $0x3;
	s12 =	sshll.u32 s14, $0x1  }
.Ltmp11:
0xb9: {  	(pc) =	sbr.rel @!p4 .LBB2_17-.Ltmp11, $2  }
0xba: {  	_ =	sdelay $0x2  }
0xbb: {  	s14 =	sshll.u32 s14, $0x1;
	s25 =	sshrl.u32 s21, $0x3;
	p2 =	por $0x0, $0x0  }
0xbc: {  	s16 =	sadd.s32 s5, s25  }
0xbd: {  	[tilespmem:s4], [sflag:$0x2] =	stream.linear.gather [hbm4b:s16+s4], $0x400, $0x38;
	[tilespmem:$0x1CF10] =	vst v63  }
0xbe: {  	_ =	swait.ge [sflag:s0], $0x400  }
0xbf: {  	[sflag:s0] =	ssyncset.done $0x0  }
0xc0: {  	[sflag:s0] =	ssyncadd.s32 $0xFFFFFC00  }
0xc1: {  	[tilespmem:s31], [sflag:$0x1] =	stream.indirect.gather [spmem:s1], $0x10, s4, s31, $0xb8;
	[tilespmem:$0x1CF10] =	vst v63  }
0xc2: {  	p3 =	sne.s32 s22, $0x1;
	_ =	swait.ge [sflag:s8], $0x4000  }
.Ltmp12:
0xc3: {  	s25 =	sand.u32 $0x1FFFFF80, s14;
	[sflag:s8] =	ssyncset.done $0x0;
	(pc) =	sbr.rel @!p3 .LBB2_19-.Ltmp12, $4  }
0xc4: {  	s18 =	sadd.s32 $0xFFFFFFFF, s22;
	s16 =	sadd.s32 s25, s3;
	[sflag:s8] =	ssyncadd.s32 $0xFFFFC000  }
0xc5: {  	[hbm4b:s16+s4] =	stream.linear.scatter [tilespmem:s31], [sflag:$0x2], $0x4000, $0x38;
	[tilespmem:$0x1CF10] =	vst v63  }
0xc6: {  	s17 =	sadd.s32 $0x400, s21;
	p2 =	por $0x1, $0x1;
	_ =	swait.ge [sflag:s0], $0x4000  }
0xc7: {  	s25 =	sshrl.u32 s17, $0x3;
	s16 =	smov.u32 s14;
	[sflag:s0] =	ssyncset.done $0x0  }
.LBB2_20:
0xc8: {  	s25 =	sadd.s32 s5, s25;
	[sflag:s0] =	ssyncadd.s32 $0xFFFFC000;
	s16 =	sadd.s32 $0x800, s16  }
0xc9: {  	[tilespmem:s4], [sflag:$0x2] =	stream.linear.gather [hbm4b:s25+s4], $0x400, $0x38;
	[tilespmem:$0x1CF10] =	vst v63  }
0xca: {  	p3 =	sne.s32 s18, $0x1;
	s18 =	sadd.s32 $0xFFFFFFFF, s18;
	_ =	swait.ge [sflag:s0], $0x400  }
0xcb: {  	[sflag:s0] =	ssyncset.done $0x0  }
0xcc: {  	[sflag:s0] =	ssyncadd.s32 $0xFFFFFC00  }
0xcd: {  	[tilespmem:s31], [sflag:$0x1] =	stream.indirect.gather [spmem:s1], $0x10, s4, s31, $0xb8;
	[tilespmem:$0x1CF10] =	vst v63  }
0xce: {  	_ =	swait.ge [sflag:s8], $0x4000  }
.Ltmp13:
0xcf: {  	s25 =	sand.u32 $0x1FFFFF80, s16;
	[sflag:s8] =	ssyncset.done $0x0;
	(pc) =	sbr.rel @p3 .LBB2_20-.Ltmp13, $4  }
0xd0: {  	s25 =	sadd.s32 s25, s3;
	[sflag:s8] =	ssyncadd.s32 $0xFFFFC000  }
0xd1: {  	[hbm4b:s25+s4] =	stream.linear.scatter [tilespmem:s31], [sflag:$0x2], $0x4000, $0x38;
	[tilespmem:$0x1CF10] =	vst v63  }
0xd2: {  	s17 =	sadd.s32 $0x400, s17;
	_ =	swait.ge [sflag:s0], $0x4000  }
0xd3: {  	s25 =	sshrl.u32 s17, $0x3;
	[sflag:s0] =	ssyncset.done $0x0  }
.LBB2_21:
0xd4: {  	s17 =	sadd.s32 s5, s25;
	[sflag:s0] =	ssyncadd.s32 @p2 $0xFFFFC000  }
0xd5: {  	[tilespmem:s4], [sflag:$0x2] =	stream.linear.gather [hbm4b:s17+s4], $0x400, $0x38;
	[tilespmem:$0x1CF10] =	vst v63  }
0xd6: {  	_ =	swait.ge [sflag:s0], $0x400  }
0xd7: {  	[sflag:s0] =	ssyncset.done $0x0  }
0xd8: {  	s16 =	sadd.s32 @p2 $0x800, s16;
	[sflag:s0] =	ssyncadd.s32 $0xFFFFFC00  }
0xd9: {  	[tilespmem:s31], [sflag:$0x1] =	stream.indirect.gather [spmem:s1], $0x10, s4, s31, $0xb8;
	[tilespmem:$0x1CF10] =	vst v63  }
0xda: {  	s14 =	smov.u32 @p2 s16;
	_ =	swait.ge [sflag:s8], $0x4000  }
0xdb: {  	s14 =	sand.u32 $0x1FFFFF80, s14;
	[sflag:s8] =	ssyncset.done $0x0  }
0xdc: {  	s14 =	sadd.s32 s14, s3;
	[sflag:s8] =	ssyncadd.s32 $0xFFFFC000  }
0xdd: {  	[hbm4b:s14+s4] =	stream.linear.scatter [tilespmem:s31], [sflag:$0x2], $0x4000, $0x38;
	[tilespmem:$0x1CF10] =	vst v63  }
0xde: {  	_ =	swait.ge [sflag:s0], $0x4000  }
0xdf: {  	[sflag:s0] =	ssyncset.done $0x0  }
0xe0: {  	[sflag:s0] =	ssyncadd.s32 $0xFFFFC000  }
.LBB2_22:
0xe1: {  	p2 =	slt.s32 s2, $0x1  }
.Ltmp14:
0xe2: {  	_ = 	snop;
	(pc) =	sbr.rel @p2 .LBB2_30-.Ltmp14, $4  }
0xe3: {  	s11 =	sadd.s32 s11, s13  }
0xe4: {  	s25 =	rddreg [dreg:$0x15];
	s11 =	sshll.u32 s11, $0xA  }
0xe5: {  	p5 =	sne.s32 s2, $0x1;
	s17 =	rddreg [dreg:$0x16];
	s13 =	sadd.s32 s11, s25  }
0xe6: {  	s18 =	sadd.s32 $0xFFFFFFFF, s2;
	s16 =	sshrl.u32 s17, $0x3;
	s11 =	sshll.u32 s13, $0x1  }
.Ltmp15:
0xe7: {  	(pc) =	sbr.rel @!p5 .LBB2_24-.Ltmp15, $2  }
0xe8: {  	_ =	sdelay $0x2  }
0xe9: {  	s2 =	sshll.u32 s13, $0x1;
	s25 =	sshrl.u32 s17, $0x3;
	p3 =	por $0x0, $0x0  }
0xea: {  	s13 =	sadd.s32 s5, s25  }
0xeb: {  	[tilespmem:s4], [sflag:$0x2] =	stream.linear.gather [hbm4b:s13+s4], $0x400, $0x38;
	[tilespmem:$0x1CF10] =	vst v63  }
0xec: {  	_ =	swait.ge [sflag:s0], $0x400  }
0xed: {  	p1 =	por p6, p6;
	[sflag:s0] =	ssyncset.done $0x0  }
0xee: {  	p6 =	por p4, p4;
	p4 =	por p2, p2;
	[sflag:s0] =	ssyncadd.s32 $0xFFFFFC00  }
0xef: {  	[tilespmem:s31], [sflag:$0x1] =	stream.indirect.gather [spmem:s1], $0x10, s4, s31, $0xb8;
	[tilespmem:$0x1CF10] =	vst v63  }
0xf0: {  	p2 =	por p5, p5;
	p5 =	sne.s32 s18, $0x1;
	_ =	swait.ge [sflag:s8], $0x4000  }
.Ltmp16:
0xf1: {  	s25 =	sand.u32 $0x1FFFFF80, s2;
	[sflag:s8] =	ssyncset.done $0x0;
	(pc) =	sbr.rel @!p5 .LBB2_26-.Ltmp16, $4  }
0xf2: {  	s14 =	sadd.s32 $0xFFFFFFFF, s18;
	s13 =	sadd.s32 s25, s3;
	[sflag:s8] =	ssyncadd.s32 $0xFFFFC000  }
0xf3: {  	[hbm4b:s13+s4] =	stream.linear.scatter [tilespmem:s31], [sflag:$0x2], $0x4000, $0x38;
	[tilespmem:$0x1CF10] =	vst v63  }
0xf4: {  	s17 =	sadd.s32 $0x400, s17;
	p3 =	por $0x1, $0x1;
	_ =	swait.ge [sflag:s0], $0x4000  }
0xf5: {  	s25 =	sshrl.u32 s17, $0x3;
	s13 =	smov.u32 s2;
	[sflag:s0] =	ssyncset.done $0x0  }
.LBB2_27:
0xf6: {  	s25 =	sadd.s32 s5, s25;
	[sflag:s0] =	ssyncadd.s32 $0xFFFFC000;
	s13 =	sadd.s32 $0x800, s13  }
0xf7: {  	[tilespmem:s4], [sflag:$0x2] =	stream.linear.gather [hbm4b:s25+s4], $0x400, $0x38;
	[tilespmem:$0x1CF10] =	vst v63  }
0xf8: {  	p5 =	sne.s32 s14, $0x1;
	s14 =	sadd.s32 $0xFFFFFFFF, s14;
	_ =	swait.ge [sflag:s0], $0x400  }
0xf9: {  	[sflag:s0] =	ssyncset.done $0x0  }
0xfa: {  	[sflag:s0] =	ssyncadd.s32 $0xFFFFFC00  }
0xfb: {  	[tilespmem:s31], [sflag:$0x1] =	stream.indirect.gather [spmem:s1], $0x10, s4, s31, $0xb8;
	[tilespmem:$0x1CF10] =	vst v63  }
0xfc: {  	_ =	swait.ge [sflag:s8], $0x4000  }
.Ltmp17:
0xfd: {  	s25 =	sand.u32 $0x1FFFFF80, s13;
	[sflag:s8] =	ssyncset.done $0x0;
	(pc) =	sbr.rel @p5 .LBB2_27-.Ltmp17, $4  }
0xfe: {  	s25 =	sadd.s32 s25, s3;
	[sflag:s8] =	ssyncadd.s32 $0xFFFFC000  }
0xff: {  	[hbm4b:s25+s4] =	stream.linear.scatter [tilespmem:s31], [sflag:$0x2], $0x4000, $0x38;
	[tilespmem:$0x1CF10] =	vst v63  }
0x100: {  	s17 =	sadd.s32 $0x400, s17;
	_ =	swait.ge [sflag:s0], $0x4000  }
0x101: {  	s25 =	sshrl.u32 s17, $0x3;
	[sflag:s0] =	ssyncset.done $0x0  }
0x102: {  	p5 =	por p2, p2  }
0x103: {  	p2 =	por p4, p4;
	p4 =	por p6, p6;
	p6 =	por p1, p1  }
.LBB2_29:
0x104: {  	s14 =	sadd.s32 s5, s25;
	[sflag:s0] =	ssyncadd.s32 @p3 $0xFFFFC000  }
0x105: {  	[tilespmem:s4], [sflag:$0x2] =	stream.linear.gather [hbm4b:s14+s4], $0x400, $0x38;
	[tilespmem:$0x1CF10] =	vst v63  }
0x106: {  	_ =	swait.ge [sflag:s0], $0x400  }
0x107: {  	[sflag:s0] =	ssyncset.done $0x0  }
0x108: {  	s13 =	sadd.s32 @p3 $0x800, s13;
	[sflag:s0] =	ssyncadd.s32 $0xFFFFFC00  }
0x109: {  	[tilespmem:s31], [sflag:$0x1] =	stream.indirect.gather [spmem:s1], $0x10, s4, s31, $0xb8;
	[tilespmem:$0x1CF10] =	vst v63  }
0x10a: {  	s2 =	smov.u32 @p3 s13;
	_ =	swait.ge [sflag:s8], $0x4000  }
0x10b: {  	s2 =	sand.u32 $0x1FFFFF80, s2;
	[sflag:s8] =	ssyncset.done $0x0  }
0x10c: {  	s2 =	sadd.s32 s2, s3;
	[sflag:s8] =	ssyncadd.s32 $0xFFFFC000  }
0x10d: {  	[hbm4b:s2+s4] =	stream.linear.scatter [tilespmem:s31], [sflag:$0x2], $0x4000, $0x38;
	[tilespmem:$0x1CF10] =	vst v63  }
0x10e: {  	_ =	swait.ge [sflag:s0], $0x4000  }
0x10f: {  	[sflag:s0] =	ssyncset.done $0x0  }
0x110: {  	[sflag:s0] =	ssyncadd.s32 $0xFFFFC000  }
.LBB2_30:
0x111: {  	[bflag:$0x0] =	sbarrier.arrive $0xFFFF  }
0x112: {  	s2 =	sshll.u32 s28, $0x6;
	s17 =	rddreg [dreg:$0xa]  }
0x113: {  	s25 =	sor.u32 $0x1C02, s2;
	s2 =	sshrl.u32 s17, $0x3  }
0x114: {  	[spmem:s2], [sflag:s25] =	dma.local [hbm:s7], $0x30E0  }
0x115: {  	_ =	swait.ge [sflag:s0], $0x30E0  }
0x116: {  	[sflag:s0] =	ssyncset.done $0x0  }
0x117: {  	[sflag:s0] =	ssyncadd.s32 $0xFFFFCF20  }
0x118: {  	[bflag:$0x0] =	sbarrier.arrive $0xFFFF  }
0x119: {  	s13 =	sld [smem:$0x7FD];
	_ =	sdelay $0x2  }
0x11a: {  	p1 =	seq.s32 s13, $0x1  }
.Ltmp18:
0x11b: {  	_ = 	snop;
	(pc) =	sbr.rel @p1 .LBB2_37-.Ltmp18, $1  }
0x11c: {  	_ =	sdelay $0x3  }
0x11d: {  	p3 =	sne.s32 s26, $0x1  }
.Ltmp19:
0x11e: {  	_ = 	snop;
	(pc) =	sbr.rel @!p3 .LBB2_32-.Ltmp19, $2  }
0x11f: {  	_ =	sdelay $0x2  }
0x120: {  	s13 =	sadd.s32 $0xFFFFFFFF, s26;
	s26 =	sshrl.u32 s29, $0x3;
	p1 =	por $0x0, $0x0  }
0x121: {  	s14 =	sadd.s32 s6, s26  }
0x122: {  	[tilespmem:s4], [sflag:$0x2] =	stream.linear.gather [hbm4b:s14+s4], $0x400, $0x38;
	[tilespmem:$0x1CF10] =	vst v63  }
0x123: {  	_ =	swait.ge [sflag:s0], $0x400  }
0x124: {  	s26 =	sand.u32 $0x1FFFFF80, s19;
	[sflag:s0] =	ssyncset.done $0x0  }
0x125: {  	s14 =	sadd.s32 s26, s3;
	[sflag:s0] =	ssyncadd.s32 $0xFFFFFC00  }
0x126: {  	[tilespmem:s31], [sflag:$0x2] =	stream.linear.gather [hbm4b:s14+s4], $0x4000, $0x38;
	[tilespmem:$0x1CF10] =	vst v63  }
0x127: {  	p3 =	sne.s32 s13, $0x1;
	_ =	swait.ge [sflag:s0], $0x4000  }
.Ltmp20:
0x128: {  	[sflag:s0] =	ssyncset.done $0x0;
	(pc) =	sbr.rel @!p3 .LBB2_34-.Ltmp20, $4  }
0x129: {  	s17 =	sadd.s32 $0x400, s29;
	[sflag:s0] =	ssyncadd.s32 $0xFFFFC000  }
0x12a: {  	[spmem:s1] =	stream.indirect.scatter.add.f32 [tilespmem:s31], [sflag:$0x2], $0x10, s4, s31, $0xb8;
	[tilespmem:$0x1CF10] =	vst v63  }
0x12b: {  	p1 =	por $0x1, $0x1;
	s26 =	sshrl.u32 s17, $0x3;
	_ =	swait.ge [sflag:s0], $0x4000  }
0x12c: {  	s14 =	sadd.s32 $0xFFFFFFFF, s13;
	s13 =	smov.u32 s19;
	[sflag:s0] =	ssyncset.done $0x0  }
.LBB2_35:
0x12d: {  	s26 =	sadd.s32 s6, s26;
	[sflag:s0] =	ssyncadd.s32 $0xFFFFC000;
	s13 =	sadd.s32 $0x800, s13  }
0x12e: {  	[tilespmem:s4], [sflag:$0x2] =	stream.linear.gather [hbm4b:s26+s4], $0x400, $0x38;
	[tilespmem:$0x1CF10] =	vst v63  }
0x12f: {  	p3 =	sne.s32 s14, $0x1;
	s14 =	sadd.s32 $0xFFFFFFFF, s14;
	_ =	swait.ge [sflag:s0], $0x400  }
0x130: {  	s26 =	sand.u32 $0x1FFFFF80, s13;
	[sflag:s0] =	ssyncset.done $0x0  }
0x131: {  	s26 =	sadd.s32 s26, s3;
	[sflag:s0] =	ssyncadd.s32 $0xFFFFFC00  }
0x132: {  	[tilespmem:s31], [sflag:$0x2] =	stream.linear.gather [hbm4b:s26+s4], $0x4000, $0x38;
	[tilespmem:$0x1CF10] =	vst v63  }
0x133: {  	_ =	swait.ge [sflag:s0], $0x4000  }
.Ltmp21:
0x134: {  	[sflag:s0] =	ssyncset.done $0x0;
	(pc) =	sbr.rel @p3 .LBB2_35-.Ltmp21, $4  }
0x135: {  	[sflag:s0] =	ssyncadd.s32 $0xFFFFC000  }
0x136: {  	[spmem:s1] =	stream.indirect.scatter.add.f32 [tilespmem:s31], [sflag:$0x2], $0x10, s4, s31, $0xb8;
	[tilespmem:$0x1CF10] =	vst v63  }
0x137: {  	s17 =	sadd.s32 $0x400, s17;
	_ =	swait.ge [sflag:s0], $0x4000  }
0x138: {  	s26 =	sshrl.u32 s17, $0x3;
	[sflag:s0] =	ssyncset.done $0x0  }
.LBB2_36:
0x139: {  	s14 =	sadd.s32 s6, s26;
	[sflag:s0] =	ssyncadd.s32 @p1 $0xFFFFC000  }
0x13a: {  	[tilespmem:s4], [sflag:$0x2] =	stream.linear.gather [hbm4b:s14+s4], $0x400, $0x38;
	[tilespmem:$0x1CF10] =	vst v63  }
0x13b: {  	s13 =	sadd.s32 @p1 $0x800, s13;
	s14 =	smov.u32 s19  }
0x13c: {  	_ =	swait.ge [sflag:s0], $0x400;
	s14 =	smov.u32 @p1 s13  }
0x13d: {  	[sflag:s0] =	ssyncset.done $0x0;
	s13 =	sand.u32 $0x1FFFFF80, s14  }
0x13e: {  	[sflag:s0] =	ssyncadd.s32 $0xFFFFFC00;
	s13 =	sadd.s32 s13, s3  }
0x13f: {  	[tilespmem:s31], [sflag:$0x2] =	stream.linear.gather [hbm4b:s13+s4], $0x4000, $0x38;
	[tilespmem:$0x1CF10] =	vst v63  }
0x140: {  	_ =	swait.ge [sflag:s0], $0x4000  }
0x141: {  	[sflag:s0] =	ssyncset.done $0x0  }
0x142: {  	[sflag:s0] =	ssyncadd.s32 $0xFFFFC000  }
0x143: {  	[spmem:s1] =	stream.indirect.scatter.add.f32 [tilespmem:s31], [sflag:$0x2], $0x10, s4, s31, $0xb8;
	[tilespmem:$0x1CF10] =	vst v63  }
0x144: {  	_ =	swait.ge [sflag:s0], $0x4000  }
0x145: {  	[sflag:s0] =	ssyncset.done $0x0  }
0x146: {  	[sflag:s0] =	ssyncadd.s32 $0xFFFFC000  }
.LBB2_37:
0x147: {  	[bflag:$0x0] =	sbarrier.arrive $0xFFFF  }
0x148: {  	s14 =	simm.s32 @p0 $0x2;
	s13 =	rddreg [dreg:$0xc]  }
0x149: {  	[hbm:s13], [sflag:s25] =	dma.local @p0 [spmem:s10], $0x3020  }
0x14a: {  	_ =	swait.ge @p0 [sflag:s14], $0x3020  }
0x14b: {  	[sflag:s14] =	ssyncset.done @p0 $0x0;
	s13 =	rddreg [dreg:$0xa]  }
0x14c: {  	[sflag:s14] =	ssyncadd.s32 @p0 $0xFFFFCFE0;
	s26 =	sshrl.u32 @!p0 s13, $0x3;
	s13 =	rddreg [dreg:$0xb]  }
0x14d: {  	[hbm:s13], [sflag:s25] =	dma.local @!p0 [spmem:s26], $0x30E0  }
0x14e: {  	s13 =	simm.s32 @!p0 $0x2  }
0x14f: {  	_ =	swait.ge @!p0 [sflag:s13], $0x30E0  }
0x150: {  	[sflag:s13] =	ssyncset.done @!p0 $0x0  }
0x151: {  	[sflag:s13] =	ssyncadd.s32 @!p0 $0xFFFFCF20  }
0x152: {  	[bflag:$0x0] =	sbarrier.arrive $0xFFFF  }
0x153: {  	[spmem:s2], [sflag:s25] =	dma.local [hbm:s7], $0x30E0  }
0x154: {  	_ =	swait.ge [sflag:s0], $0x30E0  }
0x155: {  	[sflag:s0] =	ssyncset.done $0x0  }
0x156: {  	[sflag:s0] =	ssyncadd.s32 $0xFFFFCF20  }
0x157: {  	[bflag:$0x0] =	sbarrier.arrive $0xFFFF  }
0x158: {  	s17 =	sld [smem:$0x7FC];
	_ =	sdelay $0x2  }
0x159: {  	p1 =	seq.s32 s17, $0x1  }
.Ltmp22:
0x15a: {  	_ = 	snop;
	(pc) =	sbr.rel @p1 .LBB2_45-.Ltmp22, $1  }
0x15b: {  	_ =	sdelay $0x3  }
0x15c: {  	s17 =	sld [smem:$0x7FB];
	_ =	sdelay $0x2  }
0x15d: {  	p3 =	seq.s32 s17, $0x1  }
.Ltmp23:
0x15e: {  	_ = 	snop;
	(pc) =	sbr.rel @!p3 .LBB2_39-.Ltmp23, $2  }
0x15f: {  	_ =	sdelay $0x2  }
0x160: {  	p1 =	por $0x0, $0x0  }
0x161: {  	s17 =	sadd.s32 s6, s23  }
0x162: {  	[tilespmem:s4], [sflag:$0x2] =	stream.linear.gather [hbm4b:s17+s4], $0x400, $0x38;
	[tilespmem:$0x1CF10] =	vst v63  }
0x163: {  	_ =	swait.ge [sflag:s0], $0x400  }
0x164: {  	s23 =	sand.u32 $0x1FFFFF80, s15;
	[sflag:s0] =	ssyncset.done $0x0  }
0x165: {  	s17 =	sadd.s32 s23, s3;
	[sflag:s0] =	ssyncadd.s32 $0xFFFFFC00  }
0x166: {  	[tilespmem:s31], [sflag:$0x2] =	stream.linear.gather [hbm4b:s17+s4], $0x4000, $0x38;
	[tilespmem:$0x1CF10] =	vst v63  }
0x167: {  	p3 =	sne.s32 s24, $0x1;
	_ =	swait.ge [sflag:s0], $0x4000  }
.Ltmp24:
0x168: {  	[sflag:s0] =	ssyncset.done $0x0;
	(pc) =	sbr.rel @!p3 .LBB2_41-.Ltmp24, $4  }
0x169: {  	s28 =	sadd.s32 $0x400, s30;
	[sflag:s0] =	ssyncadd.s32 $0xFFFFC000  }
0x16a: {  	[spmem:s1] =	stream.indirect.scatter.add.f32 [tilespmem:s31], [sflag:$0x2], $0x10, s4, s31, $0xb8;
	[tilespmem:$0x1CF10] =	vst v63  }
0x16b: {  	p1 =	por $0x1, $0x1;
	s23 =	sshrl.u32 s28, $0x3;
	_ =	swait.ge [sflag:s0], $0x4000  }
0x16c: {  	s17 =	sadd.s32 $0xFFFFFFFF, s24;
	s24 =	smov.u32 s15;
	[sflag:s0] =	ssyncset.done $0x0  }
.LBB2_42:
0x16d: {  	s23 =	sadd.s32 s6, s23;
	[sflag:s0] =	ssyncadd.s32 $0xFFFFC000;
	s24 =	sadd.s32 $0x800, s24  }
0x16e: {  	[tilespmem:s4], [sflag:$0x2] =	stream.linear.gather [hbm4b:s23+s4], $0x400, $0x38;
	[tilespmem:$0x1CF10] =	vst v63  }
0x16f: {  	p3 =	sne.s32 s17, $0x1;
	s17 =	sadd.s32 $0xFFFFFFFF, s17;
	_ =	swait.ge [sflag:s0], $0x400  }
0x170: {  	s23 =	sand.u32 $0x1FFFFF80, s24;
	[sflag:s0] =	ssyncset.done $0x0  }
0x171: {  	s23 =	sadd.s32 s23, s3;
	[sflag:s0] =	ssyncadd.s32 $0xFFFFFC00  }
0x172: {  	[tilespmem:s31], [sflag:$0x2] =	stream.linear.gather [hbm4b:s23+s4], $0x4000, $0x38;
	[tilespmem:$0x1CF10] =	vst v63  }
0x173: {  	_ =	swait.ge [sflag:s0], $0x4000  }
.Ltmp25:
0x174: {  	[sflag:s0] =	ssyncset.done $0x0;
	(pc) =	sbr.rel @p3 .LBB2_42-.Ltmp25, $4  }
0x175: {  	[sflag:s0] =	ssyncadd.s32 $0xFFFFC000  }
0x176: {  	[spmem:s1] =	stream.indirect.scatter.add.f32 [tilespmem:s31], [sflag:$0x2], $0x10, s4, s31, $0xb8;
	[tilespmem:$0x1CF10] =	vst v63  }
0x177: {  	s28 =	sadd.s32 $0x400, s28;
	_ =	swait.ge [sflag:s0], $0x4000  }
0x178: {  	s23 =	sshrl.u32 s28, $0x3;
	[sflag:s0] =	ssyncset.done $0x0  }
0x179: {  	s28 =	stileid.u32  }
.LBB2_44:
0x17a: {  	s17 =	sadd.s32 s6, s23;
	[sflag:s0] =	ssyncadd.s32 @p1 $0xFFFFC000;
	s23 =	sadd.s32 @p1 $0x800, s24  }
0x17b: {  	[tilespmem:s4], [sflag:$0x2] =	stream.linear.gather [hbm4b:s17+s4], $0x400, $0x38;
	[tilespmem:$0x1CF10] =	vst v63  }
0x17c: {  	s15 =	smov.u32 @p1 s23;
	_ =	swait.ge [sflag:s0], $0x400  }
0x17d: {  	s15 =	sand.u32 $0x1FFFFF80, s15;
	[sflag:s0] =	ssyncset.done $0x0  }
0x17e: {  	s15 =	sadd.s32 s15, s3;
	[sflag:s0] =	ssyncadd.s32 $0xFFFFFC00  }
0x17f: {  	[tilespmem:s31], [sflag:$0x2] =	stream.linear.gather [hbm4b:s15+s4], $0x4000, $0x38;
	[tilespmem:$0x1CF10] =	vst v63  }
0x180: {  	_ =	swait.ge [sflag:s0], $0x4000  }
0x181: {  	[sflag:s0] =	ssyncset.done $0x0  }
0x182: {  	[sflag:s0] =	ssyncadd.s32 $0xFFFFC000  }
0x183: {  	[spmem:s1] =	stream.indirect.scatter.add.f32 [tilespmem:s31], [sflag:$0x2], $0x10, s4, s31, $0xb8;
	[tilespmem:$0x1CF10] =	vst v63  }
0x184: {  	_ =	swait.ge [sflag:s0], $0x4000  }
0x185: {  	[sflag:s0] =	ssyncset.done $0x0  }
0x186: {  	[sflag:s0] =	ssyncadd.s32 $0xFFFFC000  }
.LBB2_45:
0x187: {  	[bflag:$0x0] =	sbarrier.arrive $0xFFFF  }
0x188: {  	s15 =	rddreg [dreg:$0xe]  }
0x189: {  	[hbm:s15], [sflag:s25] =	dma.local @p0 [spmem:s10], $0x3020  }
0x18a: {  	_ =	swait.ge @p0 [sflag:s14], $0x3020  }
0x18b: {  	[sflag:s14] =	ssyncset.done @p0 $0x0  }
0x18c: {  	[sflag:s14] =	ssyncadd.s32 @p0 $0xFFFFCFE0;
	s14 =	rddreg [dreg:$0xd]  }
0x18d: {  	[hbm:s14], [sflag:s25] =	dma.local @!p0 [spmem:s26], $0x30E0  }
0x18e: {  	_ =	swait.ge @!p0 [sflag:s13], $0x30E0  }
0x18f: {  	[sflag:s13] =	ssyncset.done @!p0 $0x0  }
0x190: {  	[sflag:s13] =	ssyncadd.s32 @!p0 $0xFFFFCF20  }
0x191: {  	[bflag:$0x0] =	sbarrier.arrive $0xFFFF  }
0x192: {  	[spmem:s2], [sflag:s25] =	dma.local [hbm:s7], $0x30E0  }
.Ltmp26:
0x193: {  	_ =	swait.ge [sflag:s0], $0x30E0;
	(pc) =	sbr.rel @p6 .LBB2_52-.Ltmp26, $3  }
0x194: {  	[sflag:s0] =	ssyncset.done $0x0  }
0x195: {  	[sflag:s0] =	ssyncadd.s32 $0xFFFFCF20  }
0x196: {  	[bflag:$0x0] =	sbarrier.arrive $0xFFFF;
	_ =	sdelay $0x1  }
.Ltmp27:
0x197: {  	(pc) =	sbr.rel @!p4 .LBB2_47-.Ltmp27, $2  }
0x198: {  	_ =	sdelay $0x2  }
0x199: {  	p1 =	por $0x0, $0x0  }
0x19a: {  	s13 =	sadd.s32 s6, s20  }
0x19b: {  	[tilespmem:s4], [sflag:$0x2] =	stream.linear.gather [hbm4b:s13+s4], $0x400, $0x38;
	[tilespmem:$0x1CF10] =	vst v63  }
0x19c: {  	_ =	swait.ge [sflag:s0], $0x400  }
0x19d: {  	s24 =	sand.u32 $0x1FFFFF80, s12;
	[sflag:s0] =	ssyncset.done $0x0  }
0x19e: {  	s13 =	sadd.s32 s24, s3;
	[sflag:s0] =	ssyncadd.s32 $0xFFFFFC00  }
0x19f: {  	[tilespmem:s31], [sflag:$0x2] =	stream.linear.gather [hbm4b:s13+s4], $0x4000, $0x38;
	[tilespmem:$0x1CF10] =	vst v63  }
0x1a0: {  	p3 =	sne.s32 s22, $0x1;
	_ =	swait.ge [sflag:s0], $0x4000  }
.Ltmp28:
0x1a1: {  	[sflag:s0] =	ssyncset.done $0x0;
	(pc) =	sbr.rel @!p3 .LBB2_49-.Ltmp28, $4  }
0x1a2: {  	s14 =	sadd.s32 $0xFFFFFFFF, s22;
	[sflag:s0] =	ssyncadd.s32 $0xFFFFC000  }
0x1a3: {  	[spmem:s1] =	stream.indirect.scatter.add.f32 [tilespmem:s31], [sflag:$0x2], $0x10, s4, s31, $0xb8;
	[tilespmem:$0x1CF10] =	vst v63  }
0x1a4: {  	s15 =	sadd.s32 $0x400, s21;
	p1 =	por $0x1, $0x1;
	_ =	swait.ge [sflag:s0], $0x4000  }
0x1a5: {  	s20 =	sshrl.u32 s15, $0x3;
	s13 =	smov.u32 s12;
	[sflag:s0] =	ssyncset.done $0x0  }
.LBB2_50:
0x1a6: {  	s17 =	sadd.s32 s6, s20;
	[sflag:s0] =	ssyncadd.s32 $0xFFFFC000;
	s13 =	sadd.s32 $0x800, s13  }
0x1a7: {  	[tilespmem:s4], [sflag:$0x2] =	stream.linear.gather [hbm4b:s17+s4], $0x400, $0x38;
	[tilespmem:$0x1CF10] =	vst v63  }
0x1a8: {  	p3 =	sne.s32 s14, $0x1;
	s14 =	sadd.s32 $0xFFFFFFFF, s14;
	_ =	swait.ge [sflag:s0], $0x400  }
0x1a9: {  	s17 =	sand.u32 $0x1FFFFF80, s13;
	[sflag:s0] =	ssyncset.done $0x0  }
0x1aa: {  	s17 =	sadd.s32 s17, s3;
	[sflag:s0] =	ssyncadd.s32 $0xFFFFFC00  }
0x1ab: {  	[tilespmem:s31], [sflag:$0x2] =	stream.linear.gather [hbm4b:s17+s4], $0x4000, $0x38;
	[tilespmem:$0x1CF10] =	vst v63  }
0x1ac: {  	_ =	swait.ge [sflag:s0], $0x4000  }
.Ltmp29:
0x1ad: {  	[sflag:s0] =	ssyncset.done $0x0;
	(pc) =	sbr.rel @p3 .LBB2_50-.Ltmp29, $4  }
0x1ae: {  	[sflag:s0] =	ssyncadd.s32 $0xFFFFC000  }
0x1af: {  	[spmem:s1] =	stream.indirect.scatter.add.f32 [tilespmem:s31], [sflag:$0x2], $0x10, s4, s31, $0xb8;
	[tilespmem:$0x1CF10] =	vst v63  }
0x1b0: {  	s15 =	sadd.s32 $0x400, s15;
	_ =	swait.ge [sflag:s0], $0x4000  }
0x1b1: {  	s20 =	sshrl.u32 s15, $0x3;
	[sflag:s0] =	ssyncset.done $0x0  }
.LBB2_51:
0x1b2: {  	s14 =	sadd.s32 s6, s20;
	[sflag:s0] =	ssyncadd.s32 @p1 $0xFFFFC000;
	s13 =	sadd.s32 @p1 $0x800, s13  }
0x1b3: {  	[tilespmem:s4], [sflag:$0x2] =	stream.linear.gather [hbm4b:s14+s4], $0x400, $0x38;
	[tilespmem:$0x1CF10] =	vst v63  }
0x1b4: {  	s12 =	smov.u32 @p1 s13;
	_ =	swait.ge [sflag:s0], $0x400  }
0x1b5: {  	s12 =	sand.u32 $0x1FFFFF80, s12;
	[sflag:s0] =	ssyncset.done $0x0  }
0x1b6: {  	s12 =	sadd.s32 s12, s3;
	[sflag:s0] =	ssyncadd.s32 $0xFFFFFC00  }
0x1b7: {  	[tilespmem:s31], [sflag:$0x2] =	stream.linear.gather [hbm4b:s12+s4], $0x4000, $0x38;
	[tilespmem:$0x1CF10] =	vst v63  }
0x1b8: {  	_ =	swait.ge [sflag:s0], $0x4000  }
0x1b9: {  	[sflag:s0] =	ssyncset.done $0x0  }
0x1ba: {  	[sflag:s0] =	ssyncadd.s32 $0xFFFFC000  }
0x1bb: {  	[spmem:s1] =	stream.indirect.scatter.add.f32 [tilespmem:s31], [sflag:$0x2], $0x10, s4, s31, $0xb8;
	[tilespmem:$0x1CF10] =	vst v63  }
0x1bc: {  	_ =	swait.ge [sflag:s0], $0x4000  }
0x1bd: {  	[sflag:s0] =	ssyncset.done $0x0  }
0x1be: {  	[sflag:s0] =	ssyncadd.s32 $0xFFFFC000  }
.LBB2_52:
0x1bf: {  	[bflag:$0x0] =	sbarrier.arrive $0xFFFF  }
0x1c0: {  	s14 =	simm.s32 @p0 $0x2;
	s12 =	rddreg [dreg:$0x10]  }
0x1c1: {  	[hbm:s12], [sflag:s25] =	dma.local @p0 [spmem:s10], $0x3020  }
0x1c2: {  	_ =	swait.ge @p0 [sflag:s14], $0x3020  }
0x1c3: {  	[sflag:s14] =	ssyncset.done @p0 $0x0  }
0x1c4: {  	s12 =	rddreg [dreg:$0xf];
	[sflag:s14] =	ssyncadd.s32 @p0 $0xFFFFCFE0  }
0x1c5: {  	[hbm:s12], [sflag:s25] =	dma.local @!p0 [spmem:s26], $0x30E0  }
0x1c6: {  	s12 =	simm.s32 @!p0 $0x2  }
0x1c7: {  	_ =	swait.ge @!p0 [sflag:s12], $0x30E0  }
0x1c8: {  	[sflag:s12] =	ssyncset.done @!p0 $0x0  }
0x1c9: {  	[sflag:s12] =	ssyncadd.s32 @!p0 $0xFFFFCF20  }
0x1ca: {  	[bflag:$0x0] =	sbarrier.arrive $0xFFFF  }
0x1cb: {  	[spmem:s2], [sflag:s25] =	dma.local [hbm:s7], $0x30E0  }
.Ltmp30:
0x1cc: {  	_ =	swait.ge [sflag:s0], $0x30E0;
	(pc) =	sbr.rel @p2 .LBB2_59-.Ltmp30, $4  }
0x1cd: {  	[sflag:s0] =	ssyncset.done $0x0  }
0x1ce: {  	[sflag:s0] =	ssyncadd.s32 $0xFFFFCF20  }
0x1cf: {  	[bflag:$0x0] =	sbarrier.arrive $0xFFFF  }
0x1d0: {  	s20 =	smov.u32 s21  }
.Ltmp31:
0x1d1: {  	(pc) =	sbr.rel @!p5 .LBB2_54-.Ltmp31, $2  }
0x1d2: {  	_ =	sdelay $0x2  }
0x1d3: {  	p1 =	por $0x0, $0x0  }
0x1d4: {  	s2 =	sadd.s32 s6, s16  }
0x1d5: {  	[tilespmem:s4], [sflag:$0x2] =	stream.linear.gather [hbm4b:s2+s4], $0x400, $0x38;
	[tilespmem:$0x1CF10] =	vst v63  }
0x1d6: {  	_ =	swait.ge [sflag:s0], $0x400  }
0x1d7: {  	s23 =	sand.u32 $0x1FFFFF80, s11;
	[sflag:s0] =	ssyncset.done $0x0  }
0x1d8: {  	s2 =	sadd.s32 s23, s3;
	[sflag:s0] =	ssyncadd.s32 $0xFFFFFC00  }
0x1d9: {  	[tilespmem:s31], [sflag:$0x2] =	stream.linear.gather [hbm4b:s2+s4], $0x4000, $0x38;
	[tilespmem:$0x1CF10] =	vst v63  }
0x1da: {  	_ =	swait.ge [sflag:s0], $0x4000  }
0x1db: {  	[sflag:s0] =	ssyncset.done $0x0  }
0x1dc: {  	p2 =	sne.s32 s18, $0x1;
	[sflag:s0] =	ssyncadd.s32 $0xFFFFC000  }
0x1dd: {  	[spmem:s1] =	stream.indirect.scatter.add.f32 [tilespmem:s31], [sflag:$0x2], $0x10, s4, s31, $0xb8;
	[tilespmem:$0x1CF10] =	vst v63  }
.Ltmp32:
0x1de: {  	_ = 	snop;
	(pc) =	sbr.rel @!p2 .LBB2_56-.Ltmp32, $4  }
0x1df: {  	_ =	swait.ge [sflag:s0], $0x4000  }
0x1e0: {  	s24 =	rddreg [dreg:$0x16]  }
0x1e1: {  	s13 =	sadd.s32 $0xFFFFFFFF, s18;
	p1 =	por $0x1, $0x1;
	s15 =	sadd.s32 $0x400, s24  }
0x1e2: {  	s2 =	smov.u32 s11;
	[sflag:s0] =	ssyncset.done $0x0;
	s16 =	sshrl.u32 s15, $0x3  }
.LBB2_57:
0x1e3: {  	s16 =	sadd.s32 s6, s16;
	[sflag:s0] =	ssyncadd.s32 $0xFFFFC000;
	s2 =	sadd.s32 $0x800, s2  }
0x1e4: {  	[tilespmem:s4], [sflag:$0x2] =	stream.linear.gather [hbm4b:s16+s4], $0x400, $0x38;
	[tilespmem:$0x1CF10] =	vst v63  }
0x1e5: {  	p2 =	sne.s32 s13, $0x1;
	s13 =	sadd.s32 $0xFFFFFFFF, s13;
	_ =	swait.ge [sflag:s0], $0x400  }
0x1e6: {  	s16 =	sand.u32 $0x1FFFFF80, s2;
	[sflag:s0] =	ssyncset.done $0x0  }
0x1e7: {  	s16 =	sadd.s32 s16, s3;
	[sflag:s0] =	ssyncadd.s32 $0xFFFFFC00  }
0x1e8: {  	[tilespmem:s31], [sflag:$0x2] =	stream.linear.gather [hbm4b:s16+s4], $0x4000, $0x38;
	[tilespmem:$0x1CF10] =	vst v63  }
0x1e9: {  	_ =	swait.ge [sflag:s0], $0x4000  }
.Ltmp33:
0x1ea: {  	[sflag:s0] =	ssyncset.done $0x0;
	(pc) =	sbr.rel @p2 .LBB2_57-.Ltmp33, $4  }
0x1eb: {  	[sflag:s0] =	ssyncadd.s32 $0xFFFFC000  }
0x1ec: {  	[spmem:s1] =	stream.indirect.scatter.add.f32 [tilespmem:s31], [sflag:$0x2], $0x10, s4, s31, $0xb8;
	[tilespmem:$0x1CF10] =	vst v63  }
0x1ed: {  	s15 =	sadd.s32 $0x400, s15;
	_ =	swait.ge [sflag:s0], $0x4000  }
0x1ee: {  	s16 =	sshrl.u32 s15, $0x3;
	[sflag:s0] =	ssyncset.done $0x0  }
.Ltmp34:
0x1ef: {  	_ = 	snop;
	(pc) =	sbr.rel .LBB2_58-.Ltmp34, $1  }
0x1f0: {  	_ =	sdelay $0x3  }
.LBB2_3:
.Ltmp35:
0x1f1: {  	(pc) =	sbr.rel .LBB2_7-.Ltmp35, $2  }
0x1f2: {  	_ =	sdelay $0x2  }
0x1f3: {  	s13 =	smov.u32 s19  }
.LBB2_10:
.Ltmp36:
0x1f4: {  	(pc) =	sbr.rel .LBB2_14-.Ltmp36, $2  }
0x1f5: {  	_ =	sdelay $0x2  }
0x1f6: {  	s14 =	smov.u32 s13  }
.LBB2_17:
.Ltmp37:
0x1f7: {  	(pc) =	sbr.rel .LBB2_21-.Ltmp37, $2  }
0x1f8: {  	_ =	sdelay $0x2  }
0x1f9: {  	s16 =	smov.u32 s14  }
.LBB2_24:
.Ltmp38:
0x1fa: {  	(pc) =	sbr.rel .LBB2_29-.Ltmp38, $2  }
0x1fb: {  	_ =	sdelay $0x2  }
0x1fc: {  	s13 =	smov.u32 s2  }
.LBB2_32:
.Ltmp39:
0x1fd: {  	(pc) =	sbr.rel .LBB2_36-.Ltmp39, $2  }
0x1fe: {  	_ =	sdelay $0x2  }
0x1ff: {  	s13 =	smov.u32 s19  }
.LBB2_39:
.Ltmp40:
0x200: {  	(pc) =	sbr.rel .LBB2_44-.Ltmp40, $2  }
0x201: {  	_ =	sdelay $0x2  }
0x202: {  	s24 =	smov.u32 s15  }
.LBB2_47:
.Ltmp41:
0x203: {  	(pc) =	sbr.rel .LBB2_51-.Ltmp41, $2  }
0x204: {  	_ =	sdelay $0x2  }
0x205: {  	s13 =	smov.u32 s12  }
.LBB2_5:
.Ltmp42:
0x206: {  	(pc) =	sbr.rel .LBB2_7-.Ltmp42, $2  }
0x207: {  	_ =	sdelay $0x2  }
0x208: {  	s13 =	smov.u32 s19  }
.LBB2_12:
.Ltmp43:
0x209: {  	(pc) =	sbr.rel .LBB2_14-.Ltmp43, $2  }
0x20a: {  	_ =	sdelay $0x2  }
0x20b: {  	s14 =	smov.u32 s13  }
.LBB2_19:
.Ltmp44:
0x20c: {  	(pc) =	sbr.rel .LBB2_21-.Ltmp44, $2  }
0x20d: {  	_ =	sdelay $0x2  }
0x20e: {  	s16 =	smov.u32 s14  }
.LBB2_26:
.Ltmp45:
0x20f: {  	(pc) =	sbr.rel .LBB2_29-.Ltmp45, $3  }
0x210: {  	_ =	sdelay $0x1  }
0x211: {  	s13 =	smov.u32 s2;
	p5 =	por p2, p2  }
0x212: {  	p2 =	por p4, p4;
	p4 =	por p6, p6;
	p6 =	por p1, p1  }
.LBB2_34:
.Ltmp46:
0x213: {  	(pc) =	sbr.rel .LBB2_36-.Ltmp46, $2  }
0x214: {  	_ =	sdelay $0x2  }
0x215: {  	s13 =	smov.u32 s19  }
.LBB2_41:
.Ltmp47:
0x216: {  	(pc) =	sbr.rel .LBB2_44-.Ltmp47, $2  }
0x217: {  	_ =	sdelay $0x2  }
0x218: {  	s24 =	smov.u32 s15;
	s28 =	stileid.u32  }
.LBB2_49:
.Ltmp48:
0x219: {  	(pc) =	sbr.rel .LBB2_51-.Ltmp48, $2  }
0x21a: {  	_ =	sdelay $0x2  }
0x21b: {  	s13 =	smov.u32 s12  }
.LBB2_56:
.Ltmp49:
0x21c: {  	(pc) =	sbr.rel .LBB2_58-.Ltmp49, $2  }
0x21d: {  	_ =	sdelay $0x2  }
0x21e: {  	s2 =	smov.u32 s11  }
.LBB2_60:
0x21f: {  	_ =	sfence.sel $0x180000  }
0x220: {  	[bflag:$0x0] =	sbarrier.arrive $0xFFFF  }
0x221: {  	_ =	strace $0x9000004D  }
0x222: {  	[bflag:$0x2] =	sbarrier.arrive $0xFFFF  }
0x223: {  	p0 =	sne.s32 s28, $0x0;
	s0 =	rddreg [dreg:$0x4]  }
0x224: {  	s0 =	sadd.s32 @!p0 $0x100000, s0  }
0x225: {  	[sflag:s0] =	ssyncadd.tile.s32 @!p0 $0x1;
	_ =	shalt  }
.Lfunc_end2:
_tile_overlayer_lowered:
.L_overlay_start_2:
0x226: {  	(tag) =	ssettag $0x2  }
0x227: {  	s0 =	rddreg [dreg:$0x0];
	s2 =	stileid.u32  }
0x228: {  	s1 =	rddreg [dreg:$0x1];
	p0 =	sne.s32 s2, $0x0  }
0x229: {  	s3 =	rddreg [dreg:$0x2];
	[bflag:$0x3] =	sbarrier.arrive $0xFFFF;
	s2 =	simm.s32 @!p0 $0x1C02  }
0x22a: {  	[timem:s3], [sflag:s2] =	dma.local @!p0 [hbm:s0], s1  }
0x22b: {  	s0 =	simm.s32 @!p0 $0x2  }
0x22c: {  	_ =	swait.ge @!p0 [sflag:s0], s1  }
0x22d: {  	s1 =	ssub.s32 @!p0 $0x0, s1;
	[sflag:s0] =	ssyncset.done @!p0 $0x0  }
0x22e: {  	[sflag:s0] =	ssyncadd.s32 @!p0 s1  }
0x22f: {  	[bflag:$0x3] =	sbarrier.arrive $0xFFFF  }
0x230: {  	_ =	shalt  }

// kernel: kernel.7.cloned.1.call-start
scs
__scs_entry_jumppad:
0x0: {  	(pc) =	sbr.rel $0x88, $3  }
0x1: {  	(tag) =	ssettag $0x0;
	lr =	simm.s32 $0x1  }
0x2: {  	[smem:$0x3F98] =	sst lr;
	_ =	strace $0xD0000000  }
0x3: {  	_ = 	snop  }
0x4: {  	_ = 	snop  }
0x5: {  	_ = 	snop  }
0x6: {  	_ = 	snop  }
0x7: {  	_ = 	snop  }
__scs_overlays_trampoline_lowered:
0x8: {  	[smem:$0x3FA7] =	sst s0  }
0x9: {  	[smem:$0x3FA8] =	sst s1  }
0xa: {  	[smem:$0x3FA9] =	sst s2  }
0xb: {  	[smem:$0x3FAA] =	sst s3  }
0xc: {  	[smem:$0x3FAB] =	sst s4  }
0xd: {  	[smem:$0x3FAC] =	sst s5  }
0xe: {  	[smem:$0x3FAD] =	sst s6  }
0xf: {  	[smem:$0x3FAE] =	sst s7  }
0x10: {  	[smem:$0x3FAF] =	sst s8  }
0x11: {  	[smem:$0x3FB0] =	sst s9;
	s0 =	simm.s32 @!p0 $0x0  }
0x12: {  	s1 =	sld [smem:$0x3F96];
	s0 =	simm.s32 @p0 $0x1  }
0x13: {  	[smem:$0x3FB1] =	sst s0;
	s0 =	simm.s32 @!p1 $0x0  }
0x14: {  	s2 =	sld [smem:$0x3F95];
	s0 =	simm.s32 @p1 $0x1  }
0x15: {  	[smem:$0x3FB2] =	sst s0;
	s0 =	simm.s32 @!p2 $0x0  }
0x16: {  	s3 =	sld [smem:$0x3FDB];
	s0 =	simm.s32 @p2 $0x1  }
0x17: {  	s4 =	simm.s32 $0x1BF5;
	[smem:$0x3FB4] =	sst s0  }
0x18: {  	s0 =	sld [smem:$0x3F97];
	_ =	swait.ge [sflag:s4], $0x0  }
0x19: {  	s7 =	sld [smem:$0x3F98]  }
0x1a: {  	s8 =	sadd.s32 $0xFFFFE003, lr  }
0x1b: {  	s9 =	sadd.s32 $0xFFFFFEF7, lr;
	s5 =	simm.s32 $0xFFFFFFFF;
	p2 =	slt.u32 s8, $0xFFFFF086  }
0x1c: {  	p1 =	slt.u32 s9, $0xF7A;
	s5 =	simm.s32 @!p2 $0x0  }
0x1d: {  	s5 =	simm.s32 @p1 $0x1;
	p0 =	seq.s32 s7, s2  }
0x1e: {  	s7 =	smul.u32 @!p0 $0xF7A, s2;
	p2 =	seq.s32 @!p0 s5, $0x0  }
0x1f: {  	s9 =	smul.u32 $0xF7A, s1;
	s8 =	simm.s32 @!p0 $0x1BF5;
	p2 =	por !p2, p0  }
0x20: {  	[sflag:s8] =	ssyncset.s32 @!p0 $0xFFFFF086;
	s6 =	sadd.s32 @!p0 s3, s7;
	s7 =	simm.s32 @!p0 $0x108  }
0x21: {  	s3 =	sadd.s32 s3, s9;
	s6 =	sadd.s32 @!p0 $0x88, s6;
	s7 =	simm.s32 @p2 $0x1082  }
0x22: {  	[simem:s7], [sflag:s8] =	dma.local @!p0 [hbm:s6], $0xF7A  }
0x23: {  	s9 =	sor.u32 $0xD0000000, s2;
	s6 =	simm.s32 $0x108;
	_ =	swait.ge @!p0 [sflag:s8], $0x0  }
0x24: {  	s3 =	sadd.s32 $0x88, s3;
	s6 =	simm.s32 @!p1 $0x1082;
	[sflag:s4] =	ssyncset.s32 $0xFFFFF086  }
0x25: {  	[simem:s6], [sflag:s4] =	dma.local [hbm:s3], $0xF7A  }
0x26: {  	[smem:$0x3F98] =	sst s1;
	(tag) =	ssettag s2;
	_ =	strace s9  }
0x27: {  	s1 =	sld [smem:$0x3FA8]  }
0x28: {  	s2 =	sld [smem:$0x3FA9]  }
0x29: {  	s4 =	sld [smem:$0x3FAB]  }
0x2a: {  	p0 =	seq.s32 s5, $0x0;
	s5 =	sld [smem:$0x3FAC]  }
0x2b: {  	s6 =	sld [smem:$0x3FAD]  }
0x2c: {  	s7 =	sld [smem:$0x3FAE]  }
0x2d: {  	s3 =	simm.s32 $0x108;
	s8 =	sld [smem:$0x3FAF]  }
0x2e: {  	s3 =	simm.s32 @!p0 $0x1082;
	s9 =	sld [smem:$0x3FB0]  }
0x2f: {  	lr =	sadd.s32 s0, s3;
	s0 =	sld [smem:$0x3FA7]  }
0x30: {  	s3 =	sld [smem:$0x3FAA]  }
0x31: {  	[smem:$0x3FB3] =	sst s10  }
0x32: {  	s10 =	sld [smem:$0x3FB1];
	_ =	sdelay $0x3  }
0x33: {  	p0 =	seq.s32 s10, $0x1;
	s10 =	sld [smem:$0x3FB3];
	_ =	sdelay $0x3  }
0x34: {  	[smem:$0x3FB3] =	sst s10  }
0x35: {  	s10 =	sld [smem:$0x3FB2];
	_ =	sdelay $0x3  }
0x36: {  	p1 =	seq.s32 s10, $0x1;
	s10 =	sld [smem:$0x3FB3];
	_ =	sdelay $0x3  }
0x37: {  	[smem:$0x3FB3] =	sst s10  }
0x38: {  	s10 =	sld [smem:$0x3FB4]  }
0x39: {  	_ = 	snop;
	(pc) =	sbr.ind lr, $3  }
0x3a: {  	_ = 	snop  }
0x3b: {  	_ = 	snop  }
0x3c: {  	p2 =	seq.s32 s10, $0x1;
	s10 =	sld [smem:$0x3FB3]  }
0x3d: {  	_ =	shalt  }
0x3e: {  	_ =	shalt  }
0x3f: {  	_ =	shalt  }
0x40: {  	_ =	shalt  }
0x41: {  	_ =	shalt  }
0x42: {  	_ =	shalt  }
0x43: {  	_ =	shalt  }
0x44: {  	_ =	shalt  }
0x45: {  	_ =	shalt  }
0x46: {  	_ =	shalt  }
0x47: {  	_ =	shalt  }
0x48: {  	_ =	shalt  }
0x49: {  	_ =	shalt  }
0x4a: {  	_ =	shalt  }
0x4b: {  	_ =	shalt  }
0x4c: {  	_ =	shalt  }
0x4d: {  	_ =	shalt  }
0x4e: {  	_ =	shalt  }
0x4f: {  	_ =	shalt  }
0x50: {  	_ =	shalt  }
0x51: {  	_ =	shalt  }
0x52: {  	_ =	shalt  }
0x53: {  	_ =	shalt  }
0x54: {  	_ =	shalt  }
0x55: {  	_ =	shalt  }
0x56: {  	_ =	shalt  }
0x57: {  	_ =	shalt  }
0x58: {  	_ =	shalt  }
0x59: {  	_ =	shalt  }
0x5a: {  	_ =	shalt  }
0x5b: {  	_ =	shalt  }
0x5c: {  	_ =	shalt  }
0x5d: {  	_ =	shalt  }
0x5e: {  	_ =	shalt  }
0x5f: {  	_ =	shalt  }
0x60: {  	_ =	shalt  }
0x61: {  	_ =	shalt  }
0x62: {  	_ =	shalt  }
0x63: {  	_ =	shalt  }
0x64: {  	_ =	shalt  }
0x65: {  	_ =	shalt  }
0x66: {  	_ =	shalt  }
0x67: {  	_ =	shalt  }
0x68: {  	_ =	shalt  }
0x69: {  	_ =	shalt  }
0x6a: {  	_ =	shalt  }
0x6b: {  	_ =	shalt  }
0x6c: {  	_ =	shalt  }
0x6d: {  	_ =	shalt  }
0x6e: {  	_ =	shalt  }
0x6f: {  	_ =	shalt  }
0x70: {  	_ =	shalt  }
0x71: {  	_ =	shalt  }
0x72: {  	_ =	shalt  }
0x73: {  	_ =	shalt  }
0x74: {  	_ =	shalt  }
0x75: {  	_ =	shalt  }
0x76: {  	_ =	shalt  }
0x77: {  	_ =	shalt  }
0x78: {  	_ =	shalt  }
0x79: {  	_ =	shalt  }
0x7a: {  	_ =	shalt  }
0x7b: {  	_ =	shalt  }
0x7c: {  	_ =	shalt  }
0x7d: {  	_ =	shalt  }
0x7e: {  	_ =	shalt  }
0x7f: {  	_ =	shalt  }
0x80: {  	_ =	shalt  }
0x81: {  	_ =	shalt  }
0x82: {  	_ =	shalt  }
0x83: {  	_ =	shalt  }
0x84: {  	_ =	shalt  }
0x85: {  	_ =	shalt  }
0x86: {  	_ =	shalt  }
0x87: {  	_ =	shalt  }
.Lfunc_end0:
.L_simem_size_0:
called_computation_lowered:
.L_overlay_start_0:
0x88: {  	s2 =	sld [smem:$0x3FD9]  }
0x89: {  	s3 =	sld [smem:$0x3FFE];
	_ =	sdelay $0x1  }
0x8a: {  	s1 =	srdreg.scid  }
0x8b: {  	s0 =	sand.u32 $0x1, s1  }
0x8c: {  	s17 =	sshll.u32 s0, $0xA;
	s2 =	sadd.s32 s3, s2  }
0x8d: {  	s2 =	sadd.s32 s2, s17  }
0x8e: {  	[smem:$0x3FBF] =	sst s2  }
0x8f: {  	_ = 	snop  }
0x90: {  	s2 =	sld [smem:$0x3FD0];
	(tm) =	ssettm $0x1  }
0x91: {  	s18 =	sld [smem:$0x3FFB];
	_ =	sdelay $0x3  }
0x92: {  	_ =	strace s18  }
0x93: {  	s3 =	sld [smem:$0x3FFC];
	_ =	sdelay $0x3  }
0x94: {  	_ =	strace s3  }
0x95: {  	s3 =	sld [smem:$0x3FFD];
	_ =	sdelay $0x3  }
0x96: {  	_ =	strace s3  }
0x97: {  	_ =	strace $0x8FFFFFFF  }
0x98: {  	s19 =	sld [smem:$0x3FDB];
	_ =	sdelay $0x1  }
0x99: {  	s4 =	simm.s32 $_scs_section_size  }
0x9a: {  	s5 =	simm.s32 $_size__tile_overlayer_lowered;
	s6 =	simm.s32 $_tile_overlayer_lowered  }
0x9b: {  	s22 =	simm.s32 $0x1BFF;
	s21 =	sshll.u32 s6, $0x1;
	s3 =	sadd.s32 s4, s19  }
0x9c: {  	s7 =	simm.s32 $0x0;
	s20 =	sshll.u32 s5, $0x1;
	s5 =	sadd.s32 s21, s3  }
0x9d: {  	[timem:s7], [sflag:s22] =	dma.local [hbm:s5], s20  }
0x9e: {  	_ =	swait.ge [sflag:s22], s20  }
0x9f: {  	s4 =	ssub.s32 $0x0, s20;
	[sflag:s22] =	ssyncset.done $0x0  }
0xa0: {  	[sflag:s22] =	ssyncadd.s32 s4;
	_ =	sdelay $0x1  }
0xa1: {  	s23 =	simm.s32 $0x1B8B  }
0xa2: {  	_ =	swait.ge [sflag:s23], $0x1  }
0xa3: {  	[sflag:s23] =	ssyncset.done $0x0  }
0xa4: {  	s25 =	simm.s32 $0x1B8E;
	s24 =	sld [smem:$0x3FFE];
	[sflag:s23] =	ssyncadd.s32 $0xFFFFFFFF  }
0xa5: {  	s26 =	simm.s32 $execute0_lowered;
	[smem:$0x3FD2] =	sst s25  }
0xa6: {  	s5 =	sshll.u32 s26, $0x1;
	_ =	strace $0x80000046;
	[dreg:$0x1] =	wrdreg $0xFFFFFFFF  }
0xa7: {  	s28 =	simm.s32 $_size_execute0_lowered;
	s3 =	sadd.s32 s3, s5;
	[dreg:$0x0] =	wrdreg $0x0  }
0xa8: {  	s5 =	sshll.u32 s28, $0x1;
	[dreg:$0x2] =	wrdreg s3  }
0xa9: {  	[dreg:$0x3] =	wrdreg s5  }
0xaa: {  	[dreg:$0x4] =	wrdreg $0xC0  }
0xab: {  	_ =	task [dreg:s7], $0x5FFFF  }
0xac: {  	[dreg:$0x1] =	wrdreg $0xFFFFFFFF  }
0xad: {  	[dreg:$0x0] =	wrdreg $0x60  }
0xae: {  	[dreg:$0x2] =	wrdreg s24  }
0xaf: {  	[dreg:$0x3] =	wrdreg s2  }
0xb0: {  	[dreg:$0x4] =	wrdreg $0x9  }
0xb1: {  	_ =	task.clear_ibuf [dreg:s7], $0x5FFFF;
	_ =	strace $0x90000046  }
0xb2: {  	s29 =	simm.s32 $0x9;
	_ =	strace $0x80000048  }
0xb3: {  	_ =	swait.ge [sflag:s29], $0x1  }
0xb4: {  	[sflag:s29] =	ssyncadd.s32 $0xFFFFFFFF  }
0xb5: {  	_ =	strace $0x90000048  }
0xb6: {  	_ =	sfence  }
0xb7: {  	s30 =	sld [smem:$0x0];
	_ =	sdelay $0x2  }
0xb8: {  	s31 =	sshll.u32 s1, $0xD;
	s1 =	sshrl.u32 s1, $0x2  }
0xb9: {  	s3 =	sand.u32 $0x4000, s31;
	s1 =	sadd.s32 s1, s30  }
0xba: {  	s0 =	sor.u32 s3, s0;
	s1 =	sshll.u32 s1, $0x11  }
0xbb: {  	s0 =	sor.u32 s1, s0  }
0xbc: {  	s0 =	sadd.s32 $0x8F2B, s0  }
0xbd: {  	[sflag:s0] =	ssyncadd.remote.s32 $0x1  }
0xbe: {  	_ =	sfence.sel $0xFFFF  }
0xbf: {  	[dreg:$0x0] =	wrdreg $0xFFFFFFFF;
	(pc) =	sbr.abs _section_cstart, $3  }
0xc0: {  	[dreg:$0x1] =	wrdreg $0xFFFFFFFF  }
0xc1: {  	_ =	task.clear_ibuf [dreg:s7], $0x2FFFF;
	_ =	strace $0x9FFFFFFF  }
0xc2: {  	(tm) =	ssettm $0x7FFFFFFF  }
0xc3: {  	_ =	shalt  }
tec
execute0_lowered:
.L_overlay_start_1:
0x0: {  	(tag) =	ssettag $0x1  }
0x1: {  	s0 =	rddreg [dreg:$0x0]  }
0x2: {  	s1 =	rddreg [dreg:$0x1]  }
0x3: {  	s2 =	simm.s32 $0x0;
	s3 =	srdreg.scid;
	s11 =	stileid.u32  }
0x4: {  	s15 =	simm.s32 $0x1;
	s16 =	simm.s32 $0xFA0;
	s17 =	simm.s32 $0x1F40  }
0x5: {  	s28 =	simm.s32 $0x0;
	[smem:$0x7FF] =	sst s2;
	s3 =	sand.u32 $0x1, s3  }
0x6: {  	s4 =	sadd.s32 $0x2A00, s0;
	s5 =	sadd.s32 $0x64600, s0;
	s6 =	sadd.s32 $0xC6200, s0  }
0x7: {  	_ =	strace $0x80000047;
	s7 =	sshll.u32 s3, $0x4;
	s10 =	ssub.s32 $0x2, s3  }
.Ltmp0:
0x8: {  	s3 =	sshll.u32 s3, $0x2;
	s8 =	sor.u32 s11, s7;
	(pc) =	sbr.rel .LBB2_1-.Ltmp0, $4  }
0x9: {  	s31 =	sshrl.u32 s10, $0x1;
	s9 =	sshll.u32 s8, $0x1;
	s8 =	smul.u32 $0xC4500, s8  }
0xa: {  	s7 =	sadd.s32 $0x3D7600, s0;
	s14 =	ssub.s32 s10, s31;
	s0 =	sadd.s32 s9, s0  }
0xb: {  	v1 =	vimm.s32 $0x0;
	v2 =	vimm.s32 $0x186A0;
	s9 =	smul.u32 $0x30D40, s11;
	s14 =	smax.u32 s14, $0x1;
	s10 =	sadd.s32 $0x31140, s8  }
0xc: {  	vm0 =	vcmask $0x300;
	v3 =	vlaneseq.u32;
	v0 =	vmov s3;
	s11 =	sadd.s32 $0x62280, s8;
	s12 =	sadd.s32 $0x933C0, s8;
	s13 =	sadd.s32 $0x6E8A00, s0  }
.LBB2_19:
0xd: {  	s3 =	sshll.u32 s29, $0xA  }
0xe: {  	s3 =	sadd.s32 s3, s12  }
0xf: {  	s3 =	sshrl.u32 s3, $0x3  }
0x10: {  	s19 =	simm.s32 $0x3B40;
	s18 =	sadd.s32 s6, s3  }
0x11: {  	[hbm4b:s18+s2] =	stream.linear.scatter [tilespmem:s19], [sflag:$0x1], $0x400, $0x38;
	[tilespmem:$0x4FF0] =	vst v63  }
0x12: {  	_ =	swait.ge [sflag:s15], $0x400  }
0x13: {  	s0 =	sadd.s32 $0x1, s0;
	s24 =	sadd.s32 $0x1, s31;
	[sflag:s15] =	ssyncset.done $0x0  }
0x14: {  	s25 =	simm.s32 $0x4BC0;
	v4 =	vmov s0;
	s3 =	sadd.s32 s7, s3;
	[sflag:s15] =	ssyncadd.s32 $0xFFFFFC00  }
0x15: {  	vm1 =	veq.s32 v3, $0x1;
	v4 =	vnsel vm0, $0x0, v4;
	[hbm4b:s3+s2] =	stream.linear.scatter [tilespmem:s25], [sflag:$0x1], $0x400, $0x38;
	[tilespmem:$0x4FF0] =	vst v63  }
0x16: {  	s26 =	sadd.s32 $0x1, s30;
	v4 =	vsel vm1, s24, v4;
	vm1 =	veq.s32 v3, $0x2;
	_ =	swait.ge [sflag:s15], $0x400  }
0x17: {  	s30 =	sadd.s32 $0x1, s29;
	s28 =	sadd.s32 $0x1, s28;
	v4 =	vsel vm1, s26, v4;
	vm1 =	veq.s32 v3, $0x3;
	[sflag:s15] =	ssyncset.done $0x0  }
0x18: {  	p0 =	sne.s32 s28, s14;
	v4 =	vsel vm1, s30, v4;
	[sflag:s15] =	ssyncadd.s32 $0xFFFFFC00  }
.Ltmp1:
0x19: {  	s31 =	simm.s32 $0x4FE0;
	[tilespmem:$0x4FE0] =	vst v4;
	(pc) =	sbr.rel @!p0 .LBB2_20-.Ltmp1, $4  }
0x1a: {  	[hbm4b:s13+s2] =	stream.linear.scatter [tilespmem:s31], [sflag:$0x1], $0x10, $0x38;
	[tilespmem:$0x4FF0] =	vst v63  }
0x1b: {  	_ =	swait.ge [sflag:s15], $0x10  }
0x1c: {  	[sflag:s15] =	ssyncset.done $0x0  }
0x1d: {  	[sflag:s15] =	ssyncadd.s32 $0xFFFFFFF0  }
.LBB2_1:
.Ltmp2:
0x1e: {  	(pc) =	sbr.rel .LBB2_2-.Ltmp2, $4  }
0x1f: {  	_ = 	snop  }
0x20: {  	s29 =	simm.s32 $0x0;
	s30 =	simm.s32 $0x0;
	s31 =	simm.s32 $0x0  }
0x21: {  	s0 =	simm.s32 $0x0;
	s3 =	simm.s32 $0x0;
	s18 =	simm.s32 $0x0  }
0x22: {  	s19 =	simm.s32 $0x0;
	s20 =	simm.s32 $0x0;
	s21 =	simm.s32 $0x0  }
.LBB2_6:
0x23: {  	s21 =	sadd.s32 $0x1, s21  }
0x24: {  	p0 =	sne.s32 s21, $0x32  }
.Ltmp3:
0x25: {  	_ = 	snop;
	(pc) =	sbr.rel @!p0 .LBB2_7-.Ltmp3, $1  }
0x26: {  	_ =	sdelay $0x3  }
.LBB2_2:
0x27: {  	s22 =	smul.u32 $0xFA0, s21;
	_ =	sdelay $0x1  }
0x28: {  	s22 =	sadd.s32 s9, s22  }
0x29: {  	s23 =	sshrl.u32 s22, $0x3  }
0x2a: {  	s22 =	simm.s32 $0x0;
	s24 =	sadd.s32 s4, s23  }
0x2b: {  	[tilespmem:s22], [sflag:$0x1] =	stream.linear.gather [hbm4b:s24+s22], $0xFA0, $0x38;
	[tilespmem:$0x4FF0] =	vst v63  }
0x2c: {  	_ =	swait.ge [sflag:s15], $0xFA0  }
0x2d: {  	[sflag:s15] =	ssyncset.done $0x0  }
0x2e: {  	s26 =	sadd.s32 s1, s23;
	[sflag:s15] =	ssyncadd.s32 $0xFFFFF060  }
0x2f: {  	[tilespmem:s16], [sflag:$0x1] =	stream.linear.gather [hbm4b:s26+s22], $0xFA0, $0x38;
	[tilespmem:$0x4FF0] =	vst v63  }
0x30: {  	_ =	swait.ge [sflag:s15], $0xFA0  }
0x31: {  	[sflag:s15] =	ssyncset.done $0x0  }
.Ltmp4:
0x32: {  	s23 =	sadd.s32 s5, s23;
	[sflag:s15] =	ssyncadd.s32 $0xFFFFF060;
	(pc) =	sbr.rel .LBB2_3-.Ltmp4, $4  }
0x33: {  	[tilespmem:s17], [sflag:$0x1] =	stream.linear.gather [hbm4b:s23+s22], $0xFA0, $0x38;
	[tilespmem:$0x4FF0] =	vst v63  }
0x34: {  	_ =	swait.ge [sflag:s15], $0xFA0  }
0x35: {  	[sflag:s15] =	ssyncset.done $0x0  }
0x36: {  	[sflag:s15] =	ssyncadd.s32 $0xFFFFF060  }
.LBB2_5:
0x37: {  	p0 =	sgt.s32 s20, $0x3FF;
	s23 =	sadd.s32 $0xFFFFFC00, s20;
	s24 =	simm.s32 $0x1  }
0x38: {  	s25 =	simm.s32 $0x1;
	s22 =	sadd.s32 $0x40, s22;
	s20 =	smov.u32 @p0 s23  }
0x39: {  	s24 =	simm.s32 @!p0 $0x0;
	p0 =	sgt.s32 s19, $0x3FF;
	s23 =	sadd.s32 $0xFFFFFC00, s19  }
0x3a: {  	p1 =	sne.s32 s22, $0x3E80;
	s19 =	smov.u32 @p0 s23;
	s25 =	simm.s32 @!p0 $0x0  }
.Ltmp5:
0x3b: {  	p0 =	sgt.s32 s18, $0x3FF;
	s23 =	sadd.s32 $0xFFFFFC00, s18;
	(pc) =	sbr.rel @!p1 .LBB2_6-.Ltmp5, $4  }
0x3c: {  	s0 =	sadd.s32 s24, s0;
	s24 =	simm.s32 $0x1;
	s18 =	smov.u32 @p0 s23  }
0x3d: {  	s24 =	simm.s32 @!p0 $0x0;
	p0 =	sgt.s32 s3, $0x3FF;
	s23 =	simm.s32 $0x1  }
0x3e: {  	s31 =	sadd.s32 s25, s31;
	s25 =	sadd.s32 $0xFFFFFC00, s3;
	s23 =	simm.s32 @!p0 $0x0  }
0x3f: {  	s30 =	sadd.s32 s24, s30;
	s3 =	smov.u32 @p0 s25;
	s29 =	sadd.s32 s23, s29  }
.LBB2_3:
0x40: {  	s23 =	sshra.s32 s22, $0x2  }
0x41: {  	v4 =	vld [tilespmem:s23+$0xFA0];
	_ =	sdelay $0x4  }
0x42: {  	v5 =	vcvt.s32.f32 v4;
	_ =	sdelay $0x1  }
0x43: {  	v5 =	vadd.f32 $5.000000000e-01, v5;
	_ =	sdelay $0x1  }
0x44: {  	v5 =	vmul.f32 $7.999999800e-05, v5;
	_ =	sdelay $0x1  }
0x45: {  	v5 =	vtrunc.f32 v5  }
0x46: {  	v5 =	vcvt.f32.s32 v5;
	_ =	sdelay $0x1  }
0x47: {  	v6 =	vsub.s32 v5, v0;
	vm1 =	veq.s32 v5, v0  }
0x48: {  	v7 =	vmpcnt.ones.xlane vm1;
	vm2 =	veq.s32 v6, $0x1  }
0x49: {  	vm3 =	veq.s32 v6, $0x2;
	v8 =	vmpcnt.ones.xlane vm2  }
0x4a: {  	vm4 =	veq.s32 v6, $0x3;
	v61 =	vmpcnt.ones.xlane vm3;
	(v2sf) =	vpush v7, $0x0  }
0x4b: {  	v6 =	vmpcnt.ones.xlane vm4;
	(v2sf) =	vpush v8, $0x0  }
0x4c: {  	(v2sf) =	vpush v61, $0x0  }
0x4d: {  	(v2sf) =	vpush v6, $0x0;
	_ =	sdelay $0x2  }
0x4e: {  	v62 =	vld [tilespmem:s23+$0x0]  }
0x4f: {  	v63 =	vld [tilespmem:s23+$0x1F40]  }
0x50: {  	v5 =	vmul.u32 $0x1FFFCF2C, v5;
	_ =	sdelay $0x1  }
0x51: {  	v4 =	vadd.s32 v4, v5  }
0x52: {  	v4 =	vshll.u32 v4, $0x3  }
0x53: {  	[tilespmem:s20+$0x2EE0] =	vst.msk vm1, v62;
	v4 =	vadd.s32 v63, v4  }
0x54: {  	[tilespmem:s20+$0x3F60] =	vst.msk vm1, v4  }
0x55: {  	[tilespmem:s19+$0x3300] =	vst.msk vm2, v62  }
0x56: {  	[tilespmem:s19+$0x4380] =	vst.msk vm2, v4;
	s26 =	spop (v2sf)  }
0x57: {  	[tilespmem:s18+$0x3720] =	vst.msk vm3, v62;
	s24 =	spop (v2sf)  }
0x58: {  	[tilespmem:s18+$0x47A0] =	vst.msk vm3, v4;
	s25 =	spop (v2sf)  }
0x59: {  	[tilespmem:s3+$0x3B40] =	vst.msk vm4, v62;
	s20 =	sadd.s32 s20, s26;
	s19 =	sadd.s32 s19, s24;
	s26 =	spop (v2sf)  }
0x5a: {  	[tilespmem:s3+$0x4BC0] =	vst.msk vm4, v4;
	s18 =	sadd.s32 s18, s25;
	p0 =	sgt.s32 s20, s19;
	s3 =	sadd.s32 s3, s26  }
0x5b: {  	s23 =	smov.u32 s19;
	p1 =	sgt.s32 s18, s3;
	s24 =	smov.u32 s3  }
0x5c: {  	s23 =	smov.u32 @p0 s20;
	s24 =	smov.u32 @p1 s18  }
0x5d: {  	p0 =	sgt.s32 s23, s24  }
0x5e: {  	s24 =	smov.u32 @p0 s23  }
0x5f: {  	p0 =	slt.s32 s24, $0x400  }
.Ltmp6:
0x60: {  	_ = 	snop;
	(pc) =	sbr.rel @p0 .LBB2_5-.Ltmp6, $1  }
0x61: {  	_ =	sdelay $0x3  }
0x62: {  	p1 =	slt.s32 s20, $0x400  }
0x63: {  	s23 =	sshll.u32 @!p1 s0, $0xA  }
0x64: {  	s23 =	sadd.s32 @!p1 s8, s23  }
0x65: {  	s23 =	sshrl.u32 @!p1 s23, $0x3  }
0x66: {  	s25 =	simm.s32 @!p1 $0x0;
	s26 =	simm.s32 @!p1 $0x2EE0;
	s24 =	sadd.s32 @!p1 s6, s23  }
0x67: {  	[hbm4b:s24+s25] =	stream.linear.scatter @!p1 [tilespmem:s26], [sflag:$0x1], $0x400, $0x38;
	[tilespmem:$0x4FF0] =	vst v63  }
0x68: {  	s24 =	simm.s32 @!p1 $0x1  }
0x69: {  	_ =	swait.ge @!p1 [sflag:s24], $0x400  }
0x6a: {  	[sflag:s24] =	ssyncset.done @!p1 $0x0  }
0x6b: {  	s23 =	sadd.s32 @!p1 s7, s23;
	s26 =	simm.s32 @!p1 $0x3F60;
	[sflag:s24] =	ssyncadd.s32 @!p1 $0xFFFFFC00  }
0x6c: {  	[hbm4b:s23+s25] =	stream.linear.scatter @!p1 [tilespmem:s26], [sflag:$0x1], $0x400, $0x38;
	[tilespmem:$0x4FF0] =	vst v63  }
0x6d: {  	_ =	swait.ge @!p1 [sflag:s24], $0x400  }
0x6e: {  	[sflag:s24] =	ssyncset.done @!p1 $0x0  }
0x6f: {  	[sflag:s24] =	ssyncadd.s32 @!p1 $0xFFFFFC00  }
0x70: {  	v4 =	vld @!p1 [tilespmem:$0x32E0]  }
0x71: {  	v5 =	vld @!p1 [tilespmem:$0x4360]  }
0x72: {  	p0 =	slt.s32 s19, $0x400  }
0x73: {  	s23 =	sshll.u32 @!p0 s31, $0xA  }
0x74: {  	s23 =	sadd.s32 @!p0 s23, s10  }
0x75: {  	s23 =	sshrl.u32 @!p0 s23, $0x3;
	[tilespmem:$0x2EE0] =	vst @!p1 v4  }
0x76: {  	s25 =	simm.s32 @!p0 $0x0;
	s26 =	simm.s32 @!p0 $0x3300;
	s24 =	sadd.s32 @!p0 s6, s23;
	[tilespmem:$0x3F60] =	vst @!p1 v5  }
0x77: {  	[hbm4b:s24+s25] =	stream.linear.scatter @!p0 [tilespmem:s26], [sflag:$0x1], $0x400, $0x38;
	[tilespmem:$0x4FF0] =	vst v63  }
0x78: {  	s24 =	simm.s32 @!p0 $0x1  }
0x79: {  	_ =	swait.ge @!p0 [sflag:s24], $0x400  }
0x7a: {  	[sflag:s24] =	ssyncset.done @!p0 $0x0  }
0x7b: {  	s23 =	sadd.s32 @!p0 s7, s23;
	s26 =	simm.s32 @!p0 $0x4380;
	[sflag:s24] =	ssyncadd.s32 @!p0 $0xFFFFFC00  }
0x7c: {  	[hbm4b:s23+s25] =	stream.linear.scatter @!p0 [tilespmem:s26], [sflag:$0x1], $0x400, $0x38;
	[tilespmem:$0x4FF0] =	vst v63  }
0x7d: {  	_ =	swait.ge @!p0 [sflag:s24], $0x400  }
0x7e: {  	[sflag:s24] =	ssyncset.done @!p0 $0x0  }
0x7f: {  	[sflag:s24] =	ssyncadd.s32 @!p0 $0xFFFFFC00  }
0x80: {  	v4 =	vld @!p0 [tilespmem:$0x3700]  }
0x81: {  	v5 =	vld @!p0 [tilespmem:$0x4780]  }
0x82: {  	p1 =	slt.s32 s18, $0x400  }
0x83: {  	s23 =	sshll.u32 @!p1 s30, $0xA  }
0x84: {  	s23 =	sadd.s32 @!p1 s23, s11  }
0x85: {  	s23 =	sshrl.u32 @!p1 s23, $0x3;
	[tilespmem:$0x3300] =	vst @!p0 v4  }
0x86: {  	s25 =	simm.s32 @!p1 $0x0;
	s26 =	simm.s32 @!p1 $0x3720;
	s24 =	sadd.s32 @!p1 s6, s23;
	[tilespmem:$0x4380] =	vst @!p0 v5  }
0x87: {  	[hbm4b:s24+s25] =	stream.linear.scatter @!p1 [tilespmem:s26], [sflag:$0x1], $0x400, $0x38;
	[tilespmem:$0x4FF0] =	vst v63  }
0x88: {  	s24 =	simm.s32 @!p1 $0x1  }
0x89: {  	_ =	swait.ge @!p1 [sflag:s24], $0x400  }
0x8a: {  	[sflag:s24] =	ssyncset.done @!p1 $0x0  }
0x8b: {  	s23 =	sadd.s32 @!p1 s7, s23;
	s26 =	simm.s32 @!p1 $0x47A0;
	[sflag:s24] =	ssyncadd.s32 @!p1 $0xFFFFFC00  }
0x8c: {  	[hbm4b:s23+s25] =	stream.linear.scatter @!p1 [tilespmem:s26], [sflag:$0x1], $0x400, $0x38;
	[tilespmem:$0x4FF0] =	vst v63  }
0x8d: {  	_ =	swait.ge @!p1 [sflag:s24], $0x400  }
0x8e: {  	[sflag:s24] =	ssyncset.done @!p1 $0x0  }
0x8f: {  	[sflag:s24] =	ssyncadd.s32 @!p1 $0xFFFFFC00  }
0x90: {  	v4 =	vld @!p1 [tilespmem:$0x3B20]  }
0x91: {  	v5 =	vld @!p1 [tilespmem:$0x4BA0]  }
0x92: {  	p0 =	slt.s32 s3, $0x400  }
0x93: {  	s23 =	sshll.u32 @!p0 s29, $0xA  }
0x94: {  	s23 =	sadd.s32 @!p0 s23, s12  }
0x95: {  	s23 =	sshrl.u32 @!p0 s23, $0x3;
	[tilespmem:$0x3720] =	vst @!p1 v4  }
0x96: {  	s25 =	simm.s32 @!p0 $0x0;
	s26 =	simm.s32 @!p0 $0x3B40;
	s24 =	sadd.s32 @!p0 s6, s23;
	[tilespmem:$0x47A0] =	vst @!p1 v5  }
0x97: {  	[hbm4b:s24+s25] =	stream.linear.scatter @!p0 [tilespmem:s26], [sflag:$0x1], $0x400, $0x38;
	[tilespmem:$0x4FF0] =	vst v63  }
0x98: {  	s24 =	simm.s32 @!p0 $0x1  }
0x99: {  	_ =	swait.ge @!p0 [sflag:s24], $0x400  }
0x9a: {  	[sflag:s24] =	ssyncset.done @!p0 $0x0  }
0x9b: {  	s23 =	sadd.s32 @!p0 s7, s23;
	s26 =	simm.s32 @!p0 $0x4BC0;
	[sflag:s24] =	ssyncadd.s32 @!p0 $0xFFFFFC00  }
0x9c: {  	[hbm4b:s23+s25] =	stream.linear.scatter @!p0 [tilespmem:s26], [sflag:$0x1], $0x400, $0x38;
	[tilespmem:$0x4FF0] =	vst v63  }
0x9d: {  	_ =	swait.ge @!p0 [sflag:s24], $0x400  }
0x9e: {  	[sflag:s24] =	ssyncset.done @!p0 $0x0  }
0x9f: {  	[sflag:s24] =	ssyncadd.s32 @!p0 $0xFFFFFC00  }
0xa0: {  	v4 =	vld @!p0 [tilespmem:$0x3F40]  }
0xa1: {  	v5 =	vld @!p0 [tilespmem:$0x4FC0]  }
.Ltmp7:
0xa2: {  	_ = 	snop;
	(pc) =	sbr.rel .LBB2_5-.Ltmp7, $3  }
0xa3: {  	_ =	sdelay $0x1  }
0xa4: {  	[tilespmem:$0x3B40] =	vst @!p0 v4  }
0xa5: {  	[tilespmem:$0x4BC0] =	vst @!p0 v5  }
.LBB2_7:
0xa6: {  	s21 =	ssub.s32 $0x40F, s20;
	p0 =	sne.s32 s20, $0x40F;
	s22 =	simm.s32 $0x1  }
0xa7: {  	s23 =	sshra.s32 s21, $0x1F;
	s22 =	simm.s32 @!p0 $0x0  }
0xa8: {  	s24 =	sand.u32 $0xF, s21;
	s22 =	sor.u32 s22, s23  }
0xa9: {  	p1 =	sne.s32 s24, $0x0;
	p6 =	sne.s32 s22, $0x1  }
0xaa: {  	s26 =	sshrl.u32 s23, $0x1C;
	p0 =	por !p1, !p6  }
0xab: {  	s21 =	sadd.s32 s26, s21;
	s22 =	simm.s32 $0x1;
	p0 =	por !p0, !p0  }
0xac: {  	s21 =	sshra.s32 s21, $0x4;
	s22 =	simm.s32 @!p0 $0x0  }
0xad: {  	s21 =	ssub.s32 s21, s22  }
0xae: {  	p0 =	slt.s32 s21, $0x1  }
.Ltmp8:
0xaf: {  	_ = 	snop;
	(pc) =	sbr.rel @p0 .LBB2_10-.Ltmp8, $1  }
0xb0: {  	_ =	sdelay $0x3  }
0xb1: {  	p0 =	sne.s32 s21, $0x1  }
.Ltmp9:
0xb2: {  	s20 =	sshll.u32 s20, $0x2;
	(pc) =	sbr.rel @!p0 .LBB2_10-.Ltmp9, $4  }
0xb3: {  	s20 =	sshra.s32 s20, $0x2  }
0xb4: {  	s22 =	sadd.s32 $0x2EE0, s20  }
0xb5: {  	s20 =	sadd.s32 $0x3F60, s20;
	[tilespmem:s22+$0x0] =	vst v1  }
0xb6: {  	s21 =	sadd.s32 $0xFFFFFFFF, s21;
	s22 =	sadd.s32 $0x10, s22;
	[tilespmem:s20+$0x0] =	vst v2  }
.LBB2_9:
0xb7: {  	[tilespmem:s22+$0x0] =	vst v1;
	s20 =	sadd.s32 $0x10, s20;
	p0 =	sne.s32 s21, $0x1  }
.Ltmp10:
0xb8: {  	s21 =	sadd.s32 $0xFFFFFFFF, s21;
	[tilespmem:s20+$0x0] =	vst v2;
	(pc) =	sbr.rel @p0 .LBB2_9-.Ltmp10, $2  }
0xb9: {  	_ =	sdelay $0x2  }
0xba: {  	s22 =	sadd.s32 $0x10, s22  }
.LBB2_10:
0xbb: {  	s20 =	sshll.u32 s0, $0xA  }
0xbc: {  	s20 =	sadd.s32 s8, s20  }
0xbd: {  	s20 =	sshrl.u32 s20, $0x3  }
0xbe: {  	s22 =	simm.s32 $0x2EE0;
	s23 =	simm.s32 $0x3F60;
	s21 =	sadd.s32 s6, s20  }
0xbf: {  	[hbm4b:s21+s2] =	stream.linear.scatter [tilespmem:s22], [sflag:$0x1], $0x400, $0x38;
	[tilespmem:$0x4FF0] =	vst v63  }
0xc0: {  	s24 =	ssub.s32 $0x40F, s19;
	p0 =	sne.s32 s19, $0x40F;
	_ =	swait.ge [sflag:s15], $0x400  }
0xc1: {  	s25 =	sshra.s32 s24, $0x1F;
	s21 =	simm.s32 $0x1;
	[sflag:s15] =	ssyncset.done $0x0  }
0xc2: {  	s20 =	sadd.s32 s7, s20;
	s21 =	simm.s32 @!p0 $0x0;
	[sflag:s15] =	ssyncadd.s32 $0xFFFFFC00  }
0xc3: {  	[hbm4b:s20+s2] =	stream.linear.scatter [tilespmem:s23], [sflag:$0x1], $0x400, $0x38;
	[tilespmem:$0x4FF0] =	vst v63  }
0xc4: {  	s21 =	sor.u32 s21, s25;
	s23 =	sand.u32 $0xF, s24  }
0xc5: {  	p6 =	sne.s32 s21, $0x1;
	p1 =	sne.s32 s23, $0x0  }
0xc6: {  	s26 =	sshrl.u32 s25, $0x1C;
	p0 =	por !p1, !p6  }
0xc7: {  	s21 =	simm.s32 $0x1;
	s20 =	sadd.s32 s26, s24;
	p0 =	por !p0, !p0  }
0xc8: {  	s20 =	sshra.s32 s20, $0x4;
	s21 =	simm.s32 @!p0 $0x0  }
0xc9: {  	s20 =	ssub.s32 s20, s21  }
0xca: {  	p0 =	slt.s32 s20, $0x1  }
.Ltmp11:
0xcb: {  	_ = 	snop;
	(pc) =	sbr.rel @p0 .LBB2_13-.Ltmp11, $4  }
0xcc: {  	_ = 	snop  }
0xcd: {  	_ =	swait.ge [sflag:s15], $0x400  }
0xce: {  	[sflag:s15] =	ssyncset.done $0x0  }
0xcf: {  	[sflag:s15] =	ssyncadd.s32 $0xFFFFFC00  }
0xd0: {  	p0 =	sne.s32 s20, $0x1  }
.Ltmp12:
0xd1: {  	s19 =	sshll.u32 s19, $0x2;
	(pc) =	sbr.rel @!p0 .LBB2_13-.Ltmp12, $4  }
0xd2: {  	s19 =	sshra.s32 s19, $0x2  }
0xd3: {  	s21 =	sadd.s32 $0x3300, s19  }
0xd4: {  	s19 =	sadd.s32 $0x4380, s19;
	[tilespmem:s21+$0x0] =	vst v1  }
0xd5: {  	s20 =	sadd.s32 $0xFFFFFFFF, s20;
	s21 =	sadd.s32 $0x10, s21;
	[tilespmem:s19+$0x0] =	vst v2  }
.LBB2_12:
0xd6: {  	[tilespmem:s21+$0x0] =	vst v1;
	s19 =	sadd.s32 $0x10, s19;
	p0 =	sne.s32 s20, $0x1  }
.Ltmp13:
0xd7: {  	s20 =	sadd.s32 $0xFFFFFFFF, s20;
	[tilespmem:s19+$0x0] =	vst v2;
	(pc) =	sbr.rel @p0 .LBB2_12-.Ltmp13, $2  }
0xd8: {  	_ =	sdelay $0x2  }
0xd9: {  	s21 =	sadd.s32 $0x10, s21  }
.LBB2_13:
0xda: {  	s19 =	sshll.u32 s31, $0xA  }
0xdb: {  	s19 =	sadd.s32 s19, s10  }
0xdc: {  	s21 =	simm.s32 $0x3300;
	s19 =	sshrl.u32 s19, $0x3  }
0xdd: {  	s23 =	simm.s32 $0x4380;
	s24 =	ssub.s32 $0x40F, s18;
	s20 =	sadd.s32 s6, s19  }
0xde: {  	[hbm4b:s20+s2] =	stream.linear.scatter [tilespmem:s21], [sflag:$0x1], $0x400, $0x38;
	[tilespmem:$0x4FF0] =	vst v63  }
0xdf: {  	p0 =	sne.s32 s18, $0x40F;
	s25 =	sshra.s32 s24, $0x1F;
	s20 =	simm.s32 $0x1  }
0xe0: {  	s22 =	sand.u32 $0xF, s24;
	_ =	swait.ge [sflag:s15], $0x400;
	s20 =	simm.s32 @!p0 $0x0  }
0xe1: {  	p1 =	sne.s32 s22, $0x0;
	[sflag:s15] =	ssyncset.done $0x0;
	s20 =	sor.u32 s20, s25  }
0xe2: {  	s19 =	sadd.s32 s7, s19;
	[sflag:s15] =	ssyncadd.s32 $0xFFFFFC00;
	p6 =	sne.s32 s20, $0x1  }
0xe3: {  	[hbm4b:s19+s2] =	stream.linear.scatter [tilespmem:s23], [sflag:$0x1], $0x400, $0x38;
	[tilespmem:$0x4FF0] =	vst v63  }
0xe4: {  	s26 =	sshrl.u32 s25, $0x1C;
	p0 =	por !p1, !p6  }
0xe5: {  	s20 =	simm.s32 $0x1;
	s19 =	sadd.s32 s26, s24;
	p0 =	por !p0, !p0  }
0xe6: {  	s19 =	sshra.s32 s19, $0x4;
	s20 =	simm.s32 @!p0 $0x0  }
0xe7: {  	s19 =	ssub.s32 s19, s20  }
0xe8: {  	p0 =	slt.s32 s19, $0x1  }
.Ltmp14:
0xe9: {  	_ = 	snop;
	(pc) =	sbr.rel @p0 .LBB2_16-.Ltmp14, $4  }
0xea: {  	_ = 	snop  }
0xeb: {  	_ =	swait.ge [sflag:s15], $0x400  }
0xec: {  	[sflag:s15] =	ssyncset.done $0x0  }
0xed: {  	[sflag:s15] =	ssyncadd.s32 $0xFFFFFC00  }
0xee: {  	p0 =	sne.s32 s19, $0x1  }
.Ltmp15:
0xef: {  	s18 =	sshll.u32 s18, $0x2;
	(pc) =	sbr.rel @!p0 .LBB2_16-.Ltmp15, $4  }
0xf0: {  	s18 =	sshra.s32 s18, $0x2  }
0xf1: {  	s20 =	sadd.s32 $0x3720, s18  }
0xf2: {  	s18 =	sadd.s32 $0x47A0, s18;
	[tilespmem:s20+$0x0] =	vst v1  }
0xf3: {  	s19 =	sadd.s32 $0xFFFFFFFF, s19;
	s20 =	sadd.s32 $0x10, s20;
	[tilespmem:s18+$0x0] =	vst v2  }
.LBB2_15:
0xf4: {  	[tilespmem:s20+$0x0] =	vst v1;
	s18 =	sadd.s32 $0x10, s18;
	p0 =	sne.s32 s19, $0x1  }
.Ltmp16:
0xf5: {  	s19 =	sadd.s32 $0xFFFFFFFF, s19;
	[tilespmem:s18+$0x0] =	vst v2;
	(pc) =	sbr.rel @p0 .LBB2_15-.Ltmp16, $2  }
0xf6: {  	_ =	sdelay $0x2  }
0xf7: {  	s20 =	sadd.s32 $0x10, s20  }
.LBB2_16:
0xf8: {  	s18 =	sshll.u32 s30, $0xA  }
0xf9: {  	s18 =	sadd.s32 s18, s11  }
0xfa: {  	s20 =	simm.s32 $0x3720;
	s18 =	sshrl.u32 s18, $0x3  }
0xfb: {  	s23 =	simm.s32 $0x47A0;
	s24 =	ssub.s32 $0x40F, s3;
	s19 =	sadd.s32 s6, s18  }
0xfc: {  	[hbm4b:s19+s2] =	stream.linear.scatter [tilespmem:s20], [sflag:$0x1], $0x400, $0x38;
	[tilespmem:$0x4FF0] =	vst v63  }
0xfd: {  	p0 =	sne.s32 s3, $0x40F;
	s25 =	sshra.s32 s24, $0x1F;
	s19 =	simm.s32 $0x1  }
0xfe: {  	s21 =	sand.u32 $0xF, s24;
	_ =	swait.ge [sflag:s15], $0x400;
	s19 =	simm.s32 @!p0 $0x0  }
0xff: {  	p1 =	sne.s32 s21, $0x0;
	[sflag:s15] =	ssyncset.done $0x0;
	s19 =	sor.u32 s19, s25  }
0x100: {  	s18 =	sadd.s32 s7, s18;
	[sflag:s15] =	ssyncadd.s32 $0xFFFFFC00;
	p6 =	sne.s32 s19, $0x1  }
0x101: {  	[hbm4b:s18+s2] =	stream.linear.scatter [tilespmem:s23], [sflag:$0x1], $0x400, $0x38;
	[tilespmem:$0x4FF0] =	vst v63  }
0x102: {  	s26 =	sshrl.u32 s25, $0x1C;
	p0 =	por !p1, !p6  }
0x103: {  	s19 =	simm.s32 $0x1;
	s18 =	sadd.s32 s26, s24;
	p0 =	por !p0, !p0  }
0x104: {  	s18 =	sshra.s32 s18, $0x4;
	s19 =	simm.s32 @!p0 $0x0  }
0x105: {  	s18 =	ssub.s32 s18, s19  }
0x106: {  	p0 =	slt.s32 s18, $0x1  }
.Ltmp17:
0x107: {  	_ = 	snop;
	(pc) =	sbr.rel @p0 .LBB2_19-.Ltmp17, $4  }
0x108: {  	_ = 	snop  }
0x109: {  	_ =	swait.ge [sflag:s15], $0x400  }
0x10a: {  	[sflag:s15] =	ssyncset.done $0x0  }
0x10b: {  	[sflag:s15] =	ssyncadd.s32 $0xFFFFFC00  }
0x10c: {  	p0 =	sne.s32 s18, $0x1  }
.Ltmp18:
0x10d: {  	s3 =	sshll.u32 s3, $0x2;
	(pc) =	sbr.rel @!p0 .LBB2_19-.Ltmp18, $4  }
0x10e: {  	s3 =	sshra.s32 s3, $0x2  }
0x10f: {  	s19 =	sadd.s32 $0x3B40, s3  }
0x110: {  	s3 =	sadd.s32 $0x4BC0, s3;
	[tilespmem:s19+$0x0] =	vst v1  }
0x111: {  	s18 =	sadd.s32 $0xFFFFFFFF, s18;
	s19 =	sadd.s32 $0x10, s19;
	[tilespmem:s3+$0x0] =	vst v2  }
.LBB2_18:
0x112: {  	[tilespmem:s19+$0x0] =	vst v1;
	s3 =	sadd.s32 $0x10, s3;
	p0 =	sne.s32 s18, $0x1  }
.Ltmp19:
0x113: {  	s18 =	sadd.s32 $0xFFFFFFFF, s18;
	[tilespmem:s3+$0x0] =	vst v2;
	(pc) =	sbr.rel @p0 .LBB2_18-.Ltmp19, $2  }
0x114: {  	_ =	sdelay $0x2  }
0x115: {  	s19 =	sadd.s32 $0x10, s19  }
.Ltmp20:
0x116: {  	_ = 	snop;
	(pc) =	sbr.rel .LBB2_19-.Ltmp20, $1  }
0x117: {  	_ =	sdelay $0x3  }
.LBB2_20:
0x118: {  	_ =	sfence.sel $0x180000  }
0x119: {  	[bflag:$0x0] =	sbarrier.arrive $0xFFFF  }
0x11a: {  	_ =	strace $0x90000047  }
0x11b: {  	s0 =	stileid.u32;
	[bflag:$0x2] =	sbarrier.arrive $0xFFFF  }
0x11c: {  	p0 =	sne.s32 s0, $0x0;
	s0 =	rddreg [dreg:$0x2]  }
0x11d: {  	s0 =	sadd.s32 @!p0 $0x100000, s0  }
0x11e: {  	[sflag:s0] =	ssyncadd.tile.s32 @!p0 $0x1;
	_ =	shalt  }
.Lfunc_end2:
_tile_overlayer_lowered:
.L_overlay_start_2:
0x11f: {  	(tag) =	ssettag $0x2  }
0x120: {  	s0 =	rddreg [dreg:$0x0];
	s2 =	stileid.u32  }
0x121: {  	s1 =	rddreg [dreg:$0x1];
	p0 =	sne.s32 s2, $0x0  }
0x122: {  	s3 =	rddreg [dreg:$0x2];
	[bflag:$0x3] =	sbarrier.arrive $0xFFFF;
	s2 =	simm.s32 @!p0 $0x1C01  }
0x123: {  	[timem:s3], [sflag:s2] =	dma.local @!p0 [hbm:s0], s1  }
0x124: {  	s0 =	simm.s32 @!p0 $0x1  }
0x125: {  	_ =	swait.ge @!p0 [sflag:s0], s1  }
0x126: {  	s1 =	ssub.s32 @!p0 $0x0, s1;
	[sflag:s0] =	ssyncset.done @!p0 $0x0  }
0x127: {  	[sflag:s0] =	ssyncadd.s32 @!p0 s1  }
0x128: {  	[bflag:$0x3] =	sbarrier.arrive $0xFFFF  }
0x129: {  	_ =	shalt  }

</sc_bundles>
